<compile_context>
chip_gen: v7x
topology: tpu7x:2x2x1
jax: 0.10.2.dev20260603
libtpu: 0.0.44.dev20260713+nightly
codegen_flags: <defaults>
</compile_context>

<pallas_src>
import functools

import jax
import jax.numpy as jnp
from jax import lax
from jax.experimental import pallas as pl
from jax.experimental.pallas import tpu as pltpu
from jax.experimental.pallas import tpu_sc as plsc

KK = 20
TN = 512

NC = 2
NS = 16
NW = NC * NS



def _tc_body(x_ref, wa_ref, wd_ref, b0_ref, z_ref, c_ref, idx_ref):
    nt = pl.program_id(1)
    xb = x_ref[0]
    C, N = xb.shape

    @pl.when(nt == 0)
    def _():
        z_ref[0] = jnp.dot(wa_ref[...], xb, preferred_element_type=jnp.float32)
        c_ref[0] = (jnp.dot(wd_ref[...], xb, preferred_element_type=jnp.float32)
                    + b0_ref[...].reshape(C, 1))

    xt = x_ref[0, :, pl.ds(nt * TN, TN)]
    inner = lax.dot_general(xt, xb, (((0,), (0,)), ((), ())),
                            preferred_element_type=jnp.float32)
    xx = jnp.sum(xb * xb, axis=0)
    xx_rows = jnp.sum(xt * xt, axis=0)
    d = ((-xx_rows[:, None]) - (-2.0 * inner)) - xx[None, :]

    iota = lax.broadcasted_iota(jnp.int32, (TN, N), 1)
    neg = jnp.float32(-jnp.inf)
    for j in range(KK):
        idxj = jnp.argmax(d, axis=1).astype(jnp.int32)
        idx_ref[0, j, :] = idxj
        if j + 1 < KK:
            d = jnp.where(iota == idxj[:, None], neg, d)


def _tc_stage(x, W0, b0):
    B, C, N = x.shape
    Wa = W0[:, :C]
    Wd = W0[:, C:] - W0[:, :C]
    grid = (B, N // TN)
    z, c, idxT = pl.pallas_call(
        _tc_body,
        grid=grid,
        in_specs=[
            pl.BlockSpec((1, C, N), lambda b, t: (b, 0, 0)),
            pl.BlockSpec((C, 2 * C // 2), lambda b, t: (0, 0)),
            pl.BlockSpec((C, 2 * C // 2), lambda b, t: (0, 0)),
            pl.BlockSpec((1, C), lambda b, t: (0, 0)),
        ],
        out_specs=[
            pl.BlockSpec((1, C, N), lambda b, t: (b, 0, 0)),
            pl.BlockSpec((1, C, N), lambda b, t: (b, 0, 0)),
            pl.BlockSpec((1, KK, TN), lambda b, t: (b, 0, t)),
        ],
        out_shape=[
            jax.ShapeDtypeStruct((B, C, N), jnp.float32),
            jax.ShapeDtypeStruct((B, C, N), jnp.float32),
            jax.ShapeDtypeStruct((B, KK, N), jnp.int32),
        ],
    )(x, Wa, Wd, b0.reshape(1, C))
    return z, c, idxT



def _make_sc_stats(B, C, N):
    mesh = plsc.VectorSubcoreMesh(core_axis_name="c", subcore_axis_name="s")
    o_per_w = B * C // NW

    @functools.partial(
        pl.kernel,
        out_type=jax.ShapeDtypeStruct((B, C, 2, 16), jnp.float32),
        mesh=mesh,
        compiler_params=pltpu.CompilerParams(needs_layout_passes=False),
        scratch_types=[
            pltpu.VMEM((KK, N), jnp.int32),
            pltpu.VMEM((N,), jnp.float32),
            pltpu.VMEM((N,), jnp.float32),
            pltpu.VMEM((2, 16), jnp.float32),
        ],
    )
    def stats_k(z_hbm, c_hbm, idx_hbm, out_hbm, idx_v, z_v, c_v, st_v):
        wid = lax.axis_index("s") * NC + lax.axis_index("c")
        b = wid // (C // o_per_w)
        o0 = (wid % (C // o_per_w)) * o_per_w
        pltpu.sync_copy(idx_hbm.at[b], idx_v)

        def otask(i, carry):
            o = o0 + i
            pltpu.sync_copy(z_hbm.at[b, o], z_v)
            pltpu.sync_copy(c_hbm.at[b, o], c_v)

            def chunk(nc, accs):
                a1, a2, ax, ac, acs = accs
                s = pl.ds(nc * 16, 16)
                cvec = c_v[s]
                vs = jnp.zeros((16,), jnp.float32)
                for j in range(KK):
                    iv = idx_v[j, s]
                    g = plsc.load_gather(z_v, [iv])
                    vs = vs + g
                    a2 = a2 + g * g
                a1 = a1 + vs
                ax = ax + cvec * vs
                ac = ac + cvec
                acs = acs + cvec * cvec
                return a1, a2, ax, ac, acs

            zv16 = jnp.zeros((16,), jnp.float32)
            a1, a2, ax, ac, acs = lax.fori_loop(
                0, N // 16, chunk, (zv16, zv16, zv16, zv16, zv16))
            st_v[0, :] = a1 + jnp.float32(KK) * ac
            st_v[1, :] = a2 + 2.0 * ax + jnp.float32(KK) * acs
            pltpu.sync_copy(st_v, out_hbm.at[b, o])
            return carry

        lax.fori_loop(0, o_per_w, otask, 0)

    return stats_k



def _make_sc_out(B, C, N):
    mesh = plsc.VectorSubcoreMesh(core_axis_name="c", subcore_axis_name="s")
    o_per_w = B * C // NW
    NKH = N * KK // 2

    @functools.partial(
        pl.kernel,
        out_type=jax.ShapeDtypeStruct((B, C, N * KK), jnp.float32),
        mesh=mesh,
        compiler_params=pltpu.CompilerParams(needs_layout_passes=False),
        scratch_types=[
            pltpu.VMEM((KK, N), jnp.int32),
            pltpu.VMEM((N,), jnp.float32),
            pltpu.VMEM((N,), jnp.float32),
            pltpu.VMEM((NKH,), jnp.float32),
            pltpu.VMEM((NKH,), jnp.float32),
            pltpu.VMEM((2 * C,), jnp.float32),
            pltpu.SemaphoreType.DMA,
            pltpu.SemaphoreType.DMA,
        ],
    )
    def out_k(z_hbm, c_hbm, idx_hbm, ad_hbm, out_hbm,
              idx_v, zs_v, u_v, ob0_v, ob1_v, ad_v, sem0, sem1):
        wid = lax.axis_index("s") * NC + lax.axis_index("c")
        b = wid // (C // o_per_w)
        o0 = (wid % (C // o_per_w)) * o_per_w
        pltpu.sync_copy(idx_hbm.at[b], idx_v)
        pltpu.sync_copy(ad_hbm, ad_v)
        lane20 = lax.iota(jnp.int32, 16) * KK

        def otask(i, carry):
            o = o0 + i
            pltpu.sync_copy(z_hbm.at[b, o], zs_v)
            pltpu.sync_copy(c_hbm.at[b, o], u_v)
            a = plsc.load_gather(ad_v, [jnp.full((16,), o, jnp.int32)])
            dd = plsc.load_gather(ad_v, [jnp.full((16,), C + o, jnp.int32)])

            @plsc.parallel_loop(0, N // 16)
            def _(nc):
                s = pl.ds(nc * 16, 16)
                zs_v[s] = zs_v[s] * a
                u_v[s] = u_v[s] * a + dd

            for half, (ob, sem) in enumerate(((ob0_v, sem0), (ob1_v, sem1))):
                @pl.when(i > 0)
                def _(ob=ob, sem=sem):
                    pltpu.make_async_copy(
                        ob, out_hbm.at[b, o, pl.ds(half * NKH, NKH)],
                        sem).wait()

                @plsc.parallel_loop(0, N // 32)
                def _(nc, half=half, ob=ob):
                    n0 = half * (N // 2) + nc * 16
                    uvec = u_v[pl.ds(n0, 16)]
                    base = nc * (16 * KK)
                    for j in range(KK):
                        iv = idx_v[j, pl.ds(n0, 16)]
                        g = plsc.load_gather(zs_v, [iv])
                        y = jnp.maximum(g + uvec, 0.0)
                        pos = lane20 + (base + j)
                        plsc.store_scatter(ob, [pos], y)

                pltpu.async_copy(
                    ob, out_hbm.at[b, o, pl.ds(half * NKH, NKH)], sem)
            return carry

        lax.fori_loop(0, o_per_w, otask, 0)
        o_last = o0 + o_per_w - 1
        pltpu.make_async_copy(
            ob0_v, out_hbm.at[b, o_last, pl.ds(0, NKH)], sem0).wait()
        pltpu.make_async_copy(
            ob1_v, out_hbm.at[b, o_last, pl.ds(NKH, NKH)], sem1).wait()

    return out_k



def kernel(x, W0, b0, gamma0, beta0):
    B, C, N = x.shape
    z, c, idxT = _tc_stage(x, W0, b0)

    stats = _make_sc_stats(B, C, N)(z, c, idxT)
    cnt = jnp.float32(B * N * KK)
    sum_y = jnp.sum(stats[:, :, 0, :], axis=(0, 2))
    sum_y2 = jnp.sum(stats[:, :, 1, :], axis=(0, 2))
    mean = sum_y / cnt
    var = sum_y2 / cnt - mean * mean
    a = gamma0 / jnp.sqrt(var + 1e-5)
    d = beta0 - mean * a
    ad = jnp.concatenate([a, d])

    out = _make_sc_out(B, C, N)(z, c, idxT, ad)
    return out.reshape(B, C, N, KK)

# --- scband reference (transcript-rebuilt; emitter-appended) ---
"""Pipeline reference for scband-edge-conv-56573309223806 (READ-ONLY COPY).

The authoritative reference and input builder live on the scoring server;
editing this copy changes nothing except your own understanding.
"""

import jax, jax.numpy as jnp
import numpy as np

K = 20

def setup_inputs(seed: int = 0) -> dict:
    key = jax.random.key(seed)
    k1, k2 = jax.random.split(key, 2)
    x = jax.random.normal(k1, (8, 64, 2048), dtype=jnp.float32)
    # SharedMLP: Conv1d(128 -> 64, kernel=1) + BatchNorm1d(64) + ReLU
    W0 = jax.random.normal(k2, (64, 128), dtype=jnp.float32) * 0.05
    b0 = jnp.zeros((64,), dtype=jnp.float32)
    gamma0 = jnp.ones((64,), dtype=jnp.float32)
    beta0 = jnp.zeros((64,), dtype=jnp.float32)
    return {"x": x, "W0": W0, "b0": b0, "gamma0": gamma0, "beta0": beta0}

def _knn(x, k):
    # x: [B, C, N]
    xt = jnp.swapaxes(x, 2, 1)
    inner = -2.0 * jnp.matmul(xt, x)
    xx = jnp.sum(x * x, axis=1, keepdims=True)
    pairwise = -xx - inner - jnp.swapaxes(xx, 2, 1)
    _, idx = jax.lax.top_k(pairwise, k)
    return idx  # [B, N, k]

def reference(x, W0, b0, gamma0, beta0):
    B, C, N = x.shape
    k = K
    idx = _knn(x, k)
    idx_base = jnp.arange(B, dtype=idx.dtype).reshape(-1, 1, 1) * N
    idx_flat = (idx + idx_base).reshape(-1)
    xt = jnp.swapaxes(x, 2, 1)  # [B, N, C]
    flat = xt.reshape(B * N, C)
    feature = jnp.take(flat, idx_flat, axis=0).reshape(B, N, k, C)
    center = jnp.broadcast_to(xt[:, :, None, :], (B, N, k, C))
    feat = jnp.concatenate([feature - center, center], axis=3)  # [B, N, k, 2C]
    feat = jnp.transpose(feat, (0, 3, 1, 2))  # [B, 2C, N, k]
    # SharedMLP layer 0: pointwise conv (kernel=1) + BatchNorm (training stats) + ReLU
    y = jnp.einsum('oc,bcnk->bonk', W0, feat) + b0[None, :, None, None]
    mean = jnp.mean(y, axis=(0, 2, 3), keepdims=True)
    var = jnp.var(y, axis=(0, 2, 3), keepdims=True)
    y = (y - mean) / jnp.sqrt(var + 1e-5)
    y = y * gamma0[None, :, None, None] + beta0[None, :, None, None]
    return jax.nn.relu(y)

if __name__ == "__main__":
    import jax
    _d = setup_inputs()
    print(jax.jit(kernel)(*tuple(_d.values())))

</pallas_src>

<mosaic_0001>
#map = affine_map<(d0, d1) -> (0, 0, 0)>
#map1 = affine_map<(d0, d1) -> (0, 0, 0, 0)>
module attributes {stable_mosaic.version = 14 : i64} {
  func.func @stats_k(%arg0: i32, %arg1: i32, %arg2: memref<8x64x2048xf32, #tpu.memory_space<hbm>>, %arg3: memref<8x64x2048xf32, #tpu.memory_space<hbm>>, %arg4: memref<8x20x2048xi32, #tpu.memory_space<hbm>>, %arg5: memref<8x64x2x16xf32, #tpu.memory_space<hbm>>, %arg6: memref<20x2048xi32, #tpu.memory_space<vmem>>, %arg7: memref<2048xf32, #tpu.memory_space<vmem>>, %arg8: memref<2048xf32, #tpu.memory_space<vmem>>, %arg9: memref<2x16xf32, #tpu.memory_space<vmem>>) attributes {dimension_semantics = [#tpu.dimension_semantics<core_parallel>, #tpu.dimension_semantics<subcore_parallel>], iteration_bounds = array<i64: 2, 16>, scalar_prefetch = 0 : i64, scratch_operands = 4 : i64, tpu.core_type = #tpu.core_type<sc_vector_subcore>, window_params = [{transform_indices = #map}, {transform_indices = #map}, {transform_indices = #map}, {transform_indices = #map1}]} {
    %mul3A = arith.constant 2 : i32
    %mul3A_0 = arith.muli %arg1, %mul3A : i32
    %add3A = arith.addi %mul3A_0, %arg0 : i32
    %jit3A = arith.constant 4 : i32
    %div3A = arith.divsi %add3A, %jit3A : i32
    %sign3A = arith.constant 0 : i32
    %sign3A_1 = arith.cmpi sgt, %add3A, %sign3A : i32
    %sign3A_2 = arith.extui %sign3A_1 : i1 to i32
    %sign3A_3 = arith.constant 0 : i32
    %sign3A_4 = arith.cmpi slt, %add3A, %sign3A_3 : i32
    %sign3A_5 = arith.extui %sign3A_4 : i1 to i32
    %sign3A_6 = arith.subi %sign3A_2, %sign3A_5 : i32
    %sign3A_7 = arith.constant 0 : i32
    %sign3A_8 = arith.cmpi sgt, %jit3A, %sign3A_7 : i32
    %sign3A_9 = arith.extui %sign3A_8 : i1 to i32
    %sign3A_10 = arith.constant 0 : i32
    %sign3A_11 = arith.cmpi slt, %jit3A, %sign3A_10 : i32
    %sign3A_12 = arith.extui %sign3A_11 : i1 to i32
    %sign3A_13 = arith.subi %sign3A_9, %sign3A_12 : i32
    %ne3A = arith.cmpi ne, %sign3A_6, %sign3A_13 : i32
    %rem3A = arith.remsi %add3A, %jit3A : i32
    %ne3A_14 = arith.constant 0 : i32
    %ne3A_15 = arith.cmpi ne, %rem3A, %ne3A_14 : i32
    %and3A = arith.andi %ne3A, %ne3A_15 : i1
    %sub3A = arith.constant 1 : i32
    %sub3A_16 = arith.subi %div3A, %sub3A : i32
    %select_n3A = arith.select %and3A, %sub3A_16, %div3A : i32
    %jit3A_17 = arith.constant 4 : i32
    %eq3A = arith.constant 0 : i32
    %eq3A_18 = arith.cmpi eq, %jit3A_17, %eq3A : i32
    %jit3A_19 = arith.constant 1 : i32
    %select_n3A_20 = arith.select %eq3A_18, %jit3A_19, %jit3A_17 : i32
    %rem3A_21 = arith.remsi %add3A, %select_n3A_20 : i32
    %ne3A_22 = arith.constant 0 : i32
    %ne3A_23 = arith.cmpi ne, %rem3A_21, %ne3A_22 : i32
    %lt3A = arith.constant 0 : i32
    %lt3A_24 = arith.cmpi slt, %rem3A_21, %lt3A : i32
    %lt3A_25 = arith.constant 0 : i32
    %lt3A_26 = arith.cmpi slt, %select_n3A_20, %lt3A_25 : i32
    %ne3A_27 = arith.xori %lt3A_24, %lt3A_26 : i1
    %and3A_28 = arith.andi %ne3A_27, %ne3A_23 : i1
    %add3A_29 = arith.addi %rem3A_21, %select_n3A_20 : i32
    %select_n3A_30 = arith.select %and3A_28, %add3A_29, %rem3A_21 : i32
    %mul3A_31 = arith.constant 16 : i32
    %mul3A_32 = arith.muli %select_n3A_30, %mul3A_31 : i32
    "tpu.region"() ({
      %run_scoped3A = tpu.sem_alloc : memref<!tpu.dma_semaphore, #tpu.memory_space<semaphore_mem>>
      %dma_start3A = arith.constant 0 : i32
      %dma_start3A_38 = arith.constant 0 : i32
      %dma_start3A_39 = tpu.memref_slice %arg4[%select_n3A, %dma_start3A, %dma_start3A_38] : memref<8x20x2048xi32, #tpu.memory_space<hbm>> -> memref<1x20x2048xi32, #tpu.memory_space<hbm>>
      %dma_start3A_40 = tpu.memref_squeeze %dma_start3A_39 : memref<1x20x2048xi32, #tpu.memory_space<hbm>> -> memref<20x2048xi32, #tpu.memory_space<hbm>>
      %dma_start3A_41 = arith.constant 0 : i32
      %dma_start3A_42 = arith.constant 0 : i32
      %dma_start3A_43 = tpu.memref_slice %arg4[%select_n3A, %dma_start3A_41, %dma_start3A_42] : memref<8x20x2048xi32, #tpu.memory_space<hbm>> -> memref<1x20x2048xi32, #tpu.memory_space<hbm>>
      %dma_start3A_44 = tpu.memref_squeeze %dma_start3A_43 : memref<1x20x2048xi32, #tpu.memory_space<hbm>> -> memref<20x2048xi32, #tpu.memory_space<hbm>>
      tpu.enqueue_dma source(%dma_start3A_44 : memref<20x2048xi32, #tpu.memory_space<hbm>>) target(%arg6 : memref<20x2048xi32, #tpu.memory_space<vmem>>) target_semaphore(%run_scoped3A : memref<!tpu.dma_semaphore, #tpu.memory_space<semaphore_mem>>)
      %dma_wait3A = arith.constant 0 : i32
      %dma_wait3A_45 = arith.constant 0 : i32
      %dma_wait3A_46 = tpu.memref_slice %arg4[%select_n3A, %dma_wait3A, %dma_wait3A_45] : memref<8x20x2048xi32, #tpu.memory_space<hbm>> -> memref<1x20x2048xi32, #tpu.memory_space<hbm>>
      %dma_wait3A_47 = tpu.memref_squeeze %dma_wait3A_46 : memref<1x20x2048xi32, #tpu.memory_space<hbm>> -> memref<20x2048xi32, #tpu.memory_space<hbm>>
      %dma_wait3A_48 = arith.constant 0 : i32
      %dma_wait3A_49 = arith.constant 0 : i32
      %dma_wait3A_50 = tpu.memref_slice %arg4[%select_n3A, %dma_wait3A_48, %dma_wait3A_49] : memref<8x20x2048xi32, #tpu.memory_space<hbm>> -> memref<1x20x2048xi32, #tpu.memory_space<hbm>>
      %dma_wait3A_51 = tpu.memref_squeeze %dma_wait3A_50 : memref<1x20x2048xi32, #tpu.memory_space<hbm>> -> memref<20x2048xi32, #tpu.memory_space<hbm>>
      tpu.wait_dma2 semaphore(%run_scoped3A : memref<!tpu.dma_semaphore, #tpu.memory_space<semaphore_mem>>) src(%dma_wait3A_51 : memref<20x2048xi32, #tpu.memory_space<hbm>>) dst(%arg6 : memref<20x2048xi32, #tpu.memory_space<vmem>>)
      tpu.yield
    }) : () -> ()
    %scan3A = arith.constant 0 : i32
    %scan3A_33 = arith.constant 0 : i32
    %scan3A_34 = arith.constant 16 : i32
    %scan3A_35 = arith.addi %scan3A_33, %scan3A_34 : i32
    %scan3A_36 = arith.constant 1 : i32
    scf.for %scan3A_38 = %scan3A_33 to %scan3A_35 step %scan3A_36  : i32 {
      %add3A_39 = arith.addi %mul3A_32, %scan3A_38 : i32
      "tpu.region"() ({
        %run_scoped3A = tpu.sem_alloc : memref<!tpu.dma_semaphore, #tpu.memory_space<semaphore_mem>>
        %dma_start3A = arith.constant 0 : i32
        %dma_start3A_66 = tpu.memref_slice %arg2[%select_n3A, %add3A_39, %dma_start3A] : memref<8x64x2048xf32, #tpu.memory_space<hbm>> -> memref<1x1x2048xf32, #tpu.memory_space<hbm>>
        %dma_start3A_67 = tpu.memref_squeeze %dma_start3A_66 : memref<1x1x2048xf32, #tpu.memory_space<hbm>> -> memref<2048xf32, #tpu.memory_space<hbm>>
        %dma_start3A_68 = arith.constant 0 : i32
        %dma_start3A_69 = tpu.memref_slice %arg2[%select_n3A, %add3A_39, %dma_start3A_68] : memref<8x64x2048xf32, #tpu.memory_space<hbm>> -> memref<1x1x2048xf32, #tpu.memory_space<hbm>>
        %dma_start3A_70 = tpu.memref_squeeze %dma_start3A_69 : memref<1x1x2048xf32, #tpu.memory_space<hbm>> -> memref<2048xf32, #tpu.memory_space<hbm>>
        tpu.enqueue_dma source(%dma_start3A_70 : memref<2048xf32, #tpu.memory_space<hbm>>) target(%arg7 : memref<2048xf32, #tpu.memory_space<vmem>>) target_semaphore(%run_scoped3A : memref<!tpu.dma_semaphore, #tpu.memory_space<semaphore_mem>>)
        %dma_wait3A = arith.constant 0 : i32
        %dma_wait3A_71 = tpu.memref_slice %arg2[%select_n3A, %add3A_39, %dma_wait3A] : memref<8x64x2048xf32, #tpu.memory_space<hbm>> -> memref<1x1x2048xf32, #tpu.memory_space<hbm>>
        %dma_wait3A_72 = tpu.memref_squeeze %dma_wait3A_71 : memref<1x1x2048xf32, #tpu.memory_space<hbm>> -> memref<2048xf32, #tpu.memory_space<hbm>>
        %dma_wait3A_73 = arith.constant 0 : i32
        %dma_wait3A_74 = tpu.memref_slice %arg2[%select_n3A, %add3A_39, %dma_wait3A_73] : memref<8x64x2048xf32, #tpu.memory_space<hbm>> -> memref<1x1x2048xf32, #tpu.memory_space<hbm>>
        %dma_wait3A_75 = tpu.memref_squeeze %dma_wait3A_74 : memref<1x1x2048xf32, #tpu.memory_space<hbm>> -> memref<2048xf32, #tpu.memory_space<hbm>>
        tpu.wait_dma2 semaphore(%run_scoped3A : memref<!tpu.dma_semaphore, #tpu.memory_space<semaphore_mem>>) src(%dma_wait3A_75 : memref<2048xf32, #tpu.memory_space<hbm>>) dst(%arg7 : memref<2048xf32, #tpu.memory_space<vmem>>)
        tpu.yield
      }) : () -> ()
      "tpu.region"() ({
        %run_scoped3A = tpu.sem_alloc : memref<!tpu.dma_semaphore, #tpu.memory_space<semaphore_mem>>
        %dma_start3A = arith.constant 0 : i32
        %dma_start3A_66 = tpu.memref_slice %arg3[%select_n3A, %add3A_39, %dma_start3A] : memref<8x64x2048xf32, #tpu.memory_space<hbm>> -> memref<1x1x2048xf32, #tpu.memory_space<hbm>>
        %dma_start3A_67 = tpu.memref_squeeze %dma_start3A_66 : memref<1x1x2048xf32, #tpu.memory_space<hbm>> -> memref<2048xf32, #tpu.memory_space<hbm>>
        %dma_start3A_68 = arith.constant 0 : i32
        %dma_start3A_69 = tpu.memref_slice %arg3[%select_n3A, %add3A_39, %dma_start3A_68] : memref<8x64x2048xf32, #tpu.memory_space<hbm>> -> memref<1x1x2048xf32, #tpu.memory_space<hbm>>
        %dma_start3A_70 = tpu.memref_squeeze %dma_start3A_69 : memref<1x1x2048xf32, #tpu.memory_space<hbm>> -> memref<2048xf32, #tpu.memory_space<hbm>>
        tpu.enqueue_dma source(%dma_start3A_70 : memref<2048xf32, #tpu.memory_space<hbm>>) target(%arg8 : memref<2048xf32, #tpu.memory_space<vmem>>) target_semaphore(%run_scoped3A : memref<!tpu.dma_semaphore, #tpu.memory_space<semaphore_mem>>)
        %dma_wait3A = arith.constant 0 : i32
        %dma_wait3A_71 = tpu.memref_slice %arg3[%select_n3A, %add3A_39, %dma_wait3A] : memref<8x64x2048xf32, #tpu.memory_space<hbm>> -> memref<1x1x2048xf32, #tpu.memory_space<hbm>>
        %dma_wait3A_72 = tpu.memref_squeeze %dma_wait3A_71 : memref<1x1x2048xf32, #tpu.memory_space<hbm>> -> memref<2048xf32, #tpu.memory_space<hbm>>
        %dma_wait3A_73 = arith.constant 0 : i32
        %dma_wait3A_74 = tpu.memref_slice %arg3[%select_n3A, %add3A_39, %dma_wait3A_73] : memref<8x64x2048xf32, #tpu.memory_space<hbm>> -> memref<1x1x2048xf32, #tpu.memory_space<hbm>>
        %dma_wait3A_75 = tpu.memref_squeeze %dma_wait3A_74 : memref<1x1x2048xf32, #tpu.memory_space<hbm>> -> memref<2048xf32, #tpu.memory_space<hbm>>
        tpu.wait_dma2 semaphore(%run_scoped3A : memref<!tpu.dma_semaphore, #tpu.memory_space<semaphore_mem>>) src(%dma_wait3A_75 : memref<2048xf32, #tpu.memory_space<hbm>>) dst(%arg8 : memref<2048xf32, #tpu.memory_space<vmem>>)
        tpu.yield
      }) : () -> ()
      %broadcast_in_dim3A = arith.constant 0.000000e+00 : f32
      %broadcast_in_dim3A_40 = vector.broadcast %broadcast_in_dim3A : f32 to vector<16xf32>
      %scan3A_41 = arith.constant 0 : i32
      %scan3A_42 = arith.constant 128 : i32
      %scan3A_43 = arith.addi %scan3A_41, %scan3A_42 : i32
      %scan3A_44 = arith.constant 1 : i32
      %scan3A_45:5 = scf.for %scan3A_66 = %scan3A_41 to %scan3A_43 step %scan3A_44 iter_args(%scan3A_67 = %broadcast_in_dim3A_40, %scan3A_68 = %broadcast_in_dim3A_40, %scan3A_69 = %broadcast_in_dim3A_40, %scan3A_70 = %broadcast_in_dim3A_40, %scan3A_71 = %broadcast_in_dim3A_40) -> (vector<16xf32>, vector<16xf32>, vector<16xf32>, vector<16xf32>, vector<16xf32>)  : i32 {
        %mul3A_72 = arith.constant 16 : i32
        %mul3A_73 = arith.muli %scan3A_66, %mul3A_72 : i32
        %get3A = arith.index_cast %mul3A_73 : i32 to index
        %get3A_74 = tpu.vector_load %arg8[%get3A] {strides = array<i32>} : memref<2048xf32, #tpu.memory_space<vmem>>, vector<16xf32>,
        %broadcast_in_dim3A_75 = arith.constant 0.000000e+00 : f32
        %broadcast_in_dim3A_76 = vector.broadcast %broadcast_in_dim3A_75 : f32 to vector<16xf32>
        %get3A_77 = arith.constant 0 : i32
        %get3A_78 = arith.index_cast %get3A_77 : i32 to index
        %get3A_79 = arith.index_cast %mul3A_73 : i32 to index
        %get3A_80 = tpu.vector_load %arg6[%get3A_78, %get3A_79] {strides = array<i32>} : memref<20x2048xi32, #tpu.memory_space<vmem>>, vector<16xi32>,
        %gather3A = tpu.vector_load_idx %arg7[%get3A_80] : memref<2048xf32, #tpu.memory_space<vmem>>[vector<16xi32>], vector<16xf32>,
        %add3A_81 = arith.addf %broadcast_in_dim3A_76, %gather3A : vector<16xf32>
        %mul3A_82 = arith.mulf %gather3A, %gather3A : vector<16xf32>
        %add3A_83 = arith.addf %scan3A_68, %mul3A_82 : vector<16xf32>
        %get3A_84 = arith.constant 1 : i32
        %get3A_85 = arith.index_cast %get3A_84 : i32 to index
        %get3A_86 = arith.index_cast %mul3A_73 : i32 to index
        %get3A_87 = tpu.vector_load %arg6[%get3A_85, %get3A_86] {strides = array<i32>} : memref<20x2048xi32, #tpu.memory_space<vmem>>, vector<16xi32>,
        %gather3A_88 = tpu.vector_load_idx %arg7[%get3A_87] : memref<2048xf32, #tpu.memory_space<vmem>>[vector<16xi32>], vector<16xf32>,
        %add3A_89 = arith.addf %add3A_81, %gather3A_88 : vector<16xf32>
        %mul3A_90 = arith.mulf %gather3A_88, %gather3A_88 : vector<16xf32>
        %add3A_91 = arith.addf %add3A_83, %mul3A_90 : vector<16xf32>
        %get3A_92 = arith.constant 2 : i32
        %get3A_93 = arith.index_cast %get3A_92 : i32 to index
        %get3A_94 = arith.index_cast %mul3A_73 : i32 to index
        %get3A_95 = tpu.vector_load %arg6[%get3A_93, %get3A_94] {strides = array<i32>} : memref<20x2048xi32, #tpu.memory_space<vmem>>, vector<16xi32>,
        %gather3A_96 = tpu.vector_load_idx %arg7[%get3A_95] : memref<2048xf32, #tpu.memory_space<vmem>>[vector<16xi32>], vector<16xf32>,
        %add3A_97 = arith.addf %add3A_89, %gather3A_96 : vector<16xf32>
        %mul3A_98 = arith.mulf %gather3A_96, %gather3A_96 : vector<16xf32>
        %add3A_99 = arith.addf %add3A_91, %mul3A_98 : vector<16xf32>
        %get3A_100 = arith.constant 3 : i32
        %get3A_101 = arith.index_cast %get3A_100 : i32 to index
        %get3A_102 = arith.index_cast %mul3A_73 : i32 to index
        %get3A_103 = tpu.vector_load %arg6[%get3A_101, %get3A_102] {strides = array<i32>} : memref<20x2048xi32, #tpu.memory_space<vmem>>, vector<16xi32>,
        %gather3A_104 = tpu.vector_load_idx %arg7[%get3A_103] : memref<2048xf32, #tpu.memory_space<vmem>>[vector<16xi32>], vector<16xf32>,
        %add3A_105 = arith.addf %add3A_97, %gather3A_104 : vector<16xf32>
        %mul3A_106 = arith.mulf %gather3A_104, %gather3A_104 : vector<16xf32>
        %add3A_107 = arith.addf %add3A_99, %mul3A_106 : vector<16xf32>
        %get3A_108 = arith.constant 4 : i32
        %get3A_109 = arith.index_cast %get3A_108 : i32 to index
        %get3A_110 = arith.index_cast %mul3A_73 : i32 to index
        %get3A_111 = tpu.vector_load %arg6[%get3A_109, %get3A_110] {strides = array<i32>} : memref<20x2048xi32, #tpu.memory_space<vmem>>, vector<16xi32>,
        %gather3A_112 = tpu.vector_load_idx %arg7[%get3A_111] : memref<2048xf32, #tpu.memory_space<vmem>>[vector<16xi32>], vector<16xf32>,
        %add3A_113 = arith.addf %add3A_105, %gather3A_112 : vector<16xf32>
        %mul3A_114 = arith.mulf %gather3A_112, %gather3A_112 : vector<16xf32>
        %add3A_115 = arith.addf %add3A_107, %mul3A_114 : vector<16xf32>
        %get3A_116 = arith.constant 5 : i32
        %get3A_117 = arith.index_cast %get3A_116 : i32 to index
        %get3A_118 = arith.index_cast %mul3A_73 : i32 to index
        %get3A_119 = tpu.vector_load %arg6[%get3A_117, %get3A_118] {strides = array<i32>} : memref<20x2048xi32, #tpu.memory_space<vmem>>, vector<16xi32>,
        %gather3A_120 = tpu.vector_load_idx %arg7[%get3A_119] : memref<2048xf32, #tpu.memory_space<vmem>>[vector<16xi32>], vector<16xf32>,
        %add3A_121 = arith.addf %add3A_113, %gather3A_120 : vector<16xf32>
        %mul3A_122 = arith.mulf %gather3A_120, %gather3A_120 : vector<16xf32>
        %add3A_123 = arith.addf %add3A_115, %mul3A_122 : vector<16xf32>
        %get3A_124 = arith.constant 6 : i32
        %get3A_125 = arith.index_cast %get3A_124 : i32 to index
        %get3A_126 = arith.index_cast %mul3A_73 : i32 to index
        %get3A_127 = tpu.vector_load %arg6[%get3A_125, %get3A_126] {strides = array<i32>} : memref<20x2048xi32, #tpu.memory_space<vmem>>, vector<16xi32>,
        %gather3A_128 = tpu.vector_load_idx %arg7[%get3A_127] : memref<2048xf32, #tpu.memory_space<vmem>>[vector<16xi32>], vector<16xf32>,
        %add3A_129 = arith.addf %add3A_121, %gather3A_128 : vector<16xf32>
        %mul3A_130 = arith.mulf %gather3A_128, %gather3A_128 : vector<16xf32>
        %add3A_131 = arith.addf %add3A_123, %mul3A_130 : vector<16xf32>
        %get3A_132 = arith.constant 7 : i32
        %get3A_133 = arith.index_cast %get3A_132 : i32 to index
        %get3A_134 = arith.index_cast %mul3A_73 : i32 to index
        %get3A_135 = tpu.vector_load %arg6[%get3A_133, %get3A_134] {strides = array<i32>} : memref<20x2048xi32, #tpu.memory_space<vmem>>, vector<16xi32>,
        %gather3A_136 = tpu.vector_load_idx %arg7[%get3A_135] : memref<2048xf32, #tpu.memory_space<vmem>>[vector<16xi32>], vector<16xf32>,
        %add3A_137 = arith.addf %add3A_129, %gather3A_136 : vector<16xf32>
        %mul3A_138 = arith.mulf %gather3A_136, %gather3A_136 : vector<16xf32>
        %add3A_139 = arith.addf %add3A_131, %mul3A_138 : vector<16xf32>
        %get3A_140 = arith.constant 8 : i32
        %get3A_141 = arith.index_cast %get3A_140 : i32 to index
        %get3A_142 = arith.index_cast %mul3A_73 : i32 to index
        %get3A_143 = tpu.vector_load %arg6[%get3A_141, %get3A_142] {strides = array<i32>} : memref<20x2048xi32, #tpu.memory_space<vmem>>, vector<16xi32>,
        %gather3A_144 = tpu.vector_load_idx %arg7[%get3A_143] : memref<2048xf32, #tpu.memory_space<vmem>>[vector<16xi32>], vector<16xf32>,
        %add3A_145 = arith.addf %add3A_137, %gather3A_144 : vector<16xf32>
        %mul3A_146 = arith.mulf %gather3A_144, %gather3A_144 : vector<16xf32>
        %add3A_147 = arith.addf %add3A_139, %mul3A_146 : vector<16xf32>
        %get3A_148 = arith.constant 9 : i32
        %get3A_149 = arith.index_cast %get3A_148 : i32 to index
        %get3A_150 = arith.index_cast %mul3A_73 : i32 to index
        %get3A_151 = tpu.vector_load %arg6[%get3A_149, %get3A_150] {strides = array<i32>} : memref<20x2048xi32, #tpu.memory_space<vmem>>, vector<16xi32>,
        %gather3A_152 = tpu.vector_load_idx %arg7[%get3A_151] : memref<2048xf32, #tpu.memory_space<vmem>>[vector<16xi32>], vector<16xf32>,
        %add3A_153 = arith.addf %add3A_145, %gather3A_152 : vector<16xf32>
        %mul3A_154 = arith.mulf %gather3A_152, %gather3A_152 : vector<16xf32>
        %add3A_155 = arith.addf %add3A_147, %mul3A_154 : vector<16xf32>
        %get3A_156 = arith.constant 10 : i32
        %get3A_157 = arith.index_cast %get3A_156 : i32 to index
        %get3A_158 = arith.index_cast %mul3A_73 : i32 to index
        %get3A_159 = tpu.vector_load %arg6[%get3A_157, %get3A_158] {strides = array<i32>} : memref<20x2048xi32, #tpu.memory_space<vmem>>, vector<16xi32>,
        %gather3A_160 = tpu.vector_load_idx %arg7[%get3A_159] : memref<2048xf32, #tpu.memory_space<vmem>>[vector<16xi32>], vector<16xf32>,
        %add3A_161 = arith.addf %add3A_153, %gather3A_160 : vector<16xf32>
        %mul3A_162 = arith.mulf %gather3A_160, %gather3A_160 : vector<16xf32>
        %add3A_163 = arith.addf %add3A_155, %mul3A_162 : vector<16xf32>
        %get3A_164 = arith.constant 11 : i32
        %get3A_165 = arith.index_cast %get3A_164 : i32 to index
        %get3A_166 = arith.index_cast %mul3A_73 : i32 to index
        %get3A_167 = tpu.vector_load %arg6[%get3A_165, %get3A_166] {strides = array<i32>} : memref<20x2048xi32, #tpu.memory_space<vmem>>, vector<16xi32>,
        %gather3A_168 = tpu.vector_load_idx %arg7[%get3A_167] : memref<2048xf32, #tpu.memory_space<vmem>>[vector<16xi32>], vector<16xf32>,
        %add3A_169 = arith.addf %add3A_161, %gather3A_168 : vector<16xf32>
        %mul3A_170 = arith.mulf %gather3A_168, %gather3A_168 : vector<16xf32>
        %add3A_171 = arith.addf %add3A_163, %mul3A_170 : vector<16xf32>
        %get3A_172 = arith.constant 12 : i32
        %get3A_173 = arith.index_cast %get3A_172 : i32 to index
        %get3A_174 = arith.index_cast %mul3A_73 : i32 to index
        %get3A_175 = tpu.vector_load %arg6[%get3A_173, %get3A_174] {strides = array<i32>} : memref<20x2048xi32, #tpu.memory_space<vmem>>, vector<16xi32>,
        %gather3A_176 = tpu.vector_load_idx %arg7[%get3A_175] : memref<2048xf32, #tpu.memory_space<vmem>>[vector<16xi32>], vector<16xf32>,
        %add3A_177 = arith.addf %add3A_169, %gather3A_176 : vector<16xf32>
        %mul3A_178 = arith.mulf %gather3A_176, %gather3A_176 : vector<16xf32>
        %add3A_179 = arith.addf %add3A_171, %mul3A_178 : vector<16xf32>
        %get3A_180 = arith.constant 13 : i32
        %get3A_181 = arith.index_cast %get3A_180 : i32 to index
        %get3A_182 = arith.index_cast %mul3A_73 : i32 to index
        %get3A_183 = tpu.vector_load %arg6[%get3A_181, %get3A_182] {strides = array<i32>} : memref<20x2048xi32, #tpu.memory_space<vmem>>, vector<16xi32>,
        %gather3A_184 = tpu.vector_load_idx %arg7[%get3A_183] : memref<2048xf32, #tpu.memory_space<vmem>>[vector<16xi32>], vector<16xf32>,
        %add3A_185 = arith.addf %add3A_177, %gather3A_184 : vector<16xf32>
        %mul3A_186 = arith.mulf %gather3A_184, %gather3A_184 : vector<16xf32>
        %add3A_187 = arith.addf %add3A_179, %mul3A_186 : vector<16xf32>
        %get3A_188 = arith.constant 14 : i32
        %get3A_189 = arith.index_cast %get3A_188 : i32 to index
        %get3A_190 = arith.index_cast %mul3A_73 : i32 to index
        %get3A_191 = tpu.vector_load %arg6[%get3A_189, %get3A_190] {strides = array<i32>} : memref<20x2048xi32, #tpu.memory_space<vmem>>, vector<16xi32>,
        %gather3A_192 = tpu.vector_load_idx %arg7[%get3A_191] : memref<2048xf32, #tpu.memory_space<vmem>>[vector<16xi32>], vector<16xf32>,
        %add3A_193 = arith.addf %add3A_185, %gather3A_192 : vector<16xf32>
        %mul3A_194 = arith.mulf %gather3A_192, %gather3A_192 : vector<16xf32>
        %add3A_195 = arith.addf %add3A_187, %mul3A_194 : vector<16xf32>
        %get3A_196 = arith.constant 15 : i32
        %get3A_197 = arith.index_cast %get3A_196 : i32 to index
        %get3A_198 = arith.index_cast %mul3A_73 : i32 to index
        %get3A_199 = tpu.vector_load %arg6[%get3A_197, %get3A_198] {strides = array<i32>} : memref<20x2048xi32, #tpu.memory_space<vmem>>, vector<16xi32>,
        %gather3A_200 = tpu.vector_load_idx %arg7[%get3A_199] : memref<2048xf32, #tpu.memory_space<vmem>>[vector<16xi32>], vector<16xf32>,
        %add3A_201 = arith.addf %add3A_193, %gather3A_200 : vector<16xf32>
        %mul3A_202 = arith.mulf %gather3A_200, %gather3A_200 : vector<16xf32>
        %add3A_203 = arith.addf %add3A_195, %mul3A_202 : vector<16xf32>
        %get3A_204 = arith.constant 16 : i32
        %get3A_205 = arith.index_cast %get3A_204 : i32 to index
        %get3A_206 = arith.index_cast %mul3A_73 : i32 to index
        %get3A_207 = tpu.vector_load %arg6[%get3A_205, %get3A_206] {strides = array<i32>} : memref<20x2048xi32, #tpu.memory_space<vmem>>, vector<16xi32>,
        %gather3A_208 = tpu.vector_load_idx %arg7[%get3A_207] : memref<2048xf32, #tpu.memory_space<vmem>>[vector<16xi32>], vector<16xf32>,
        %add3A_209 = arith.addf %add3A_201, %gather3A_208 : vector<16xf32>
        %mul3A_210 = arith.mulf %gather3A_208, %gather3A_208 : vector<16xf32>
        %add3A_211 = arith.addf %add3A_203, %mul3A_210 : vector<16xf32>
        %get3A_212 = arith.constant 17 : i32
        %get3A_213 = arith.index_cast %get3A_212 : i32 to index
        %get3A_214 = arith.index_cast %mul3A_73 : i32 to index
        %get3A_215 = tpu.vector_load %arg6[%get3A_213, %get3A_214] {strides = array<i32>} : memref<20x2048xi32, #tpu.memory_space<vmem>>, vector<16xi32>,
        %gather3A_216 = tpu.vector_load_idx %arg7[%get3A_215] : memref<2048xf32, #tpu.memory_space<vmem>>[vector<16xi32>], vector<16xf32>,
        %add3A_217 = arith.addf %add3A_209, %gather3A_216 : vector<16xf32>
        %mul3A_218 = arith.mulf %gather3A_216, %gather3A_216 : vector<16xf32>
        %add3A_219 = arith.addf %add3A_211, %mul3A_218 : vector<16xf32>
        %get3A_220 = arith.constant 18 : i32
        %get3A_221 = arith.index_cast %get3A_220 : i32 to index
        %get3A_222 = arith.index_cast %mul3A_73 : i32 to index
        %get3A_223 = tpu.vector_load %arg6[%get3A_221, %get3A_222] {strides = array<i32>} : memref<20x2048xi32, #tpu.memory_space<vmem>>, vector<16xi32>,
        %gather3A_224 = tpu.vector_load_idx %arg7[%get3A_223] : memref<2048xf32, #tpu.memory_space<vmem>>[vector<16xi32>], vector<16xf32>,
        %add3A_225 = arith.addf %add3A_217, %gather3A_224 : vector<16xf32>
        %mul3A_226 = arith.mulf %gather3A_224, %gather3A_224 : vector<16xf32>
        %add3A_227 = arith.addf %add3A_219, %mul3A_226 : vector<16xf32>
        %get3A_228 = arith.constant 19 : i32
        %get3A_229 = arith.index_cast %get3A_228 : i32 to index
        %get3A_230 = arith.index_cast %mul3A_73 : i32 to index
        %get3A_231 = tpu.vector_load %arg6[%get3A_229, %get3A_230] {strides = array<i32>} : memref<20x2048xi32, #tpu.memory_space<vmem>>, vector<16xi32>,
        %gather3A_232 = tpu.vector_load_idx %arg7[%get3A_231] : memref<2048xf32, #tpu.memory_space<vmem>>[vector<16xi32>], vector<16xf32>,
        %add3A_233 = arith.addf %add3A_225, %gather3A_232 : vector<16xf32>
        %mul3A_234 = arith.mulf %gather3A_232, %gather3A_232 : vector<16xf32>
        %add3A_235 = arith.addf %add3A_227, %mul3A_234 : vector<16xf32>
        %add3A_236 = arith.addf %scan3A_67, %add3A_233 : vector<16xf32>
        %mul3A_237 = arith.mulf %get3A_74, %add3A_233 : vector<16xf32>
        %add3A_238 = arith.addf %scan3A_69, %mul3A_237 : vector<16xf32>
        %add3A_239 = arith.addf %scan3A_70, %get3A_74 : vector<16xf32>
        %mul3A_240 = arith.mulf %get3A_74, %get3A_74 : vector<16xf32>
        %add3A_241 = arith.addf %scan3A_71, %mul3A_240 : vector<16xf32>
        scf.yield %add3A_236, %add3A_235, %add3A_238, %add3A_239, %add3A_241 : vector<16xf32>, vector<16xf32>, vector<16xf32>, vector<16xf32>, vector<16xf32>
      }
      %scan3A_46 = arith.constant 128 : i32
      %mul3A_47 = arith.constant 2.000000e+01 : f32
      %mul3A_48 = vector.broadcast %mul3A_47 : f32 to vector<16xf32>
      %mul3A_49 = arith.mulf %mul3A_48, %scan3A_45#3 : vector<16xf32>
      %add3A_50 = arith.addf %scan3A_45#0, %mul3A_49 : vector<16xf32>
      %swap3A = arith.constant 0 : i32
      %swap3A_51 = arith.index_cast %swap3A : i32 to index
      %swap3A_52 = arith.constant 0 : index
      %swap3A_53 = tpu.vector_load %arg9[%swap3A_51, %swap3A_52] {strides = array<i32>} : memref<2x16xf32, #tpu.memory_space<vmem>>, vector<16xf32>,
      tpu.vector_store %arg9[%swap3A_51, %swap3A_52], %add3A_50 {strides = array<i32>} : memref<2x16xf32, #tpu.memory_space<vmem>>, vector<16xf32>,
      %mul3A_54 = arith.constant 2.000000e+00 : f32
      %mul3A_55 = vector.broadcast %mul3A_54 : f32 to vector<16xf32>
      %mul3A_56 = arith.mulf %mul3A_55, %scan3A_45#2 : vector<16xf32>
      %add3A_57 = arith.addf %scan3A_45#1, %mul3A_56 : vector<16xf32>
      %mul3A_58 = arith.constant 2.000000e+01 : f32
      %mul3A_59 = vector.broadcast %mul3A_58 : f32 to vector<16xf32>
      %mul3A_60 = arith.mulf %mul3A_59, %scan3A_45#4 : vector<16xf32>
      %add3A_61 = arith.addf %add3A_57, %mul3A_60 : vector<16xf32>
      %swap3A_62 = arith.constant 1 : i32
      %swap3A_63 = arith.index_cast %swap3A_62 : i32 to index
      %swap3A_64 = arith.constant 0 : index
      %swap3A_65 = tpu.vector_load %arg9[%swap3A_63, %swap3A_64] {strides = array<i32>} : memref<2x16xf32, #tpu.memory_space<vmem>>, vector<16xf32>,
      tpu.vector_store %arg9[%swap3A_63, %swap3A_64], %add3A_61 {strides = array<i32>} : memref<2x16xf32, #tpu.memory_space<vmem>>, vector<16xf32>,
      "tpu.region"() ({
        %run_scoped3A = tpu.sem_alloc : memref<!tpu.dma_semaphore, #tpu.memory_space<semaphore_mem>>
        %dma_start3A = arith.constant 0 : i32
        %dma_start3A_66 = arith.constant 0 : i32
        %dma_start3A_67 = tpu.memref_slice %arg5[%select_n3A, %add3A_39, %dma_start3A, %dma_start3A_66] : memref<8x64x2x16xf32, #tpu.memory_space<hbm>> -> memref<1x1x2x16xf32, #tpu.memory_space<hbm>>
        %dma_start3A_68 = tpu.memref_squeeze %dma_start3A_67 : memref<1x1x2x16xf32, #tpu.memory_space<hbm>> -> memref<2x16xf32, #tpu.memory_space<hbm>>
        %dma_start3A_69 = arith.constant 0 : i32
        %dma_start3A_70 = arith.constant 0 : i32
        %dma_start3A_71 = tpu.memref_slice %arg5[%select_n3A, %add3A_39, %dma_start3A_69, %dma_start3A_70] : memref<8x64x2x16xf32, #tpu.memory_space<hbm>> -> memref<1x1x2x16xf32, #tpu.memory_space<hbm>>
        %dma_start3A_72 = tpu.memref_squeeze %dma_start3A_71 : memref<1x1x2x16xf32, #tpu.memory_space<hbm>> -> memref<2x16xf32, #tpu.memory_space<hbm>>
        tpu.enqueue_dma source(%arg9 : memref<2x16xf32, #tpu.memory_space<vmem>>) target(%dma_start3A_72 : memref<2x16xf32, #tpu.memory_space<hbm>>) target_semaphore(%run_scoped3A : memref<!tpu.dma_semaphore, #tpu.memory_space<semaphore_mem>>)
        %dma_wait3A = arith.constant 0 : i32
        %dma_wait3A_73 = arith.constant 0 : i32
        %dma_wait3A_74 = tpu.memref_slice %arg5[%select_n3A, %add3A_39, %dma_wait3A, %dma_wait3A_73] : memref<8x64x2x16xf32, #tpu.memory_space<hbm>> -> memref<1x1x2x16xf32, #tpu.memory_space<hbm>>
        %dma_wait3A_75 = tpu.memref_squeeze %dma_wait3A_74 : memref<1x1x2x16xf32, #tpu.memory_space<hbm>> -> memref<2x16xf32, #tpu.memory_space<hbm>>
        %dma_wait3A_76 = arith.constant 0 : i32
        %dma_wait3A_77 = arith.constant 0 : i32
        %dma_wait3A_78 = tpu.memref_slice %arg5[%select_n3A, %add3A_39, %dma_wait3A_76, %dma_wait3A_77] : memref<8x64x2x16xf32, #tpu.memory_space<hbm>> -> memref<1x1x2x16xf32, #tpu.memory_space<hbm>>
        %dma_wait3A_79 = tpu.memref_squeeze %dma_wait3A_78 : memref<1x1x2x16xf32, #tpu.memory_space<hbm>> -> memref<2x16xf32, #tpu.memory_space<hbm>>
        tpu.wait_dma2 semaphore(%run_scoped3A : memref<!tpu.dma_semaphore, #tpu.memory_space<semaphore_mem>>) src(%arg9 : memref<2x16xf32, #tpu.memory_space<vmem>>) dst(%dma_wait3A_79 : memref<2x16xf32, #tpu.memory_space<hbm>>)
        tpu.yield
      }) : () -> ()
    }
    %scan3A_37 = arith.constant 16 : i32
    return
  }
}

#map = affine_map<(d0, d1) -> (0, 0, 0)>
#map1 = affine_map<(d0, d1) -> (0)>
module attributes {stable_mosaic.version = 14 : i64} {
  func.func @out_k(%arg0: i32, %arg1: i32, %arg2: memref<8x64x2048xf32, #tpu.memory_space<hbm>>, %arg3: memref<8x64x2048xf32, #tpu.memory_space<hbm>>, %arg4: memref<8x20x2048xi32, #tpu.memory_space<hbm>>, %arg5: memref<128xf32, #tpu.memory_space<hbm>>, %arg6: memref<8x64x40960xf32, #tpu.memory_space<hbm>>, %arg7: memref<20x2048xi32, #tpu.memory_space<vmem>>, %arg8: memref<2048xf32, #tpu.memory_space<vmem>>, %arg9: memref<2048xf32, #tpu.memory_space<vmem>>, %arg10: memref<20480xf32, #tpu.memory_space<vmem>>, %arg11: memref<20480xf32, #tpu.memory_space<vmem>>, %arg12: memref<128xf32, #tpu.memory_space<vmem>>, %arg13: memref<!tpu.dma_semaphore, #tpu.memory_space<semaphore_mem>>, %arg14: memref<!tpu.dma_semaphore, #tpu.memory_space<semaphore_mem>>) attributes {dimension_semantics = [#tpu.dimension_semantics<core_parallel>, #tpu.dimension_semantics<subcore_parallel>], iteration_bounds = array<i64: 2, 16>, scalar_prefetch = 0 : i64, scratch_operands = 8 : i64, tpu.core_type = #tpu.core_type<sc_vector_subcore>, window_params = [{transform_indices = #map}, {transform_indices = #map}, {transform_indices = #map}, {transform_indices = #map1}, {transform_indices = #map}]} {
    %mul3A = arith.constant 2 : i32
    %mul3A_0 = arith.muli %arg1, %mul3A : i32
    %add3A = arith.addi %mul3A_0, %arg0 : i32
    %jit3A = arith.constant 4 : i32
    %div3A = arith.divsi %add3A, %jit3A : i32
    %sign3A = arith.constant 0 : i32
    %sign3A_1 = arith.cmpi sgt, %add3A, %sign3A : i32
    %sign3A_2 = arith.extui %sign3A_1 : i1 to i32
    %sign3A_3 = arith.constant 0 : i32
    %sign3A_4 = arith.cmpi slt, %add3A, %sign3A_3 : i32
    %sign3A_5 = arith.extui %sign3A_4 : i1 to i32
    %sign3A_6 = arith.subi %sign3A_2, %sign3A_5 : i32
    %sign3A_7 = arith.constant 0 : i32
    %sign3A_8 = arith.cmpi sgt, %jit3A, %sign3A_7 : i32
    %sign3A_9 = arith.extui %sign3A_8 : i1 to i32
    %sign3A_10 = arith.constant 0 : i32
    %sign3A_11 = arith.cmpi slt, %jit3A, %sign3A_10 : i32
    %sign3A_12 = arith.extui %sign3A_11 : i1 to i32
    %sign3A_13 = arith.subi %sign3A_9, %sign3A_12 : i32
    %ne3A = arith.cmpi ne, %sign3A_6, %sign3A_13 : i32
    %rem3A = arith.remsi %add3A, %jit3A : i32
    %ne3A_14 = arith.constant 0 : i32
    %ne3A_15 = arith.cmpi ne, %rem3A, %ne3A_14 : i32
    %and3A = arith.andi %ne3A, %ne3A_15 : i1
    %sub3A = arith.constant 1 : i32
    %sub3A_16 = arith.subi %div3A, %sub3A : i32
    %select_n3A = arith.select %and3A, %sub3A_16, %div3A : i32
    %jit3A_17 = arith.constant 4 : i32
    %eq3A = arith.constant 0 : i32
    %eq3A_18 = arith.cmpi eq, %jit3A_17, %eq3A : i32
    %jit3A_19 = arith.constant 1 : i32
    %select_n3A_20 = arith.select %eq3A_18, %jit3A_19, %jit3A_17 : i32
    %rem3A_21 = arith.remsi %add3A, %select_n3A_20 : i32
    %ne3A_22 = arith.constant 0 : i32
    %ne3A_23 = arith.cmpi ne, %rem3A_21, %ne3A_22 : i32
    %lt3A = arith.constant 0 : i32
    %lt3A_24 = arith.cmpi slt, %rem3A_21, %lt3A : i32
    %lt3A_25 = arith.constant 0 : i32
    %lt3A_26 = arith.cmpi slt, %select_n3A_20, %lt3A_25 : i32
    %ne3A_27 = arith.xori %lt3A_24, %lt3A_26 : i1
    %and3A_28 = arith.andi %ne3A_27, %ne3A_23 : i1
    %add3A_29 = arith.addi %rem3A_21, %select_n3A_20 : i32
    %select_n3A_30 = arith.select %and3A_28, %add3A_29, %rem3A_21 : i32
    %mul3A_31 = arith.constant 16 : i32
    %mul3A_32 = arith.muli %select_n3A_30, %mul3A_31 : i32
    "tpu.region"() ({
      %run_scoped3A = tpu.sem_alloc : memref<!tpu.dma_semaphore, #tpu.memory_space<semaphore_mem>>
      %dma_start3A = arith.constant 0 : i32
      %dma_start3A_56 = arith.constant 0 : i32
      %dma_start3A_57 = tpu.memref_slice %arg4[%select_n3A, %dma_start3A, %dma_start3A_56] : memref<8x20x2048xi32, #tpu.memory_space<hbm>> -> memref<1x20x2048xi32, #tpu.memory_space<hbm>>
      %dma_start3A_58 = tpu.memref_squeeze %dma_start3A_57 : memref<1x20x2048xi32, #tpu.memory_space<hbm>> -> memref<20x2048xi32, #tpu.memory_space<hbm>>
      %dma_start3A_59 = arith.constant 0 : i32
      %dma_start3A_60 = arith.constant 0 : i32
      %dma_start3A_61 = tpu.memref_slice %arg4[%select_n3A, %dma_start3A_59, %dma_start3A_60] : memref<8x20x2048xi32, #tpu.memory_space<hbm>> -> memref<1x20x2048xi32, #tpu.memory_space<hbm>>
      %dma_start3A_62 = tpu.memref_squeeze %dma_start3A_61 : memref<1x20x2048xi32, #tpu.memory_space<hbm>> -> memref<20x2048xi32, #tpu.memory_space<hbm>>
      tpu.enqueue_dma source(%dma_start3A_62 : memref<20x2048xi32, #tpu.memory_space<hbm>>) target(%arg7 : memref<20x2048xi32, #tpu.memory_space<vmem>>) target_semaphore(%run_scoped3A : memref<!tpu.dma_semaphore, #tpu.memory_space<semaphore_mem>>)
      %dma_wait3A_63 = arith.constant 0 : i32
      %dma_wait3A_64 = arith.constant 0 : i32
      %dma_wait3A_65 = tpu.memref_slice %arg4[%select_n3A, %dma_wait3A_63, %dma_wait3A_64] : memref<8x20x2048xi32, #tpu.memory_space<hbm>> -> memref<1x20x2048xi32, #tpu.memory_space<hbm>>
      %dma_wait3A_66 = tpu.memref_squeeze %dma_wait3A_65 : memref<1x20x2048xi32, #tpu.memory_space<hbm>> -> memref<20x2048xi32, #tpu.memory_space<hbm>>
      %dma_wait3A_67 = arith.constant 0 : i32
      %dma_wait3A_68 = arith.constant 0 : i32
      %dma_wait3A_69 = tpu.memref_slice %arg4[%select_n3A, %dma_wait3A_67, %dma_wait3A_68] : memref<8x20x2048xi32, #tpu.memory_space<hbm>> -> memref<1x20x2048xi32, #tpu.memory_space<hbm>>
      %dma_wait3A_70 = tpu.memref_squeeze %dma_wait3A_69 : memref<1x20x2048xi32, #tpu.memory_space<hbm>> -> memref<20x2048xi32, #tpu.memory_space<hbm>>
      tpu.wait_dma2 semaphore(%run_scoped3A : memref<!tpu.dma_semaphore, #tpu.memory_space<semaphore_mem>>) src(%dma_wait3A_70 : memref<20x2048xi32, #tpu.memory_space<hbm>>) dst(%arg7 : memref<20x2048xi32, #tpu.memory_space<vmem>>)
      tpu.yield
    }) : () -> ()
    "tpu.region"() ({
      %run_scoped3A = tpu.sem_alloc : memref<!tpu.dma_semaphore, #tpu.memory_space<semaphore_mem>>
      tpu.enqueue_dma source(%arg5 : memref<128xf32, #tpu.memory_space<hbm>>) target(%arg12 : memref<128xf32, #tpu.memory_space<vmem>>) target_semaphore(%run_scoped3A : memref<!tpu.dma_semaphore, #tpu.memory_space<semaphore_mem>>)
      tpu.wait_dma2 semaphore(%run_scoped3A : memref<!tpu.dma_semaphore, #tpu.memory_space<semaphore_mem>>) src(%arg5 : memref<128xf32, #tpu.memory_space<hbm>>) dst(%arg12 : memref<128xf32, #tpu.memory_space<vmem>>)
      tpu.yield
    }) : () -> ()
    %iota3A = tpu.iota {dimensions = array<i32: 0>} : vector<16xi32>
    %mul3A_33 = arith.constant 20 : i32
    %mul3A_34 = vector.broadcast %mul3A_33 : i32 to vector<16xi32>
    %mul3A_35 = arith.muli %iota3A, %mul3A_34 : vector<16xi32>
    %scan3A = arith.constant 0 : i32
    %scan3A_36 = arith.constant 0 : i32
    %scan3A_37 = arith.constant 16 : i32
    %scan3A_38 = arith.addi %scan3A_36, %scan3A_37 : i32
    %scan3A_39 = arith.constant 1 : i32
    scf.for %scan3A_56 = %scan3A_36 to %scan3A_38 step %scan3A_39  : i32 {
      %add3A_57 = arith.addi %mul3A_32, %scan3A_56 : i32
      "tpu.region"() ({
        %run_scoped3A = tpu.sem_alloc : memref<!tpu.dma_semaphore, #tpu.memory_space<semaphore_mem>>
        %dma_start3A_88 = arith.constant 0 : i32
        %dma_start3A_89 = tpu.memref_slice %arg2[%select_n3A, %add3A_57, %dma_start3A_88] : memref<8x64x2048xf32, #tpu.memory_space<hbm>> -> memref<1x1x2048xf32, #tpu.memory_space<hbm>>
        %dma_start3A_90 = tpu.memref_squeeze %dma_start3A_89 : memref<1x1x2048xf32, #tpu.memory_space<hbm>> -> memref<2048xf32, #tpu.memory_space<hbm>>
        %dma_start3A_91 = arith.constant 0 : i32
        %dma_start3A_92 = tpu.memref_slice %arg2[%select_n3A, %add3A_57, %dma_start3A_91] : memref<8x64x2048xf32, #tpu.memory_space<hbm>> -> memref<1x1x2048xf32, #tpu.memory_space<hbm>>
        %dma_start3A_93 = tpu.memref_squeeze %dma_start3A_92 : memref<1x1x2048xf32, #tpu.memory_space<hbm>> -> memref<2048xf32, #tpu.memory_space<hbm>>
        tpu.enqueue_dma source(%dma_start3A_93 : memref<2048xf32, #tpu.memory_space<hbm>>) target(%arg8 : memref<2048xf32, #tpu.memory_space<vmem>>) target_semaphore(%run_scoped3A : memref<!tpu.dma_semaphore, #tpu.memory_space<semaphore_mem>>)
        %dma_wait3A_94 = arith.constant 0 : i32
        %dma_wait3A_95 = tpu.memref_slice %arg2[%select_n3A, %add3A_57, %dma_wait3A_94] : memref<8x64x2048xf32, #tpu.memory_space<hbm>> -> memref<1x1x2048xf32, #tpu.memory_space<hbm>>
        %dma_wait3A_96 = tpu.memref_squeeze %dma_wait3A_95 : memref<1x1x2048xf32, #tpu.memory_space<hbm>> -> memref<2048xf32, #tpu.memory_space<hbm>>
        %dma_wait3A_97 = arith.constant 0 : i32
        %dma_wait3A_98 = tpu.memref_slice %arg2[%select_n3A, %add3A_57, %dma_wait3A_97] : memref<8x64x2048xf32, #tpu.memory_space<hbm>> -> memref<1x1x2048xf32, #tpu.memory_space<hbm>>
        %dma_wait3A_99 = tpu.memref_squeeze %dma_wait3A_98 : memref<1x1x2048xf32, #tpu.memory_space<hbm>> -> memref<2048xf32, #tpu.memory_space<hbm>>
        tpu.wait_dma2 semaphore(%run_scoped3A : memref<!tpu.dma_semaphore, #tpu.memory_space<semaphore_mem>>) src(%dma_wait3A_99 : memref<2048xf32, #tpu.memory_space<hbm>>) dst(%arg8 : memref<2048xf32, #tpu.memory_space<vmem>>)
        tpu.yield
      }) : () -> ()
      "tpu.region"() ({
        %run_scoped3A = tpu.sem_alloc : memref<!tpu.dma_semaphore, #tpu.memory_space<semaphore_mem>>
        %dma_start3A_88 = arith.constant 0 : i32
        %dma_start3A_89 = tpu.memref_slice %arg3[%select_n3A, %add3A_57, %dma_start3A_88] : memref<8x64x2048xf32, #tpu.memory_space<hbm>> -> memref<1x1x2048xf32, #tpu.memory_space<hbm>>
        %dma_start3A_90 = tpu.memref_squeeze %dma_start3A_89 : memref<1x1x2048xf32, #tpu.memory_space<hbm>> -> memref<2048xf32, #tpu.memory_space<hbm>>
        %dma_start3A_91 = arith.constant 0 : i32
        %dma_start3A_92 = tpu.memref_slice %arg3[%select_n3A, %add3A_57, %dma_start3A_91] : memref<8x64x2048xf32, #tpu.memory_space<hbm>> -> memref<1x1x2048xf32, #tpu.memory_space<hbm>>
        %dma_start3A_93 = tpu.memref_squeeze %dma_start3A_92 : memref<1x1x2048xf32, #tpu.memory_space<hbm>> -> memref<2048xf32, #tpu.memory_space<hbm>>
        tpu.enqueue_dma source(%dma_start3A_93 : memref<2048xf32, #tpu.memory_space<hbm>>) target(%arg9 : memref<2048xf32, #tpu.memory_space<vmem>>) target_semaphore(%run_scoped3A : memref<!tpu.dma_semaphore, #tpu.memory_space<semaphore_mem>>)
        %dma_wait3A_94 = arith.constant 0 : i32
        %dma_wait3A_95 = tpu.memref_slice %arg3[%select_n3A, %add3A_57, %dma_wait3A_94] : memref<8x64x2048xf32, #tpu.memory_space<hbm>> -> memref<1x1x2048xf32, #tpu.memory_space<hbm>>
        %dma_wait3A_96 = tpu.memref_squeeze %dma_wait3A_95 : memref<1x1x2048xf32, #tpu.memory_space<hbm>> -> memref<2048xf32, #tpu.memory_space<hbm>>
        %dma_wait3A_97 = arith.constant 0 : i32
        %dma_wait3A_98 = tpu.memref_slice %arg3[%select_n3A, %add3A_57, %dma_wait3A_97] : memref<8x64x2048xf32, #tpu.memory_space<hbm>> -> memref<1x1x2048xf32, #tpu.memory_space<hbm>>
        %dma_wait3A_99 = tpu.memref_squeeze %dma_wait3A_98 : memref<1x1x2048xf32, #tpu.memory_space<hbm>> -> memref<2048xf32, #tpu.memory_space<hbm>>
        tpu.wait_dma2 semaphore(%run_scoped3A : memref<!tpu.dma_semaphore, #tpu.memory_space<semaphore_mem>>) src(%dma_wait3A_99 : memref<2048xf32, #tpu.memory_space<hbm>>) dst(%arg9 : memref<2048xf32, #tpu.memory_space<vmem>>)
        tpu.yield
      }) : () -> ()
      %broadcast_in_dim3A = vector.broadcast %add3A_57 : i32 to vector<16xi32>
      %gather3A = tpu.vector_load_idx %arg12[%broadcast_in_dim3A] : memref<128xf32, #tpu.memory_space<vmem>>[vector<16xi32>], vector<16xf32>,
      %add3A_58 = arith.constant 64 : i32
      %add3A_59 = arith.addi %add3A_58, %add3A_57 : i32
      %broadcast_in_dim3A_60 = vector.broadcast %add3A_59 : i32 to vector<16xi32>
      %gather3A_61 = tpu.vector_load_idx %arg12[%broadcast_in_dim3A_60] : memref<128xf32, #tpu.memory_space<vmem>>[vector<16xi32>], vector<16xf32>,
      %parallel_loop3A = arith.constant 0 : i32
      %parallel_loop3A_62 = arith.constant 128 : i32
      %parallel_loop3A_63 = arith.constant 1 : i32
      scf.for %parallel_loop3A_88 = %parallel_loop3A to %parallel_loop3A_62 step %parallel_loop3A_63  : i32 {
        %parallel_loop3A_89 = arith.constant 16 : i32
        %parallel_loop3A_90 = arith.muli %parallel_loop3A_88, %parallel_loop3A_89 : i32
        %parallel_loop3A_91 = arith.index_cast %parallel_loop3A_90 : i32 to index
        %parallel_loop3A_92 = tpu.vector_load %arg8[%parallel_loop3A_91] {strides = array<i32>} : memref<2048xf32, #tpu.memory_space<vmem>>, vector<16xf32>,
        %parallel_loop3A_93 = arith.mulf %parallel_loop3A_92, %gather3A : vector<16xf32>
        %parallel_loop3A_94 = arith.index_cast %parallel_loop3A_90 : i32 to index
        %parallel_loop3A_95 = tpu.vector_load %arg8[%parallel_loop3A_94] {strides = array<i32>} : memref<2048xf32, #tpu.memory_space<vmem>>, vector<16xf32>,
        tpu.vector_store %arg8[%parallel_loop3A_94], %parallel_loop3A_93 {strides = array<i32>} : memref<2048xf32, #tpu.memory_space<vmem>>, vector<16xf32>,
        %parallel_loop3A_96 = arith.index_cast %parallel_loop3A_90 : i32 to index
        %parallel_loop3A_97 = tpu.vector_load %arg9[%parallel_loop3A_96] {strides = array<i32>} : memref<2048xf32, #tpu.memory_space<vmem>>, vector<16xf32>,
        %parallel_loop3A_98 = arith.mulf %parallel_loop3A_97, %gather3A : vector<16xf32>
        %parallel_loop3A_99 = arith.addf %parallel_loop3A_98, %gather3A_61 : vector<16xf32>
        %parallel_loop3A_100 = arith.index_cast %parallel_loop3A_90 : i32 to index
        %parallel_loop3A_101 = tpu.vector_load %arg9[%parallel_loop3A_100] {strides = array<i32>} : memref<2048xf32, #tpu.memory_space<vmem>>, vector<16xf32>,
        tpu.vector_store %arg9[%parallel_loop3A_100], %parallel_loop3A_99 {strides = array<i32>} : memref<2048xf32, #tpu.memory_space<vmem>>, vector<16xf32>,
      } {sc.loop_unroll_factor = 1 : i64, sc.parallel_access}
      %gt3A = arith.constant 0 : i32
      %gt3A_64 = arith.cmpi sgt, %scan3A_56, %gt3A : i32
      %convert_element_type3A = arith.extui %gt3A_64 : i1 to i32
      %cond3A = arith.constant 0 : i32
      %cond3A_65 = arith.cmpi ne, %convert_element_type3A, %cond3A : i32
      scf.if %cond3A_65 {
        %dma_wait3A_88 = arith.constant 0 : i32
        %dma_wait3A_89 = tpu.memref_slice %arg6[%select_n3A, %add3A_57, %dma_wait3A_88] : memref<8x64x40960xf32, #tpu.memory_space<hbm>> -> memref<1x1x20480xf32, #tpu.memory_space<hbm>>
        %dma_wait3A_90 = tpu.memref_squeeze %dma_wait3A_89 : memref<1x1x20480xf32, #tpu.memory_space<hbm>> -> memref<20480xf32, #tpu.memory_space<hbm>>
        %dma_wait3A_91 = arith.constant 0 : i32
        %dma_wait3A_92 = tpu.memref_slice %arg6[%select_n3A, %add3A_57, %dma_wait3A_91] : memref<8x64x40960xf32, #tpu.memory_space<hbm>> -> memref<1x1x20480xf32, #tpu.memory_space<hbm>>
        %dma_wait3A_93 = tpu.memref_squeeze %dma_wait3A_92 : memref<1x1x20480xf32, #tpu.memory_space<hbm>> -> memref<20480xf32, #tpu.memory_space<hbm>>
        tpu.wait_dma2 semaphore(%arg13 : memref<!tpu.dma_semaphore, #tpu.memory_space<semaphore_mem>>) src(%arg10 : memref<20480xf32, #tpu.memory_space<vmem>>) dst(%dma_wait3A_93 : memref<20480xf32, #tpu.memory_space<hbm>>)
      } else {
      }
      %parallel_loop3A_66 = arith.constant 0 : i32
      %parallel_loop3A_67 = arith.constant 64 : i32
      %parallel_loop3A_68 = arith.constant 1 : i32
      scf.for %parallel_loop3A_88 = %parallel_loop3A_66 to %parallel_loop3A_67 step %parallel_loop3A_68  : i32 {
        %parallel_loop3A_89 = arith.constant 16 : i32
        %parallel_loop3A_90 = arith.muli %parallel_loop3A_88, %parallel_loop3A_89 : i32
        %parallel_loop3A_91 = arith.constant 0 : i32
        %parallel_loop3A_92 = arith.addi %parallel_loop3A_91, %parallel_loop3A_90 : i32
        %parallel_loop3A_93 = arith.index_cast %parallel_loop3A_92 : i32 to index
        %parallel_loop3A_94 = tpu.vector_load %arg9[%parallel_loop3A_93] {strides = array<i32>} : memref<2048xf32, #tpu.memory_space<vmem>>, vector<16xf32>,
        %parallel_loop3A_95 = arith.constant 320 : i32
        %parallel_loop3A_96 = arith.muli %parallel_loop3A_88, %parallel_loop3A_95 : i32
        %parallel_loop3A_97 = arith.constant 0 : i32
        %parallel_loop3A_98 = arith.index_cast %parallel_loop3A_97 : i32 to index
        %parallel_loop3A_99 = arith.index_cast %parallel_loop3A_92 : i32 to index
        %parallel_loop3A_100 = tpu.vector_load %arg7[%parallel_loop3A_98, %parallel_loop3A_99] {strides = array<i32>} : memref<20x2048xi32, #tpu.memory_space<vmem>>, vector<16xi32>,
        %parallel_loop3A_101 = tpu.vector_load_idx %arg8[%parallel_loop3A_100] : memref<2048xf32, #tpu.memory_space<vmem>>[vector<16xi32>], vector<16xf32>,
        %parallel_loop3A_102 = arith.addf %parallel_loop3A_101, %parallel_loop3A_94 : vector<16xf32>
        %parallel_loop3A_103 = arith.constant 0.000000e+00 : f32
        %parallel_loop3A_104 = vector.broadcast %parallel_loop3A_103 : f32 to vector<16xf32>
        %parallel_loop3A_105 = arith.maximumf %parallel_loop3A_102, %parallel_loop3A_104 : vector<16xf32>
        %parallel_loop3A_106 = arith.constant 0 : i32
        %parallel_loop3A_107 = arith.addi %parallel_loop3A_96, %parallel_loop3A_106 : i32
        %parallel_loop3A_108 = vector.broadcast %parallel_loop3A_107 : i32 to vector<16xi32>
        %parallel_loop3A_109 = arith.addi %mul3A_35, %parallel_loop3A_108 : vector<16xi32>
        tpu.vector_store_idx %arg10[%parallel_loop3A_109], %parallel_loop3A_105 : memref<20480xf32, #tpu.memory_space<vmem>>[vector<16xi32>], vector<16xf32>,
        %parallel_loop3A_110 = arith.constant 1 : i32
        %parallel_loop3A_111 = arith.index_cast %parallel_loop3A_110 : i32 to index
        %parallel_loop3A_112 = arith.index_cast %parallel_loop3A_92 : i32 to index
        %parallel_loop3A_113 = tpu.vector_load %arg7[%parallel_loop3A_111, %parallel_loop3A_112] {strides = array<i32>} : memref<20x2048xi32, #tpu.memory_space<vmem>>, vector<16xi32>,
        %parallel_loop3A_114 = tpu.vector_load_idx %arg8[%parallel_loop3A_113] : memref<2048xf32, #tpu.memory_space<vmem>>[vector<16xi32>], vector<16xf32>,
        %parallel_loop3A_115 = arith.addf %parallel_loop3A_114, %parallel_loop3A_94 : vector<16xf32>
        %parallel_loop3A_116 = arith.constant 0.000000e+00 : f32
        %parallel_loop3A_117 = vector.broadcast %parallel_loop3A_116 : f32 to vector<16xf32>
        %parallel_loop3A_118 = arith.maximumf %parallel_loop3A_115, %parallel_loop3A_117 : vector<16xf32>
        %parallel_loop3A_119 = arith.constant 1 : i32
        %parallel_loop3A_120 = arith.addi %parallel_loop3A_96, %parallel_loop3A_119 : i32
        %parallel_loop3A_121 = vector.broadcast %parallel_loop3A_120 : i32 to vector<16xi32>
        %parallel_loop3A_122 = arith.addi %mul3A_35, %parallel_loop3A_121 : vector<16xi32>
        tpu.vector_store_idx %arg10[%parallel_loop3A_122], %parallel_loop3A_118 : memref<20480xf32, #tpu.memory_space<vmem>>[vector<16xi32>], vector<16xf32>,
        %parallel_loop3A_123 = arith.constant 2 : i32
        %parallel_loop3A_124 = arith.index_cast %parallel_loop3A_123 : i32 to index
        %parallel_loop3A_125 = arith.index_cast %parallel_loop3A_92 : i32 to index
        %parallel_loop3A_126 = tpu.vector_load %arg7[%parallel_loop3A_124, %parallel_loop3A_125] {strides = array<i32>} : memref<20x2048xi32, #tpu.memory_space<vmem>>, vector<16xi32>,
        %parallel_loop3A_127 = tpu.vector_load_idx %arg8[%parallel_loop3A_126] : memref<2048xf32, #tpu.memory_space<vmem>>[vector<16xi32>], vector<16xf32>,
        %parallel_loop3A_128 = arith.addf %parallel_loop3A_127, %parallel_loop3A_94 : vector<16xf32>
        %parallel_loop3A_129 = arith.constant 0.000000e+00 : f32
        %parallel_loop3A_130 = vector.broadcast %parallel_loop3A_129 : f32 to vector<16xf32>
        %parallel_loop3A_131 = arith.maximumf %parallel_loop3A_128, %parallel_loop3A_130 : vector<16xf32>
        %parallel_loop3A_132 = arith.constant 2 : i32
        %parallel_loop3A_133 = arith.addi %parallel_loop3A_96, %parallel_loop3A_132 : i32
        %parallel_loop3A_134 = vector.broadcast %parallel_loop3A_133 : i32 to vector<16xi32>
        %parallel_loop3A_135 = arith.addi %mul3A_35, %parallel_loop3A_134 : vector<16xi32>
        tpu.vector_store_idx %arg10[%parallel_loop3A_135], %parallel_loop3A_131 : memref<20480xf32, #tpu.memory_space<vmem>>[vector<16xi32>], vector<16xf32>,
        %parallel_loop3A_136 = arith.constant 3 : i32
        %parallel_loop3A_137 = arith.index_cast %parallel_loop3A_136 : i32 to index
        %parallel_loop3A_138 = arith.index_cast %parallel_loop3A_92 : i32 to index
        %parallel_loop3A_139 = tpu.vector_load %arg7[%parallel_loop3A_137, %parallel_loop3A_138] {strides = array<i32>} : memref<20x2048xi32, #tpu.memory_space<vmem>>, vector<16xi32>,
        %parallel_loop3A_140 = tpu.vector_load_idx %arg8[%parallel_loop3A_139] : memref<2048xf32, #tpu.memory_space<vmem>>[vector<16xi32>], vector<16xf32>,
        %parallel_loop3A_141 = arith.addf %parallel_loop3A_140, %parallel_loop3A_94 : vector<16xf32>
        %parallel_loop3A_142 = arith.constant 0.000000e+00 : f32
        %parallel_loop3A_143 = vector.broadcast %parallel_loop3A_142 : f32 to vector<16xf32>
        %parallel_loop3A_144 = arith.maximumf %parallel_loop3A_141, %parallel_loop3A_143 : vector<16xf32>
        %parallel_loop3A_145 = arith.constant 3 : i32
        %parallel_loop3A_146 = arith.addi %parallel_loop3A_96, %parallel_loop3A_145 : i32
        %parallel_loop3A_147 = vector.broadcast %parallel_loop3A_146 : i32 to vector<16xi32>
        %parallel_loop3A_148 = arith.addi %mul3A_35, %parallel_loop3A_147 : vector<16xi32>
        tpu.vector_store_idx %arg10[%parallel_loop3A_148], %parallel_loop3A_144 : memref<20480xf32, #tpu.memory_space<vmem>>[vector<16xi32>], vector<16xf32>,
        %parallel_loop3A_149 = arith.constant 4 : i32
        %parallel_loop3A_150 = arith.index_cast %parallel_loop3A_149 : i32 to index
        %parallel_loop3A_151 = arith.index_cast %parallel_loop3A_92 : i32 to index
        %parallel_loop3A_152 = tpu.vector_load %arg7[%parallel_loop3A_150, %parallel_loop3A_151] {strides = array<i32>} : memref<20x2048xi32, #tpu.memory_space<vmem>>, vector<16xi32>,
        %parallel_loop3A_153 = tpu.vector_load_idx %arg8[%parallel_loop3A_152] : memref<2048xf32, #tpu.memory_space<vmem>>[vector<16xi32>], vector<16xf32>,
        %parallel_loop3A_154 = arith.addf %parallel_loop3A_153, %parallel_loop3A_94 : vector<16xf32>
        %parallel_loop3A_155 = arith.constant 0.000000e+00 : f32
        %parallel_loop3A_156 = vector.broadcast %parallel_loop3A_155 : f32 to vector<16xf32>
        %parallel_loop3A_157 = arith.maximumf %parallel_loop3A_154, %parallel_loop3A_156 : vector<16xf32>
        %parallel_loop3A_158 = arith.constant 4 : i32
        %parallel_loop3A_159 = arith.addi %parallel_loop3A_96, %parallel_loop3A_158 : i32
        %parallel_loop3A_160 = vector.broadcast %parallel_loop3A_159 : i32 to vector<16xi32>
        %parallel_loop3A_161 = arith.addi %mul3A_35, %parallel_loop3A_160 : vector<16xi32>
        tpu.vector_store_idx %arg10[%parallel_loop3A_161], %parallel_loop3A_157 : memref<20480xf32, #tpu.memory_space<vmem>>[vector<16xi32>], vector<16xf32>,
        %parallel_loop3A_162 = arith.constant 5 : i32
        %parallel_loop3A_163 = arith.index_cast %parallel_loop3A_162 : i32 to index
        %parallel_loop3A_164 = arith.index_cast %parallel_loop3A_92 : i32 to index
        %parallel_loop3A_165 = tpu.vector_load %arg7[%parallel_loop3A_163, %parallel_loop3A_164] {strides = array<i32>} : memref<20x2048xi32, #tpu.memory_space<vmem>>, vector<16xi32>,
        %parallel_loop3A_166 = tpu.vector_load_idx %arg8[%parallel_loop3A_165] : memref<2048xf32, #tpu.memory_space<vmem>>[vector<16xi32>], vector<16xf32>,
        %parallel_loop3A_167 = arith.addf %parallel_loop3A_166, %parallel_loop3A_94 : vector<16xf32>
        %parallel_loop3A_168 = arith.constant 0.000000e+00 : f32
        %parallel_loop3A_169 = vector.broadcast %parallel_loop3A_168 : f32 to vector<16xf32>
        %parallel_loop3A_170 = arith.maximumf %parallel_loop3A_167, %parallel_loop3A_169 : vector<16xf32>
        %parallel_loop3A_171 = arith.constant 5 : i32
        %parallel_loop3A_172 = arith.addi %parallel_loop3A_96, %parallel_loop3A_171 : i32
        %parallel_loop3A_173 = vector.broadcast %parallel_loop3A_172 : i32 to vector<16xi32>
        %parallel_loop3A_174 = arith.addi %mul3A_35, %parallel_loop3A_173 : vector<16xi32>
        tpu.vector_store_idx %arg10[%parallel_loop3A_174], %parallel_loop3A_170 : memref<20480xf32, #tpu.memory_space<vmem>>[vector<16xi32>], vector<16xf32>,
        %parallel_loop3A_175 = arith.constant 6 : i32
        %parallel_loop3A_176 = arith.index_cast %parallel_loop3A_175 : i32 to index
        %parallel_loop3A_177 = arith.index_cast %parallel_loop3A_92 : i32 to index
        %parallel_loop3A_178 = tpu.vector_load %arg7[%parallel_loop3A_176, %parallel_loop3A_177] {strides = array<i32>} : memref<20x2048xi32, #tpu.memory_space<vmem>>, vector<16xi32>,
        %parallel_loop3A_179 = tpu.vector_load_idx %arg8[%parallel_loop3A_178] : memref<2048xf32, #tpu.memory_space<vmem>>[vector<16xi32>], vector<16xf32>,
        %parallel_loop3A_180 = arith.addf %parallel_loop3A_179, %parallel_loop3A_94 : vector<16xf32>
        %parallel_loop3A_181 = arith.constant 0.000000e+00 : f32
        %parallel_loop3A_182 = vector.broadcast %parallel_loop3A_181 : f32 to vector<16xf32>
        %parallel_loop3A_183 = arith.maximumf %parallel_loop3A_180, %parallel_loop3A_182 : vector<16xf32>
        %parallel_loop3A_184 = arith.constant 6 : i32
        %parallel_loop3A_185 = arith.addi %parallel_loop3A_96, %parallel_loop3A_184 : i32
        %parallel_loop3A_186 = vector.broadcast %parallel_loop3A_185 : i32 to vector<16xi32>
        %parallel_loop3A_187 = arith.addi %mul3A_35, %parallel_loop3A_186 : vector<16xi32>
        tpu.vector_store_idx %arg10[%parallel_loop3A_187], %parallel_loop3A_183 : memref<20480xf32, #tpu.memory_space<vmem>>[vector<16xi32>], vector<16xf32>,
        %parallel_loop3A_188 = arith.constant 7 : i32
        %parallel_loop3A_189 = arith.index_cast %parallel_loop3A_188 : i32 to index
        %parallel_loop3A_190 = arith.index_cast %parallel_loop3A_92 : i32 to index
        %parallel_loop3A_191 = tpu.vector_load %arg7[%parallel_loop3A_189, %parallel_loop3A_190] {strides = array<i32>} : memref<20x2048xi32, #tpu.memory_space<vmem>>, vector<16xi32>,
        %parallel_loop3A_192 = tpu.vector_load_idx %arg8[%parallel_loop3A_191] : memref<2048xf32, #tpu.memory_space<vmem>>[vector<16xi32>], vector<16xf32>,
        %parallel_loop3A_193 = arith.addf %parallel_loop3A_192, %parallel_loop3A_94 : vector<16xf32>
        %parallel_loop3A_194 = arith.constant 0.000000e+00 : f32
        %parallel_loop3A_195 = vector.broadcast %parallel_loop3A_194 : f32 to vector<16xf32>
        %parallel_loop3A_196 = arith.maximumf %parallel_loop3A_193, %parallel_loop3A_195 : vector<16xf32>
        %parallel_loop3A_197 = arith.constant 7 : i32
        %parallel_loop3A_198 = arith.addi %parallel_loop3A_96, %parallel_loop3A_197 : i32
        %parallel_loop3A_199 = vector.broadcast %parallel_loop3A_198 : i32 to vector<16xi32>
        %parallel_loop3A_200 = arith.addi %mul3A_35, %parallel_loop3A_199 : vector<16xi32>
        tpu.vector_store_idx %arg10[%parallel_loop3A_200], %parallel_loop3A_196 : memref<20480xf32, #tpu.memory_space<vmem>>[vector<16xi32>], vector<16xf32>,
        %parallel_loop3A_201 = arith.constant 8 : i32
        %parallel_loop3A_202 = arith.index_cast %parallel_loop3A_201 : i32 to index
        %parallel_loop3A_203 = arith.index_cast %parallel_loop3A_92 : i32 to index
        %parallel_loop3A_204 = tpu.vector_load %arg7[%parallel_loop3A_202, %parallel_loop3A_203] {strides = array<i32>} : memref<20x2048xi32, #tpu.memory_space<vmem>>, vector<16xi32>,
        %parallel_loop3A_205 = tpu.vector_load_idx %arg8[%parallel_loop3A_204] : memref<2048xf32, #tpu.memory_space<vmem>>[vector<16xi32>], vector<16xf32>,
        %parallel_loop3A_206 = arith.addf %parallel_loop3A_205, %parallel_loop3A_94 : vector<16xf32>
        %parallel_loop3A_207 = arith.constant 0.000000e+00 : f32
        %parallel_loop3A_208 = vector.broadcast %parallel_loop3A_207 : f32 to vector<16xf32>
        %parallel_loop3A_209 = arith.maximumf %parallel_loop3A_206, %parallel_loop3A_208 : vector<16xf32>
        %parallel_loop3A_210 = arith.constant 8 : i32
        %parallel_loop3A_211 = arith.addi %parallel_loop3A_96, %parallel_loop3A_210 : i32
        %parallel_loop3A_212 = vector.broadcast %parallel_loop3A_211 : i32 to vector<16xi32>
        %parallel_loop3A_213 = arith.addi %mul3A_35, %parallel_loop3A_212 : vector<16xi32>
        tpu.vector_store_idx %arg10[%parallel_loop3A_213], %parallel_loop3A_209 : memref<20480xf32, #tpu.memory_space<vmem>>[vector<16xi32>], vector<16xf32>,
        %parallel_loop3A_214 = arith.constant 9 : i32
        %parallel_loop3A_215 = arith.index_cast %parallel_loop3A_214 : i32 to index
        %parallel_loop3A_216 = arith.index_cast %parallel_loop3A_92 : i32 to index
        %parallel_loop3A_217 = tpu.vector_load %arg7[%parallel_loop3A_215, %parallel_loop3A_216] {strides = array<i32>} : memref<20x2048xi32, #tpu.memory_space<vmem>>, vector<16xi32>,
        %parallel_loop3A_218 = tpu.vector_load_idx %arg8[%parallel_loop3A_217] : memref<2048xf32, #tpu.memory_space<vmem>>[vector<16xi32>], vector<16xf32>,
        %parallel_loop3A_219 = arith.addf %parallel_loop3A_218, %parallel_loop3A_94 : vector<16xf32>
        %parallel_loop3A_220 = arith.constant 0.000000e+00 : f32
        %parallel_loop3A_221 = vector.broadcast %parallel_loop3A_220 : f32 to vector<16xf32>
        %parallel_loop3A_222 = arith.maximumf %parallel_loop3A_219, %parallel_loop3A_221 : vector<16xf32>
        %parallel_loop3A_223 = arith.constant 9 : i32
        %parallel_loop3A_224 = arith.addi %parallel_loop3A_96, %parallel_loop3A_223 : i32
        %parallel_loop3A_225 = vector.broadcast %parallel_loop3A_224 : i32 to vector<16xi32>
        %parallel_loop3A_226 = arith.addi %mul3A_35, %parallel_loop3A_225 : vector<16xi32>
        tpu.vector_store_idx %arg10[%parallel_loop3A_226], %parallel_loop3A_222 : memref<20480xf32, #tpu.memory_space<vmem>>[vector<16xi32>], vector<16xf32>,
        %parallel_loop3A_227 = arith.constant 10 : i32
        %parallel_loop3A_228 = arith.index_cast %parallel_loop3A_227 : i32 to index
        %parallel_loop3A_229 = arith.index_cast %parallel_loop3A_92 : i32 to index
        %parallel_loop3A_230 = tpu.vector_load %arg7[%parallel_loop3A_228, %parallel_loop3A_229] {strides = array<i32>} : memref<20x2048xi32, #tpu.memory_space<vmem>>, vector<16xi32>,
        %parallel_loop3A_231 = tpu.vector_load_idx %arg8[%parallel_loop3A_230] : memref<2048xf32, #tpu.memory_space<vmem>>[vector<16xi32>], vector<16xf32>,
        %parallel_loop3A_232 = arith.addf %parallel_loop3A_231, %parallel_loop3A_94 : vector<16xf32>
        %parallel_loop3A_233 = arith.constant 0.000000e+00 : f32
        %parallel_loop3A_234 = vector.broadcast %parallel_loop3A_233 : f32 to vector<16xf32>
        %parallel_loop3A_235 = arith.maximumf %parallel_loop3A_232, %parallel_loop3A_234 : vector<16xf32>
        %parallel_loop3A_236 = arith.constant 10 : i32
        %parallel_loop3A_237 = arith.addi %parallel_loop3A_96, %parallel_loop3A_236 : i32
        %parallel_loop3A_238 = vector.broadcast %parallel_loop3A_237 : i32 to vector<16xi32>
        %parallel_loop3A_239 = arith.addi %mul3A_35, %parallel_loop3A_238 : vector<16xi32>
        tpu.vector_store_idx %arg10[%parallel_loop3A_239], %parallel_loop3A_235 : memref<20480xf32, #tpu.memory_space<vmem>>[vector<16xi32>], vector<16xf32>,
        %parallel_loop3A_240 = arith.constant 11 : i32
        %parallel_loop3A_241 = arith.index_cast %parallel_loop3A_240 : i32 to index
        %parallel_loop3A_242 = arith.index_cast %parallel_loop3A_92 : i32 to index
        %parallel_loop3A_243 = tpu.vector_load %arg7[%parallel_loop3A_241, %parallel_loop3A_242] {strides = array<i32>} : memref<20x2048xi32, #tpu.memory_space<vmem>>, vector<16xi32>,
        %parallel_loop3A_244 = tpu.vector_load_idx %arg8[%parallel_loop3A_243] : memref<2048xf32, #tpu.memory_space<vmem>>[vector<16xi32>], vector<16xf32>,
        %parallel_loop3A_245 = arith.addf %parallel_loop3A_244, %parallel_loop3A_94 : vector<16xf32>
        %parallel_loop3A_246 = arith.constant 0.000000e+00 : f32
        %parallel_loop3A_247 = vector.broadcast %parallel_loop3A_246 : f32 to vector<16xf32>
        %parallel_loop3A_248 = arith.maximumf %parallel_loop3A_245, %parallel_loop3A_247 : vector<16xf32>
        %parallel_loop3A_249 = arith.constant 11 : i32
        %parallel_loop3A_250 = arith.addi %parallel_loop3A_96, %parallel_loop3A_249 : i32
        %parallel_loop3A_251 = vector.broadcast %parallel_loop3A_250 : i32 to vector<16xi32>
        %parallel_loop3A_252 = arith.addi %mul3A_35, %parallel_loop3A_251 : vector<16xi32>
        tpu.vector_store_idx %arg10[%parallel_loop3A_252], %parallel_loop3A_248 : memref<20480xf32, #tpu.memory_space<vmem>>[vector<16xi32>], vector<16xf32>,
        %parallel_loop3A_253 = arith.constant 12 : i32
        %parallel_loop3A_254 = arith.index_cast %parallel_loop3A_253 : i32 to index
        %parallel_loop3A_255 = arith.index_cast %parallel_loop3A_92 : i32 to index
        %parallel_loop3A_256 = tpu.vector_load %arg7[%parallel_loop3A_254, %parallel_loop3A_255] {strides = array<i32>} : memref<20x2048xi32, #tpu.memory_space<vmem>>, vector<16xi32>,
        %parallel_loop3A_257 = tpu.vector_load_idx %arg8[%parallel_loop3A_256] : memref<2048xf32, #tpu.memory_space<vmem>>[vector<16xi32>], vector<16xf32>,
        %parallel_loop3A_258 = arith.addf %parallel_loop3A_257, %parallel_loop3A_94 : vector<16xf32>
        %parallel_loop3A_259 = arith.constant 0.000000e+00 : f32
        %parallel_loop3A_260 = vector.broadcast %parallel_loop3A_259 : f32 to vector<16xf32>
        %parallel_loop3A_261 = arith.maximumf %parallel_loop3A_258, %parallel_loop3A_260 : vector<16xf32>
        %parallel_loop3A_262 = arith.constant 12 : i32
        %parallel_loop3A_263 = arith.addi %parallel_loop3A_96, %parallel_loop3A_262 : i32
        %parallel_loop3A_264 = vector.broadcast %parallel_loop3A_263 : i32 to vector<16xi32>
        %parallel_loop3A_265 = arith.addi %mul3A_35, %parallel_loop3A_264 : vector<16xi32>
        tpu.vector_store_idx %arg10[%parallel_loop3A_265], %parallel_loop3A_261 : memref<20480xf32, #tpu.memory_space<vmem>>[vector<16xi32>], vector<16xf32>,
        %parallel_loop3A_266 = arith.constant 13 : i32
        %parallel_loop3A_267 = arith.index_cast %parallel_loop3A_266 : i32 to index
        %parallel_loop3A_268 = arith.index_cast %parallel_loop3A_92 : i32 to index
        %parallel_loop3A_269 = tpu.vector_load %arg7[%parallel_loop3A_267, %parallel_loop3A_268] {strides = array<i32>} : memref<20x2048xi32, #tpu.memory_space<vmem>>, vector<16xi32>,
        %parallel_loop3A_270 = tpu.vector_load_idx %arg8[%parallel_loop3A_269] : memref<2048xf32, #tpu.memory_space<vmem>>[vector<16xi32>], vector<16xf32>,
        %parallel_loop3A_271 = arith.addf %parallel_loop3A_270, %parallel_loop3A_94 : vector<16xf32>
        %parallel_loop3A_272 = arith.constant 0.000000e+00 : f32
        %parallel_loop3A_273 = vector.broadcast %parallel_loop3A_272 : f32 to vector<16xf32>
        %parallel_loop3A_274 = arith.maximumf %parallel_loop3A_271, %parallel_loop3A_273 : vector<16xf32>
        %parallel_loop3A_275 = arith.constant 13 : i32
        %parallel_loop3A_276 = arith.addi %parallel_loop3A_96, %parallel_loop3A_275 : i32
        %parallel_loop3A_277 = vector.broadcast %parallel_loop3A_276 : i32 to vector<16xi32>
        %parallel_loop3A_278 = arith.addi %mul3A_35, %parallel_loop3A_277 : vector<16xi32>
        tpu.vector_store_idx %arg10[%parallel_loop3A_278], %parallel_loop3A_274 : memref<20480xf32, #tpu.memory_space<vmem>>[vector<16xi32>], vector<16xf32>,
        %parallel_loop3A_279 = arith.constant 14 : i32
        %parallel_loop3A_280 = arith.index_cast %parallel_loop3A_279 : i32 to index
        %parallel_loop3A_281 = arith.index_cast %parallel_loop3A_92 : i32 to index
        %parallel_loop3A_282 = tpu.vector_load %arg7[%parallel_loop3A_280, %parallel_loop3A_281] {strides = array<i32>} : memref<20x2048xi32, #tpu.memory_space<vmem>>, vector<16xi32>,
        %parallel_loop3A_283 = tpu.vector_load_idx %arg8[%parallel_loop3A_282] : memref<2048xf32, #tpu.memory_space<vmem>>[vector<16xi32>], vector<16xf32>,
        %parallel_loop3A_284 = arith.addf %parallel_loop3A_283, %parallel_loop3A_94 : vector<16xf32>
        %parallel_loop3A_285 = arith.constant 0.000000e+00 : f32
        %parallel_loop3A_286 = vector.broadcast %parallel_loop3A_285 : f32 to vector<16xf32>
        %parallel_loop3A_287 = arith.maximumf %parallel_loop3A_284, %parallel_loop3A_286 : vector<16xf32>
        %parallel_loop3A_288 = arith.constant 14 : i32
        %parallel_loop3A_289 = arith.addi %parallel_loop3A_96, %parallel_loop3A_288 : i32
        %parallel_loop3A_290 = vector.broadcast %parallel_loop3A_289 : i32 to vector<16xi32>
        %parallel_loop3A_291 = arith.addi %mul3A_35, %parallel_loop3A_290 : vector<16xi32>
        tpu.vector_store_idx %arg10[%parallel_loop3A_291], %parallel_loop3A_287 : memref<20480xf32, #tpu.memory_space<vmem>>[vector<16xi32>], vector<16xf32>,
        %parallel_loop3A_292 = arith.constant 15 : i32
        %parallel_loop3A_293 = arith.index_cast %parallel_loop3A_292 : i32 to index
        %parallel_loop3A_294 = arith.index_cast %parallel_loop3A_92 : i32 to index
        %parallel_loop3A_295 = tpu.vector_load %arg7[%parallel_loop3A_293, %parallel_loop3A_294] {strides = array<i32>} : memref<20x2048xi32, #tpu.memory_space<vmem>>, vector<16xi32>,
        %parallel_loop3A_296 = tpu.vector_load_idx %arg8[%parallel_loop3A_295] : memref<2048xf32, #tpu.memory_space<vmem>>[vector<16xi32>], vector<16xf32>,
        %parallel_loop3A_297 = arith.addf %parallel_loop3A_296, %parallel_loop3A_94 : vector<16xf32>
        %parallel_loop3A_298 = arith.constant 0.000000e+00 : f32
        %parallel_loop3A_299 = vector.broadcast %parallel_loop3A_298 : f32 to vector<16xf32>
        %parallel_loop3A_300 = arith.maximumf %parallel_loop3A_297, %parallel_loop3A_299 : vector<16xf32>
        %parallel_loop3A_301 = arith.constant 15 : i32
        %parallel_loop3A_302 = arith.addi %parallel_loop3A_96, %parallel_loop3A_301 : i32
        %parallel_loop3A_303 = vector.broadcast %parallel_loop3A_302 : i32 to vector<16xi32>
        %parallel_loop3A_304 = arith.addi %mul3A_35, %parallel_loop3A_303 : vector<16xi32>
        tpu.vector_store_idx %arg10[%parallel_loop3A_304], %parallel_loop3A_300 : memref<20480xf32, #tpu.memory_space<vmem>>[vector<16xi32>], vector<16xf32>,
        %parallel_loop3A_305 = arith.constant 16 : i32
        %parallel_loop3A_306 = arith.index_cast %parallel_loop3A_305 : i32 to index
        %parallel_loop3A_307 = arith.index_cast %parallel_loop3A_92 : i32 to index
        %parallel_loop3A_308 = tpu.vector_load %arg7[%parallel_loop3A_306, %parallel_loop3A_307] {strides = array<i32>} : memref<20x2048xi32, #tpu.memory_space<vmem>>, vector<16xi32>,
        %parallel_loop3A_309 = tpu.vector_load_idx %arg8[%parallel_loop3A_308] : memref<2048xf32, #tpu.memory_space<vmem>>[vector<16xi32>], vector<16xf32>,
        %parallel_loop3A_310 = arith.addf %parallel_loop3A_309, %parallel_loop3A_94 : vector<16xf32>
        %parallel_loop3A_311 = arith.constant 0.000000e+00 : f32
        %parallel_loop3A_312 = vector.broadcast %parallel_loop3A_311 : f32 to vector<16xf32>
        %parallel_loop3A_313 = arith.maximumf %parallel_loop3A_310, %parallel_loop3A_312 : vector<16xf32>
        %parallel_loop3A_314 = arith.constant 16 : i32
        %parallel_loop3A_315 = arith.addi %parallel_loop3A_96, %parallel_loop3A_314 : i32
        %parallel_loop3A_316 = vector.broadcast %parallel_loop3A_315 : i32 to vector<16xi32>
        %parallel_loop3A_317 = arith.addi %mul3A_35, %parallel_loop3A_316 : vector<16xi32>
        tpu.vector_store_idx %arg10[%parallel_loop3A_317], %parallel_loop3A_313 : memref<20480xf32, #tpu.memory_space<vmem>>[vector<16xi32>], vector<16xf32>,
        %parallel_loop3A_318 = arith.constant 17 : i32
        %parallel_loop3A_319 = arith.index_cast %parallel_loop3A_318 : i32 to index
        %parallel_loop3A_320 = arith.index_cast %parallel_loop3A_92 : i32 to index
        %parallel_loop3A_321 = tpu.vector_load %arg7[%parallel_loop3A_319, %parallel_loop3A_320] {strides = array<i32>} : memref<20x2048xi32, #tpu.memory_space<vmem>>, vector<16xi32>,
        %parallel_loop3A_322 = tpu.vector_load_idx %arg8[%parallel_loop3A_321] : memref<2048xf32, #tpu.memory_space<vmem>>[vector<16xi32>], vector<16xf32>,
        %parallel_loop3A_323 = arith.addf %parallel_loop3A_322, %parallel_loop3A_94 : vector<16xf32>
        %parallel_loop3A_324 = arith.constant 0.000000e+00 : f32
        %parallel_loop3A_325 = vector.broadcast %parallel_loop3A_324 : f32 to vector<16xf32>
        %parallel_loop3A_326 = arith.maximumf %parallel_loop3A_323, %parallel_loop3A_325 : vector<16xf32>
        %parallel_loop3A_327 = arith.constant 17 : i32
        %parallel_loop3A_328 = arith.addi %parallel_loop3A_96, %parallel_loop3A_327 : i32
        %parallel_loop3A_329 = vector.broadcast %parallel_loop3A_328 : i32 to vector<16xi32>
        %parallel_loop3A_330 = arith.addi %mul3A_35, %parallel_loop3A_329 : vector<16xi32>
        tpu.vector_store_idx %arg10[%parallel_loop3A_330], %parallel_loop3A_326 : memref<20480xf32, #tpu.memory_space<vmem>>[vector<16xi32>], vector<16xf32>,
        %parallel_loop3A_331 = arith.constant 18 : i32
        %parallel_loop3A_332 = arith.index_cast %parallel_loop3A_331 : i32 to index
        %parallel_loop3A_333 = arith.index_cast %parallel_loop3A_92 : i32 to index
        %parallel_loop3A_334 = tpu.vector_load %arg7[%parallel_loop3A_332, %parallel_loop3A_333] {strides = array<i32>} : memref<20x2048xi32, #tpu.memory_space<vmem>>, vector<16xi32>,
        %parallel_loop3A_335 = tpu.vector_load_idx %arg8[%parallel_loop3A_334] : memref<2048xf32, #tpu.memory_space<vmem>>[vector<16xi32>], vector<16xf32>,
        %parallel_loop3A_336 = arith.addf %parallel_loop3A_335, %parallel_loop3A_94 : vector<16xf32>
        %parallel_loop3A_337 = arith.constant 0.000000e+00 : f32
        %parallel_loop3A_338 = vector.broadcast %parallel_loop3A_337 : f32 to vector<16xf32>
        %parallel_loop3A_339 = arith.maximumf %parallel_loop3A_336, %parallel_loop3A_338 : vector<16xf32>
        %parallel_loop3A_340 = arith.constant 18 : i32
        %parallel_loop3A_341 = arith.addi %parallel_loop3A_96, %parallel_loop3A_340 : i32
        %parallel_loop3A_342 = vector.broadcast %parallel_loop3A_341 : i32 to vector<16xi32>
        %parallel_loop3A_343 = arith.addi %mul3A_35, %parallel_loop3A_342 : vector<16xi32>
        tpu.vector_store_idx %arg10[%parallel_loop3A_343], %parallel_loop3A_339 : memref<20480xf32, #tpu.memory_space<vmem>>[vector<16xi32>], vector<16xf32>,
        %parallel_loop3A_344 = arith.constant 19 : i32
        %parallel_loop3A_345 = arith.index_cast %parallel_loop3A_344 : i32 to index
        %parallel_loop3A_346 = arith.index_cast %parallel_loop3A_92 : i32 to index
        %parallel_loop3A_347 = tpu.vector_load %arg7[%parallel_loop3A_345, %parallel_loop3A_346] {strides = array<i32>} : memref<20x2048xi32, #tpu.memory_space<vmem>>, vector<16xi32>,
        %parallel_loop3A_348 = tpu.vector_load_idx %arg8[%parallel_loop3A_347] : memref<2048xf32, #tpu.memory_space<vmem>>[vector<16xi32>], vector<16xf32>,
        %parallel_loop3A_349 = arith.addf %parallel_loop3A_348, %parallel_loop3A_94 : vector<16xf32>
        %parallel_loop3A_350 = arith.constant 0.000000e+00 : f32
        %parallel_loop3A_351 = vector.broadcast %parallel_loop3A_350 : f32 to vector<16xf32>
        %parallel_loop3A_352 = arith.maximumf %parallel_loop3A_349, %parallel_loop3A_351 : vector<16xf32>
        %parallel_loop3A_353 = arith.constant 19 : i32
        %parallel_loop3A_354 = arith.addi %parallel_loop3A_96, %parallel_loop3A_353 : i32
        %parallel_loop3A_355 = vector.broadcast %parallel_loop3A_354 : i32 to vector<16xi32>
        %parallel_loop3A_356 = arith.addi %mul3A_35, %parallel_loop3A_355 : vector<16xi32>
        tpu.vector_store_idx %arg10[%parallel_loop3A_356], %parallel_loop3A_352 : memref<20480xf32, #tpu.memory_space<vmem>>[vector<16xi32>], vector<16xf32>,
      } {sc.loop_unroll_factor = 1 : i64, sc.parallel_access}
      %dma_start3A = arith.constant 0 : i32
      %dma_start3A_69 = tpu.memref_slice %arg6[%select_n3A, %add3A_57, %dma_start3A] : memref<8x64x40960xf32, #tpu.memory_space<hbm>> -> memref<1x1x20480xf32, #tpu.memory_space<hbm>>
      %dma_start3A_70 = tpu.memref_squeeze %dma_start3A_69 : memref<1x1x20480xf32, #tpu.memory_space<hbm>> -> memref<20480xf32, #tpu.memory_space<hbm>>
      %dma_start3A_71 = arith.constant 0 : i32
      %dma_start3A_72 = tpu.memref_slice %arg6[%select_n3A, %add3A_57, %dma_start3A_71] : memref<8x64x40960xf32, #tpu.memory_space<hbm>> -> memref<1x1x20480xf32, #tpu.memory_space<hbm>>
      %dma_start3A_73 = tpu.memref_squeeze %dma_start3A_72 : memref<1x1x20480xf32, #tpu.memory_space<hbm>> -> memref<20480xf32, #tpu.memory_space<hbm>>
      tpu.enqueue_dma source(%arg10 : memref<20480xf32, #tpu.memory_space<vmem>>) target(%dma_start3A_73 : memref<20480xf32, #tpu.memory_space<hbm>>) target_semaphore(%arg13 : memref<!tpu.dma_semaphore, #tpu.memory_space<semaphore_mem>>)
      %gt3A_74 = arith.constant 0 : i32
      %gt3A_75 = arith.cmpi sgt, %scan3A_56, %gt3A_74 : i32
      %convert_element_type3A_76 = arith.extui %gt3A_75 : i1 to i32
      %cond3A_77 = arith.constant 0 : i32
      %cond3A_78 = arith.cmpi ne, %convert_element_type3A_76, %cond3A_77 : i32
      scf.if %cond3A_78 {
        %dma_wait3A_88 = arith.constant 20480 : i32
        %dma_wait3A_89 = tpu.memref_slice %arg6[%select_n3A, %add3A_57, %dma_wait3A_88] : memref<8x64x40960xf32, #tpu.memory_space<hbm>> -> memref<1x1x20480xf32, #tpu.memory_space<hbm>>
        %dma_wait3A_90 = tpu.memref_squeeze %dma_wait3A_89 : memref<1x1x20480xf32, #tpu.memory_space<hbm>> -> memref<20480xf32, #tpu.memory_space<hbm>>
        %dma_wait3A_91 = arith.constant 20480 : i32
        %dma_wait3A_92 = tpu.memref_slice %arg6[%select_n3A, %add3A_57, %dma_wait3A_91] : memref<8x64x40960xf32, #tpu.memory_space<hbm>> -> memref<1x1x20480xf32, #tpu.memory_space<hbm>>
        %dma_wait3A_93 = tpu.memref_squeeze %dma_wait3A_92 : memref<1x1x20480xf32, #tpu.memory_space<hbm>> -> memref<20480xf32, #tpu.memory_space<hbm>>
        tpu.wait_dma2 semaphore(%arg14 : memref<!tpu.dma_semaphore, #tpu.memory_space<semaphore_mem>>) src(%arg11 : memref<20480xf32, #tpu.memory_space<vmem>>) dst(%dma_wait3A_93 : memref<20480xf32, #tpu.memory_space<hbm>>)
      } else {
      }
      %parallel_loop3A_79 = arith.constant 0 : i32
      %parallel_loop3A_80 = arith.constant 64 : i32
      %parallel_loop3A_81 = arith.constant 1 : i32
      scf.for %parallel_loop3A_88 = %parallel_loop3A_79 to %parallel_loop3A_80 step %parallel_loop3A_81  : i32 {
        %parallel_loop3A_89 = arith.constant 16 : i32
        %parallel_loop3A_90 = arith.muli %parallel_loop3A_88, %parallel_loop3A_89 : i32
        %parallel_loop3A_91 = arith.constant 1024 : i32
        %parallel_loop3A_92 = arith.addi %parallel_loop3A_91, %parallel_loop3A_90 : i32
        %parallel_loop3A_93 = arith.index_cast %parallel_loop3A_92 : i32 to index
        %parallel_loop3A_94 = tpu.vector_load %arg9[%parallel_loop3A_93] {strides = array<i32>} : memref<2048xf32, #tpu.memory_space<vmem>>, vector<16xf32>,
        %parallel_loop3A_95 = arith.constant 320 : i32
        %parallel_loop3A_96 = arith.muli %parallel_loop3A_88, %parallel_loop3A_95 : i32
        %parallel_loop3A_97 = arith.constant 0 : i32
        %parallel_loop3A_98 = arith.index_cast %parallel_loop3A_97 : i32 to index
        %parallel_loop3A_99 = arith.index_cast %parallel_loop3A_92 : i32 to index
        %parallel_loop3A_100 = tpu.vector_load %arg7[%parallel_loop3A_98, %parallel_loop3A_99] {strides = array<i32>} : memref<20x2048xi32, #tpu.memory_space<vmem>>, vector<16xi32>,
        %parallel_loop3A_101 = tpu.vector_load_idx %arg8[%parallel_loop3A_100] : memref<2048xf32, #tpu.memory_space<vmem>>[vector<16xi32>], vector<16xf32>,
        %parallel_loop3A_102 = arith.addf %parallel_loop3A_101, %parallel_loop3A_94 : vector<16xf32>
        %parallel_loop3A_103 = arith.constant 0.000000e+00 : f32
        %parallel_loop3A_104 = vector.broadcast %parallel_loop3A_103 : f32 to vector<16xf32>
        %parallel_loop3A_105 = arith.maximumf %parallel_loop3A_102, %parallel_loop3A_104 : vector<16xf32>
        %parallel_loop3A_106 = arith.constant 0 : i32
        %parallel_loop3A_107 = arith.addi %parallel_loop3A_96, %parallel_loop3A_106 : i32
        %parallel_loop3A_108 = vector.broadcast %parallel_loop3A_107 : i32 to vector<16xi32>
        %parallel_loop3A_109 = arith.addi %mul3A_35, %parallel_loop3A_108 : vector<16xi32>
        tpu.vector_store_idx %arg11[%parallel_loop3A_109], %parallel_loop3A_105 : memref<20480xf32, #tpu.memory_space<vmem>>[vector<16xi32>], vector<16xf32>,
        %parallel_loop3A_110 = arith.constant 1 : i32
        %parallel_loop3A_111 = arith.index_cast %parallel_loop3A_110 : i32 to index
        %parallel_loop3A_112 = arith.index_cast %parallel_loop3A_92 : i32 to index
        %parallel_loop3A_113 = tpu.vector_load %arg7[%parallel_loop3A_111, %parallel_loop3A_112] {strides = array<i32>} : memref<20x2048xi32, #tpu.memory_space<vmem>>, vector<16xi32>,
        %parallel_loop3A_114 = tpu.vector_load_idx %arg8[%parallel_loop3A_113] : memref<2048xf32, #tpu.memory_space<vmem>>[vector<16xi32>], vector<16xf32>,
        %parallel_loop3A_115 = arith.addf %parallel_loop3A_114, %parallel_loop3A_94 : vector<16xf32>
        %parallel_loop3A_116 = arith.constant 0.000000e+00 : f32
        %parallel_loop3A_117 = vector.broadcast %parallel_loop3A_116 : f32 to vector<16xf32>
        %parallel_loop3A_118 = arith.maximumf %parallel_loop3A_115, %parallel_loop3A_117 : vector<16xf32>
        %parallel_loop3A_119 = arith.constant 1 : i32
        %parallel_loop3A_120 = arith.addi %parallel_loop3A_96, %parallel_loop3A_119 : i32
        %parallel_loop3A_121 = vector.broadcast %parallel_loop3A_120 : i32 to vector<16xi32>
        %parallel_loop3A_122 = arith.addi %mul3A_35, %parallel_loop3A_121 : vector<16xi32>
        tpu.vector_store_idx %arg11[%parallel_loop3A_122], %parallel_loop3A_118 : memref<20480xf32, #tpu.memory_space<vmem>>[vector<16xi32>], vector<16xf32>,
        %parallel_loop3A_123 = arith.constant 2 : i32
        %parallel_loop3A_124 = arith.index_cast %parallel_loop3A_123 : i32 to index
        %parallel_loop3A_125 = arith.index_cast %parallel_loop3A_92 : i32 to index
        %parallel_loop3A_126 = tpu.vector_load %arg7[%parallel_loop3A_124, %parallel_loop3A_125] {strides = array<i32>} : memref<20x2048xi32, #tpu.memory_space<vmem>>, vector<16xi32>,
        %parallel_loop3A_127 = tpu.vector_load_idx %arg8[%parallel_loop3A_126] : memref<2048xf32, #tpu.memory_space<vmem>>[vector<16xi32>], vector<16xf32>,
        %parallel_loop3A_128 = arith.addf %parallel_loop3A_127, %parallel_loop3A_94 : vector<16xf32>
        %parallel_loop3A_129 = arith.constant 0.000000e+00 : f32
        %parallel_loop3A_130 = vector.broadcast %parallel_loop3A_129 : f32 to vector<16xf32>
        %parallel_loop3A_131 = arith.maximumf %parallel_loop3A_128, %parallel_loop3A_130 : vector<16xf32>
        %parallel_loop3A_132 = arith.constant 2 : i32
        %parallel_loop3A_133 = arith.addi %parallel_loop3A_96, %parallel_loop3A_132 : i32
        %parallel_loop3A_134 = vector.broadcast %parallel_loop3A_133 : i32 to vector<16xi32>
        %parallel_loop3A_135 = arith.addi %mul3A_35, %parallel_loop3A_134 : vector<16xi32>
        tpu.vector_store_idx %arg11[%parallel_loop3A_135], %parallel_loop3A_131 : memref<20480xf32, #tpu.memory_space<vmem>>[vector<16xi32>], vector<16xf32>,
        %parallel_loop3A_136 = arith.constant 3 : i32
        %parallel_loop3A_137 = arith.index_cast %parallel_loop3A_136 : i32 to index
        %parallel_loop3A_138 = arith.index_cast %parallel_loop3A_92 : i32 to index
        %parallel_loop3A_139 = tpu.vector_load %arg7[%parallel_loop3A_137, %parallel_loop3A_138] {strides = array<i32>} : memref<20x2048xi32, #tpu.memory_space<vmem>>, vector<16xi32>,
        %parallel_loop3A_140 = tpu.vector_load_idx %arg8[%parallel_loop3A_139] : memref<2048xf32, #tpu.memory_space<vmem>>[vector<16xi32>], vector<16xf32>,
        %parallel_loop3A_141 = arith.addf %parallel_loop3A_140, %parallel_loop3A_94 : vector<16xf32>
        %parallel_loop3A_142 = arith.constant 0.000000e+00 : f32
        %parallel_loop3A_143 = vector.broadcast %parallel_loop3A_142 : f32 to vector<16xf32>
        %parallel_loop3A_144 = arith.maximumf %parallel_loop3A_141, %parallel_loop3A_143 : vector<16xf32>
        %parallel_loop3A_145 = arith.constant 3 : i32
        %parallel_loop3A_146 = arith.addi %parallel_loop3A_96, %parallel_loop3A_145 : i32
        %parallel_loop3A_147 = vector.broadcast %parallel_loop3A_146 : i32 to vector<16xi32>
        %parallel_loop3A_148 = arith.addi %mul3A_35, %parallel_loop3A_147 : vector<16xi32>
        tpu.vector_store_idx %arg11[%parallel_loop3A_148], %parallel_loop3A_144 : memref<20480xf32, #tpu.memory_space<vmem>>[vector<16xi32>], vector<16xf32>,
        %parallel_loop3A_149 = arith.constant 4 : i32
        %parallel_loop3A_150 = arith.index_cast %parallel_loop3A_149 : i32 to index
        %parallel_loop3A_151 = arith.index_cast %parallel_loop3A_92 : i32 to index
        %parallel_loop3A_152 = tpu.vector_load %arg7[%parallel_loop3A_150, %parallel_loop3A_151] {strides = array<i32>} : memref<20x2048xi32, #tpu.memory_space<vmem>>, vector<16xi32>,
        %parallel_loop3A_153 = tpu.vector_load_idx %arg8[%parallel_loop3A_152] : memref<2048xf32, #tpu.memory_space<vmem>>[vector<16xi32>], vector<16xf32>,
        %parallel_loop3A_154 = arith.addf %parallel_loop3A_153, %parallel_loop3A_94 : vector<16xf32>
        %parallel_loop3A_155 = arith.constant 0.000000e+00 : f32
        %parallel_loop3A_156 = vector.broadcast %parallel_loop3A_155 : f32 to vector<16xf32>
        %parallel_loop3A_157 = arith.maximumf %parallel_loop3A_154, %parallel_loop3A_156 : vector<16xf32>
        %parallel_loop3A_158 = arith.constant 4 : i32
        %parallel_loop3A_159 = arith.addi %parallel_loop3A_96, %parallel_loop3A_158 : i32
        %parallel_loop3A_160 = vector.broadcast %parallel_loop3A_159 : i32 to vector<16xi32>
        %parallel_loop3A_161 = arith.addi %mul3A_35, %parallel_loop3A_160 : vector<16xi32>
        tpu.vector_store_idx %arg11[%parallel_loop3A_161], %parallel_loop3A_157 : memref<20480xf32, #tpu.memory_space<vmem>>[vector<16xi32>], vector<16xf32>,
        %parallel_loop3A_162 = arith.constant 5 : i32
        %parallel_loop3A_163 = arith.index_cast %parallel_loop3A_162 : i32 to index
        %parallel_loop3A_164 = arith.index_cast %parallel_loop3A_92 : i32 to index
        %parallel_loop3A_165 = tpu.vector_load %arg7[%parallel_loop3A_163, %parallel_loop3A_164] {strides = array<i32>} : memref<20x2048xi32, #tpu.memory_space<vmem>>, vector<16xi32>,
        %parallel_loop3A_166 = tpu.vector_load_idx %arg8[%parallel_loop3A_165] : memref<2048xf32, #tpu.memory_space<vmem>>[vector<16xi32>], vector<16xf32>,
        %parallel_loop3A_167 = arith.addf %parallel_loop3A_166, %parallel_loop3A_94 : vector<16xf32>
        %parallel_loop3A_168 = arith.constant 0.000000e+00 : f32
        %parallel_loop3A_169 = vector.broadcast %parallel_loop3A_168 : f32 to vector<16xf32>
        %parallel_loop3A_170 = arith.maximumf %parallel_loop3A_167, %parallel_loop3A_169 : vector<16xf32>
        %parallel_loop3A_171 = arith.constant 5 : i32
        %parallel_loop3A_172 = arith.addi %parallel_loop3A_96, %parallel_loop3A_171 : i32
        %parallel_loop3A_173 = vector.broadcast %parallel_loop3A_172 : i32 to vector<16xi32>
        %parallel_loop3A_174 = arith.addi %mul3A_35, %parallel_loop3A_173 : vector<16xi32>
        tpu.vector_store_idx %arg11[%parallel_loop3A_174], %parallel_loop3A_170 : memref<20480xf32, #tpu.memory_space<vmem>>[vector<16xi32>], vector<16xf32>,
        %parallel_loop3A_175 = arith.constant 6 : i32
        %parallel_loop3A_176 = arith.index_cast %parallel_loop3A_175 : i32 to index
        %parallel_loop3A_177 = arith.index_cast %parallel_loop3A_92 : i32 to index
        %parallel_loop3A_178 = tpu.vector_load %arg7[%parallel_loop3A_176, %parallel_loop3A_177] {strides = array<i32>} : memref<20x2048xi32, #tpu.memory_space<vmem>>, vector<16xi32>,
        %parallel_loop3A_179 = tpu.vector_load_idx %arg8[%parallel_loop3A_178] : memref<2048xf32, #tpu.memory_space<vmem>>[vector<16xi32>], vector<16xf32>,
        %parallel_loop3A_180 = arith.addf %parallel_loop3A_179, %parallel_loop3A_94 : vector<16xf32>
        %parallel_loop3A_181 = arith.constant 0.000000e+00 : f32
        %parallel_loop3A_182 = vector.broadcast %parallel_loop3A_181 : f32 to vector<16xf32>
        %parallel_loop3A_183 = arith.maximumf %parallel_loop3A_180, %parallel_loop3A_182 : vector<16xf32>
        %parallel_loop3A_184 = arith.constant 6 : i32
        %parallel_loop3A_185 = arith.addi %parallel_loop3A_96, %parallel_loop3A_184 : i32
        %parallel_loop3A_186 = vector.broadcast %parallel_loop3A_185 : i32 to vector<16xi32>
        %parallel_loop3A_187 = arith.addi %mul3A_35, %parallel_loop3A_186 : vector<16xi32>
        tpu.vector_store_idx %arg11[%parallel_loop3A_187], %parallel_loop3A_183 : memref<20480xf32, #tpu.memory_space<vmem>>[vector<16xi32>], vector<16xf32>,
        %parallel_loop3A_188 = arith.constant 7 : i32
        %parallel_loop3A_189 = arith.index_cast %parallel_loop3A_188 : i32 to index
        %parallel_loop3A_190 = arith.index_cast %parallel_loop3A_92 : i32 to index
        %parallel_loop3A_191 = tpu.vector_load %arg7[%parallel_loop3A_189, %parallel_loop3A_190] {strides = array<i32>} : memref<20x2048xi32, #tpu.memory_space<vmem>>, vector<16xi32>,
        %parallel_loop3A_192 = tpu.vector_load_idx %arg8[%parallel_loop3A_191] : memref<2048xf32, #tpu.memory_space<vmem>>[vector<16xi32>], vector<16xf32>,
        %parallel_loop3A_193 = arith.addf %parallel_loop3A_192, %parallel_loop3A_94 : vector<16xf32>
        %parallel_loop3A_194 = arith.constant 0.000000e+00 : f32
        %parallel_loop3A_195 = vector.broadcast %parallel_loop3A_194 : f32 to vector<16xf32>
        %parallel_loop3A_196 = arith.maximumf %parallel_loop3A_193, %parallel_loop3A_195 : vector<16xf32>
        %parallel_loop3A_197 = arith.constant 7 : i32
        %parallel_loop3A_198 = arith.addi %parallel_loop3A_96, %parallel_loop3A_197 : i32
        %parallel_loop3A_199 = vector.broadcast %parallel_loop3A_198 : i32 to vector<16xi32>
        %parallel_loop3A_200 = arith.addi %mul3A_35, %parallel_loop3A_199 : vector<16xi32>
        tpu.vector_store_idx %arg11[%parallel_loop3A_200], %parallel_loop3A_196 : memref<20480xf32, #tpu.memory_space<vmem>>[vector<16xi32>], vector<16xf32>,
        %parallel_loop3A_201 = arith.constant 8 : i32
        %parallel_loop3A_202 = arith.index_cast %parallel_loop3A_201 : i32 to index
        %parallel_loop3A_203 = arith.index_cast %parallel_loop3A_92 : i32 to index
        %parallel_loop3A_204 = tpu.vector_load %arg7[%parallel_loop3A_202, %parallel_loop3A_203] {strides = array<i32>} : memref<20x2048xi32, #tpu.memory_space<vmem>>, vector<16xi32>,
        %parallel_loop3A_205 = tpu.vector_load_idx %arg8[%parallel_loop3A_204] : memref<2048xf32, #tpu.memory_space<vmem>>[vector<16xi32>], vector<16xf32>,
        %parallel_loop3A_206 = arith.addf %parallel_loop3A_205, %parallel_loop3A_94 : vector<16xf32>
        %parallel_loop3A_207 = arith.constant 0.000000e+00 : f32
        %parallel_loop3A_208 = vector.broadcast %parallel_loop3A_207 : f32 to vector<16xf32>
        %parallel_loop3A_209 = arith.maximumf %parallel_loop3A_206, %parallel_loop3A_208 : vector<16xf32>
        %parallel_loop3A_210 = arith.constant 8 : i32
        %parallel_loop3A_211 = arith.addi %parallel_loop3A_96, %parallel_loop3A_210 : i32
        %parallel_loop3A_212 = vector.broadcast %parallel_loop3A_211 : i32 to vector<16xi32>
        %parallel_loop3A_213 = arith.addi %mul3A_35, %parallel_loop3A_212 : vector<16xi32>
        tpu.vector_store_idx %arg11[%parallel_loop3A_213], %parallel_loop3A_209 : memref<20480xf32, #tpu.memory_space<vmem>>[vector<16xi32>], vector<16xf32>,
        %parallel_loop3A_214 = arith.constant 9 : i32
        %parallel_loop3A_215 = arith.index_cast %parallel_loop3A_214 : i32 to index
        %parallel_loop3A_216 = arith.index_cast %parallel_loop3A_92 : i32 to index
        %parallel_loop3A_217 = tpu.vector_load %arg7[%parallel_loop3A_215, %parallel_loop3A_216] {strides = array<i32>} : memref<20x2048xi32, #tpu.memory_space<vmem>>, vector<16xi32>,
        %parallel_loop3A_218 = tpu.vector_load_idx %arg8[%parallel_loop3A_217] : memref<2048xf32, #tpu.memory_space<vmem>>[vector<16xi32>], vector<16xf32>,
        %parallel_loop3A_219 = arith.addf %parallel_loop3A_218, %parallel_loop3A_94 : vector<16xf32>
        %parallel_loop3A_220 = arith.constant 0.000000e+00 : f32
        %parallel_loop3A_221 = vector.broadcast %parallel_loop3A_220 : f32 to vector<16xf32>
        %parallel_loop3A_222 = arith.maximumf %parallel_loop3A_219, %parallel_loop3A_221 : vector<16xf32>
        %parallel_loop3A_223 = arith.constant 9 : i32
        %parallel_loop3A_224 = arith.addi %parallel_loop3A_96, %parallel_loop3A_223 : i32
        %parallel_loop3A_225 = vector.broadcast %parallel_loop3A_224 : i32 to vector<16xi32>
        %parallel_loop3A_226 = arith.addi %mul3A_35, %parallel_loop3A_225 : vector<16xi32>
        tpu.vector_store_idx %arg11[%parallel_loop3A_226], %parallel_loop3A_222 : memref<20480xf32, #tpu.memory_space<vmem>>[vector<16xi32>], vector<16xf32>,
        %parallel_loop3A_227 = arith.constant 10 : i32
        %parallel_loop3A_228 = arith.index_cast %parallel_loop3A_227 : i32 to index
        %parallel_loop3A_229 = arith.index_cast %parallel_loop3A_92 : i32 to index
        %parallel_loop3A_230 = tpu.vector_load %arg7[%parallel_loop3A_228, %parallel_loop3A_229] {strides = array<i32>} : memref<20x2048xi32, #tpu.memory_space<vmem>>, vector<16xi32>,
        %parallel_loop3A_231 = tpu.vector_load_idx %arg8[%parallel_loop3A_230] : memref<2048xf32, #tpu.memory_space<vmem>>[vector<16xi32>], vector<16xf32>,
        %parallel_loop3A_232 = arith.addf %parallel_loop3A_231, %parallel_loop3A_94 : vector<16xf32>
        %parallel_loop3A_233 = arith.constant 0.000000e+00 : f32
        %parallel_loop3A_234 = vector.broadcast %parallel_loop3A_233 : f32 to vector<16xf32>
        %parallel_loop3A_235 = arith.maximumf %parallel_loop3A_232, %parallel_loop3A_234 : vector<16xf32>
        %parallel_loop3A_236 = arith.constant 10 : i32
        %parallel_loop3A_237 = arith.addi %parallel_loop3A_96, %parallel_loop3A_236 : i32
        %parallel_loop3A_238 = vector.broadcast %parallel_loop3A_237 : i32 to vector<16xi32>
        %parallel_loop3A_239 = arith.addi %mul3A_35, %parallel_loop3A_238 : vector<16xi32>
        tpu.vector_store_idx %arg11[%parallel_loop3A_239], %parallel_loop3A_235 : memref<20480xf32, #tpu.memory_space<vmem>>[vector<16xi32>], vector<16xf32>,
        %parallel_loop3A_240 = arith.constant 11 : i32
        %parallel_loop3A_241 = arith.index_cast %parallel_loop3A_240 : i32 to index
        %parallel_loop3A_242 = arith.index_cast %parallel_loop3A_92 : i32 to index
        %parallel_loop3A_243 = tpu.vector_load %arg7[%parallel_loop3A_241, %parallel_loop3A_242] {strides = array<i32>} : memref<20x2048xi32, #tpu.memory_space<vmem>>, vector<16xi32>,
        %parallel_loop3A_244 = tpu.vector_load_idx %arg8[%parallel_loop3A_243] : memref<2048xf32, #tpu.memory_space<vmem>>[vector<16xi32>], vector<16xf32>,
        %parallel_loop3A_245 = arith.addf %parallel_loop3A_244, %parallel_loop3A_94 : vector<16xf32>
        %parallel_loop3A_246 = arith.constant 0.000000e+00 : f32
        %parallel_loop3A_247 = vector.broadcast %parallel_loop3A_246 : f32 to vector<16xf32>
        %parallel_loop3A_248 = arith.maximumf %parallel_loop3A_245, %parallel_loop3A_247 : vector<16xf32>
        %parallel_loop3A_249 = arith.constant 11 : i32
        %parallel_loop3A_250 = arith.addi %parallel_loop3A_96, %parallel_loop3A_249 : i32
        %parallel_loop3A_251 = vector.broadcast %parallel_loop3A_250 : i32 to vector<16xi32>
        %parallel_loop3A_252 = arith.addi %mul3A_35, %parallel_loop3A_251 : vector<16xi32>
        tpu.vector_store_idx %arg11[%parallel_loop3A_252], %parallel_loop3A_248 : memref<20480xf32, #tpu.memory_space<vmem>>[vector<16xi32>], vector<16xf32>,
        %parallel_loop3A_253 = arith.constant 12 : i32
        %parallel_loop3A_254 = arith.index_cast %parallel_loop3A_253 : i32 to index
        %parallel_loop3A_255 = arith.index_cast %parallel_loop3A_92 : i32 to index
        %parallel_loop3A_256 = tpu.vector_load %arg7[%parallel_loop3A_254, %parallel_loop3A_255] {strides = array<i32>} : memref<20x2048xi32, #tpu.memory_space<vmem>>, vector<16xi32>,
        %parallel_loop3A_257 = tpu.vector_load_idx %arg8[%parallel_loop3A_256] : memref<2048xf32, #tpu.memory_space<vmem>>[vector<16xi32>], vector<16xf32>,
        %parallel_loop3A_258 = arith.addf %parallel_loop3A_257, %parallel_loop3A_94 : vector<16xf32>
        %parallel_loop3A_259 = arith.constant 0.000000e+00 : f32
        %parallel_loop3A_260 = vector.broadcast %parallel_loop3A_259 : f32 to vector<16xf32>
        %parallel_loop3A_261 = arith.maximumf %parallel_loop3A_258, %parallel_loop3A_260 : vector<16xf32>
        %parallel_loop3A_262 = arith.constant 12 : i32
        %parallel_loop3A_263 = arith.addi %parallel_loop3A_96, %parallel_loop3A_262 : i32
        %parallel_loop3A_264 = vector.broadcast %parallel_loop3A_263 : i32 to vector<16xi32>
        %parallel_loop3A_265 = arith.addi %mul3A_35, %parallel_loop3A_264 : vector<16xi32>
        tpu.vector_store_idx %arg11[%parallel_loop3A_265], %parallel_loop3A_261 : memref<20480xf32, #tpu.memory_space<vmem>>[vector<16xi32>], vector<16xf32>,
        %parallel_loop3A_266 = arith.constant 13 : i32
        %parallel_loop3A_267 = arith.index_cast %parallel_loop3A_266 : i32 to index
        %parallel_loop3A_268 = arith.index_cast %parallel_loop3A_92 : i32 to index
        %parallel_loop3A_269 = tpu.vector_load %arg7[%parallel_loop3A_267, %parallel_loop3A_268] {strides = array<i32>} : memref<20x2048xi32, #tpu.memory_space<vmem>>, vector<16xi32>,
        %parallel_loop3A_270 = tpu.vector_load_idx %arg8[%parallel_loop3A_269] : memref<2048xf32, #tpu.memory_space<vmem>>[vector<16xi32>], vector<16xf32>,
        %parallel_loop3A_271 = arith.addf %parallel_loop3A_270, %parallel_loop3A_94 : vector<16xf32>
        %parallel_loop3A_272 = arith.constant 0.000000e+00 : f32
        %parallel_loop3A_273 = vector.broadcast %parallel_loop3A_272 : f32 to vector<16xf32>
        %parallel_loop3A_274 = arith.maximumf %parallel_loop3A_271, %parallel_loop3A_273 : vector<16xf32>
        %parallel_loop3A_275 = arith.constant 13 : i32
        %parallel_loop3A_276 = arith.addi %parallel_loop3A_96, %parallel_loop3A_275 : i32
        %parallel_loop3A_277 = vector.broadcast %parallel_loop3A_276 : i32 to vector<16xi32>
        %parallel_loop3A_278 = arith.addi %mul3A_35, %parallel_loop3A_277 : vector<16xi32>
        tpu.vector_store_idx %arg11[%parallel_loop3A_278], %parallel_loop3A_274 : memref<20480xf32, #tpu.memory_space<vmem>>[vector<16xi32>], vector<16xf32>,
        %parallel_loop3A_279 = arith.constant 14 : i32
        %parallel_loop3A_280 = arith.index_cast %parallel_loop3A_279 : i32 to index
        %parallel_loop3A_281 = arith.index_cast %parallel_loop3A_92 : i32 to index
        %parallel_loop3A_282 = tpu.vector_load %arg7[%parallel_loop3A_280, %parallel_loop3A_281] {strides = array<i32>} : memref<20x2048xi32, #tpu.memory_space<vmem>>, vector<16xi32>,
        %parallel_loop3A_283 = tpu.vector_load_idx %arg8[%parallel_loop3A_282] : memref<2048xf32, #tpu.memory_space<vmem>>[vector<16xi32>], vector<16xf32>,
        %parallel_loop3A_284 = arith.addf %parallel_loop3A_283, %parallel_loop3A_94 : vector<16xf32>
        %parallel_loop3A_285 = arith.constant 0.000000e+00 : f32
        %parallel_loop3A_286 = vector.broadcast %parallel_loop3A_285 : f32 to vector<16xf32>
        %parallel_loop3A_287 = arith.maximumf %parallel_loop3A_284, %parallel_loop3A_286 : vector<16xf32>
        %parallel_loop3A_288 = arith.constant 14 : i32
        %parallel_loop3A_289 = arith.addi %parallel_loop3A_96, %parallel_loop3A_288 : i32
        %parallel_loop3A_290 = vector.broadcast %parallel_loop3A_289 : i32 to vector<16xi32>
        %parallel_loop3A_291 = arith.addi %mul3A_35, %parallel_loop3A_290 : vector<16xi32>
        tpu.vector_store_idx %arg11[%parallel_loop3A_291], %parallel_loop3A_287 : memref<20480xf32, #tpu.memory_space<vmem>>[vector<16xi32>], vector<16xf32>,
        %parallel_loop3A_292 = arith.constant 15 : i32
        %parallel_loop3A_293 = arith.index_cast %parallel_loop3A_292 : i32 to index
        %parallel_loop3A_294 = arith.index_cast %parallel_loop3A_92 : i32 to index
        %parallel_loop3A_295 = tpu.vector_load %arg7[%parallel_loop3A_293, %parallel_loop3A_294] {strides = array<i32>} : memref<20x2048xi32, #tpu.memory_space<vmem>>, vector<16xi32>,
        %parallel_loop3A_296 = tpu.vector_load_idx %arg8[%parallel_loop3A_295] : memref<2048xf32, #tpu.memory_space<vmem>>[vector<16xi32>], vector<16xf32>,
        %parallel_loop3A_297 = arith.addf %parallel_loop3A_296, %parallel_loop3A_94 : vector<16xf32>
        %parallel_loop3A_298 = arith.constant 0.000000e+00 : f32
        %parallel_loop3A_299 = vector.broadcast %parallel_loop3A_298 : f32 to vector<16xf32>
        %parallel_loop3A_300 = arith.maximumf %parallel_loop3A_297, %parallel_loop3A_299 : vector<16xf32>
        %parallel_loop3A_301 = arith.constant 15 : i32
        %parallel_loop3A_302 = arith.addi %parallel_loop3A_96, %parallel_loop3A_301 : i32
        %parallel_loop3A_303 = vector.broadcast %parallel_loop3A_302 : i32 to vector<16xi32>
        %parallel_loop3A_304 = arith.addi %mul3A_35, %parallel_loop3A_303 : vector<16xi32>
        tpu.vector_store_idx %arg11[%parallel_loop3A_304], %parallel_loop3A_300 : memref<20480xf32, #tpu.memory_space<vmem>>[vector<16xi32>], vector<16xf32>,
        %parallel_loop3A_305 = arith.constant 16 : i32
        %parallel_loop3A_306 = arith.index_cast %parallel_loop3A_305 : i32 to index
        %parallel_loop3A_307 = arith.index_cast %parallel_loop3A_92 : i32 to index
        %parallel_loop3A_308 = tpu.vector_load %arg7[%parallel_loop3A_306, %parallel_loop3A_307] {strides = array<i32>} : memref<20x2048xi32, #tpu.memory_space<vmem>>, vector<16xi32>,
        %parallel_loop3A_309 = tpu.vector_load_idx %arg8[%parallel_loop3A_308] : memref<2048xf32, #tpu.memory_space<vmem>>[vector<16xi32>], vector<16xf32>,
        %parallel_loop3A_310 = arith.addf %parallel_loop3A_309, %parallel_loop3A_94 : vector<16xf32>
        %parallel_loop3A_311 = arith.constant 0.000000e+00 : f32
        %parallel_loop3A_312 = vector.broadcast %parallel_loop3A_311 : f32 to vector<16xf32>
        %parallel_loop3A_313 = arith.maximumf %parallel_loop3A_310, %parallel_loop3A_312 : vector<16xf32>
        %parallel_loop3A_314 = arith.constant 16 : i32
        %parallel_loop3A_315 = arith.addi %parallel_loop3A_96, %parallel_loop3A_314 : i32
        %parallel_loop3A_316 = vector.broadcast %parallel_loop3A_315 : i32 to vector<16xi32>
        %parallel_loop3A_317 = arith.addi %mul3A_35, %parallel_loop3A_316 : vector<16xi32>
        tpu.vector_store_idx %arg11[%parallel_loop3A_317], %parallel_loop3A_313 : memref<20480xf32, #tpu.memory_space<vmem>>[vector<16xi32>], vector<16xf32>,
        %parallel_loop3A_318 = arith.constant 17 : i32
        %parallel_loop3A_319 = arith.index_cast %parallel_loop3A_318 : i32 to index
        %parallel_loop3A_320 = arith.index_cast %parallel_loop3A_92 : i32 to index
        %parallel_loop3A_321 = tpu.vector_load %arg7[%parallel_loop3A_319, %parallel_loop3A_320] {strides = array<i32>} : memref<20x2048xi32, #tpu.memory_space<vmem>>, vector<16xi32>,
        %parallel_loop3A_322 = tpu.vector_load_idx %arg8[%parallel_loop3A_321] : memref<2048xf32, #tpu.memory_space<vmem>>[vector<16xi32>], vector<16xf32>,
        %parallel_loop3A_323 = arith.addf %parallel_loop3A_322, %parallel_loop3A_94 : vector<16xf32>
        %parallel_loop3A_324 = arith.constant 0.000000e+00 : f32
        %parallel_loop3A_325 = vector.broadcast %parallel_loop3A_324 : f32 to vector<16xf32>
        %parallel_loop3A_326 = arith.maximumf %parallel_loop3A_323, %parallel_loop3A_325 : vector<16xf32>
        %parallel_loop3A_327 = arith.constant 17 : i32
        %parallel_loop3A_328 = arith.addi %parallel_loop3A_96, %parallel_loop3A_327 : i32
        %parallel_loop3A_329 = vector.broadcast %parallel_loop3A_328 : i32 to vector<16xi32>
        %parallel_loop3A_330 = arith.addi %mul3A_35, %parallel_loop3A_329 : vector<16xi32>
        tpu.vector_store_idx %arg11[%parallel_loop3A_330], %parallel_loop3A_326 : memref<20480xf32, #tpu.memory_space<vmem>>[vector<16xi32>], vector<16xf32>,
        %parallel_loop3A_331 = arith.constant 18 : i32
        %parallel_loop3A_332 = arith.index_cast %parallel_loop3A_331 : i32 to index
        %parallel_loop3A_333 = arith.index_cast %parallel_loop3A_92 : i32 to index
        %parallel_loop3A_334 = tpu.vector_load %arg7[%parallel_loop3A_332, %parallel_loop3A_333] {strides = array<i32>} : memref<20x2048xi32, #tpu.memory_space<vmem>>, vector<16xi32>,
        %parallel_loop3A_335 = tpu.vector_load_idx %arg8[%parallel_loop3A_334] : memref<2048xf32, #tpu.memory_space<vmem>>[vector<16xi32>], vector<16xf32>,
        %parallel_loop3A_336 = arith.addf %parallel_loop3A_335, %parallel_loop3A_94 : vector<16xf32>
        %parallel_loop3A_337 = arith.constant 0.000000e+00 : f32
        %parallel_loop3A_338 = vector.broadcast %parallel_loop3A_337 : f32 to vector<16xf32>
        %parallel_loop3A_339 = arith.maximumf %parallel_loop3A_336, %parallel_loop3A_338 : vector<16xf32>
        %parallel_loop3A_340 = arith.constant 18 : i32
        %parallel_loop3A_341 = arith.addi %parallel_loop3A_96, %parallel_loop3A_340 : i32
        %parallel_loop3A_342 = vector.broadcast %parallel_loop3A_341 : i32 to vector<16xi32>
        %parallel_loop3A_343 = arith.addi %mul3A_35, %parallel_loop3A_342 : vector<16xi32>
        tpu.vector_store_idx %arg11[%parallel_loop3A_343], %parallel_loop3A_339 : memref<20480xf32, #tpu.memory_space<vmem>>[vector<16xi32>], vector<16xf32>,
        %parallel_loop3A_344 = arith.constant 19 : i32
        %parallel_loop3A_345 = arith.index_cast %parallel_loop3A_344 : i32 to index
        %parallel_loop3A_346 = arith.index_cast %parallel_loop3A_92 : i32 to index
        %parallel_loop3A_347 = tpu.vector_load %arg7[%parallel_loop3A_345, %parallel_loop3A_346] {strides = array<i32>} : memref<20x2048xi32, #tpu.memory_space<vmem>>, vector<16xi32>,
        %parallel_loop3A_348 = tpu.vector_load_idx %arg8[%parallel_loop3A_347] : memref<2048xf32, #tpu.memory_space<vmem>>[vector<16xi32>], vector<16xf32>,
        %parallel_loop3A_349 = arith.addf %parallel_loop3A_348, %parallel_loop3A_94 : vector<16xf32>
        %parallel_loop3A_350 = arith.constant 0.000000e+00 : f32
        %parallel_loop3A_351 = vector.broadcast %parallel_loop3A_350 : f32 to vector<16xf32>
        %parallel_loop3A_352 = arith.maximumf %parallel_loop3A_349, %parallel_loop3A_351 : vector<16xf32>
        %parallel_loop3A_353 = arith.constant 19 : i32
        %parallel_loop3A_354 = arith.addi %parallel_loop3A_96, %parallel_loop3A_353 : i32
        %parallel_loop3A_355 = vector.broadcast %parallel_loop3A_354 : i32 to vector<16xi32>
        %parallel_loop3A_356 = arith.addi %mul3A_35, %parallel_loop3A_355 : vector<16xi32>
        tpu.vector_store_idx %arg11[%parallel_loop3A_356], %parallel_loop3A_352 : memref<20480xf32, #tpu.memory_space<vmem>>[vector<16xi32>], vector<16xf32>,
      } {sc.loop_unroll_factor = 1 : i64, sc.parallel_access}
      %dma_start3A_82 = arith.constant 20480 : i32
      %dma_start3A_83 = tpu.memref_slice %arg6[%select_n3A, %add3A_57, %dma_start3A_82] : memref<8x64x40960xf32, #tpu.memory_space<hbm>> -> memref<1x1x20480xf32, #tpu.memory_space<hbm>>
      %dma_start3A_84 = tpu.memref_squeeze %dma_start3A_83 : memref<1x1x20480xf32, #tpu.memory_space<hbm>> -> memref<20480xf32, #tpu.memory_space<hbm>>
      %dma_start3A_85 = arith.constant 20480 : i32
      %dma_start3A_86 = tpu.memref_slice %arg6[%select_n3A, %add3A_57, %dma_start3A_85] : memref<8x64x40960xf32, #tpu.memory_space<hbm>> -> memref<1x1x20480xf32, #tpu.memory_space<hbm>>
      %dma_start3A_87 = tpu.memref_squeeze %dma_start3A_86 : memref<1x1x20480xf32, #tpu.memory_space<hbm>> -> memref<20480xf32, #tpu.memory_space<hbm>>
      tpu.enqueue_dma source(%arg11 : memref<20480xf32, #tpu.memory_space<vmem>>) target(%dma_start3A_87 : memref<20480xf32, #tpu.memory_space<hbm>>) target_semaphore(%arg14 : memref<!tpu.dma_semaphore, #tpu.memory_space<semaphore_mem>>)
    }
    %scan3A_40 = arith.constant 16 : i32
    %add3A_41 = arith.constant 16 : i32
    %add3A_42 = arith.addi %mul3A_32, %add3A_41 : i32
    %sub3A_43 = arith.constant 1 : i32
    %sub3A_44 = arith.subi %add3A_42, %sub3A_43 : i32
    %dma_wait3A = arith.constant 0 : i32
    %dma_wait3A_45 = tpu.memref_slice %arg6[%select_n3A, %sub3A_44, %dma_wait3A] : memref<8x64x40960xf32, #tpu.memory_space<hbm>> -> memref<1x1x20480xf32, #tpu.memory_space<hbm>>
    %dma_wait3A_46 = tpu.memref_squeeze %dma_wait3A_45 : memref<1x1x20480xf32, #tpu.memory_space<hbm>> -> memref<20480xf32, #tpu.memory_space<hbm>>
    %dma_wait3A_47 = arith.constant 0 : i32
    %dma_wait3A_48 = tpu.memref_slice %arg6[%select_n3A, %sub3A_44, %dma_wait3A_47] : memref<8x64x40960xf32, #tpu.memory_space<hbm>> -> memref<1x1x20480xf32, #tpu.memory_space<hbm>>
    %dma_wait3A_49 = tpu.memref_squeeze %dma_wait3A_48 : memref<1x1x20480xf32, #tpu.memory_space<hbm>> -> memref<20480xf32, #tpu.memory_space<hbm>>
    tpu.wait_dma2 semaphore(%arg13 : memref<!tpu.dma_semaphore, #tpu.memory_space<semaphore_mem>>) src(%arg10 : memref<20480xf32, #tpu.memory_space<vmem>>) dst(%dma_wait3A_49 : memref<20480xf32, #tpu.memory_space<hbm>>)
    %dma_wait3A_50 = arith.constant 20480 : i32
    %dma_wait3A_51 = tpu.memref_slice %arg6[%select_n3A, %sub3A_44, %dma_wait3A_50] : memref<8x64x40960xf32, #tpu.memory_space<hbm>> -> memref<1x1x20480xf32, #tpu.memory_space<hbm>>
    %dma_wait3A_52 = tpu.memref_squeeze %dma_wait3A_51 : memref<1x1x20480xf32, #tpu.memory_space<hbm>> -> memref<20480xf32, #tpu.memory_space<hbm>>
    %dma_wait3A_53 = arith.constant 20480 : i32
    %dma_wait3A_54 = tpu.memref_slice %arg6[%select_n3A, %sub3A_44, %dma_wait3A_53] : memref<8x64x40960xf32, #tpu.memory_space<hbm>> -> memref<1x1x20480xf32, #tpu.memory_space<hbm>>
    %dma_wait3A_55 = tpu.memref_squeeze %dma_wait3A_54 : memref<1x1x20480xf32, #tpu.memory_space<hbm>> -> memref<20480xf32, #tpu.memory_space<hbm>>
    tpu.wait_dma2 semaphore(%arg14 : memref<!tpu.dma_semaphore, #tpu.memory_space<semaphore_mem>>) src(%arg11 : memref<20480xf32, #tpu.memory_space<vmem>>) dst(%dma_wait3A_55 : memref<20480xf32, #tpu.memory_space<hbm>>)
    return
  }
}

module attributes {stable_mosaic.version = 14 : i64} {
  func.func @_tc_body(%arg0: i32, %arg1: i32, %arg2: memref<1x64x2048xf32, #tpu.memory_space<vmem>>, %arg3: memref<64x64xf32, #tpu.memory_space<vmem>>, %arg4: memref<64x64xf32, #tpu.memory_space<vmem>>, %arg5: memref<1x64xf32, #tpu.memory_space<vmem>>, %arg6: memref<1x64x2048xf32, #tpu.memory_space<vmem>>, %arg7: memref<1x64x2048xf32, #tpu.memory_space<vmem>>, %arg8: memref<1x20x512xi32, #tpu.memory_space<vmem>>) attributes {dimension_semantics = [#tpu.dimension_semantics<arbitrary>, #tpu.dimension_semantics<arbitrary>], iteration_bounds = array<i64: 8, 4>, scalar_prefetch = 0 : i64, scratch_operands = 0 : i64, tpu.core_type = #tpu.core_type<tc>, window_params = [{transform_indices = @transform_0, window_bounds = array<i64: 1, 64, 2048>}, {pipeline_mode = #tpu.pipeline_mode<synchronous>, transform_indices = @transform_1, window_bounds = array<i64: 64, 64>}, {pipeline_mode = #tpu.pipeline_mode<synchronous>, transform_indices = @transform_2, window_bounds = array<i64: 64, 64>}, {pipeline_mode = #tpu.pipeline_mode<synchronous>, transform_indices = @transform_3, window_bounds = array<i64: 1, 64>}, {transform_indices = @transform_4, window_bounds = array<i64: 1, 64, 2048>}, {transform_indices = @transform_5, window_bounds = array<i64: 1, 64, 2048>}, {transform_indices = @transform_6, window_bounds = array<i64: 1, 20, 512>}]} {
    %get3A = arith.constant 0 : index
    %get3A_0 = arith.constant 0 : index
    %get3A_1 = arith.constant 0 : index
    %get3A_2 = vector.load %arg2[%get3A, %get3A_0, %get3A_1] : memref<1x64x2048xf32, #tpu.memory_space<vmem>>, vector<1x64x2048xf32>
    %get3A_3 = vector.shape_cast %get3A_2 : vector<1x64x2048xf32> to vector<64x2048xf32>
    %eq3A = arith.constant 0 : i32
    %eq3A_4 = arith.cmpi eq, %arg1, %eq3A : i32
    %convert_element_type3A = arith.extui %eq3A_4 : i1 to i32
    %cond3A = arith.constant 0 : i32
    %cond3A_5 = arith.cmpi ne, %convert_element_type3A, %cond3A : i32
    scf.if %cond3A_5 {
      %get3A_277 = arith.constant 0 : index
      %get3A_278 = arith.constant 0 : index
      %get3A_279 = vector.load %arg3[%get3A_277, %get3A_278] : memref<64x64xf32, #tpu.memory_space<vmem>>, vector<64x64xf32>
      %dot_general3A_280 = arith.constant dense<0.000000e+00> : vector<64x2048xf32>
      %dot_general3A_281 = tpu.matmul %get3A_279, %get3A_3, %dot_general3A_280 {dimension_numbers = #tpu.dot_dimension_numbers<[1], [0], [0], [1], [0, 0, 1, 1], [], []>, transpose_lhs_hint = false} : vector<64x64xf32>, vector<64x2048xf32>, vector<64x2048xf32> -> vector<64x2048xf32>
      %swap3A_282 = arith.constant 0 : index
      %swap3A_283 = arith.constant 0 : index
      %swap3A_284 = arith.constant 0 : index
      %swap3A_285 = vector.load %arg6[%swap3A_282, %swap3A_283, %swap3A_284] : memref<1x64x2048xf32, #tpu.memory_space<vmem>>, vector<1x64x2048xf32>
      %swap3A_286 = vector.shape_cast %swap3A_285 : vector<1x64x2048xf32> to vector<64x2048xf32>
      %swap3A_287 = vector.shape_cast %dot_general3A_281 : vector<64x2048xf32> to vector<1x64x2048xf32>
      tpu.vector_store %arg6[%swap3A_282, %swap3A_283, %swap3A_284], %swap3A_287 {strides = array<i32>} : memref<1x64x2048xf32, #tpu.memory_space<vmem>>, vector<1x64x2048xf32>,
      %get3A_288 = arith.constant 0 : index
      %get3A_289 = arith.constant 0 : index
      %get3A_290 = vector.load %arg4[%get3A_288, %get3A_289] : memref<64x64xf32, #tpu.memory_space<vmem>>, vector<64x64xf32>
      %dot_general3A_291 = arith.constant dense<0.000000e+00> : vector<64x2048xf32>
      %dot_general3A_292 = tpu.matmul %get3A_290, %get3A_3, %dot_general3A_291 {dimension_numbers = #tpu.dot_dimension_numbers<[1], [0], [0], [1], [0, 0, 1, 1], [], []>, transpose_lhs_hint = false} : vector<64x64xf32>, vector<64x2048xf32>, vector<64x2048xf32> -> vector<64x2048xf32>
      %get3A_293 = arith.constant 0 : index
      %get3A_294 = arith.constant 0 : index
      %get3A_295 = vector.load %arg5[%get3A_293, %get3A_294] : memref<1x64xf32, #tpu.memory_space<vmem>>, vector<1x64xf32>
      %reshape3A = vector.shape_cast %get3A_295 : vector<1x64xf32> to vector<64x1xf32>
      %add3A = vector.broadcast %reshape3A : vector<64x1xf32> to vector<64x2048xf32>
      %add3A_296 = arith.addf %dot_general3A_292, %add3A : vector<64x2048xf32>
      %swap3A_297 = arith.constant 0 : index
      %swap3A_298 = arith.constant 0 : index
      %swap3A_299 = arith.constant 0 : index
      %swap3A_300 = vector.load %arg7[%swap3A_297, %swap3A_298, %swap3A_299] : memref<1x64x2048xf32, #tpu.memory_space<vmem>>, vector<1x64x2048xf32>
      %swap3A_301 = vector.shape_cast %swap3A_300 : vector<1x64x2048xf32> to vector<64x2048xf32>
      %swap3A_302 = vector.shape_cast %add3A_296 : vector<64x2048xf32> to vector<1x64x2048xf32>
      tpu.vector_store %arg7[%swap3A_297, %swap3A_298, %swap3A_299], %swap3A_302 {strides = array<i32>} : memref<1x64x2048xf32, #tpu.memory_space<vmem>>, vector<1x64x2048xf32>,
    } else {
    }
    %mul3A = arith.constant 512 : i32
    %mul3A_6 = arith.muli %arg1, %mul3A : i32
    %get3A_7 = arith.constant 0 : index
    %get3A_8 = arith.constant 0 : index
    %get3A_9 = arith.index_cast %mul3A_6 : i32 to index
    %get3A_10 = vector.load %arg2[%get3A_7, %get3A_8, %get3A_9] : memref<1x64x2048xf32, #tpu.memory_space<vmem>>, vector<1x64x512xf32>
    %get3A_11 = vector.shape_cast %get3A_10 : vector<1x64x512xf32> to vector<64x512xf32>
    %dot_general3A = arith.constant dense<0.000000e+00> : vector<512x2048xf32>
    %dot_general3A_12 = tpu.matmul %get3A_11, %get3A_3, %dot_general3A {dimension_numbers = #tpu.dot_dimension_numbers<[0], [0], [1], [1], [0, 1, 1, 1], [], []>, transpose_lhs_hint = false} : vector<64x512xf32>, vector<64x2048xf32>, vector<512x2048xf32> -> vector<512x2048xf32>
    %mul3A_13 = arith.mulf %get3A_3, %get3A_3 : vector<64x2048xf32>
    %reduce_sum3A = arith.constant dense<0.000000e+00> : vector<2048xf32>
    %reduce_sum3A_14 = vector.multi_reduction <add>, %mul3A_13, %reduce_sum3A [0] : vector<64x2048xf32> to vector<2048xf32>
    %mul3A_15 = arith.mulf %get3A_11, %get3A_11 : vector<64x512xf32>
    %reduce_sum3A_16 = arith.constant dense<0.000000e+00> : vector<512xf32>
    %reduce_sum3A_17 = vector.multi_reduction <add>, %mul3A_15, %reduce_sum3A_16 [0] : vector<64x512xf32> to vector<512xf32>
    %broadcast_in_dim3A = vector.shape_cast %reduce_sum3A_17 : vector<512xf32> to vector<512x1xf32>
    %neg3A = arith.constant 0.000000e+00 : f32
    %neg3A_18 = vector.broadcast %neg3A : f32 to vector<512x1xf32>
    %neg3A_19 = arith.subf %neg3A_18, %broadcast_in_dim3A : vector<512x1xf32>
    %mul3A_20 = arith.constant -2.000000e+00 : f32
    %mul3A_21 = vector.broadcast %mul3A_20 : f32 to vector<512x2048xf32>
    %mul3A_22 = arith.mulf %mul3A_21, %dot_general3A_12 : vector<512x2048xf32>
    %sub3A = vector.broadcast %neg3A_19 : vector<512x1xf32> to vector<512x2048xf32>
    %sub3A_23 = arith.subf %sub3A, %mul3A_22 : vector<512x2048xf32>
    %broadcast_in_dim3A_24 = vector.shape_cast %reduce_sum3A_14 : vector<2048xf32> to vector<1x2048xf32>
    %sub3A_25 = vector.broadcast %broadcast_in_dim3A_24 : vector<1x2048xf32> to vector<512x2048xf32>
    %sub3A_26 = arith.subf %sub3A_23, %sub3A_25 : vector<512x2048xf32>
    %iota3A = tpu.iota {dimensions = array<i32: 1>} : vector<512x2048xi32>
    %argmax3A = tpu.reduce_index %sub3A_26 {axis = 1 : i32, kind = #tpu.reduction_kind<arg_max>} : vector<512x2048xf32> -> vector<512xi32>
    %swap3A = arith.constant 0 : index
    %swap3A_27 = arith.constant 0 : index
    %swap3A_28 = arith.constant 0 : index
    %swap3A_29 = vector.load %arg8[%swap3A, %swap3A_27, %swap3A_28] : memref<1x20x512xi32, #tpu.memory_space<vmem>>, vector<1x1x512xi32>
    %swap3A_30 = vector.shape_cast %swap3A_29 : vector<1x1x512xi32> to vector<512xi32>
    %swap3A_31 = vector.shape_cast %argmax3A : vector<512xi32> to vector<1x1x512xi32>
    tpu.vector_store %arg8[%swap3A, %swap3A_27, %swap3A_28], %swap3A_31 {strides = array<i32>} : memref<1x20x512xi32, #tpu.memory_space<vmem>>, vector<1x1x512xi32>,
    %broadcast_in_dim3A_32 = vector.shape_cast %argmax3A : vector<512xi32> to vector<512x1xi32>
    %eq3A_33 = vector.broadcast %broadcast_in_dim3A_32 : vector<512x1xi32> to vector<512x2048xi32>
    %eq3A_34 = arith.cmpi eq, %iota3A, %eq3A_33 : vector<512x2048xi32>
    %jit3A = arith.constant 0xFF800000 : f32
    %broadcast_in_dim3A_35 = vector.broadcast %jit3A : f32 to vector<512x2048xf32>
    %select_n3A = arith.select %eq3A_34, %broadcast_in_dim3A_35, %sub3A_26 : vector<512x2048xi1>, vector<512x2048xf32>
    %argmax3A_36 = tpu.reduce_index %select_n3A {axis = 1 : i32, kind = #tpu.reduction_kind<arg_max>} : vector<512x2048xf32> -> vector<512xi32>
    %swap3A_37 = arith.constant 0 : index
    %swap3A_38 = arith.constant 1 : index
    %swap3A_39 = arith.constant 0 : index
    %swap3A_40 = vector.load %arg8[%swap3A_37, %swap3A_38, %swap3A_39] : memref<1x20x512xi32, #tpu.memory_space<vmem>>, vector<1x1x512xi32>
    %swap3A_41 = vector.shape_cast %swap3A_40 : vector<1x1x512xi32> to vector<512xi32>
    %swap3A_42 = vector.shape_cast %argmax3A_36 : vector<512xi32> to vector<1x1x512xi32>
    tpu.vector_store %arg8[%swap3A_37, %swap3A_38, %swap3A_39], %swap3A_42 {strides = array<i32>} : memref<1x20x512xi32, #tpu.memory_space<vmem>>, vector<1x1x512xi32>,
    %broadcast_in_dim3A_43 = vector.shape_cast %argmax3A_36 : vector<512xi32> to vector<512x1xi32>
    %eq3A_44 = vector.broadcast %broadcast_in_dim3A_43 : vector<512x1xi32> to vector<512x2048xi32>
    %eq3A_45 = arith.cmpi eq, %iota3A, %eq3A_44 : vector<512x2048xi32>
    %jit3A_46 = arith.constant 0xFF800000 : f32
    %broadcast_in_dim3A_47 = vector.broadcast %jit3A_46 : f32 to vector<512x2048xf32>
    %select_n3A_48 = arith.select %eq3A_45, %broadcast_in_dim3A_47, %select_n3A : vector<512x2048xi1>, vector<512x2048xf32>
    %argmax3A_49 = tpu.reduce_index %select_n3A_48 {axis = 1 : i32, kind = #tpu.reduction_kind<arg_max>} : vector<512x2048xf32> -> vector<512xi32>
    %swap3A_50 = arith.constant 0 : index
    %swap3A_51 = arith.constant 2 : index
    %swap3A_52 = arith.constant 0 : index
    %swap3A_53 = vector.load %arg8[%swap3A_50, %swap3A_51, %swap3A_52] : memref<1x20x512xi32, #tpu.memory_space<vmem>>, vector<1x1x512xi32>
    %swap3A_54 = vector.shape_cast %swap3A_53 : vector<1x1x512xi32> to vector<512xi32>
    %swap3A_55 = vector.shape_cast %argmax3A_49 : vector<512xi32> to vector<1x1x512xi32>
    tpu.vector_store %arg8[%swap3A_50, %swap3A_51, %swap3A_52], %swap3A_55 {strides = array<i32>} : memref<1x20x512xi32, #tpu.memory_space<vmem>>, vector<1x1x512xi32>,
    %broadcast_in_dim3A_56 = vector.shape_cast %argmax3A_49 : vector<512xi32> to vector<512x1xi32>
    %eq3A_57 = vector.broadcast %broadcast_in_dim3A_56 : vector<512x1xi32> to vector<512x2048xi32>
    %eq3A_58 = arith.cmpi eq, %iota3A, %eq3A_57 : vector<512x2048xi32>
    %jit3A_59 = arith.constant 0xFF800000 : f32
    %broadcast_in_dim3A_60 = vector.broadcast %jit3A_59 : f32 to vector<512x2048xf32>
    %select_n3A_61 = arith.select %eq3A_58, %broadcast_in_dim3A_60, %select_n3A_48 : vector<512x2048xi1>, vector<512x2048xf32>
    %argmax3A_62 = tpu.reduce_index %select_n3A_61 {axis = 1 : i32, kind = #tpu.reduction_kind<arg_max>} : vector<512x2048xf32> -> vector<512xi32>
    %swap3A_63 = arith.constant 0 : index
    %swap3A_64 = arith.constant 3 : index
    %swap3A_65 = arith.constant 0 : index
    %swap3A_66 = vector.load %arg8[%swap3A_63, %swap3A_64, %swap3A_65] : memref<1x20x512xi32, #tpu.memory_space<vmem>>, vector<1x1x512xi32>
    %swap3A_67 = vector.shape_cast %swap3A_66 : vector<1x1x512xi32> to vector<512xi32>
    %swap3A_68 = vector.shape_cast %argmax3A_62 : vector<512xi32> to vector<1x1x512xi32>
    tpu.vector_store %arg8[%swap3A_63, %swap3A_64, %swap3A_65], %swap3A_68 {strides = array<i32>} : memref<1x20x512xi32, #tpu.memory_space<vmem>>, vector<1x1x512xi32>,
    %broadcast_in_dim3A_69 = vector.shape_cast %argmax3A_62 : vector<512xi32> to vector<512x1xi32>
    %eq3A_70 = vector.broadcast %broadcast_in_dim3A_69 : vector<512x1xi32> to vector<512x2048xi32>
    %eq3A_71 = arith.cmpi eq, %iota3A, %eq3A_70 : vector<512x2048xi32>
    %jit3A_72 = arith.constant 0xFF800000 : f32
    %broadcast_in_dim3A_73 = vector.broadcast %jit3A_72 : f32 to vector<512x2048xf32>
    %select_n3A_74 = arith.select %eq3A_71, %broadcast_in_dim3A_73, %select_n3A_61 : vector<512x2048xi1>, vector<512x2048xf32>
    %argmax3A_75 = tpu.reduce_index %select_n3A_74 {axis = 1 : i32, kind = #tpu.reduction_kind<arg_max>} : vector<512x2048xf32> -> vector<512xi32>
    %swap3A_76 = arith.constant 0 : index
    %swap3A_77 = arith.constant 4 : index
    %swap3A_78 = arith.constant 0 : index
    %swap3A_79 = vector.load %arg8[%swap3A_76, %swap3A_77, %swap3A_78] : memref<1x20x512xi32, #tpu.memory_space<vmem>>, vector<1x1x512xi32>
    %swap3A_80 = vector.shape_cast %swap3A_79 : vector<1x1x512xi32> to vector<512xi32>
    %swap3A_81 = vector.shape_cast %argmax3A_75 : vector<512xi32> to vector<1x1x512xi32>
    tpu.vector_store %arg8[%swap3A_76, %swap3A_77, %swap3A_78], %swap3A_81 {strides = array<i32>} : memref<1x20x512xi32, #tpu.memory_space<vmem>>, vector<1x1x512xi32>,
    %broadcast_in_dim3A_82 = vector.shape_cast %argmax3A_75 : vector<512xi32> to vector<512x1xi32>
    %eq3A_83 = vector.broadcast %broadcast_in_dim3A_82 : vector<512x1xi32> to vector<512x2048xi32>
    %eq3A_84 = arith.cmpi eq, %iota3A, %eq3A_83 : vector<512x2048xi32>
    %jit3A_85 = arith.constant 0xFF800000 : f32
    %broadcast_in_dim3A_86 = vector.broadcast %jit3A_85 : f32 to vector<512x2048xf32>
    %select_n3A_87 = arith.select %eq3A_84, %broadcast_in_dim3A_86, %select_n3A_74 : vector<512x2048xi1>, vector<512x2048xf32>
    %argmax3A_88 = tpu.reduce_index %select_n3A_87 {axis = 1 : i32, kind = #tpu.reduction_kind<arg_max>} : vector<512x2048xf32> -> vector<512xi32>
    %swap3A_89 = arith.constant 0 : index
    %swap3A_90 = arith.constant 5 : index
    %swap3A_91 = arith.constant 0 : index
    %swap3A_92 = vector.load %arg8[%swap3A_89, %swap3A_90, %swap3A_91] : memref<1x20x512xi32, #tpu.memory_space<vmem>>, vector<1x1x512xi32>
    %swap3A_93 = vector.shape_cast %swap3A_92 : vector<1x1x512xi32> to vector<512xi32>
    %swap3A_94 = vector.shape_cast %argmax3A_88 : vector<512xi32> to vector<1x1x512xi32>
    tpu.vector_store %arg8[%swap3A_89, %swap3A_90, %swap3A_91], %swap3A_94 {strides = array<i32>} : memref<1x20x512xi32, #tpu.memory_space<vmem>>, vector<1x1x512xi32>,
    %broadcast_in_dim3A_95 = vector.shape_cast %argmax3A_88 : vector<512xi32> to vector<512x1xi32>
    %eq3A_96 = vector.broadcast %broadcast_in_dim3A_95 : vector<512x1xi32> to vector<512x2048xi32>
    %eq3A_97 = arith.cmpi eq, %iota3A, %eq3A_96 : vector<512x2048xi32>
    %jit3A_98 = arith.constant 0xFF800000 : f32
    %broadcast_in_dim3A_99 = vector.broadcast %jit3A_98 : f32 to vector<512x2048xf32>
    %select_n3A_100 = arith.select %eq3A_97, %broadcast_in_dim3A_99, %select_n3A_87 : vector<512x2048xi1>, vector<512x2048xf32>
    %argmax3A_101 = tpu.reduce_index %select_n3A_100 {axis = 1 : i32, kind = #tpu.reduction_kind<arg_max>} : vector<512x2048xf32> -> vector<512xi32>
    %swap3A_102 = arith.constant 0 : index
    %swap3A_103 = arith.constant 6 : index
    %swap3A_104 = arith.constant 0 : index
    %swap3A_105 = vector.load %arg8[%swap3A_102, %swap3A_103, %swap3A_104] : memref<1x20x512xi32, #tpu.memory_space<vmem>>, vector<1x1x512xi32>
    %swap3A_106 = vector.shape_cast %swap3A_105 : vector<1x1x512xi32> to vector<512xi32>
    %swap3A_107 = vector.shape_cast %argmax3A_101 : vector<512xi32> to vector<1x1x512xi32>
    tpu.vector_store %arg8[%swap3A_102, %swap3A_103, %swap3A_104], %swap3A_107 {strides = array<i32>} : memref<1x20x512xi32, #tpu.memory_space<vmem>>, vector<1x1x512xi32>,
    %broadcast_in_dim3A_108 = vector.shape_cast %argmax3A_101 : vector<512xi32> to vector<512x1xi32>
    %eq3A_109 = vector.broadcast %broadcast_in_dim3A_108 : vector<512x1xi32> to vector<512x2048xi32>
    %eq3A_110 = arith.cmpi eq, %iota3A, %eq3A_109 : vector<512x2048xi32>
    %jit3A_111 = arith.constant 0xFF800000 : f32
    %broadcast_in_dim3A_112 = vector.broadcast %jit3A_111 : f32 to vector<512x2048xf32>
    %select_n3A_113 = arith.select %eq3A_110, %broadcast_in_dim3A_112, %select_n3A_100 : vector<512x2048xi1>, vector<512x2048xf32>
    %argmax3A_114 = tpu.reduce_index %select_n3A_113 {axis = 1 : i32, kind = #tpu.reduction_kind<arg_max>} : vector<512x2048xf32> -> vector<512xi32>
    %swap3A_115 = arith.constant 0 : index
    %swap3A_116 = arith.constant 7 : index
    %swap3A_117 = arith.constant 0 : index
    %swap3A_118 = vector.load %arg8[%swap3A_115, %swap3A_116, %swap3A_117] : memref<1x20x512xi32, #tpu.memory_space<vmem>>, vector<1x1x512xi32>
    %swap3A_119 = vector.shape_cast %swap3A_118 : vector<1x1x512xi32> to vector<512xi32>
    %swap3A_120 = vector.shape_cast %argmax3A_114 : vector<512xi32> to vector<1x1x512xi32>
    tpu.vector_store %arg8[%swap3A_115, %swap3A_116, %swap3A_117], %swap3A_120 {strides = array<i32>} : memref<1x20x512xi32, #tpu.memory_space<vmem>>, vector<1x1x512xi32>,
    %broadcast_in_dim3A_121 = vector.shape_cast %argmax3A_114 : vector<512xi32> to vector<512x1xi32>
    %eq3A_122 = vector.broadcast %broadcast_in_dim3A_121 : vector<512x1xi32> to vector<512x2048xi32>
    %eq3A_123 = arith.cmpi eq, %iota3A, %eq3A_122 : vector<512x2048xi32>
    %jit3A_124 = arith.constant 0xFF800000 : f32
    %broadcast_in_dim3A_125 = vector.broadcast %jit3A_124 : f32 to vector<512x2048xf32>
    %select_n3A_126 = arith.select %eq3A_123, %broadcast_in_dim3A_125, %select_n3A_113 : vector<512x2048xi1>, vector<512x2048xf32>
    %argmax3A_127 = tpu.reduce_index %select_n3A_126 {axis = 1 : i32, kind = #tpu.reduction_kind<arg_max>} : vector<512x2048xf32> -> vector<512xi32>
    %swap3A_128 = arith.constant 0 : index
    %swap3A_129 = arith.constant 8 : index
    %swap3A_130 = arith.constant 0 : index
    %swap3A_131 = vector.load %arg8[%swap3A_128, %swap3A_129, %swap3A_130] : memref<1x20x512xi32, #tpu.memory_space<vmem>>, vector<1x1x512xi32>
    %swap3A_132 = vector.shape_cast %swap3A_131 : vector<1x1x512xi32> to vector<512xi32>
    %swap3A_133 = vector.shape_cast %argmax3A_127 : vector<512xi32> to vector<1x1x512xi32>
    tpu.vector_store %arg8[%swap3A_128, %swap3A_129, %swap3A_130], %swap3A_133 {strides = array<i32>} : memref<1x20x512xi32, #tpu.memory_space<vmem>>, vector<1x1x512xi32>,
    %broadcast_in_dim3A_134 = vector.shape_cast %argmax3A_127 : vector<512xi32> to vector<512x1xi32>
    %eq3A_135 = vector.broadcast %broadcast_in_dim3A_134 : vector<512x1xi32> to vector<512x2048xi32>
    %eq3A_136 = arith.cmpi eq, %iota3A, %eq3A_135 : vector<512x2048xi32>
    %jit3A_137 = arith.constant 0xFF800000 : f32
    %broadcast_in_dim3A_138 = vector.broadcast %jit3A_137 : f32 to vector<512x2048xf32>
    %select_n3A_139 = arith.select %eq3A_136, %broadcast_in_dim3A_138, %select_n3A_126 : vector<512x2048xi1>, vector<512x2048xf32>
    %argmax3A_140 = tpu.reduce_index %select_n3A_139 {axis = 1 : i32, kind = #tpu.reduction_kind<arg_max>} : vector<512x2048xf32> -> vector<512xi32>
    %swap3A_141 = arith.constant 0 : index
    %swap3A_142 = arith.constant 9 : index
    %swap3A_143 = arith.constant 0 : index
    %swap3A_144 = vector.load %arg8[%swap3A_141, %swap3A_142, %swap3A_143] : memref<1x20x512xi32, #tpu.memory_space<vmem>>, vector<1x1x512xi32>
    %swap3A_145 = vector.shape_cast %swap3A_144 : vector<1x1x512xi32> to vector<512xi32>
    %swap3A_146 = vector.shape_cast %argmax3A_140 : vector<512xi32> to vector<1x1x512xi32>
    tpu.vector_store %arg8[%swap3A_141, %swap3A_142, %swap3A_143], %swap3A_146 {strides = array<i32>} : memref<1x20x512xi32, #tpu.memory_space<vmem>>, vector<1x1x512xi32>,
    %broadcast_in_dim3A_147 = vector.shape_cast %argmax3A_140 : vector<512xi32> to vector<512x1xi32>
    %eq3A_148 = vector.broadcast %broadcast_in_dim3A_147 : vector<512x1xi32> to vector<512x2048xi32>
    %eq3A_149 = arith.cmpi eq, %iota3A, %eq3A_148 : vector<512x2048xi32>
    %jit3A_150 = arith.constant 0xFF800000 : f32
    %broadcast_in_dim3A_151 = vector.broadcast %jit3A_150 : f32 to vector<512x2048xf32>
    %select_n3A_152 = arith.select %eq3A_149, %broadcast_in_dim3A_151, %select_n3A_139 : vector<512x2048xi1>, vector<512x2048xf32>
    %argmax3A_153 = tpu.reduce_index %select_n3A_152 {axis = 1 : i32, kind = #tpu.reduction_kind<arg_max>} : vector<512x2048xf32> -> vector<512xi32>
    %swap3A_154 = arith.constant 0 : index
    %swap3A_155 = arith.constant 10 : index
    %swap3A_156 = arith.constant 0 : index
    %swap3A_157 = vector.load %arg8[%swap3A_154, %swap3A_155, %swap3A_156] : memref<1x20x512xi32, #tpu.memory_space<vmem>>, vector<1x1x512xi32>
    %swap3A_158 = vector.shape_cast %swap3A_157 : vector<1x1x512xi32> to vector<512xi32>
    %swap3A_159 = vector.shape_cast %argmax3A_153 : vector<512xi32> to vector<1x1x512xi32>
    tpu.vector_store %arg8[%swap3A_154, %swap3A_155, %swap3A_156], %swap3A_159 {strides = array<i32>} : memref<1x20x512xi32, #tpu.memory_space<vmem>>, vector<1x1x512xi32>,
    %broadcast_in_dim3A_160 = vector.shape_cast %argmax3A_153 : vector<512xi32> to vector<512x1xi32>
    %eq3A_161 = vector.broadcast %broadcast_in_dim3A_160 : vector<512x1xi32> to vector<512x2048xi32>
    %eq3A_162 = arith.cmpi eq, %iota3A, %eq3A_161 : vector<512x2048xi32>
    %jit3A_163 = arith.constant 0xFF800000 : f32
    %broadcast_in_dim3A_164 = vector.broadcast %jit3A_163 : f32 to vector<512x2048xf32>
    %select_n3A_165 = arith.select %eq3A_162, %broadcast_in_dim3A_164, %select_n3A_152 : vector<512x2048xi1>, vector<512x2048xf32>
    %argmax3A_166 = tpu.reduce_index %select_n3A_165 {axis = 1 : i32, kind = #tpu.reduction_kind<arg_max>} : vector<512x2048xf32> -> vector<512xi32>
    %swap3A_167 = arith.constant 0 : index
    %swap3A_168 = arith.constant 11 : index
    %swap3A_169 = arith.constant 0 : index
    %swap3A_170 = vector.load %arg8[%swap3A_167, %swap3A_168, %swap3A_169] : memref<1x20x512xi32, #tpu.memory_space<vmem>>, vector<1x1x512xi32>
    %swap3A_171 = vector.shape_cast %swap3A_170 : vector<1x1x512xi32> to vector<512xi32>
    %swap3A_172 = vector.shape_cast %argmax3A_166 : vector<512xi32> to vector<1x1x512xi32>
    tpu.vector_store %arg8[%swap3A_167, %swap3A_168, %swap3A_169], %swap3A_172 {strides = array<i32>} : memref<1x20x512xi32, #tpu.memory_space<vmem>>, vector<1x1x512xi32>,
    %broadcast_in_dim3A_173 = vector.shape_cast %argmax3A_166 : vector<512xi32> to vector<512x1xi32>
    %eq3A_174 = vector.broadcast %broadcast_in_dim3A_173 : vector<512x1xi32> to vector<512x2048xi32>
    %eq3A_175 = arith.cmpi eq, %iota3A, %eq3A_174 : vector<512x2048xi32>
    %jit3A_176 = arith.constant 0xFF800000 : f32
    %broadcast_in_dim3A_177 = vector.broadcast %jit3A_176 : f32 to vector<512x2048xf32>
    %select_n3A_178 = arith.select %eq3A_175, %broadcast_in_dim3A_177, %select_n3A_165 : vector<512x2048xi1>, vector<512x2048xf32>
    %argmax3A_179 = tpu.reduce_index %select_n3A_178 {axis = 1 : i32, kind = #tpu.reduction_kind<arg_max>} : vector<512x2048xf32> -> vector<512xi32>
    %swap3A_180 = arith.constant 0 : index
    %swap3A_181 = arith.constant 12 : index
    %swap3A_182 = arith.constant 0 : index
    %swap3A_183 = vector.load %arg8[%swap3A_180, %swap3A_181, %swap3A_182] : memref<1x20x512xi32, #tpu.memory_space<vmem>>, vector<1x1x512xi32>
    %swap3A_184 = vector.shape_cast %swap3A_183 : vector<1x1x512xi32> to vector<512xi32>
    %swap3A_185 = vector.shape_cast %argmax3A_179 : vector<512xi32> to vector<1x1x512xi32>
    tpu.vector_store %arg8[%swap3A_180, %swap3A_181, %swap3A_182], %swap3A_185 {strides = array<i32>} : memref<1x20x512xi32, #tpu.memory_space<vmem>>, vector<1x1x512xi32>,
    %broadcast_in_dim3A_186 = vector.shape_cast %argmax3A_179 : vector<512xi32> to vector<512x1xi32>
    %eq3A_187 = vector.broadcast %broadcast_in_dim3A_186 : vector<512x1xi32> to vector<512x2048xi32>
    %eq3A_188 = arith.cmpi eq, %iota3A, %eq3A_187 : vector<512x2048xi32>
    %jit3A_189 = arith.constant 0xFF800000 : f32
    %broadcast_in_dim3A_190 = vector.broadcast %jit3A_189 : f32 to vector<512x2048xf32>
    %select_n3A_191 = arith.select %eq3A_188, %broadcast_in_dim3A_190, %select_n3A_178 : vector<512x2048xi1>, vector<512x2048xf32>
    %argmax3A_192 = tpu.reduce_index %select_n3A_191 {axis = 1 : i32, kind = #tpu.reduction_kind<arg_max>} : vector<512x2048xf32> -> vector<512xi32>
    %swap3A_193 = arith.constant 0 : index
    %swap3A_194 = arith.constant 13 : index
    %swap3A_195 = arith.constant 0 : index
    %swap3A_196 = vector.load %arg8[%swap3A_193, %swap3A_194, %swap3A_195] : memref<1x20x512xi32, #tpu.memory_space<vmem>>, vector<1x1x512xi32>
    %swap3A_197 = vector.shape_cast %swap3A_196 : vector<1x1x512xi32> to vector<512xi32>
    %swap3A_198 = vector.shape_cast %argmax3A_192 : vector<512xi32> to vector<1x1x512xi32>
    tpu.vector_store %arg8[%swap3A_193, %swap3A_194, %swap3A_195], %swap3A_198 {strides = array<i32>} : memref<1x20x512xi32, #tpu.memory_space<vmem>>, vector<1x1x512xi32>,
    %broadcast_in_dim3A_199 = vector.shape_cast %argmax3A_192 : vector<512xi32> to vector<512x1xi32>
    %eq3A_200 = vector.broadcast %broadcast_in_dim3A_199 : vector<512x1xi32> to vector<512x2048xi32>
    %eq3A_201 = arith.cmpi eq, %iota3A, %eq3A_200 : vector<512x2048xi32>
    %jit3A_202 = arith.constant 0xFF800000 : f32
    %broadcast_in_dim3A_203 = vector.broadcast %jit3A_202 : f32 to vector<512x2048xf32>
    %select_n3A_204 = arith.select %eq3A_201, %broadcast_in_dim3A_203, %select_n3A_191 : vector<512x2048xi1>, vector<512x2048xf32>
    %argmax3A_205 = tpu.reduce_index %select_n3A_204 {axis = 1 : i32, kind = #tpu.reduction_kind<arg_max>} : vector<512x2048xf32> -> vector<512xi32>
    %swap3A_206 = arith.constant 0 : index
    %swap3A_207 = arith.constant 14 : index
    %swap3A_208 = arith.constant 0 : index
    %swap3A_209 = vector.load %arg8[%swap3A_206, %swap3A_207, %swap3A_208] : memref<1x20x512xi32, #tpu.memory_space<vmem>>, vector<1x1x512xi32>
    %swap3A_210 = vector.shape_cast %swap3A_209 : vector<1x1x512xi32> to vector<512xi32>
    %swap3A_211 = vector.shape_cast %argmax3A_205 : vector<512xi32> to vector<1x1x512xi32>
    tpu.vector_store %arg8[%swap3A_206, %swap3A_207, %swap3A_208], %swap3A_211 {strides = array<i32>} : memref<1x20x512xi32, #tpu.memory_space<vmem>>, vector<1x1x512xi32>,
    %broadcast_in_dim3A_212 = vector.shape_cast %argmax3A_205 : vector<512xi32> to vector<512x1xi32>
    %eq3A_213 = vector.broadcast %broadcast_in_dim3A_212 : vector<512x1xi32> to vector<512x2048xi32>
    %eq3A_214 = arith.cmpi eq, %iota3A, %eq3A_213 : vector<512x2048xi32>
    %jit3A_215 = arith.constant 0xFF800000 : f32
    %broadcast_in_dim3A_216 = vector.broadcast %jit3A_215 : f32 to vector<512x2048xf32>
    %select_n3A_217 = arith.select %eq3A_214, %broadcast_in_dim3A_216, %select_n3A_204 : vector<512x2048xi1>, vector<512x2048xf32>
    %argmax3A_218 = tpu.reduce_index %select_n3A_217 {axis = 1 : i32, kind = #tpu.reduction_kind<arg_max>} : vector<512x2048xf32> -> vector<512xi32>
    %swap3A_219 = arith.constant 0 : index
    %swap3A_220 = arith.constant 15 : index
    %swap3A_221 = arith.constant 0 : index
    %swap3A_222 = vector.load %arg8[%swap3A_219, %swap3A_220, %swap3A_221] : memref<1x20x512xi32, #tpu.memory_space<vmem>>, vector<1x1x512xi32>
    %swap3A_223 = vector.shape_cast %swap3A_222 : vector<1x1x512xi32> to vector<512xi32>
    %swap3A_224 = vector.shape_cast %argmax3A_218 : vector<512xi32> to vector<1x1x512xi32>
    tpu.vector_store %arg8[%swap3A_219, %swap3A_220, %swap3A_221], %swap3A_224 {strides = array<i32>} : memref<1x20x512xi32, #tpu.memory_space<vmem>>, vector<1x1x512xi32>,
    %broadcast_in_dim3A_225 = vector.shape_cast %argmax3A_218 : vector<512xi32> to vector<512x1xi32>
    %eq3A_226 = vector.broadcast %broadcast_in_dim3A_225 : vector<512x1xi32> to vector<512x2048xi32>
    %eq3A_227 = arith.cmpi eq, %iota3A, %eq3A_226 : vector<512x2048xi32>
    %jit3A_228 = arith.constant 0xFF800000 : f32
    %broadcast_in_dim3A_229 = vector.broadcast %jit3A_228 : f32 to vector<512x2048xf32>
    %select_n3A_230 = arith.select %eq3A_227, %broadcast_in_dim3A_229, %select_n3A_217 : vector<512x2048xi1>, vector<512x2048xf32>
    %argmax3A_231 = tpu.reduce_index %select_n3A_230 {axis = 1 : i32, kind = #tpu.reduction_kind<arg_max>} : vector<512x2048xf32> -> vector<512xi32>
    %swap3A_232 = arith.constant 0 : index
    %swap3A_233 = arith.constant 16 : index
    %swap3A_234 = arith.constant 0 : index
    %swap3A_235 = vector.load %arg8[%swap3A_232, %swap3A_233, %swap3A_234] : memref<1x20x512xi32, #tpu.memory_space<vmem>>, vector<1x1x512xi32>
    %swap3A_236 = vector.shape_cast %swap3A_235 : vector<1x1x512xi32> to vector<512xi32>
    %swap3A_237 = vector.shape_cast %argmax3A_231 : vector<512xi32> to vector<1x1x512xi32>
    tpu.vector_store %arg8[%swap3A_232, %swap3A_233, %swap3A_234], %swap3A_237 {strides = array<i32>} : memref<1x20x512xi32, #tpu.memory_space<vmem>>, vector<1x1x512xi32>,
    %broadcast_in_dim3A_238 = vector.shape_cast %argmax3A_231 : vector<512xi32> to vector<512x1xi32>
    %eq3A_239 = vector.broadcast %broadcast_in_dim3A_238 : vector<512x1xi32> to vector<512x2048xi32>
    %eq3A_240 = arith.cmpi eq, %iota3A, %eq3A_239 : vector<512x2048xi32>
    %jit3A_241 = arith.constant 0xFF800000 : f32
    %broadcast_in_dim3A_242 = vector.broadcast %jit3A_241 : f32 to vector<512x2048xf32>
    %select_n3A_243 = arith.select %eq3A_240, %broadcast_in_dim3A_242, %select_n3A_230 : vector<512x2048xi1>, vector<512x2048xf32>
    %argmax3A_244 = tpu.reduce_index %select_n3A_243 {axis = 1 : i32, kind = #tpu.reduction_kind<arg_max>} : vector<512x2048xf32> -> vector<512xi32>
    %swap3A_245 = arith.constant 0 : index
    %swap3A_246 = arith.constant 17 : index
    %swap3A_247 = arith.constant 0 : index
    %swap3A_248 = vector.load %arg8[%swap3A_245, %swap3A_246, %swap3A_247] : memref<1x20x512xi32, #tpu.memory_space<vmem>>, vector<1x1x512xi32>
    %swap3A_249 = vector.shape_cast %swap3A_248 : vector<1x1x512xi32> to vector<512xi32>
    %swap3A_250 = vector.shape_cast %argmax3A_244 : vector<512xi32> to vector<1x1x512xi32>
    tpu.vector_store %arg8[%swap3A_245, %swap3A_246, %swap3A_247], %swap3A_250 {strides = array<i32>} : memref<1x20x512xi32, #tpu.memory_space<vmem>>, vector<1x1x512xi32>,
    %broadcast_in_dim3A_251 = vector.shape_cast %argmax3A_244 : vector<512xi32> to vector<512x1xi32>
    %eq3A_252 = vector.broadcast %broadcast_in_dim3A_251 : vector<512x1xi32> to vector<512x2048xi32>
    %eq3A_253 = arith.cmpi eq, %iota3A, %eq3A_252 : vector<512x2048xi32>
    %jit3A_254 = arith.constant 0xFF800000 : f32
    %broadcast_in_dim3A_255 = vector.broadcast %jit3A_254 : f32 to vector<512x2048xf32>
    %select_n3A_256 = arith.select %eq3A_253, %broadcast_in_dim3A_255, %select_n3A_243 : vector<512x2048xi1>, vector<512x2048xf32>
    %argmax3A_257 = tpu.reduce_index %select_n3A_256 {axis = 1 : i32, kind = #tpu.reduction_kind<arg_max>} : vector<512x2048xf32> -> vector<512xi32>
    %swap3A_258 = arith.constant 0 : index
    %swap3A_259 = arith.constant 18 : index
    %swap3A_260 = arith.constant 0 : index
    %swap3A_261 = vector.load %arg8[%swap3A_258, %swap3A_259, %swap3A_260] : memref<1x20x512xi32, #tpu.memory_space<vmem>>, vector<1x1x512xi32>
    %swap3A_262 = vector.shape_cast %swap3A_261 : vector<1x1x512xi32> to vector<512xi32>
    %swap3A_263 = vector.shape_cast %argmax3A_257 : vector<512xi32> to vector<1x1x512xi32>
    tpu.vector_store %arg8[%swap3A_258, %swap3A_259, %swap3A_260], %swap3A_263 {strides = array<i32>} : memref<1x20x512xi32, #tpu.memory_space<vmem>>, vector<1x1x512xi32>,
    %broadcast_in_dim3A_264 = vector.shape_cast %argmax3A_257 : vector<512xi32> to vector<512x1xi32>
    %eq3A_265 = vector.broadcast %broadcast_in_dim3A_264 : vector<512x1xi32> to vector<512x2048xi32>
    %eq3A_266 = arith.cmpi eq, %iota3A, %eq3A_265 : vector<512x2048xi32>
    %jit3A_267 = arith.constant 0xFF800000 : f32
    %broadcast_in_dim3A_268 = vector.broadcast %jit3A_267 : f32 to vector<512x2048xf32>
    %select_n3A_269 = arith.select %eq3A_266, %broadcast_in_dim3A_268, %select_n3A_256 : vector<512x2048xi1>, vector<512x2048xf32>
    %argmax3A_270 = tpu.reduce_index %select_n3A_269 {axis = 1 : i32, kind = #tpu.reduction_kind<arg_max>} : vector<512x2048xf32> -> vector<512xi32>
    %swap3A_271 = arith.constant 0 : index
    %swap3A_272 = arith.constant 19 : index
    %swap3A_273 = arith.constant 0 : index
    %swap3A_274 = vector.load %arg8[%swap3A_271, %swap3A_272, %swap3A_273] : memref<1x20x512xi32, #tpu.memory_space<vmem>>, vector<1x1x512xi32>
    %swap3A_275 = vector.shape_cast %swap3A_274 : vector<1x1x512xi32> to vector<512xi32>
    %swap3A_276 = vector.shape_cast %argmax3A_270 : vector<512xi32> to vector<1x1x512xi32>
    tpu.vector_store %arg8[%swap3A_271, %swap3A_272, %swap3A_273], %swap3A_276 {strides = array<i32>} : memref<1x20x512xi32, #tpu.memory_space<vmem>>, vector<1x1x512xi32>,
    return
  }
  func.func @transform_0(%arg0: i32, %arg1: i32) -> (i32, i32, i32) {
    %c0_i32 = arith.constant 0 : i32
    %c0_i32_0 = arith.constant 0 : i32
    %c0_i32_1 = arith.constant 0 : i32
    return %arg0, %c0_i32, %c0_i32_0 : i32, i32, i32
  }
  func.func @transform_1(%arg0: i32, %arg1: i32) -> (i32, i32) {
    %c0_i32 = arith.constant 0 : i32
    %c0_i32_0 = arith.constant 0 : i32
    %c0_i32_1 = arith.constant 0 : i32
    return %c0_i32, %c0_i32_0 : i32, i32
  }
  func.func @transform_2(%arg0: i32, %arg1: i32) -> (i32, i32) {
    %c0_i32 = arith.constant 0 : i32
    %c0_i32_0 = arith.constant 0 : i32
    %c0_i32_1 = arith.constant 0 : i32
    return %c0_i32, %c0_i32_0 : i32, i32
  }
  func.func @transform_3(%arg0: i32, %arg1: i32) -> (i32, i32) {
    %c0_i32 = arith.constant 0 : i32
    %c0_i32_0 = arith.constant 0 : i32
    %c0_i32_1 = arith.constant 0 : i32
    return %c0_i32, %c0_i32_0 : i32, i32
  }
  func.func @transform_4(%arg0: i32, %arg1: i32) -> (i32, i32, i32) {
    %c0_i32 = arith.constant 0 : i32
    %c0_i32_0 = arith.constant 0 : i32
    %c0_i32_1 = arith.constant 0 : i32
    return %arg0, %c0_i32, %c0_i32_0 : i32, i32, i32
  }
  func.func @transform_5(%arg0: i32, %arg1: i32) -> (i32, i32, i32) {
    %c0_i32 = arith.constant 0 : i32
    %c0_i32_0 = arith.constant 0 : i32
    %c0_i32_1 = arith.constant 0 : i32
    return %arg0, %c0_i32, %c0_i32_0 : i32, i32, i32
  }
  func.func @transform_6(%arg0: i32, %arg1: i32) -> (i32, i32, i32) {
    %c0_i32 = arith.constant 0 : i32
    %c0_i32_0 = arith.constant 0 : i32
    return %arg0, %c0_i32, %arg1 : i32, i32, i32
  }
}

</mosaic_0001>

<sc_bundles>
// kernel: kernel.5.cloned.1.call-start
scs
__scs_entry_jumppad:
0x0: {  	(pc) =	sbr.rel $0x88, $3  }
0x1: {  	(tag) =	ssettag $0x0;
	lr =	simm.s32 $0x1  }
0x2: {  	[smem:$0x3F9C] =	sst lr;
	_ =	strace $0xD0000000  }
0x3: {  	_ = 	snop  }
0x4: {  	_ = 	snop  }
0x5: {  	_ = 	snop  }
0x6: {  	_ = 	snop  }
0x7: {  	_ = 	snop  }
__scs_overlays_trampoline_lowered:
0x8: {  	[smem:$0x3FAB] =	sst s0  }
0x9: {  	[smem:$0x3FAC] =	sst s1  }
0xa: {  	[smem:$0x3FAD] =	sst s2  }
0xb: {  	[smem:$0x3FAE] =	sst s3  }
0xc: {  	[smem:$0x3FAF] =	sst s4  }
0xd: {  	[smem:$0x3FB0] =	sst s5  }
0xe: {  	[smem:$0x3FB1] =	sst s6  }
0xf: {  	[smem:$0x3FB2] =	sst s7  }
0x10: {  	[smem:$0x3FB3] =	sst s8  }
0x11: {  	[smem:$0x3FB4] =	sst s9;
	s0 =	simm.s32 @!p0 $0x0  }
0x12: {  	s1 =	sld [smem:$0x3F9A];
	s0 =	simm.s32 @p0 $0x1  }
0x13: {  	[smem:$0x3FB5] =	sst s0;
	s0 =	simm.s32 @!p1 $0x0  }
0x14: {  	s2 =	sld [smem:$0x3F99];
	s0 =	simm.s32 @p1 $0x1  }
0x15: {  	[smem:$0x3FB6] =	sst s0;
	s0 =	simm.s32 @!p2 $0x0  }
0x16: {  	s3 =	sld [smem:$0x3FDB];
	s0 =	simm.s32 @p2 $0x1  }
0x17: {  	s4 =	simm.s32 $0x1BF5;
	[smem:$0x3FB8] =	sst s0  }
0x18: {  	s0 =	sld [smem:$0x3F9B];
	_ =	swait.ge [sflag:s4], $0x0  }
0x19: {  	s7 =	sld [smem:$0x3F9C]  }
0x1a: {  	s8 =	sadd.s32 $0xFFFFE003, lr  }
0x1b: {  	s9 =	sadd.s32 $0xFFFFFEF7, lr;
	s5 =	simm.s32 $0xFFFFFFFF;
	p2 =	slt.u32 s8, $0xFFFFF086  }
0x1c: {  	p1 =	slt.u32 s9, $0xF7A;
	s5 =	simm.s32 @!p2 $0x0  }
0x1d: {  	s5 =	simm.s32 @p1 $0x1;
	p0 =	seq.s32 s7, s2  }
0x1e: {  	s7 =	smul.u32 @!p0 $0xF7A, s2;
	p2 =	seq.s32 @!p0 s5, $0x0  }
0x1f: {  	s9 =	smul.u32 $0xF7A, s1;
	s8 =	simm.s32 @!p0 $0x1BF5;
	p2 =	por !p2, p0  }
0x20: {  	[sflag:s8] =	ssyncset.s32 @!p0 $0xFFFFF086;
	s6 =	sadd.s32 @!p0 s3, s7;
	s7 =	simm.s32 @!p0 $0x108  }
0x21: {  	s3 =	sadd.s32 s3, s9;
	s6 =	sadd.s32 @!p0 $0x88, s6;
	s7 =	simm.s32 @p2 $0x1082  }
0x22: {  	[simem:s7], [sflag:s8] =	dma.local @!p0 [hbm:s6], $0xF7A  }
0x23: {  	s9 =	sor.u32 $0xD0000000, s2;
	s6 =	simm.s32 $0x108;
	_ =	swait.ge @!p0 [sflag:s8], $0x0  }
0x24: {  	s3 =	sadd.s32 $0x88, s3;
	s6 =	simm.s32 @!p1 $0x1082;
	[sflag:s4] =	ssyncset.s32 $0xFFFFF086  }
0x25: {  	[simem:s6], [sflag:s4] =	dma.local [hbm:s3], $0xF7A  }
0x26: {  	[smem:$0x3F9C] =	sst s1;
	(tag) =	ssettag s2;
	_ =	strace s9  }
0x27: {  	s1 =	sld [smem:$0x3FAC]  }
0x28: {  	s2 =	sld [smem:$0x3FAD]  }
0x29: {  	s4 =	sld [smem:$0x3FAF]  }
0x2a: {  	p0 =	seq.s32 s5, $0x0;
	s5 =	sld [smem:$0x3FB0]  }
0x2b: {  	s6 =	sld [smem:$0x3FB1]  }
0x2c: {  	s7 =	sld [smem:$0x3FB2]  }
0x2d: {  	s3 =	simm.s32 $0x108;
	s8 =	sld [smem:$0x3FB3]  }
0x2e: {  	s3 =	simm.s32 @!p0 $0x1082;
	s9 =	sld [smem:$0x3FB4]  }
0x2f: {  	lr =	sadd.s32 s0, s3;
	s0 =	sld [smem:$0x3FAB]  }
0x30: {  	s3 =	sld [smem:$0x3FAE]  }
0x31: {  	[smem:$0x3FB7] =	sst s10  }
0x32: {  	s10 =	sld [smem:$0x3FB5];
	_ =	sdelay $0x3  }
0x33: {  	p0 =	seq.s32 s10, $0x1;
	s10 =	sld [smem:$0x3FB7];
	_ =	sdelay $0x3  }
0x34: {  	[smem:$0x3FB7] =	sst s10  }
0x35: {  	s10 =	sld [smem:$0x3FB6];
	_ =	sdelay $0x3  }
0x36: {  	p1 =	seq.s32 s10, $0x1;
	s10 =	sld [smem:$0x3FB7];
	_ =	sdelay $0x3  }
0x37: {  	[smem:$0x3FB7] =	sst s10  }
0x38: {  	s10 =	sld [smem:$0x3FB8]  }
0x39: {  	_ = 	snop;
	(pc) =	sbr.ind lr, $3  }
0x3a: {  	_ = 	snop  }
0x3b: {  	_ = 	snop  }
0x3c: {  	p2 =	seq.s32 s10, $0x1;
	s10 =	sld [smem:$0x3FB7]  }
0x3d: {  	_ =	shalt  }
0x3e: {  	_ =	shalt  }
0x3f: {  	_ =	shalt  }
0x40: {  	_ =	shalt  }
0x41: {  	_ =	shalt  }
0x42: {  	_ =	shalt  }
0x43: {  	_ =	shalt  }
0x44: {  	_ =	shalt  }
0x45: {  	_ =	shalt  }
0x46: {  	_ =	shalt  }
0x47: {  	_ =	shalt  }
0x48: {  	_ =	shalt  }
0x49: {  	_ =	shalt  }
0x4a: {  	_ =	shalt  }
0x4b: {  	_ =	shalt  }
0x4c: {  	_ =	shalt  }
0x4d: {  	_ =	shalt  }
0x4e: {  	_ =	shalt  }
0x4f: {  	_ =	shalt  }
0x50: {  	_ =	shalt  }
0x51: {  	_ =	shalt  }
0x52: {  	_ =	shalt  }
0x53: {  	_ =	shalt  }
0x54: {  	_ =	shalt  }
0x55: {  	_ =	shalt  }
0x56: {  	_ =	shalt  }
0x57: {  	_ =	shalt  }
0x58: {  	_ =	shalt  }
0x59: {  	_ =	shalt  }
0x5a: {  	_ =	shalt  }
0x5b: {  	_ =	shalt  }
0x5c: {  	_ =	shalt  }
0x5d: {  	_ =	shalt  }
0x5e: {  	_ =	shalt  }
0x5f: {  	_ =	shalt  }
0x60: {  	_ =	shalt  }
0x61: {  	_ =	shalt  }
0x62: {  	_ =	shalt  }
0x63: {  	_ =	shalt  }
0x64: {  	_ =	shalt  }
0x65: {  	_ =	shalt  }
0x66: {  	_ =	shalt  }
0x67: {  	_ =	shalt  }
0x68: {  	_ =	shalt  }
0x69: {  	_ =	shalt  }
0x6a: {  	_ =	shalt  }
0x6b: {  	_ =	shalt  }
0x6c: {  	_ =	shalt  }
0x6d: {  	_ =	shalt  }
0x6e: {  	_ =	shalt  }
0x6f: {  	_ =	shalt  }
0x70: {  	_ =	shalt  }
0x71: {  	_ =	shalt  }
0x72: {  	_ =	shalt  }
0x73: {  	_ =	shalt  }
0x74: {  	_ =	shalt  }
0x75: {  	_ =	shalt  }
0x76: {  	_ =	shalt  }
0x77: {  	_ =	shalt  }
0x78: {  	_ =	shalt  }
0x79: {  	_ =	shalt  }
0x7a: {  	_ =	shalt  }
0x7b: {  	_ =	shalt  }
0x7c: {  	_ =	shalt  }
0x7d: {  	_ =	shalt  }
0x7e: {  	_ =	shalt  }
0x7f: {  	_ =	shalt  }
0x80: {  	_ =	shalt  }
0x81: {  	_ =	shalt  }
0x82: {  	_ =	shalt  }
0x83: {  	_ =	shalt  }
0x84: {  	_ =	shalt  }
0x85: {  	_ =	shalt  }
0x86: {  	_ =	shalt  }
0x87: {  	_ =	shalt  }
.Lfunc_end0:
.L_simem_size_0:
called_computation.1_lowered:
.L_overlay_start_0:
0x88: {  	s2 =	sld [smem:$0x3FD9]  }
0x89: {  	s3 =	sld [smem:$0x3FFE];
	_ =	sdelay $0x1  }
0x8a: {  	s1 =	srdreg.scid  }
0x8b: {  	s0 =	sand.u32 $0x1, s1  }
0x8c: {  	s17 =	sshll.u32 s0, $0xA;
	s2 =	sadd.s32 s3, s2  }
0x8d: {  	s2 =	sadd.s32 s2, s17  }
0x8e: {  	[smem:$0x3FC3] =	sst s2  }
0x8f: {  	_ = 	snop  }
0x90: {  	s2 =	sld [smem:$0x3FD0];
	(tm) =	ssettm $0x1  }
0x91: {  	s18 =	sld [smem:$0x3FFB];
	_ =	sdelay $0x3  }
0x92: {  	_ =	strace s18  }
0x93: {  	s3 =	sld [smem:$0x3FFC];
	_ =	sdelay $0x3  }
0x94: {  	_ =	strace s3  }
0x95: {  	s3 =	sld [smem:$0x3FFD];
	_ =	sdelay $0x3  }
0x96: {  	_ =	strace s3  }
0x97: {  	_ =	strace $0x8FFFFFFF  }
0x98: {  	s19 =	sld [smem:$0x3FDB];
	_ =	sdelay $0x1  }
0x99: {  	s4 =	simm.s32 $_scs_section_size  }
0x9a: {  	s5 =	simm.s32 $_size__tile_overlayer_lowered;
	s6 =	simm.s32 $_tile_overlayer_lowered  }
0x9b: {  	s22 =	simm.s32 $0x1BFF;
	s21 =	sshll.u32 s6, $0x1;
	s3 =	sadd.s32 s4, s19  }
0x9c: {  	s7 =	simm.s32 $0x0;
	s20 =	sshll.u32 s5, $0x1;
	s5 =	sadd.s32 s21, s3  }
0x9d: {  	[timem:s7], [sflag:s22] =	dma.local [hbm:s5], s20  }
0x9e: {  	_ =	swait.ge [sflag:s22], s20  }
0x9f: {  	s4 =	ssub.s32 $0x0, s20;
	[sflag:s22] =	ssyncset.done $0x0  }
0xa0: {  	[sflag:s22] =	ssyncadd.s32 s4;
	_ =	sdelay $0x1  }
0xa1: {  	s23 =	simm.s32 $0x1B8B  }
0xa2: {  	_ =	swait.ge [sflag:s23], $0x1  }
0xa3: {  	[sflag:s23] =	ssyncset.done $0x0  }
0xa4: {  	s25 =	simm.s32 $0x1B8E;
	s24 =	sld [smem:$0x3FFE];
	[sflag:s23] =	ssyncadd.s32 $0xFFFFFFFF  }
0xa5: {  	s26 =	simm.s32 $execute0_lowered;
	[smem:$0x3FD2] =	sst s25  }
0xa6: {  	s5 =	sshll.u32 s26, $0x1;
	_ =	strace $0x80000046;
	[dreg:$0x1] =	wrdreg $0xFFFFFFFF  }
0xa7: {  	s28 =	simm.s32 $_size_execute0_lowered;
	s3 =	sadd.s32 s3, s5;
	[dreg:$0x0] =	wrdreg $0x0  }
0xa8: {  	s5 =	sshll.u32 s28, $0x1;
	[dreg:$0x2] =	wrdreg s3  }
0xa9: {  	[dreg:$0x3] =	wrdreg s5  }
0xaa: {  	[dreg:$0x4] =	wrdreg $0xC0  }
0xab: {  	_ =	task [dreg:s7], $0x5FFFF  }
0xac: {  	[dreg:$0x1] =	wrdreg $0xFFFFFFFF  }
0xad: {  	[dreg:$0x0] =	wrdreg $0x60  }
0xae: {  	[dreg:$0x2] =	wrdreg s24  }
0xaf: {  	[dreg:$0x3] =	wrdreg s2  }
0xb0: {  	[dreg:$0x4] =	wrdreg $0x9  }
0xb1: {  	_ =	task.clear_ibuf [dreg:s7], $0x5FFFF;
	_ =	strace $0x90000046  }
0xb2: {  	s29 =	simm.s32 $0x9;
	_ =	strace $0x80000048  }
0xb3: {  	_ =	swait.ge [sflag:s29], $0x1  }
0xb4: {  	[sflag:s29] =	ssyncadd.s32 $0xFFFFFFFF  }
0xb5: {  	_ =	strace $0x90000048  }
0xb6: {  	_ =	sfence  }
0xb7: {  	s30 =	sld [smem:$0x0];
	_ =	sdelay $0x2  }
0xb8: {  	s31 =	sshll.u32 s1, $0xD;
	s1 =	sshrl.u32 s1, $0x2  }
0xb9: {  	s3 =	sand.u32 $0x4000, s31;
	s1 =	sadd.s32 s1, s30  }
0xba: {  	s0 =	sor.u32 s3, s0;
	s1 =	sshll.u32 s1, $0x11  }
0xbb: {  	s0 =	sor.u32 s1, s0  }
0xbc: {  	s0 =	sadd.s32 $0x8F2B, s0  }
0xbd: {  	[sflag:s0] =	ssyncadd.remote.s32 $0x1  }
0xbe: {  	_ =	sfence.sel $0xFFFF  }
0xbf: {  	[dreg:$0x0] =	wrdreg $0xFFFFFFFF;
	(pc) =	sbr.abs _section_cstart, $3  }
0xc0: {  	[dreg:$0x1] =	wrdreg $0xFFFFFFFF  }
0xc1: {  	_ =	task.clear_ibuf [dreg:s7], $0x2FFFF;
	_ =	strace $0x9FFFFFFF  }
0xc2: {  	(tm) =	ssettm $0x7FFFFFFF  }
0xc3: {  	_ =	shalt  }
tec
execute0_lowered:
.L_overlay_start_1:
0x0: {  	(tag) =	ssettag $0x1  }
0x1: {  	s5 =	rddreg [dreg:$0x0]  }
0x2: {  	s8 =	rddreg [dreg:$0x1]  }
0x3: {  	s0 =	rddreg [dreg:$0x2];
	s2 =	simm.s32 $0x0;
	s1 =	stileid.u32  }
0x4: {  	s4 =	srdreg.scid;
	s13 =	simm.s32 $0xC000;
	s14 =	simm.s32 $0xD000  }
0x5: {  	s15 =	simm.s32 $0x0;
	[smem:$0x7FF] =	sst s2;
	s3 =	sadd.s32 $0x1800, s5  }
0x6: {  	s7 =	sshrl.u32 s1, $0x1;
	s6 =	sand.u32 $0x1, s4;
	s11 =	sshll.u32 s1, $0x1  }
0x7: {  	s4 =	sadd.s32 $0x21800, s5;
	_ =	strace $0x80000047;
	s9 =	smul.u32 $0x1800, s7  }
0x8: {  	s10 =	ssub.s32 $0x2, s6;
	s11 =	sand.u32 $0x2, s11;
	s31 =	sshll.u32 s7, $0xB  }
0x9: {  	s7 =	sshll.u32 s7, $0xE;
	s12 =	sshrl.u32 s10, $0x1;
	s30 =	sor.u32 s6, s11  }
0xa: {  	s8 =	sadd.s32 s8, s31;
	s11 =	simm.s32 $0x80;
	s9 =	sadd.s32 s9, s5  }
0xb: {  	s10 =	ssub.s32 s10, s12;
	s5 =	sshll.u32 s30, $0x4;
	s12 =	simm.s32 $0x400  }
0xc: {  	s6 =	sadd.s32 $0x41800, s9;
	s9 =	smax.u32 s10, $0x1;
	s10 =	simm.s32 $0x1  }
.LBB2_1:
0xd: {  	[tilespmem:s2], [sflag:$0x1] =	stream.linear.gather [hbm4b:s6+s2], $0xC000, $0x38;
	[tilespmem:$0xD100] =	vst v63  }
0xe: {  	_ =	swait.ge [sflag:s10], $0xC000  }
0xf: {  	[sflag:s10] =	ssyncset.done $0x0  }
0x10: {  	s16 =	simm.s32 $0x0;
	[sflag:s10] =	ssyncadd.s32 $0xFFFF4000  }
.LBB2_2:
0x11: {  	s17 =	sadd.s32 s5, s16  }
0x12: {  	s18 =	sshll.u32 s17, $0x8  }
0x13: {  	s19 =	sshll.u32 s16, $0x4;
	s18 =	sand.u32 $0x3800, s18  }
0x14: {  	s19 =	sand.u32 $0x70, s19;
	s18 =	sor.u32 s7, s18  }
0x15: {  	s18 =	sor.u32 s19, s18  }
0x16: {  	s19 =	sadd.s32 s3, s18  }
0x17: {  	[tilespmem:s13], [sflag:$0x1] =	stream.strided.gather [hbm4b:s19+s11], $0x800, s12, s11, $0x38;
	[tilespmem:$0xD100] =	vst v63  }
0x18: {  	_ =	swait.ge [sflag:s10], $0x800  }
0x19: {  	[sflag:s10] =	ssyncset.done $0x0  }
0x1a: {  	s26 =	sadd.s32 s4, s18;
	s18 =	simm.s32 $0xC800;
	[sflag:s10] =	ssyncadd.s32 $0xFFFFF800  }
0x1b: {  	[tilespmem:s18], [sflag:$0x1] =	stream.strided.gather [hbm4b:s26+s11], $0x800, s12, s11, $0x38;
	[tilespmem:$0xD100] =	vst v63  }
0x1c: {  	s20 =	simm.s32 $0x0;
	_ =	swait.ge [sflag:s10], $0x800  }
0x1d: {  	s28 =	sand.u32 $0x70, s20;
	s21 =	sand.u32 $0x3C00, s20;
	[sflag:s10] =	ssyncset.done $0x0  }
0x1e: {  	s19 =	sor.u32 s28, s21;
	[sflag:s10] =	ssyncadd.s32 $0xFFFFF800  }
0x1f: {  	v0 =	vld [tilespmem:s19+$0x0];
	_ =	sdelay $0x1  }
0x20: {  	v1 =	vld [tilespmem:s19+$0x80]  }
0x21: {  	v2 =	vld [tilespmem:s19+$0x100]  }
0x22: {  	v3 =	vld [tilespmem:s19+$0x180]  }
0x23: {  	s20 =	sand.u32 $0x7, s20;
	v4 =	vld [tilespmem:s19+$0x200]  }
0x24: {  	s20 =	sshll.u32 s20, $0x4;
	v5 =	vld [tilespmem:s19+$0x280]  }
0x25: {  	s20 =	sadd.s32 $0x0, s20;
	v6 =	vld [tilespmem:s19+$0x300]  }
0x26: {  	s20 =	sor.u32 $0x380, s20;
	v0 =	vld.idx.msk [tilespmem:v0+s13+$0x0], $0xffff  }
0x27: {  	v7 =	vld [tilespmem:s20+$0x0]  }
0x28: {  	v1 =	vld.idx.msk [tilespmem:v1+s13+$0x0], $0xffff  }
0x29: {  	v9 =	vld [tilespmem:s19+$0x4000]  }
0x2a: {  	v2 =	vld.idx.msk [tilespmem:v2+s13+$0x0], $0xffff  }
0x2b: {  	v11 =	vld [tilespmem:s19+$0x4080];
	v10 =	vmul.f32 v0, v0  }
0x2c: {  	v8 =	vld.idx.msk [tilespmem:v3+s13+$0x0], $0xffff;
	v3 =	vimm.f32 $0.0e+00  }
0x2d: {  	v13 =	vld [tilespmem:s19+$0x4100];
	v12 =	vmul.f32 v1, v1;
	v10 =	vadd.f32 v10, v3  }
0x2e: {  	v4 =	vld.idx.msk [tilespmem:v4+s13+$0x0], $0xffff  }
0x2f: {  	v14 =	vld [tilespmem:s19+$0x4180];
	v10 =	vadd.f32 v12, v10;
	v12 =	vmul.f32 v2, v2  }
0x30: {  	v5 =	vld.idx.msk [tilespmem:v5+s13+$0x0], $0xffff  }
0x31: {  	v15 =	vld [tilespmem:s19+$0x4200];
	v10 =	vadd.f32 v12, v10;
	v12 =	vmul.f32 v8, v8  }
0x32: {  	v6 =	vld.idx.msk [tilespmem:v6+s13+$0x0], $0xffff  }
0x33: {  	v16 =	vld [tilespmem:s19+$0x4280];
	v10 =	vadd.f32 v12, v10;
	v12 =	vmul.f32 v4, v4  }
0x34: {  	v7 =	vld.idx.msk [tilespmem:v7+s13+$0x0], $0xffff  }
0x35: {  	v17 =	vld [tilespmem:s19+$0x4300];
	v10 =	vadd.f32 v12, v10;
	v12 =	vmul.f32 v5, v5  }
0x36: {  	v9 =	vld.idx.msk [tilespmem:v9+s13+$0x0], $0xffff  }
0x37: {  	v18 =	vld [tilespmem:s19+$0x4380];
	v10 =	vadd.f32 v12, v10;
	v12 =	vmul.f32 v6, v6  }
0x38: {  	v11 =	vld.idx.msk [tilespmem:v11+s13+$0x0], $0xffff  }
0x39: {  	v19 =	vld [tilespmem:s19+$0x8000];
	v10 =	vadd.f32 v12, v10;
	v12 =	vmul.f32 v7, v7  }
0x3a: {  	v13 =	vld.idx.msk [tilespmem:v13+s13+$0x0], $0xffff  }
0x3b: {  	v20 =	vld [tilespmem:s19+$0x8080];
	v10 =	vadd.f32 v12, v10;
	v12 =	vmul.f32 v9, v9  }
0x3c: {  	v14 =	vld.idx.msk [tilespmem:v14+s13+$0x0], $0xffff  }
0x3d: {  	v21 =	vld [tilespmem:s19+$0x8100];
	v0 =	vadd.f32 $0.0e+00, v0;
	v10 =	vadd.f32 v12, v10;
	v12 =	vmul.f32 v11, v11  }
0x3e: {  	v15 =	vld.idx.msk [tilespmem:v15+s13+$0x0], $0xffff  }
0x3f: {  	v16 =	vld.idx.msk [tilespmem:v16+s13+$0x0], $0xffff;
	v0 =	vadd.f32 v1, v0;
	v10 =	vadd.f32 v12, v10;
	v12 =	vmul.f32 v13, v13  }
0x40: {  	v17 =	vld.idx.msk [tilespmem:v17+s13+$0x0], $0xffff  }
0x41: {  	v18 =	vld.idx.msk [tilespmem:v18+s13+$0x0], $0xffff;
	v0 =	vadd.f32 v2, v0;
	v10 =	vadd.f32 v12, v10;
	v12 =	vmul.f32 v14, v14  }
0x42: {  	s29 =	simm.s32 $0x10;
	v1 =	vld [tilespmem:s19+$0x8180];
	s19 =	simm.s32 $0x80  }
0x43: {  	s20 =	sand.u32 $0x70, s29;
	v19 =	vld.idx.msk [tilespmem:v19+s13+$0x0], $0xffff;
	s30 =	sand.u32 $0x3C00, s19;
	v0 =	vadd.f32 v8, v0;
	v10 =	vadd.f32 v12, v10;
	v12 =	vmul.f32 v15, v15  }
0x44: {  	v20 =	vld.idx.msk [tilespmem:v20+s13+$0x0], $0xffff;
	s23 =	sor.u32 s20, s30  }
0x45: {  	v8 =	vld [tilespmem:s23+$0x0];
	v0 =	vadd.f32 v4, v0;
	v10 =	vadd.f32 v12, v10;
	v12 =	vmul.f32 v16, v16  }
0x46: {  	v4 =	vld [tilespmem:s23+$0x80]  }
0x47: {  	v0 =	vadd.f32 v5, v0;
	v5 =	vld [tilespmem:s23+$0x100];
	v10 =	vadd.f32 v12, v10;
	v12 =	vmul.f32 v17, v17  }
0x48: {  	v21 =	vld.idx.msk [tilespmem:v21+s13+$0x0], $0xffff  }
0x49: {  	v2 =	vld [tilespmem:s18+$0x0];
	v10 =	vadd.f32 v12, v10;
	v12 =	vmul.f32 v18, v18  }
0x4a: {  	v22 =	vld [tilespmem:s23+$0x200];
	v0 =	vadd.f32 v6, v0  }
0x4b: {  	v6 =	vld [tilespmem:s23+$0x180];
	v10 =	vadd.f32 v12, v10;
	v12 =	vmul.f32 v19, v19  }
0x4c: {  	s20 =	simm.s32 $0x1;
	v1 =	vld.idx.msk [tilespmem:v1+s13+$0x0], $0xffff;
	v0 =	vadd.f32 v7, v0  }
0x4d: {  	s31 =	sand.u32 $0x7, s20;
	v7 =	vld.idx.msk [tilespmem:v8+s13+$0x0], $0xffff;
	v8 =	vadd.f32 v12, v10;
	v10 =	vmul.f32 v20, v20  }
0x4e: {  	s21 =	sshll.u32 s31, $0x4;
	v0 =	vadd.f32 v9, v0;
	v4 =	vld.idx.msk [tilespmem:v4+s13+$0x0], $0xffff  }
0x4f: {  	s21 =	sadd.s32 $0x80, s21;
	v9 =	vmul.f32 v21, v21;
	v5 =	vld.idx.msk [tilespmem:v5+s13+$0x0], $0xffff;
	v8 =	vadd.f32 v10, v8  }
0x50: {  	s21 =	sor.u32 $0x380, s21;
	v0 =	vadd.f32 v11, v0;
	v12 =	vld [tilespmem:s23+$0x280]  }
0x51: {  	v11 =	vld [tilespmem:s21+$0x0];
	v8 =	vadd.f32 v9, v8;
	v9 =	vmul.f32 v1, v1  }
0x52: {  	v0 =	vadd.f32 v13, v0;
	v10 =	vld [tilespmem:s23+$0x300]  }
0x53: {  	v6 =	vld.idx.msk [tilespmem:v6+s13+$0x0], $0xffff;
	v8 =	vadd.f32 v9, v8;
	v9 =	vadd.f32 $0.0e+00, v7;
	v7 =	vmul.f32 v7, v7  }
0x54: {  	v13 =	vld [tilespmem:s23+$0x4000];
	v0 =	vadd.f32 v14, v0  }
0x55: {  	v14 =	vld.idx.msk [tilespmem:v22+s13+$0x0], $0xffff;
	v7 =	vadd.f32 v7, v8;
	v8 =	vadd.f32 v4, v9;
	v4 =	vmul.f32 v4, v4  }
0x56: {  	v0 =	vadd.f32 v15, v0;
	v15 =	vld [tilespmem:s23+$0x4300]  }
0x57: {  	v9 =	vld [tilespmem:s23+$0x4080];
	v4 =	vadd.f32 v4, v7;
	v7 =	vadd.f32 v5, v8;
	v5 =	vmul.f32 v5, v5  }
0x58: {  	v12 =	vld.idx.msk [tilespmem:v12+s13+$0x0], $0xffff  }
0x59: {  	v8 =	vld [tilespmem:s23+$0x4100];
	v4 =	vadd.f32 v5, v4;
	v5 =	vadd.f32 v6, v7;
	v6 =	vmul.f32 v6, v6  }
0x5a: {  	v0 =	vadd.f32 v16, v0;
	v10 =	vld.idx.msk [tilespmem:v10+s13+$0x0], $0xffff  }
0x5b: {  	v7 =	vld [tilespmem:s23+$0x4180];
	v4 =	vadd.f32 v6, v4;
	v5 =	vadd.f32 v14, v5;
	v6 =	vmul.f32 v14, v14  }
0x5c: {  	v11 =	vld.idx.msk [tilespmem:v11+s13+$0x0], $0xffff;
	v0 =	vadd.f32 v17, v0  }
0x5d: {  	v14 =	vld [tilespmem:s23+$0x4200];
	v4 =	vadd.f32 v6, v4;
	v5 =	vadd.f32 v12, v5;
	v6 =	vmul.f32 v12, v12  }
0x5e: {  	v13 =	vld.idx.msk [tilespmem:v13+s13+$0x0], $0xffff;
	v0 =	vadd.f32 v18, v0  }
0x5f: {  	v12 =	vld [tilespmem:s23+$0x4280];
	v4 =	vadd.f32 v6, v4;
	v5 =	vadd.f32 v10, v5;
	v6 =	vmul.f32 v10, v10  }
0x60: {  	v0 =	vadd.f32 v19, v0;
	v9 =	vld.idx.msk [tilespmem:v9+s13+$0x0], $0xffff  }
0x61: {  	v61 =	vld.idx.msk [tilespmem:v8+s13+$0x0], $0xffff;
	v4 =	vadd.f32 v6, v4;
	v5 =	vadd.f32 v11, v5;
	v6 =	vmul.f32 v11, v11  }
0x62: {  	v0 =	vadd.f32 v20, v0;
	v10 =	vld [tilespmem:s23+$0x4380]  }
0x63: {  	v62 =	vld.idx.msk [tilespmem:v7+s13+$0x0], $0xffff;
	v7 =	vmul.f32 v13, v13;
	v4 =	vadd.f32 v6, v4;
	v5 =	vadd.f32 v13, v5  }
0x64: {  	v0 =	vadd.f32 v21, v0;
	v8 =	vld [tilespmem:s23+$0x8000]  }
0x65: {  	v6 =	vld.idx.msk [tilespmem:v14+s13+$0x0], $0xffff;
	v14 =	vmul.f32 v9, v9;
	v7 =	vadd.f32 v7, v4;
	v5 =	vadd.f32 v9, v5  }
0x66: {  	v11 =	vmul.f32 v2, v2;
	v13 =	vadd.f32 v1, v0;
	v1 =	vadd.f32 v2, v3;
	v9 =	vld [tilespmem:s23+$0x8080]  }
0x67: {  	v4 =	vld.idx.msk [tilespmem:v12+s13+$0x0], $0xffff;
	v7 =	vadd.f32 v14, v7;
	v12 =	vadd.f32 v61, v5;
	v14 =	vmul.f32 v61, v61  }
0x68: {  	v0 =	vadd.f32 v11, v3;
	v11 =	vld [tilespmem:s23+$0x8100];
	v63 =	vmul.f32 v13, v2;
	v2 =	vadd.f32 v13, v3  }
0x69: {  	v5 =	vld.idx.msk [tilespmem:v15+s13+$0x0], $0xffff;
	v13 =	vadd.f32 v14, v7;
	v7 =	vadd.f32 v62, v12;
	v14 =	vmul.f32 v62, v62  }
0x6a: {  	s22 =	simm.s32 $0x30;
	s21 =	simm.s32 $0x20;
	v3 =	vadd.f32 v63, v3;
	v12 =	vld [tilespmem:s23+$0x8180]  }
.LBB2_3:
0x6b: {  	p0 =	sne.s32 s22, $0x7F0;
	v13 =	vadd.f32 v14, v13;
	v7 =	vadd.f32 v6, v7;
	v6 =	vmul.f32 v6, v6;
	v10 =	vld.idx.msk [tilespmem:v10+s13+$0x0], $0xffff;
	s19 =	sadd.s32 $0x80, s19;
	s18 =	sadd.s32 $0x10, s18  }
0x6c: {  	s23 =	sand.u32 $0x70, s21;
	s21 =	smov.u32 s22;
	s24 =	sand.u32 $0x3C00, s19;
	v14 =	vld [tilespmem:s18+$0x0]  }
0x6d: {  	s23 =	sor.u32 s23, s24;
	v6 =	vadd.f32 v6, v13;
	v7 =	vadd.f32 v4, v7;
	v4 =	vmul.f32 v4, v4;
	v8 =	vld.idx.msk [tilespmem:v8+s13+$0x0], $0xffff  }
0x6e: {  	v13 =	vld [tilespmem:s23+$0x0]  }
0x6f: {  	v4 =	vadd.f32 v4, v6;
	v6 =	vadd.f32 v5, v7;
	v5 =	vmul.f32 v5, v5;
	v7 =	vld.idx.msk [tilespmem:v9+s13+$0x0], $0xffff  }
0x70: {  	v9 =	vld [tilespmem:s23+$0x80]  }
0x71: {  	v4 =	vadd.f32 v5, v4;
	v5 =	vadd.f32 v10, v6;
	v6 =	vmul.f32 v10, v10;
	v10 =	vld.idx.msk [tilespmem:v11+s13+$0x0], $0xffff  }
0x72: {  	v1 =	vadd.f32 v14, v1;
	v15 =	vmul.f32 v14, v14;
	v11 =	vld [tilespmem:s23+$0x100]  }
0x73: {  	v4 =	vadd.f32 v6, v4;
	v5 =	vadd.f32 v8, v5;
	v6 =	vmul.f32 v8, v8;
	v8 =	vld.idx.msk [tilespmem:v12+s13+$0x0], $0xffff  }
0x74: {  	v0 =	vadd.f32 v15, v0;
	v12 =	vld [tilespmem:s23+$0x180]  }
0x75: {  	v15 =	vld [tilespmem:s23+$0x200];
	v4 =	vadd.f32 v6, v4;
	v5 =	vadd.f32 v7, v5;
	v6 =	vmul.f32 v7, v7  }
0x76: {  	s20 =	sadd.s32 $0x1, s20;
	v7 =	vld.idx.msk [tilespmem:v13+s13+$0x0], $0xffff  }
0x77: {  	s24 =	sand.u32 $0x7, s20;
	v13 =	vld [tilespmem:s23+$0x280];
	v4 =	vadd.f32 v6, v4;
	v5 =	vadd.f32 v10, v5;
	v6 =	vmul.f32 v10, v10  }
0x78: {  	s24 =	sshll.u32 s24, $0x4;
	v9 =	vld.idx.msk [tilespmem:v9+s13+$0x0], $0xffff  }
0x79: {  	s24 =	sadd.s32 s24, s19;
	v10 =	vld [tilespmem:s23+$0x300];
	v4 =	vadd.f32 v6, v4;
	v5 =	vadd.f32 v8, v5;
	v6 =	vmul.f32 v8, v8  }
0x7a: {  	s24 =	sor.u32 $0x380, s24;
	v8 =	vld.idx.msk [tilespmem:v11+s13+$0x0], $0xffff  }
0x7b: {  	v11 =	vld [tilespmem:s24+$0x0];
	v4 =	vadd.f32 v6, v4;
	v2 =	vadd.f32 v5, v2;
	v5 =	vmul.f32 v5, v14  }
0x7c: {  	v6 =	vadd.f32 $0.0e+00, v7;
	v7 =	vmul.f32 v7, v7;
	v12 =	vld.idx.msk [tilespmem:v12+s13+$0x0], $0xffff  }
0x7d: {  	v14 =	vld [tilespmem:s23+$0x4000];
	v3 =	vadd.f32 v5, v3  }
0x7e: {  	v4 =	vadd.f32 v7, v4;
	v5 =	vadd.f32 v9, v6;
	v6 =	vmul.f32 v9, v9;
	v7 =	vld.idx.msk [tilespmem:v15+s13+$0x0], $0xffff  }
0x7f: {  	v9 =	vld [tilespmem:s23+$0x4080]  }
0x80: {  	v4 =	vadd.f32 v6, v4;
	v5 =	vadd.f32 v8, v5;
	v6 =	vmul.f32 v8, v8;
	v8 =	vld.idx.msk [tilespmem:v13+s13+$0x0], $0xffff  }
0x81: {  	v13 =	vld [tilespmem:s23+$0x4100]  }
0x82: {  	v4 =	vadd.f32 v6, v4;
	v5 =	vadd.f32 v12, v5;
	v6 =	vmul.f32 v12, v12;
	v10 =	vld.idx.msk [tilespmem:v10+s13+$0x0], $0xffff  }
0x83: {  	v12 =	vld [tilespmem:s23+$0x4180]  }
0x84: {  	v4 =	vadd.f32 v6, v4;
	v5 =	vadd.f32 v7, v5;
	v6 =	vmul.f32 v7, v7;
	v7 =	vld.idx.msk [tilespmem:v11+s13+$0x0], $0xffff  }
0x85: {  	v11 =	vld [tilespmem:s23+$0x4200]  }
0x86: {  	v4 =	vadd.f32 v6, v4;
	v5 =	vadd.f32 v8, v5;
	v6 =	vmul.f32 v8, v8;
	v8 =	vld.idx.msk [tilespmem:v14+s13+$0x0], $0xffff  }
0x87: {  	v14 =	vld [tilespmem:s23+$0x4280]  }
0x88: {  	v4 =	vadd.f32 v6, v4;
	v5 =	vadd.f32 v10, v5;
	v6 =	vmul.f32 v10, v10;
	v9 =	vld.idx.msk [tilespmem:v9+s13+$0x0], $0xffff  }
0x89: {  	v15 =	vld [tilespmem:s23+$0x4300]  }
0x8a: {  	v4 =	vadd.f32 v6, v4;
	v5 =	vadd.f32 v7, v5;
	v6 =	vmul.f32 v7, v7;
	v7 =	vld.idx.msk [tilespmem:v13+s13+$0x0], $0xffff  }
0x8b: {  	v10 =	vld [tilespmem:s23+$0x4380]  }
0x8c: {  	v4 =	vadd.f32 v6, v4;
	v5 =	vadd.f32 v8, v5;
	v6 =	vmul.f32 v8, v8;
	v12 =	vld.idx.msk [tilespmem:v12+s13+$0x0], $0xffff  }
0x8d: {  	v8 =	vld [tilespmem:s23+$0x8000]  }
0x8e: {  	v4 =	vadd.f32 v6, v4;
	v5 =	vadd.f32 v9, v5;
	v13 =	vmul.f32 v9, v9;
	v6 =	vld.idx.msk [tilespmem:v11+s13+$0x0], $0xffff  }
.Ltmp0:
0x8f: {  	v9 =	vld [tilespmem:s23+$0x8080];
	(pc) =	sbr.rel @p0 .LBB2_3-.Ltmp0, $4  }
0x90: {  	v13 =	vadd.f32 v13, v4;
	v5 =	vadd.f32 v7, v5;
	v7 =	vmul.f32 v7, v7;
	v4 =	vld.idx.msk [tilespmem:v14+s13+$0x0], $0xffff  }
0x91: {  	v11 =	vld [tilespmem:s23+$0x8100]  }
0x92: {  	v13 =	vadd.f32 v7, v13;
	v7 =	vadd.f32 v12, v5;
	v14 =	vmul.f32 v12, v12;
	v5 =	vld.idx.msk [tilespmem:v15+s13+$0x0], $0xffff  }
0x93: {  	s22 =	sadd.s32 $0x10, s22;
	v12 =	vld [tilespmem:s23+$0x8180]  }
0x94: {  	_ =	sdelay $0x2  }
0x95: {  	s22 =	sadd.s32 $0x80, s19  }
0x96: {  	v10 =	vld.idx.msk [tilespmem:v10+s13+$0x0], $0xffff;
	s30 =	sand.u32 $0x70, s21;
	s31 =	sand.u32 $0x3C00, s22  }
0x97: {  	v8 =	vld.idx.msk [tilespmem:v8+s13+$0x0], $0xffff;
	s19 =	sor.u32 s30, s31  }
0x98: {  	v15 =	vld [tilespmem:s19+$0x0]  }
0x99: {  	v13 =	vadd.f32 v14, v13;
	v44 =	vmul.f32 v6, v6;
	v9 =	vld.idx.msk [tilespmem:v9+s13+$0x0], $0xffff  }
0x9a: {  	v16 =	vld [tilespmem:s19+$0x80]  }
0x9b: {  	v45 =	vmul.f32 v4, v4;
	v13 =	vadd.f32 v44, v13;
	v11 =	vld.idx.msk [tilespmem:v11+s13+$0x0], $0xffff  }
0x9c: {  	v17 =	vld [tilespmem:s19+$0x100]  }
0x9d: {  	v46 =	vmul.f32 v5, v5;
	v18 =	vld [tilespmem:s19+$0x180];
	v13 =	vadd.f32 v45, v13  }
0x9e: {  	v19 =	vld [tilespmem:s19+$0x200]  }
0x9f: {  	v20 =	vld [tilespmem:s19+$0x280];
	v47 =	vmul.f32 v10, v10;
	v13 =	vadd.f32 v46, v13  }
0xa0: {  	s20 =	sadd.s32 $0x1, s20;
	v15 =	vld.idx.msk [tilespmem:v15+s13+$0x0], $0xffff  }
0xa1: {  	s20 =	sand.u32 $0x7, s20;
	v12 =	vld.idx.msk [tilespmem:v12+s13+$0x0], $0xffff;
	v48 =	vmul.f32 v8, v8;
	v13 =	vadd.f32 v47, v13  }
0xa2: {  	s20 =	sshll.u32 s20, $0x4;
	v16 =	vld.idx.msk [tilespmem:v16+s13+$0x0], $0xffff  }
0xa3: {  	s20 =	sadd.s32 s20, s22;
	v21 =	vld [tilespmem:s19+$0x300];
	v49 =	vmul.f32 v9, v9;
	v13 =	vadd.f32 v48, v13  }
0xa4: {  	s20 =	sor.u32 $0x380, s20;
	v17 =	vld.idx.msk [tilespmem:v17+s13+$0x0], $0xffff  }
0xa5: {  	v22 =	vld [tilespmem:s20+$0x0];
	v50 =	vmul.f32 v11, v11;
	v13 =	vadd.f32 v49, v13;
	v23 =	vadd.f32 $0.0e+00, v15  }
0xa6: {  	v18 =	vld.idx.msk [tilespmem:v18+s13+$0x0], $0xffff  }
0xa7: {  	v24 =	vld [tilespmem:s19+$0x4000];
	v51 =	vmul.f32 v12, v12;
	v13 =	vadd.f32 v50, v13;
	v23 =	vadd.f32 v16, v23  }
0xa8: {  	v19 =	vld.idx.msk [tilespmem:v19+s13+$0x0], $0xffff  }
0xa9: {  	v53 =	vld [tilespmem:s19+$0x4080];
	v13 =	vadd.f32 v51, v13;
	v52 =	vmul.f32 v15, v15;
	v23 =	vadd.f32 v17, v23  }
0xaa: {  	v20 =	vld.idx.msk [tilespmem:v20+s13+$0x0], $0xffff  }
0xab: {  	v55 =	vld [tilespmem:s19+$0x4100];
	v54 =	vmul.f32 v16, v16;
	v13 =	vadd.f32 v52, v13;
	v23 =	vadd.f32 v18, v23  }
0xac: {  	v21 =	vld.idx.msk [tilespmem:v21+s13+$0x0], $0xffff  }
0xad: {  	v57 =	vld [tilespmem:s19+$0x4180];
	v56 =	vmul.f32 v17, v17;
	v13 =	vadd.f32 v54, v13;
	v23 =	vadd.f32 v19, v23  }
0xae: {  	v22 =	vld.idx.msk [tilespmem:v22+s13+$0x0], $0xffff  }
0xaf: {  	v59 =	vld [tilespmem:s19+$0x4200];
	v58 =	vmul.f32 v18, v18;
	v13 =	vadd.f32 v56, v13;
	v23 =	vadd.f32 v20, v23  }
0xb0: {  	v24 =	vld.idx.msk [tilespmem:v24+s13+$0x0], $0xffff  }
0xb1: {  	v61 =	vld [tilespmem:s19+$0x4280];
	v60 =	vmul.f32 v19, v19;
	v13 =	vadd.f32 v58, v13;
	v23 =	vadd.f32 v21, v23  }
0xb2: {  	v15 =	vld.idx.msk [tilespmem:v53+s13+$0x0], $0xffff  }
0xb3: {  	v63 =	vld [tilespmem:s19+$0x4300];
	v62 =	vmul.f32 v20, v20;
	v13 =	vadd.f32 v60, v13;
	v23 =	vadd.f32 v22, v23  }
0xb4: {  	v16 =	vld.idx.msk [tilespmem:v55+s13+$0x0], $0xffff  }
0xb5: {  	v29 =	vld [tilespmem:s19+$0x4380];
	v28 =	vmul.f32 v21, v21;
	v13 =	vadd.f32 v62, v13;
	v23 =	vadd.f32 v24, v23  }
0xb6: {  	v17 =	vld.idx.msk [tilespmem:v57+s13+$0x0], $0xffff  }
0xb7: {  	v31 =	vld [tilespmem:s19+$0x8000];
	v30 =	vmul.f32 v22, v22;
	v13 =	vadd.f32 v28, v13;
	v23 =	vadd.f32 v15, v23  }
0xb8: {  	v18 =	vld.idx.msk [tilespmem:v59+s13+$0x0], $0xffff  }
0xb9: {  	v33 =	vld [tilespmem:s19+$0x8080];
	v32 =	vmul.f32 v24, v24;
	v13 =	vadd.f32 v30, v13;
	v23 =	vadd.f32 v16, v23  }
0xba: {  	v34 =	vadd.f32 v6, v7;
	v35 =	vld.idx.msk [tilespmem:v61+s13+$0x0], $0xffff  }
0xbb: {  	v37 =	vld [tilespmem:s19+$0x8100];
	v36 =	vmul.f32 v15, v15;
	v13 =	vadd.f32 v32, v13;
	v38 =	vadd.f32 v17, v23  }
0xbc: {  	v39 =	vadd.f32 v4, v34;
	v40 =	vld.idx.msk [tilespmem:v63+s13+$0x0], $0xffff  }
0xbd: {  	v42 =	vld [tilespmem:s19+$0x8180];
	v41 =	vmul.f32 v16, v16;
	v13 =	vadd.f32 v36, v13;
	v19 =	vadd.f32 v18, v38  }
0xbe: {  	v4 =	vadd.f32 v5, v39;
	v43 =	vld.idx.msk [tilespmem:v29+s13+$0x0], $0xffff  }
0xbf: {  	v44 =	vmul.f32 v17, v17;
	v13 =	vadd.f32 v41, v13;
	v45 =	vadd.f32 v35, v19  }
0xc0: {  	v4 =	vadd.f32 v10, v4;
	v46 =	vld.idx.msk [tilespmem:v31+s13+$0x0], $0xffff  }
0xc1: {  	v47 =	vmul.f32 v18, v18;
	v13 =	vadd.f32 v44, v13;
	v17 =	vadd.f32 v40, v45  }
0xc2: {  	v4 =	vadd.f32 v8, v4;
	v48 =	vld.idx.msk [tilespmem:v33+s13+$0x0], $0xffff  }
0xc3: {  	v7 =	vmul.f32 v35, v35;
	v13 =	vadd.f32 v47, v13;
	v49 =	vadd.f32 v43, v17  }
0xc4: {  	s18 =	sadd.s32 $0x10, s18;
	v4 =	vadd.f32 v9, v4;
	v50 =	vld.idx.msk [tilespmem:v37+s13+$0x0], $0xffff  }
0xc5: {  	v51 =	vld [tilespmem:s18+$0x0];
	v6 =	vmul.f32 v40, v40;
	v7 =	vadd.f32 v7, v13;
	v14 =	vadd.f32 v46, v49  }
0xc6: {  	v4 =	vadd.f32 v11, v4;
	v52 =	vld.idx.msk [tilespmem:v42+s13+$0x0], $0xffff  }
0xc7: {  	s18 =	sadd.s32 $0x10, s18;
	v5 =	vmul.f32 v43, v43;
	v6 =	vadd.f32 v6, v7;
	v53 =	vadd.f32 v48, v14  }
0xc8: {  	v4 =	vadd.f32 v12, v4;
	v54 =	vld [tilespmem:s18+$0x0]  }
0xc9: {  	v55 =	vmul.f32 v46, v46;
	v5 =	vadd.f32 v5, v6;
	v7 =	vadd.f32 v50, v53  }
0xca: {  	v57 =	vmul.f32 v48, v48  }
0xcb: {  	v56 =	vmul.f32 v4, v51;
	v5 =	vadd.f32 v55, v5;
	v7 =	vadd.f32 v52, v7  }
0xcc: {  	v2 =	vadd.f32 v4, v2;
	v59 =	vmul.f32 v50, v50;
	v58 =	vmul.f32 v51, v51  }
0xcd: {  	v3 =	vadd.f32 v56, v3;
	v5 =	vadd.f32 v57, v5;
	v60 =	vmul.f32 v7, v54  }
0xce: {  	v1 =	vadd.f32 v51, v1;
	v61 =	vmul.f32 v54, v54;
	v0 =	vadd.f32 v58, v0  }
0xcf: {  	v62 =	vmul.f32 v52, v52;
	v5 =	vadd.f32 v59, v5;
	v3 =	vadd.f32 v60, v3  }
0xd0: {  	v1 =	vadd.f32 v54, v1;
	v0 =	vadd.f32 v61, v0  }
0xd1: {  	v63 =	vadd.f32 v62, v5;
	v3 =	vadd.f32 v3, v3  }
0xd2: {  	v1 =	vmul.f32 $2.000000000e+01, v1;
	v2 =	vadd.f32 v7, v2  }
0xd3: {  	v0 =	vmul.f32 $2.000000000e+01, v0;
	v3 =	vadd.f32 v3, v63  }
0xd4: {  	v1 =	vadd.f32 v1, v2  }
0xd5: {  	s16 =	sadd.s32 $0x1, s16;
	v0 =	vadd.f32 v0, v3  }
0xd6: {  	s17 =	sshll.u32 s17, $0x5;
	p0 =	sne.s32 s16, $0x10;
	[tilespmem:$0xD000] =	vst v1  }
.Ltmp1:
0xd7: {  	s17 =	sadd.s32 s17, s8;
	[tilespmem:$0xD080] =	vst v0;
	(pc) =	sbr.rel @p0 .LBB2_2-.Ltmp1, $4  }
0xd8: {  	[hbm4b:s17+s2] =	stream.linear.scatter [tilespmem:s14], [sflag:$0x1], $0x100, $0x38;
	[tilespmem:$0xD100] =	vst v63  }
0xd9: {  	_ =	swait.ge [sflag:s10], $0x100  }
0xda: {  	[sflag:s10] =	ssyncset.done $0x0  }
0xdb: {  	[sflag:s10] =	ssyncadd.s32 $0xFFFFFF00  }
0xdc: {  	s15 =	sadd.s32 $0x1, s15  }
0xdd: {  	p0 =	sne.s32 s15, s9  }
.Ltmp2:
0xde: {  	_ = 	snop;
	(pc) =	sbr.rel @p0 .LBB2_1-.Ltmp2, $1  }
0xdf: {  	_ =	sdelay $0x3  }
0xe0: {  	_ =	sfence.sel $0x180000  }
0xe1: {  	[bflag:$0x0] =	sbarrier.arrive $0xFFFF  }
0xe2: {  	p0 =	sne.s32 s1, $0x0;
	_ =	strace $0x90000047  }
0xe3: {  	s0 =	sadd.s32 @!p0 $0x100000, s0;
	[bflag:$0x2] =	sbarrier.arrive $0xFFFF  }
0xe4: {  	[sflag:s0] =	ssyncadd.tile.s32 @!p0 $0x1;
	_ =	shalt  }
.Lfunc_end2:
_tile_overlayer_lowered:
.L_overlay_start_2:
0xe5: {  	(tag) =	ssettag $0x2  }
0xe6: {  	s0 =	rddreg [dreg:$0x0];
	s2 =	stileid.u32  }
0xe7: {  	s1 =	rddreg [dreg:$0x1];
	p0 =	sne.s32 s2, $0x0  }
0xe8: {  	s3 =	rddreg [dreg:$0x2];
	[bflag:$0x3] =	sbarrier.arrive $0xFFFF;
	s2 =	simm.s32 @!p0 $0x1C01  }
0xe9: {  	[timem:s3], [sflag:s2] =	dma.local @!p0 [hbm:s0], s1  }
0xea: {  	s0 =	simm.s32 @!p0 $0x1  }
0xeb: {  	_ =	swait.ge @!p0 [sflag:s0], s1  }
0xec: {  	s1 =	ssub.s32 @!p0 $0x0, s1;
	[sflag:s0] =	ssyncset.done @!p0 $0x0  }
0xed: {  	[sflag:s0] =	ssyncadd.s32 @!p0 s1  }
0xee: {  	[bflag:$0x3] =	sbarrier.arrive $0xFFFF  }
0xef: {  	_ =	shalt  }

// kernel: kernel.8.cloned.1.call-start
scs
__scs_entry_jumppad:
0x0: {  	(pc) =	sbr.rel $0x88, $3  }
0x1: {  	(tag) =	ssettag $0x0;
	lr =	simm.s32 $0x1  }
0x2: {  	[smem:$0x3F9C] =	sst lr;
	_ =	strace $0xD0000000  }
0x3: {  	_ = 	snop  }
0x4: {  	_ = 	snop  }
0x5: {  	_ = 	snop  }
0x6: {  	_ = 	snop  }
0x7: {  	_ = 	snop  }
__scs_overlays_trampoline_lowered:
0x8: {  	[smem:$0x3FAB] =	sst s0  }
0x9: {  	[smem:$0x3FAC] =	sst s1  }
0xa: {  	[smem:$0x3FAD] =	sst s2  }
0xb: {  	[smem:$0x3FAE] =	sst s3  }
0xc: {  	[smem:$0x3FAF] =	sst s4  }
0xd: {  	[smem:$0x3FB0] =	sst s5  }
0xe: {  	[smem:$0x3FB1] =	sst s6  }
0xf: {  	[smem:$0x3FB2] =	sst s7  }
0x10: {  	[smem:$0x3FB3] =	sst s8  }
0x11: {  	[smem:$0x3FB4] =	sst s9;
	s0 =	simm.s32 @!p0 $0x0  }
0x12: {  	s1 =	sld [smem:$0x3F9A];
	s0 =	simm.s32 @p0 $0x1  }
0x13: {  	[smem:$0x3FB5] =	sst s0;
	s0 =	simm.s32 @!p1 $0x0  }
0x14: {  	s2 =	sld [smem:$0x3F99];
	s0 =	simm.s32 @p1 $0x1  }
0x15: {  	[smem:$0x3FB6] =	sst s0;
	s0 =	simm.s32 @!p2 $0x0  }
0x16: {  	s3 =	sld [smem:$0x3FDB];
	s0 =	simm.s32 @p2 $0x1  }
0x17: {  	s4 =	simm.s32 $0x1BF5;
	[smem:$0x3FB8] =	sst s0  }
0x18: {  	s0 =	sld [smem:$0x3F9B];
	_ =	swait.ge [sflag:s4], $0x0  }
0x19: {  	s7 =	sld [smem:$0x3F9C]  }
0x1a: {  	s8 =	sadd.s32 $0xFFFFE003, lr  }
0x1b: {  	s9 =	sadd.s32 $0xFFFFFEF7, lr;
	s5 =	simm.s32 $0xFFFFFFFF;
	p2 =	slt.u32 s8, $0xFFFFF086  }
0x1c: {  	p1 =	slt.u32 s9, $0xF7A;
	s5 =	simm.s32 @!p2 $0x0  }
0x1d: {  	s5 =	simm.s32 @p1 $0x1;
	p0 =	seq.s32 s7, s2  }
0x1e: {  	s7 =	smul.u32 @!p0 $0xF7A, s2;
	p2 =	seq.s32 @!p0 s5, $0x0  }
0x1f: {  	s9 =	smul.u32 $0xF7A, s1;
	s8 =	simm.s32 @!p0 $0x1BF5;
	p2 =	por !p2, p0  }
0x20: {  	[sflag:s8] =	ssyncset.s32 @!p0 $0xFFFFF086;
	s6 =	sadd.s32 @!p0 s3, s7;
	s7 =	simm.s32 @!p0 $0x108  }
0x21: {  	s3 =	sadd.s32 s3, s9;
	s6 =	sadd.s32 @!p0 $0x88, s6;
	s7 =	simm.s32 @p2 $0x1082  }
0x22: {  	[simem:s7], [sflag:s8] =	dma.local @!p0 [hbm:s6], $0xF7A  }
0x23: {  	s9 =	sor.u32 $0xD0000000, s2;
	s6 =	simm.s32 $0x108;
	_ =	swait.ge @!p0 [sflag:s8], $0x0  }
0x24: {  	s3 =	sadd.s32 $0x88, s3;
	s6 =	simm.s32 @!p1 $0x1082;
	[sflag:s4] =	ssyncset.s32 $0xFFFFF086  }
0x25: {  	[simem:s6], [sflag:s4] =	dma.local [hbm:s3], $0xF7A  }
0x26: {  	[smem:$0x3F9C] =	sst s1;
	(tag) =	ssettag s2;
	_ =	strace s9  }
0x27: {  	s1 =	sld [smem:$0x3FAC]  }
0x28: {  	s2 =	sld [smem:$0x3FAD]  }
0x29: {  	s4 =	sld [smem:$0x3FAF]  }
0x2a: {  	p0 =	seq.s32 s5, $0x0;
	s5 =	sld [smem:$0x3FB0]  }
0x2b: {  	s6 =	sld [smem:$0x3FB1]  }
0x2c: {  	s7 =	sld [smem:$0x3FB2]  }
0x2d: {  	s3 =	simm.s32 $0x108;
	s8 =	sld [smem:$0x3FB3]  }
0x2e: {  	s3 =	simm.s32 @!p0 $0x1082;
	s9 =	sld [smem:$0x3FB4]  }
0x2f: {  	lr =	sadd.s32 s0, s3;
	s0 =	sld [smem:$0x3FAB]  }
0x30: {  	s3 =	sld [smem:$0x3FAE]  }
0x31: {  	[smem:$0x3FB7] =	sst s10  }
0x32: {  	s10 =	sld [smem:$0x3FB5];
	_ =	sdelay $0x3  }
0x33: {  	p0 =	seq.s32 s10, $0x1;
	s10 =	sld [smem:$0x3FB7];
	_ =	sdelay $0x3  }
0x34: {  	[smem:$0x3FB7] =	sst s10  }
0x35: {  	s10 =	sld [smem:$0x3FB6];
	_ =	sdelay $0x3  }
0x36: {  	p1 =	seq.s32 s10, $0x1;
	s10 =	sld [smem:$0x3FB7];
	_ =	sdelay $0x3  }
0x37: {  	[smem:$0x3FB7] =	sst s10  }
0x38: {  	s10 =	sld [smem:$0x3FB8]  }
0x39: {  	_ = 	snop;
	(pc) =	sbr.ind lr, $3  }
0x3a: {  	_ = 	snop  }
0x3b: {  	_ = 	snop  }
0x3c: {  	p2 =	seq.s32 s10, $0x1;
	s10 =	sld [smem:$0x3FB7]  }
0x3d: {  	_ =	shalt  }
0x3e: {  	_ =	shalt  }
0x3f: {  	_ =	shalt  }
0x40: {  	_ =	shalt  }
0x41: {  	_ =	shalt  }
0x42: {  	_ =	shalt  }
0x43: {  	_ =	shalt  }
0x44: {  	_ =	shalt  }
0x45: {  	_ =	shalt  }
0x46: {  	_ =	shalt  }
0x47: {  	_ =	shalt  }
0x48: {  	_ =	shalt  }
0x49: {  	_ =	shalt  }
0x4a: {  	_ =	shalt  }
0x4b: {  	_ =	shalt  }
0x4c: {  	_ =	shalt  }
0x4d: {  	_ =	shalt  }
0x4e: {  	_ =	shalt  }
0x4f: {  	_ =	shalt  }
0x50: {  	_ =	shalt  }
0x51: {  	_ =	shalt  }
0x52: {  	_ =	shalt  }
0x53: {  	_ =	shalt  }
0x54: {  	_ =	shalt  }
0x55: {  	_ =	shalt  }
0x56: {  	_ =	shalt  }
0x57: {  	_ =	shalt  }
0x58: {  	_ =	shalt  }
0x59: {  	_ =	shalt  }
0x5a: {  	_ =	shalt  }
0x5b: {  	_ =	shalt  }
0x5c: {  	_ =	shalt  }
0x5d: {  	_ =	shalt  }
0x5e: {  	_ =	shalt  }
0x5f: {  	_ =	shalt  }
0x60: {  	_ =	shalt  }
0x61: {  	_ =	shalt  }
0x62: {  	_ =	shalt  }
0x63: {  	_ =	shalt  }
0x64: {  	_ =	shalt  }
0x65: {  	_ =	shalt  }
0x66: {  	_ =	shalt  }
0x67: {  	_ =	shalt  }
0x68: {  	_ =	shalt  }
0x69: {  	_ =	shalt  }
0x6a: {  	_ =	shalt  }
0x6b: {  	_ =	shalt  }
0x6c: {  	_ =	shalt  }
0x6d: {  	_ =	shalt  }
0x6e: {  	_ =	shalt  }
0x6f: {  	_ =	shalt  }
0x70: {  	_ =	shalt  }
0x71: {  	_ =	shalt  }
0x72: {  	_ =	shalt  }
0x73: {  	_ =	shalt  }
0x74: {  	_ =	shalt  }
0x75: {  	_ =	shalt  }
0x76: {  	_ =	shalt  }
0x77: {  	_ =	shalt  }
0x78: {  	_ =	shalt  }
0x79: {  	_ =	shalt  }
0x7a: {  	_ =	shalt  }
0x7b: {  	_ =	shalt  }
0x7c: {  	_ =	shalt  }
0x7d: {  	_ =	shalt  }
0x7e: {  	_ =	shalt  }
0x7f: {  	_ =	shalt  }
0x80: {  	_ =	shalt  }
0x81: {  	_ =	shalt  }
0x82: {  	_ =	shalt  }
0x83: {  	_ =	shalt  }
0x84: {  	_ =	shalt  }
0x85: {  	_ =	shalt  }
0x86: {  	_ =	shalt  }
0x87: {  	_ =	shalt  }
.Lfunc_end0:
.L_simem_size_0:
called_computation.2_lowered:
.L_overlay_start_0:
0x88: {  	s2 =	sld [smem:$0x3FD9]  }
0x89: {  	s3 =	sld [smem:$0x3FFE];
	_ =	sdelay $0x1  }
0x8a: {  	s1 =	srdreg.scid  }
0x8b: {  	s0 =	sand.u32 $0x1, s1  }
0x8c: {  	s17 =	sshll.u32 s0, $0xA;
	s2 =	sadd.s32 s3, s2  }
0x8d: {  	s2 =	sadd.s32 s2, s17  }
0x8e: {  	[smem:$0x3FC3] =	sst s2  }
0x8f: {  	_ = 	snop  }
0x90: {  	s2 =	sld [smem:$0x3FD0];
	(tm) =	ssettm $0x1  }
0x91: {  	s18 =	sld [smem:$0x3FFB];
	_ =	sdelay $0x3  }
0x92: {  	_ =	strace s18  }
0x93: {  	s3 =	sld [smem:$0x3FFC];
	_ =	sdelay $0x3  }
0x94: {  	_ =	strace s3  }
0x95: {  	s3 =	sld [smem:$0x3FFD];
	_ =	sdelay $0x3  }
0x96: {  	_ =	strace s3  }
0x97: {  	_ =	strace $0x8FFFFFFF  }
0x98: {  	s19 =	sld [smem:$0x3FDB];
	_ =	sdelay $0x1  }
0x99: {  	s4 =	simm.s32 $_scs_section_size  }
0x9a: {  	s5 =	simm.s32 $_size__tile_overlayer_lowered;
	s6 =	simm.s32 $_tile_overlayer_lowered  }
0x9b: {  	s22 =	simm.s32 $0x1BFF;
	s21 =	sshll.u32 s6, $0x1;
	s3 =	sadd.s32 s4, s19  }
0x9c: {  	s7 =	simm.s32 $0x0;
	s20 =	sshll.u32 s5, $0x1;
	s5 =	sadd.s32 s21, s3  }
0x9d: {  	[timem:s7], [sflag:s22] =	dma.local [hbm:s5], s20  }
0x9e: {  	_ =	swait.ge [sflag:s22], s20  }
0x9f: {  	s4 =	ssub.s32 $0x0, s20;
	[sflag:s22] =	ssyncset.done $0x0  }
0xa0: {  	[sflag:s22] =	ssyncadd.s32 s4;
	_ =	sdelay $0x1  }
0xa1: {  	s23 =	simm.s32 $0x1B8B  }
0xa2: {  	_ =	swait.ge [sflag:s23], $0x1  }
0xa3: {  	[sflag:s23] =	ssyncset.done $0x0  }
0xa4: {  	s25 =	simm.s32 $0x1B8E;
	s24 =	sld [smem:$0x3FFE];
	[sflag:s23] =	ssyncadd.s32 $0xFFFFFFFF  }
0xa5: {  	s26 =	simm.s32 $execute0_lowered;
	[smem:$0x3FD2] =	sst s25  }
0xa6: {  	s5 =	sshll.u32 s26, $0x1;
	_ =	strace $0x80000049;
	[dreg:$0x1] =	wrdreg $0xFFFFFFFF  }
0xa7: {  	s28 =	simm.s32 $_size_execute0_lowered;
	s3 =	sadd.s32 s3, s5;
	[dreg:$0x0] =	wrdreg $0x0  }
0xa8: {  	s5 =	sshll.u32 s28, $0x1;
	[dreg:$0x2] =	wrdreg s3  }
0xa9: {  	[dreg:$0x3] =	wrdreg s5  }
0xaa: {  	[dreg:$0x4] =	wrdreg $0xC0  }
0xab: {  	_ =	task [dreg:s7], $0x5FFFF  }
0xac: {  	[dreg:$0x1] =	wrdreg $0xFFFFFFFF  }
0xad: {  	[dreg:$0x0] =	wrdreg $0x60  }
0xae: {  	[dreg:$0x2] =	wrdreg s24  }
0xaf: {  	[dreg:$0x3] =	wrdreg s2  }
0xb0: {  	[dreg:$0x4] =	wrdreg $0x9  }
0xb1: {  	_ =	task.clear_ibuf [dreg:s7], $0x5FFFF;
	_ =	strace $0x90000049  }
0xb2: {  	s29 =	simm.s32 $0x9;
	_ =	strace $0x8000004B  }
0xb3: {  	_ =	swait.ge [sflag:s29], $0x1  }
0xb4: {  	[sflag:s29] =	ssyncadd.s32 $0xFFFFFFFF  }
0xb5: {  	_ =	strace $0x9000004B  }
0xb6: {  	_ =	sfence  }
0xb7: {  	s30 =	sld [smem:$0x0];
	_ =	sdelay $0x2  }
0xb8: {  	s31 =	sshll.u32 s1, $0xD;
	s1 =	sshrl.u32 s1, $0x2  }
0xb9: {  	s3 =	sand.u32 $0x4000, s31;
	s1 =	sadd.s32 s1, s30  }
0xba: {  	s0 =	sor.u32 s3, s0;
	s1 =	sshll.u32 s1, $0x11  }
0xbb: {  	s0 =	sor.u32 s1, s0  }
0xbc: {  	s0 =	sadd.s32 $0x8F2B, s0  }
0xbd: {  	[sflag:s0] =	ssyncadd.remote.s32 $0x1  }
0xbe: {  	_ =	sfence.sel $0xFFFF  }
0xbf: {  	[dreg:$0x0] =	wrdreg $0xFFFFFFFF;
	(pc) =	sbr.abs _section_cstart, $3  }
0xc0: {  	[dreg:$0x1] =	wrdreg $0xFFFFFFFF  }
0xc1: {  	_ =	task.clear_ibuf [dreg:s7], $0x2FFFF;
	_ =	strace $0x9FFFFFFF  }
0xc2: {  	(tm) =	ssettm $0x7FFFFFFF  }
0xc3: {  	_ =	shalt  }
tec
execute0_lowered:
.L_overlay_start_1:
0x0: {  	(tag) =	ssettag $0x1  }
0x1: {  	s0 =	rddreg [dreg:$0x0]  }
0x2: {  	s1 =	simm.s32 $0x0;
	s4 =	stileid.u32;
	s2 =	srdreg.scid  }
0x3: {  	s16 =	simm.s32 $0xC000;
	s18 =	simm.s32 $0xD000;
	[smem:$0x7FF] =	sst s1  }
0x4: {  	s25 =	sadd.s32 $0x1800, s0;
	s26 =	sshrl.u32 s4, $0x1;
	s2 =	sand.u32 $0x1, s2  }
0x5: {  	s5 =	sadd.s32 $0x21800, s0;
	_ =	strace $0x8000004A;
	[dreg:$0x3] =	wrdreg s25  }
0x6: {  	s4 =	sshll.u32 s4, $0x1;
	s3 =	smul.u32 $0x1800, s26;
	[dreg:$0x4] =	wrdreg s5  }
0x7: {  	s4 =	sand.u32 $0x2, s4;
	s31 =	sshll.u32 s26, $0x11;
	s1 =	smul.u32 $0x280000, s26  }
0x8: {  	s28 =	ssub.s32 $0x2, s2;
	s2 =	sor.u32 s2, s4;
	[dreg:$0x8] =	wrdreg s31  }
0x9: {  	s3 =	sadd.s32 s3, s0;
	s0 =	sadd.s32 $0x4D800, s0;
	[dreg:$0x9] =	wrdreg s1  }
0xa: {  	s6 =	sshrl.u32 s28, $0x1;
	s2 =	sshll.u32 s2, $0x4;
	[dreg:$0x5] =	wrdreg s0  }
0xb: {  	v0 =	vlaneseq.u32;
	s29 =	ssub.s32 s28, s6;
	[dreg:$0x6] =	wrdreg s2;
	s30 =	sadd.s32 $0x41800, s3  }
0xc: {  	v0 =	vmul.u32 $0x14, v0;
	s5 =	simm.s32 $0x400;
	s0 =	smax.u32 s29, $0x1;
	[dreg:$0x7] =	wrdreg s30  }
0xd: {  	s4 =	simm.s32 $0x80;
	s2 =	simm.s32 $0x0;
	[dreg:$0xa] =	wrdreg s0  }
.LBB2_1:
0xe: {  	[dreg:$0xb] =	wrdreg s2  }
0xf: {  	s0 =	simm.s32 $0x0;
	s1 =	rddreg [dreg:$0x7];
	s30 =	simm.s32 $0x3  }
0x10: {  	[tilespmem:s0], [sflag:$0x3] =	stream.linear.gather [hbm4b:s1+s0], $0xC000, $0x38;
	[tilespmem:$0x17080] =	vst v63  }
0x11: {  	_ =	swait.ge [sflag:s30], $0xC000  }
0x12: {  	[sflag:s30] =	ssyncset.done $0x0  }
0x13: {  	s3 =	simm.s32 $0x17000;
	s31 =	rddreg [dreg:$0x5];
	[sflag:s30] =	ssyncadd.s32 $0xFFFF4000  }
0x14: {  	[tilespmem:s3], [sflag:$0x3] =	stream.linear.gather [hbm4b:s31+s0], $0x80, $0x38;
	[tilespmem:$0x17080] =	vst v63  }
0x15: {  	_ =	swait.ge [sflag:s30], $0x80  }
0x16: {  	[sflag:s30] =	ssyncset.done $0x0  }
0x17: {  	s6 =	simm.s32 $0x0;
	[sflag:s30] =	ssyncadd.s32 $0xFFFFFF80  }
.LBB2_2:
0x18: {  	s0 =	rddreg [dreg:$0x6]  }
0x19: {  	s0 =	sadd.s32 s0, s6  }
0x1a: {  	s25 =	rddreg [dreg:$0x8];
	s2 =	sshrl.u32 s0, $0x3  }
0x1b: {  	s1 =	sshll.u32 s6, $0x7;
	[dreg:$0xe] =	wrdreg s2;
	s2 =	sshll.u32 s2, $0xE  }
0x1c: {  	s3 =	sand.u32 $0x380, s1;
	s1 =	sadd.s32 s25, s2  }
0x1d: {  	s1 =	sor.u32 s3, s1  }
0x1e: {  	s26 =	rddreg [dreg:$0x3];
	s1 =	sshrl.u32 s1, $0x3  }
0x1f: {  	s28 =	simm.s32 $0x3;
	[dreg:$0xd] =	wrdreg s3;
	s2 =	sadd.s32 s26, s1  }
0x20: {  	[tilespmem:s16], [sflag:$0x3] =	stream.strided.gather [hbm4b:s2+s4], $0x800, s5, s4, $0x38;
	[tilespmem:$0x17080] =	vst v63  }
0x21: {  	_ =	swait.ge [sflag:s28], $0x800  }
0x22: {  	[sflag:s28] =	ssyncset.done $0x0;
	s29 =	rddreg [dreg:$0x4]  }
0x23: {  	s30 =	simm.s32 $0xC800;
	v1 =	vmov s0;
	[sflag:s28] =	ssyncadd.s32 $0xFFFFF800;
	s1 =	sadd.s32 s29, s1  }
0x24: {  	[tilespmem:s30], [sflag:$0x3] =	stream.strided.gather [hbm4b:s1+s4], $0x800, s5, s4, $0x38;
	[tilespmem:$0x17080] =	vst v63  }
0x25: {  	s0 =	sor.u32 $0x40, s0;
	_ =	swait.ge [sflag:s28], $0x800  }
0x26: {  	v2 =	vmov s0;
	[sflag:s28] =	ssyncset.done $0x0  }
0x27: {  	s31 =	simm.s32 $0x17000;
	[sflag:s28] =	ssyncadd.s32 $0xFFFFF800  }
0x28: {  	s0 =	simm.s32 $0x0;
	v1 =	vld.idx.msk [tilespmem:v1+s31+$0x0], $0xffff  }
0x29: {  	v3 =	vld [tilespmem:s0+$0xC800]  }
0x2a: {  	v4 =	vld [tilespmem:s0+$0xC000]  }
0x2b: {  	v2 =	vld.idx.msk [tilespmem:v2+s31+$0x0], $0xffff  }
0x2c: {  	s1 =	simm.s32 $0x40  }
.LBB2_3:
0x2d: {  	p0 =	sne.s32 s1, $0x1FC0  }
.Ltmp0:
0x2e: {  	s2 =	sshra.s32 s1, $0x2;
	s1 =	sadd.s32 $0x40, s1;
	v5 =	vmul.f32 v3, v1;
	(pc) =	sbr.rel @p0 .LBB2_3-.Ltmp0, $4  }
0x2f: {  	v3 =	vld [tilespmem:s2+$0xC800];
	v6 =	vmul.f32 v4, v1  }
0x30: {  	v4 =	vld [tilespmem:s2+$0xC000];
	v5 =	vadd.f32 v5, v2  }
0x31: {  	[tilespmem:s0+$0xC000] =	vst v6  }
0x32: {  	[tilespmem:s0+$0xC800] =	vst v5;
	s0 =	smov.u32 s2  }
0x33: {  	_ =	sdelay $0x1  }
0x34: {  	v3 =	vmul.f32 v3, v1;
	v1 =	vmul.f32 v4, v1;
	_ =	sdelay $0x1  }
0x35: {  	v2 =	vadd.f32 v3, v2;
	[tilespmem:s0+$0xC000] =	vst v1  }
0x36: {  	p0 =	seq.s32 s6, $0x0;
	[dreg:$0xc] =	wrdreg s6  }
0x37: {  	s1 =	simm.s32 @!p0 $0x1;
	[tilespmem:s0+$0xC800] =	vst v2  }
0x38: {  	s0 =	simm.s32 $0x0;
	_ =	swait.ge @!p0 [sflag:s1], $0x5000  }
0x39: {  	s2 =	sand.u32 $0x70, s0;
	s3 =	sand.u32 $0x1C00, s0;
	[sflag:s1] =	ssyncset.done @!p0 $0x0  }
0x3a: {  	s4 =	sor.u32 s2, s3;
	[sflag:s1] =	ssyncadd.s32 @!p0 $0xFFFFB000  }
0x3b: {  	v1 =	vld [tilespmem:s4+$0x0];
	_ =	sdelay $0x5  }
0x3c: {  	s17 =	simm.s32 $0xC800  }
0x3d: {  	v8 =	vld [tilespmem:s17+$0x0]  }
0x3e: {  	v1 =	vld.idx.msk [tilespmem:v1+s16+$0x0], $0xffff;
	_ =	sdelay $0x1  }
0x3f: {  	s19 =	simm.s32 $0x0  }
0x40: {  	v2 =	vadd.s32 s19, v0;
	_ =	sdelay $0x1  }
0x41: {  	v1 =	vadd.f32 v1, v8;
	_ =	sdelay $0x1  }
0x42: {  	v1 =	vmax.f32 v1, $0.0e+00  }
0x43: {  	[tilespmem:v2+s18+$0x0] =	vst.idx.msk $0xffff, v1  }
0x44: {  	v1 =	vld [tilespmem:s4+$0x80];
	_ =	sdelay $0x7  }
0x45: {  	v1 =	vld.idx.msk [tilespmem:v1+s16+$0x0], $0xffff;
	_ =	sdelay $0x1  }
0x46: {  	s20 =	simm.s32 $0x1  }
0x47: {  	v2 =	vadd.s32 s20, v0;
	_ =	sdelay $0x1  }
0x48: {  	v1 =	vadd.f32 v1, v8;
	_ =	sdelay $0x1  }
0x49: {  	v1 =	vmax.f32 v1, $0.0e+00  }
0x4a: {  	[tilespmem:v2+s18+$0x0] =	vst.idx.msk $0xffff, v1  }
0x4b: {  	v1 =	vld [tilespmem:s4+$0x100];
	_ =	sdelay $0x1  }
0x4c: {  	s6 =	simm.s32 $0x10;
	s2 =	simm.s32 $0x80  }
0x4d: {  	s21 =	sand.u32 $0x70, s6;
	s22 =	sand.u32 $0x1C00, s2  }
0x4e: {  	s26 =	sor.u32 s21, s22  }
0x4f: {  	v2 =	vld [tilespmem:s26+$0x0];
	_ =	sdelay $0x2  }
0x50: {  	v1 =	vld.idx.msk [tilespmem:v1+s16+$0x0], $0xffff;
	_ =	sdelay $0x1  }
0x51: {  	s23 =	simm.s32 $0x2  }
0x52: {  	v3 =	vadd.s32 s23, v0;
	_ =	sdelay $0x1  }
0x53: {  	s24 =	simm.s32 $0xC810;
	v2 =	vld.idx.msk [tilespmem:v2+s16+$0x0], $0xffff;
	v4 =	vadd.f32 v1, v8  }
0x54: {  	v1 =	vld [tilespmem:s24+$0x0]  }
0x55: {  	v4 =	vmax.f32 v4, $0.0e+00  }
0x56: {  	s25 =	simm.s32 $0x140;
	[tilespmem:v3+s18+$0x0] =	vst.idx.msk $0xffff, v4  }
0x57: {  	v4 =	vadd.s32 s25, v0;
	v3 =	vld [tilespmem:s4+$0x180];
	_ =	sdelay $0x1  }
0x58: {  	v2 =	vadd.f32 v2, v1;
	_ =	sdelay $0x1  }
0x59: {  	v2 =	vmax.f32 v2, $0.0e+00  }
0x5a: {  	[tilespmem:v4+s18+$0x0] =	vst.idx.msk $0xffff, v2  }
0x5b: {  	v2 =	vld [tilespmem:s26+$0x80];
	_ =	sdelay $0x1  }
0x5c: {  	v3 =	vld.idx.msk [tilespmem:v3+s16+$0x0], $0xffff;
	_ =	sdelay $0x1  }
0x5d: {  	s3 =	simm.s32 $0x3  }
0x5e: {  	v4 =	vadd.s32 s3, v0;
	_ =	sdelay $0x1  }
0x5f: {  	v3 =	vadd.f32 v3, v8  }
0x60: {  	v2 =	vld.idx.msk [tilespmem:v2+s16+$0x0], $0xffff  }
0x61: {  	v3 =	vmax.f32 v3, $0.0e+00  }
0x62: {  	s5 =	simm.s32 $0x141;
	[tilespmem:v4+s18+$0x0] =	vst.idx.msk $0xffff, v3  }
0x63: {  	v4 =	vadd.s32 s5, v0;
	v3 =	vld [tilespmem:s4+$0x200];
	_ =	sdelay $0x1  }
0x64: {  	v2 =	vadd.f32 v2, v1;
	_ =	sdelay $0x1  }
0x65: {  	v2 =	vmax.f32 v2, $0.0e+00  }
0x66: {  	[tilespmem:v4+s18+$0x0] =	vst.idx.msk $0xffff, v2  }
0x67: {  	v2 =	vld [tilespmem:s26+$0x100];
	_ =	sdelay $0x1  }
0x68: {  	v3 =	vld.idx.msk [tilespmem:v3+s16+$0x0], $0xffff  }
0x69: {  	s7 =	simm.s32 $0x4;
	s3 =	simm.s32 $0x100;
	s5 =	simm.s32 $0x20  }
0x6a: {  	s8 =	sand.u32 $0x70, s5;
	v4 =	vadd.s32 s7, v0;
	s7 =	sand.u32 $0x1C00, s3  }
0x6b: {  	s28 =	sor.u32 s8, s7  }
0x6c: {  	v5 =	vld [tilespmem:s28+$0x0]  }
0x6d: {  	v3 =	vadd.f32 v3, v8  }
0x6e: {  	v2 =	vld.idx.msk [tilespmem:v2+s16+$0x0], $0xffff  }
0x6f: {  	v3 =	vmax.f32 v3, $0.0e+00  }
0x70: {  	s9 =	simm.s32 $0x142;
	[tilespmem:v4+s18+$0x0] =	vst.idx.msk $0xffff, v3  }
0x71: {  	v4 =	vadd.s32 s9, v0;
	v3 =	vld [tilespmem:s4+$0x280];
	_ =	sdelay $0x1  }
0x72: {  	v6 =	vadd.f32 v2, v1  }
0x73: {  	s10 =	simm.s32 $0xC820;
	v5 =	vld.idx.msk [tilespmem:v5+s16+$0x0], $0xffff  }
0x74: {  	v2 =	vld [tilespmem:s10+$0x0];
	v6 =	vmax.f32 v6, $0.0e+00  }
0x75: {  	[tilespmem:v4+s18+$0x0] =	vst.idx.msk $0xffff, v6  }
0x76: {  	s11 =	simm.s32 $0x280;
	v4 =	vld [tilespmem:s26+$0x180]  }
0x77: {  	v6 =	vadd.s32 s11, v0  }
0x78: {  	v3 =	vld.idx.msk [tilespmem:v3+s16+$0x0], $0xffff  }
0x79: {  	v5 =	vadd.f32 v5, v2  }
0x7a: {  	s12 =	simm.s32 $0x5  }
0x7b: {  	v7 =	vadd.s32 s12, v0;
	v5 =	vmax.f32 v5, $0.0e+00  }
0x7c: {  	[tilespmem:v6+s18+$0x0] =	vst.idx.msk $0xffff, v5  }
0x7d: {  	v5 =	vld [tilespmem:s28+$0x80];
	v3 =	vadd.f32 v3, v8  }
0x7e: {  	v4 =	vld.idx.msk [tilespmem:v4+s16+$0x0], $0xffff  }
0x7f: {  	v3 =	vmax.f32 v3, $0.0e+00  }
0x80: {  	s13 =	simm.s32 $0x143;
	[tilespmem:v7+s18+$0x0] =	vst.idx.msk $0xffff, v3  }
0x81: {  	v6 =	vadd.s32 s13, v0;
	v3 =	vld [tilespmem:s4+$0x300];
	_ =	sdelay $0x1  }
0x82: {  	v4 =	vadd.f32 v4, v1;
	_ =	sdelay $0x1  }
0x83: {  	v5 =	vld.idx.msk [tilespmem:v5+s16+$0x0], $0xffff;
	v4 =	vmax.f32 v4, $0.0e+00  }
0x84: {  	[tilespmem:v6+s18+$0x0] =	vst.idx.msk $0xffff, v4  }
0x85: {  	s14 =	simm.s32 $0x281;
	v4 =	vld [tilespmem:s26+$0x200]  }
0x86: {  	v6 =	vadd.s32 s14, v0  }
0x87: {  	v3 =	vld.idx.msk [tilespmem:v3+s16+$0x0], $0xffff  }
0x88: {  	v5 =	vadd.f32 v5, v2  }
0x89: {  	s15 =	simm.s32 $0x6  }
0x8a: {  	v7 =	vadd.s32 s15, v0;
	v5 =	vmax.f32 v5, $0.0e+00  }
0x8b: {  	[tilespmem:v6+s18+$0x0] =	vst.idx.msk $0xffff, v5  }
0x8c: {  	v5 =	vld [tilespmem:s28+$0x100];
	v3 =	vadd.f32 v3, v8  }
0x8d: {  	v4 =	vld.idx.msk [tilespmem:v4+s16+$0x0], $0xffff  }
0x8e: {  	s0 =	sor.u32 s0, s0;
	v3 =	vmax.f32 v3, $0.0e+00  }
0x8f: {  	s0 =	sor.u32 $0x380, s0;
	s17 =	simm.s32 $0x144;
	[tilespmem:v7+s18+$0x0] =	vst.idx.msk $0xffff, v3  }
0x90: {  	s1 =	simm.s32 $0x30;
	v6 =	vadd.s32 s17, v0;
	v3 =	vld [tilespmem:s0+$0x0];
	s0 =	simm.s32 $0x180  }
0x91: {  	s19 =	sand.u32 $0x70, s1;
	s8 =	sand.u32 $0x1C00, s0  }
0x92: {  	v4 =	vadd.f32 v4, v1;
	s29 =	sor.u32 s19, s8  }
0x93: {  	v7 =	vld [tilespmem:s29+$0x0]  }
0x94: {  	v5 =	vld.idx.msk [tilespmem:v5+s16+$0x0], $0xffff;
	v4 =	vmax.f32 v4, $0.0e+00  }
0x95: {  	[tilespmem:v6+s18+$0x0] =	vst.idx.msk $0xffff, v4  }
0x96: {  	s20 =	simm.s32 $0x282;
	v4 =	vld [tilespmem:s26+$0x280]  }
0x97: {  	v6 =	vadd.s32 s20, v0  }
0x98: {  	v9 =	vld.idx.msk [tilespmem:v3+s16+$0x0], $0xffff  }
0x99: {  	s21 =	simm.s32 $0xC830;
	v5 =	vadd.f32 v5, v2  }
0x9a: {  	s22 =	simm.s32 $0x7;
	v3 =	vld [tilespmem:s21+$0x0]  }
0x9b: {  	v10 =	vadd.s32 s22, v0;
	v5 =	vmax.f32 v5, $0.0e+00;
	v7 =	vld.idx.msk [tilespmem:v7+s16+$0x0], $0xffff  }
0x9c: {  	[tilespmem:v6+s18+$0x0] =	vst.idx.msk $0xffff, v5  }
0x9d: {  	s23 =	simm.s32 $0x3C0;
	v6 =	vld [tilespmem:s28+$0x180];
	v5 =	vadd.f32 v9, v8  }
0x9e: {  	v9 =	vadd.s32 s23, v0;
	v4 =	vld.idx.msk [tilespmem:v4+s16+$0x0], $0xffff  }
0x9f: {  	v5 =	vmax.f32 v5, $0.0e+00  }
0xa0: {  	s24 =	simm.s32 $0x145;
	[tilespmem:v10+s18+$0x0] =	vst.idx.msk $0xffff, v5;
	v5 =	vadd.f32 v7, v3  }
0xa1: {  	v10 =	vadd.s32 s24, v0;
	v7 =	vld [tilespmem:s4+$0x4000]  }
0xa2: {  	v5 =	vmax.f32 v5, $0.0e+00  }
0xa3: {  	v4 =	vadd.f32 v4, v1;
	[tilespmem:v9+s18+$0x0] =	vst.idx.msk $0xffff, v5  }
0xa4: {  	v5 =	vld [tilespmem:s29+$0x80]  }
0xa5: {  	v6 =	vld.idx.msk [tilespmem:v6+s16+$0x0], $0xffff;
	v4 =	vmax.f32 v4, $0.0e+00  }
0xa6: {  	[tilespmem:v10+s18+$0x0] =	vst.idx.msk $0xffff, v4  }
0xa7: {  	s25 =	simm.s32 $0x283;
	v4 =	vld [tilespmem:s26+$0x300]  }
0xa8: {  	v9 =	vadd.s32 s25, v0  }
0xa9: {  	v7 =	vld.idx.msk [tilespmem:v7+s16+$0x0], $0xffff  }
0xaa: {  	v6 =	vadd.f32 v6, v2  }
0xab: {  	s8 =	simm.s32 $0x8  }
0xac: {  	v10 =	vadd.s32 s8, v0;
	v6 =	vmax.f32 v6, $0.0e+00;
	v5 =	vld.idx.msk [tilespmem:v5+s16+$0x0], $0xffff  }
0xad: {  	[tilespmem:v9+s18+$0x0] =	vst.idx.msk $0xffff, v6  }
0xae: {  	s9 =	simm.s32 $0x3C1;
	v6 =	vadd.f32 v7, v8;
	v7 =	vld [tilespmem:s28+$0x200]  }
0xaf: {  	v9 =	vadd.s32 s9, v0;
	v4 =	vld.idx.msk [tilespmem:v4+s16+$0x0], $0xffff  }
0xb0: {  	s2 =	sor.u32 s2, s6;
	s6 =	simm.s32 $0x40;
	v6 =	vmax.f32 v6, $0.0e+00  }
0xb1: {  	s10 =	simm.s32 $0x146;
	s11 =	sor.u32 $0x380, s2;
	s2 =	simm.s32 $0x200;
	[tilespmem:v10+s18+$0x0] =	vst.idx.msk $0xffff, v6;
	v5 =	vadd.f32 v5, v3  }
0xb2: {  	s12 =	sand.u32 $0x70, s6;
	s13 =	sand.u32 $0x1C00, s2;
	v10 =	vadd.s32 s10, v0;
	v6 =	vld [tilespmem:s4+$0x4080]  }
0xb3: {  	s30 =	sor.u32 s12, s13;
	v5 =	vmax.f32 v5, $0.0e+00  }
0xb4: {  	v11 =	vld [tilespmem:s30+$0x0];
	v4 =	vadd.f32 v4, v1;
	[tilespmem:v9+s18+$0x0] =	vst.idx.msk $0xffff, v5  }
0xb5: {  	v5 =	vld [tilespmem:s29+$0x100]  }
0xb6: {  	v4 =	vmax.f32 v4, $0.0e+00;
	v7 =	vld.idx.msk [tilespmem:v7+s16+$0x0], $0xffff  }
0xb7: {  	[tilespmem:v10+s18+$0x0] =	vst.idx.msk $0xffff, v4  }
0xb8: {  	s9 =	simm.s32 $0x284;
	v9 =	vld [tilespmem:s11+$0x0]  }
0xb9: {  	v10 =	vadd.s32 s9, v0  }
0xba: {  	v6 =	vld.idx.msk [tilespmem:v6+s16+$0x0], $0xffff  }
0xbb: {  	v7 =	vadd.f32 v7, v2  }
0xbc: {  	s14 =	simm.s32 $0x9  }
0xbd: {  	v11 =	vld.idx.msk [tilespmem:v11+s16+$0x0], $0xffff;
	v12 =	vadd.s32 s14, v0;
	v7 =	vmax.f32 v7, $0.0e+00  }
0xbe: {  	v5 =	vld.idx.msk [tilespmem:v5+s16+$0x0], $0xffff;
	[tilespmem:v10+s18+$0x0] =	vst.idx.msk $0xffff, v7  }
0xbf: {  	v6 =	vadd.f32 v6, v8;
	v7 =	vld [tilespmem:s28+$0x280]  }
0xc0: {  	s15 =	simm.s32 $0xC840;
	s17 =	simm.s32 $0x3C2;
	v9 =	vld.idx.msk [tilespmem:v9+s16+$0x0], $0xffff  }
0xc1: {  	v4 =	vld [tilespmem:s15+$0x0];
	v10 =	vadd.s32 s17, v0;
	v6 =	vmax.f32 v6, $0.0e+00  }
0xc2: {  	s19 =	simm.s32 $0x147;
	[tilespmem:v12+s18+$0x0] =	vst.idx.msk $0xffff, v6  }
0xc3: {  	s20 =	simm.s32 $0x500;
	v5 =	vadd.f32 v5, v3;
	v12 =	vadd.s32 s19, v0;
	v6 =	vld [tilespmem:s4+$0x4100]  }
0xc4: {  	v13 =	vadd.s32 s20, v0  }
0xc5: {  	v5 =	vmax.f32 v5, $0.0e+00;
	v9 =	vadd.f32 v9, v1  }
0xc6: {  	[tilespmem:v10+s18+$0x0] =	vst.idx.msk $0xffff, v5;
	v10 =	vadd.f32 v11, v4  }
0xc7: {  	v5 =	vld [tilespmem:s29+$0x180];
	v9 =	vmax.f32 v9, $0.0e+00  }
0xc8: {  	v7 =	vld.idx.msk [tilespmem:v7+s16+$0x0], $0xffff;
	[tilespmem:v12+s18+$0x0] =	vst.idx.msk $0xffff, v9;
	v10 =	vmax.f32 v10, $0.0e+00  }
0xc9: {  	v9 =	vld [tilespmem:s26+$0x4000];
	[tilespmem:v13+s18+$0x0] =	vst.idx.msk $0xffff, v10  }
0xca: {  	s21 =	simm.s32 $0x285;
	v11 =	vld [tilespmem:s30+$0x80]  }
0xcb: {  	v10 =	vadd.s32 s21, v0;
	v6 =	vld.idx.msk [tilespmem:v6+s16+$0x0], $0xffff;
	_ =	sdelay $0x1  }
0xcc: {  	s22 =	simm.s32 $0xA;
	v7 =	vadd.f32 v7, v2  }
0xcd: {  	v12 =	vadd.s32 s22, v0  }
0xce: {  	v5 =	vld.idx.msk [tilespmem:v5+s16+$0x0], $0xffff;
	v7 =	vmax.f32 v7, $0.0e+00  }
0xcf: {  	[tilespmem:v10+s18+$0x0] =	vst.idx.msk $0xffff, v7;
	v6 =	vadd.f32 v6, v8  }
0xd0: {  	s23 =	simm.s32 $0x3C3;
	v7 =	vld [tilespmem:s28+$0x300]  }
0xd1: {  	v10 =	vadd.s32 s23, v0;
	v9 =	vld.idx.msk [tilespmem:v9+s16+$0x0], $0xffff;
	v6 =	vmax.f32 v6, $0.0e+00  }
0xd2: {  	v11 =	vld.idx.msk [tilespmem:v11+s16+$0x0], $0xffff;
	[tilespmem:v12+s18+$0x0] =	vst.idx.msk $0xffff, v6  }
0xd3: {  	s24 =	simm.s32 $0x148;
	v5 =	vadd.f32 v5, v3;
	v6 =	vld [tilespmem:s4+$0x4180]  }
0xd4: {  	v12 =	vadd.s32 s24, v0  }
0xd5: {  	s25 =	simm.s32 $0x501;
	v5 =	vmax.f32 v5, $0.0e+00  }
0xd6: {  	[tilespmem:v10+s18+$0x0] =	vst.idx.msk $0xffff, v5;
	v5 =	vadd.f32 v9, v1;
	v9 =	vadd.s32 s25, v0;
	_ =	sdelay $0x1  }
0xd7: {  	v11 =	vadd.f32 v11, v4;
	v10 =	vld [tilespmem:s29+$0x200];
	v5 =	vmax.f32 v5, $0.0e+00  }
0xd8: {  	v7 =	vld.idx.msk [tilespmem:v7+s16+$0x0], $0xffff;
	[tilespmem:v12+s18+$0x0] =	vst.idx.msk $0xffff, v5  }
0xd9: {  	v11 =	vmax.f32 v11, $0.0e+00;
	v5 =	vld [tilespmem:s26+$0x4080]  }
0xda: {  	s3 =	sor.u32 s3, s5;
	s8 =	simm.s32 $0x286;
	[tilespmem:v9+s18+$0x0] =	vst.idx.msk $0xffff, v11;
	v6 =	vld.idx.msk [tilespmem:v6+s16+$0x0], $0xffff  }
0xdb: {  	s5 =	simm.s32 $0x50;
	s10 =	sor.u32 $0x380, s3;
	s3 =	simm.s32 $0x280;
	v12 =	vadd.s32 s8, v0;
	v9 =	vld [tilespmem:s30+$0x100]  }
0xdc: {  	s12 =	sand.u32 $0x1C00, s3;
	s11 =	sand.u32 $0x70, s5  }
0xdd: {  	s9 =	simm.s32 $0xB;
	s31 =	sor.u32 s11, s12;
	v7 =	vadd.f32 v7, v2  }
0xde: {  	v14 =	vld [tilespmem:s31+$0x0];
	v11 =	vadd.s32 s9, v0  }
0xdf: {  	v7 =	vmax.f32 v7, $0.0e+00;
	v10 =	vld.idx.msk [tilespmem:v10+s16+$0x0], $0xffff  }
0xe0: {  	[tilespmem:v12+s18+$0x0] =	vst.idx.msk $0xffff, v7;
	v6 =	vadd.f32 v6, v8  }
0xe1: {  	s13 =	simm.s32 $0x3C4;
	v7 =	vld [tilespmem:s10+$0x0]  }
0xe2: {  	v13 =	vadd.s32 s13, v0;
	v12 =	vld.idx.msk [tilespmem:v5+s16+$0x0], $0xffff;
	v5 =	vmax.f32 v6, $0.0e+00  }
0xe3: {  	v6 =	vld.idx.msk [tilespmem:v9+s16+$0x0], $0xffff;
	[tilespmem:v11+s18+$0x0] =	vst.idx.msk $0xffff, v5  }
0xe4: {  	s14 =	simm.s32 $0x149;
	v5 =	vadd.f32 v10, v3;
	v9 =	vld [tilespmem:s4+$0x4200]  }
0xe5: {  	v10 =	vadd.s32 s14, v0  }
0xe6: {  	s17 =	simm.s32 $0x502;
	v11 =	vmax.f32 v5, $0.0e+00  }
0xe7: {  	v14 =	vld.idx.msk [tilespmem:v14+s16+$0x0], $0xffff;
	[tilespmem:v13+s18+$0x0] =	vst.idx.msk $0xffff, v11;
	v11 =	vadd.s32 s17, v0;
	v12 =	vadd.f32 v12, v1  }
0xe8: {  	v13 =	vld [tilespmem:s29+$0x280]  }
0xe9: {  	s15 =	simm.s32 $0xC850;
	v7 =	vld.idx.msk [tilespmem:v7+s16+$0x0], $0xffff;
	v6 =	vadd.f32 v6, v4;
	v12 =	vmax.f32 v12, $0.0e+00  }
0xea: {  	v5 =	vld [tilespmem:s15+$0x0];
	[tilespmem:v10+s18+$0x0] =	vst.idx.msk $0xffff, v12  }
0xeb: {  	s19 =	simm.s32 $0x287;
	v6 =	vmax.f32 v6, $0.0e+00;
	v10 =	vld [tilespmem:s26+$0x4100]  }
0xec: {  	v12 =	vadd.s32 s19, v0;
	[tilespmem:v11+s18+$0x0] =	vst.idx.msk $0xffff, v6;
	v6 =	vld.idx.msk [tilespmem:v9+s16+$0x0], $0xffff  }
0xed: {  	s20 =	simm.s32 $0x640;
	v9 =	vld [tilespmem:s30+$0x180]  }
0xee: {  	v11 =	vadd.s32 s20, v0;
	v7 =	vadd.f32 v7, v2  }
0xef: {  	s21 =	simm.s32 $0xC  }
0xf0: {  	v15 =	vadd.s32 s21, v0;
	v14 =	vadd.f32 v14, v5;
	v7 =	vmax.f32 v7, $0.0e+00  }
0xf1: {  	v13 =	vld.idx.msk [tilespmem:v13+s16+$0x0], $0xffff;
	[tilespmem:v12+s18+$0x0] =	vst.idx.msk $0xffff, v7  }
0xf2: {  	v12 =	vmax.f32 v14, $0.0e+00;
	v7 =	vld [tilespmem:s28+$0x4000];
	v6 =	vadd.f32 v6, v8  }
0xf3: {  	s22 =	simm.s32 $0x3C5;
	[tilespmem:v11+s18+$0x0] =	vst.idx.msk $0xffff, v12;
	v10 =	vld.idx.msk [tilespmem:v10+s16+$0x0], $0xffff  }
0xf4: {  	v11 =	vadd.s32 s22, v0;
	v12 =	vld [tilespmem:s31+$0x80];
	v6 =	vmax.f32 v6, $0.0e+00  }
0xf5: {  	v9 =	vld.idx.msk [tilespmem:v9+s16+$0x0], $0xffff;
	[tilespmem:v15+s18+$0x0] =	vst.idx.msk $0xffff, v6  }
0xf6: {  	s23 =	simm.s32 $0x14A;
	v6 =	vadd.f32 v13, v3;
	v13 =	vld [tilespmem:s4+$0x4280]  }
0xf7: {  	v14 =	vadd.s32 s23, v0  }
0xf8: {  	s24 =	simm.s32 $0x503;
	v6 =	vmax.f32 v6, $0.0e+00  }
0xf9: {  	[tilespmem:v11+s18+$0x0] =	vst.idx.msk $0xffff, v6;
	v6 =	vadd.s32 s24, v0;
	v10 =	vadd.f32 v10, v1  }
0xfa: {  	v11 =	vld [tilespmem:s29+$0x300]  }
0xfb: {  	v7 =	vld.idx.msk [tilespmem:v7+s16+$0x0], $0xffff;
	v9 =	vadd.f32 v9, v4;
	v10 =	vmax.f32 v10, $0.0e+00  }
0xfc: {  	v12 =	vld.idx.msk [tilespmem:v12+s16+$0x0], $0xffff;
	[tilespmem:v14+s18+$0x0] =	vst.idx.msk $0xffff, v10  }
0xfd: {  	s25 =	simm.s32 $0x288;
	v9 =	vmax.f32 v9, $0.0e+00;
	v10 =	vld [tilespmem:s26+$0x4180]  }
0xfe: {  	v14 =	vadd.s32 s25, v0;
	[tilespmem:v6+s18+$0x0] =	vst.idx.msk $0xffff, v9;
	v6 =	vld.idx.msk [tilespmem:v13+s16+$0x0], $0xffff  }
0xff: {  	s8 =	simm.s32 $0x641;
	v9 =	vld [tilespmem:s30+$0x200]  }
0x100: {  	v13 =	vadd.s32 s8, v0;
	v7 =	vadd.f32 v7, v2  }
0x101: {  	s9 =	simm.s32 $0xD  }
0x102: {  	v15 =	vadd.s32 s9, v0;
	v12 =	vadd.f32 v12, v5;
	v11 =	vld.idx.msk [tilespmem:v11+s16+$0x0], $0xffff;
	v7 =	vmax.f32 v7, $0.0e+00  }
0x103: {  	[tilespmem:v14+s18+$0x0] =	vst.idx.msk $0xffff, v7  }
0x104: {  	s10 =	simm.s32 $0x3C6;
	v12 =	vmax.f32 v12, $0.0e+00;
	v7 =	vld [tilespmem:s28+$0x4080];
	v6 =	vadd.f32 v6, v8  }
0x105: {  	v14 =	vadd.s32 s10, v0;
	[tilespmem:v13+s18+$0x0] =	vst.idx.msk $0xffff, v12;
	v10 =	vld.idx.msk [tilespmem:v10+s16+$0x0], $0xffff  }
0x106: {  	v12 =	vld [tilespmem:s31+$0x100];
	v6 =	vmax.f32 v6, $0.0e+00  }
0x107: {  	v11 =	vadd.f32 v11, v3;
	v9 =	vld.idx.msk [tilespmem:v9+s16+$0x0], $0xffff;
	[tilespmem:v15+s18+$0x0] =	vst.idx.msk $0xffff, v6  }
0x108: {  	s11 =	simm.s32 $0x14B;
	v6 =	vld [tilespmem:s4+$0x4300]  }
0x109: {  	s7 =	simm.s32 $0x60;
	s0 =	sor.u32 s0, s1;
	v13 =	vadd.s32 s11, v0;
	v11 =	vmax.f32 v11, $0.0e+00  }
0x10a: {  	s1 =	simm.s32 $0x300;
	s0 =	sor.u32 $0x380, s0;
	s12 =	simm.s32 $0x504;
	[tilespmem:v14+s18+$0x0] =	vst.idx.msk $0xffff, v11  }
0x10b: {  	s13 =	sand.u32 $0x70, s7;
	s14 =	sand.u32 $0x1C00, s1;
	v14 =	vadd.s32 s12, v0;
	v10 =	vadd.f32 v10, v1;
	v11 =	vld [tilespmem:s0+$0x0]  }
0x10c: {  	s0 =	sor.u32 s13, s14;
	v7 =	vld.idx.msk [tilespmem:v7+s16+$0x0], $0xffff  }
0x10d: {  	v15 =	vld [tilespmem:s0+$0x0];
	v9 =	vadd.f32 v9, v4;
	v10 =	vmax.f32 v10, $0.0e+00  }
0x10e: {  	v12 =	vld.idx.msk [tilespmem:v12+s16+$0x0], $0xffff;
	[tilespmem:v13+s18+$0x0] =	vst.idx.msk $0xffff, v10  }
0x10f: {  	s15 =	simm.s32 $0x289;
	v9 =	vmax.f32 v9, $0.0e+00;
	v10 =	vld [tilespmem:s26+$0x4200]  }
0x110: {  	[tilespmem:v14+s18+$0x0] =	vst.idx.msk $0xffff, v9;
	v9 =	vadd.s32 s15, v0;
	v13 =	vld.idx.msk [tilespmem:v6+s16+$0x0], $0xffff  }
0x111: {  	s17 =	simm.s32 $0x642;
	v14 =	vld [tilespmem:s30+$0x280]  }
0x112: {  	v16 =	vadd.s32 s17, v0;
	s19 =	simm.s32 $0xC860;
	v7 =	vadd.f32 v7, v2  }
0x113: {  	s20 =	simm.s32 $0xE;
	v6 =	vld [tilespmem:s19+$0x0]  }
0x114: {  	v17 =	vadd.s32 s20, v0;
	v12 =	vadd.f32 v12, v5;
	v11 =	vld.idx.msk [tilespmem:v11+s16+$0x0], $0xffff;
	v7 =	vmax.f32 v7, $0.0e+00  }
0x115: {  	v15 =	vld.idx.msk [tilespmem:v15+s16+$0x0], $0xffff;
	[tilespmem:v9+s18+$0x0] =	vst.idx.msk $0xffff, v7  }
0x116: {  	s21 =	simm.s32 $0x3C7;
	v7 =	vmax.f32 v12, $0.0e+00;
	v9 =	vld [tilespmem:s28+$0x4100];
	v12 =	vadd.f32 v13, v8  }
0x117: {  	v13 =	vadd.s32 s21, v0;
	[tilespmem:v16+s18+$0x0] =	vst.idx.msk $0xffff, v7;
	v7 =	vld.idx.msk [tilespmem:v10+s16+$0x0], $0xffff  }
0x118: {  	s22 =	simm.s32 $0x780;
	v10 =	vld [tilespmem:s31+$0x180];
	v12 =	vmax.f32 v12, $0.0e+00  }
0x119: {  	v16 =	vadd.s32 s22, v0;
	v11 =	vadd.f32 v11, v3;
	v14 =	vld.idx.msk [tilespmem:v14+s16+$0x0], $0xffff;
	[tilespmem:v17+s18+$0x0] =	vst.idx.msk $0xffff, v12  }
0x11a: {  	s23 =	simm.s32 $0x14C;
	v12 =	vld [tilespmem:s4+$0x4380]  }
0x11b: {  	v17 =	vadd.s32 s23, v0;
	v15 =	vadd.f32 v15, v6;
	v11 =	vmax.f32 v11, $0.0e+00  }
0x11c: {  	s24 =	simm.s32 $0x505;
	[tilespmem:v13+s18+$0x0] =	vst.idx.msk $0xffff, v11  }
0x11d: {  	v13 =	vmax.f32 v15, $0.0e+00;
	v15 =	vadd.s32 s24, v0;
	v7 =	vadd.f32 v7, v1;
	v11 =	vld [tilespmem:s29+$0x4000]  }
0x11e: {  	[tilespmem:v16+s18+$0x0] =	vst.idx.msk $0xffff, v13;
	v9 =	vld.idx.msk [tilespmem:v9+s16+$0x0], $0xffff  }
0x11f: {  	v13 =	vld [tilespmem:s0+$0x80];
	v14 =	vadd.f32 v14, v4;
	v7 =	vmax.f32 v7, $0.0e+00  }
0x120: {  	v10 =	vld.idx.msk [tilespmem:v10+s16+$0x0], $0xffff;
	[tilespmem:v17+s18+$0x0] =	vst.idx.msk $0xffff, v7  }
0x121: {  	s25 =	simm.s32 $0x28A;
	v7 =	vmax.f32 v14, $0.0e+00;
	v14 =	vld [tilespmem:s26+$0x4280]  }
0x122: {  	[tilespmem:v15+s18+$0x0] =	vst.idx.msk $0xffff, v7;
	v7 =	vadd.s32 s25, v0;
	v12 =	vld.idx.msk [tilespmem:v12+s16+$0x0], $0xffff  }
0x123: {  	s9 =	simm.s32 $0x643;
	v15 =	vld [tilespmem:s30+$0x300]  }
0x124: {  	v16 =	vadd.s32 s9, v0;
	v9 =	vadd.f32 v9, v2  }
0x125: {  	s10 =	simm.s32 $0xF  }
0x126: {  	v17 =	vadd.s32 s10, v0;
	v10 =	vadd.f32 v10, v5;
	v11 =	vld.idx.msk [tilespmem:v11+s16+$0x0], $0xffff;
	v9 =	vmax.f32 v9, $0.0e+00  }
0x127: {  	v13 =	vld.idx.msk [tilespmem:v13+s16+$0x0], $0xffff;
	[tilespmem:v7+s18+$0x0] =	vst.idx.msk $0xffff, v9  }
0x128: {  	s11 =	simm.s32 $0x3C8;
	v7 =	vmax.f32 v10, $0.0e+00;
	v9 =	vld [tilespmem:s28+$0x4180];
	v10 =	vadd.f32 v12, v8  }
0x129: {  	v12 =	vadd.s32 s11, v0;
	[tilespmem:v16+s18+$0x0] =	vst.idx.msk $0xffff, v7;
	v7 =	vld.idx.msk [tilespmem:v14+s16+$0x0], $0xffff  }
0x12a: {  	s12 =	simm.s32 $0x781;
	v14 =	vld [tilespmem:s31+$0x200];
	v10 =	vmax.f32 v10, $0.0e+00  }
0x12b: {  	v16 =	vadd.s32 s12, v0;
	v11 =	vadd.f32 v11, v3;
	v15 =	vld.idx.msk [tilespmem:v15+s16+$0x0], $0xffff;
	[tilespmem:v17+s18+$0x0] =	vst.idx.msk $0xffff, v10  }
0x12c: {  	s13 =	simm.s32 $0x14D;
	v10 =	vld [tilespmem:s4+$0x8000]  }
0x12d: {  	v17 =	vadd.s32 s13, v0;
	v13 =	vadd.f32 v13, v6;
	v11 =	vmax.f32 v11, $0.0e+00  }
0x12e: {  	s14 =	simm.s32 $0x506;
	[tilespmem:v12+s18+$0x0] =	vst.idx.msk $0xffff, v11  }
0x12f: {  	v12 =	vmax.f32 v13, $0.0e+00;
	v13 =	vadd.s32 s14, v0;
	v7 =	vadd.f32 v7, v1;
	v11 =	vld [tilespmem:s29+$0x4080]  }
0x130: {  	[tilespmem:v16+s18+$0x0] =	vst.idx.msk $0xffff, v12;
	v9 =	vld.idx.msk [tilespmem:v9+s16+$0x0], $0xffff  }
0x131: {  	v12 =	vld [tilespmem:s0+$0x100];
	v15 =	vadd.f32 v15, v4;
	v7 =	vmax.f32 v7, $0.0e+00  }
0x132: {  	v14 =	vld.idx.msk [tilespmem:v14+s16+$0x0], $0xffff;
	[tilespmem:v17+s18+$0x0] =	vst.idx.msk $0xffff, v7  }
0x133: {  	s2 =	sor.u32 s2, s6;
	s15 =	simm.s32 $0x28B;
	v7 =	vmax.f32 v15, $0.0e+00;
	v15 =	vld [tilespmem:s26+$0x4300]  }
0x134: {  	s2 =	sor.u32 $0x380, s2;
	s9 =	simm.s32 $0x380;
	s10 =	simm.s32 $0x70;
	[tilespmem:v13+s18+$0x0] =	vst.idx.msk $0xffff, v7;
	v7 =	vadd.s32 s15, v0;
	v10 =	vld.idx.msk [tilespmem:v10+s16+$0x0], $0xffff  }
0x135: {  	s17 =	simm.s32 $0x644;
	s20 =	sand.u32 $0x1C00, s9;
	s19 =	sand.u32 $0x70, s10;
	v13 =	vld [tilespmem:s2+$0x0]  }
0x136: {  	v16 =	vadd.s32 s17, v0;
	s2 =	sor.u32 s19, s20;
	v9 =	vadd.f32 v9, v2  }
0x137: {  	s21 =	simm.s32 $0x10;
	v17 =	vld [tilespmem:s2+$0x0]  }
0x138: {  	v18 =	vadd.s32 s21, v0;
	v14 =	vadd.f32 v14, v5;
	v11 =	vld.idx.msk [tilespmem:v11+s16+$0x0], $0xffff;
	v9 =	vmax.f32 v9, $0.0e+00  }
0x139: {  	v12 =	vld.idx.msk [tilespmem:v12+s16+$0x0], $0xffff;
	[tilespmem:v7+s18+$0x0] =	vst.idx.msk $0xffff, v9  }
0x13a: {  	s22 =	simm.s32 $0x3C9;
	v7 =	vmax.f32 v14, $0.0e+00;
	v9 =	vld [tilespmem:s28+$0x4200];
	v10 =	vadd.f32 v10, v8  }
0x13b: {  	v14 =	vadd.s32 s22, v0;
	[tilespmem:v16+s18+$0x0] =	vst.idx.msk $0xffff, v7;
	v15 =	vld.idx.msk [tilespmem:v15+s16+$0x0], $0xffff  }
0x13c: {  	s23 =	simm.s32 $0x782;
	v16 =	vld [tilespmem:s31+$0x280];
	v7 =	vmax.f32 v10, $0.0e+00  }
0x13d: {  	v10 =	vadd.s32 s23, v0;
	v13 =	vld.idx.msk [tilespmem:v13+s16+$0x0], $0xffff;
	v11 =	vadd.f32 v11, v3;
	[tilespmem:v18+s18+$0x0] =	vst.idx.msk $0xffff, v7  }
0x13e: {  	s24 =	simm.s32 $0xC870;
	s25 =	simm.s32 $0x14E;
	v18 =	vld [tilespmem:s4+$0x8080]  }
0x13f: {  	v19 =	vadd.s32 s25, v0;
	v7 =	vld [tilespmem:s24+$0x0];
	v12 =	vadd.f32 v12, v6;
	v11 =	vmax.f32 v11, $0.0e+00  }
0x140: {  	s11 =	simm.s32 $0x507;
	v17 =	vld.idx.msk [tilespmem:v17+s16+$0x0], $0xffff;
	[tilespmem:v14+s18+$0x0] =	vst.idx.msk $0xffff, v11  }
0x141: {  	v11 =	vmax.f32 v12, $0.0e+00;
	v12 =	vadd.s32 s11, v0;
	v15 =	vadd.f32 v15, v1;
	v14 =	vld [tilespmem:s29+$0x4100]  }
0x142: {  	s12 =	simm.s32 $0x8C0;
	[tilespmem:v10+s18+$0x0] =	vst.idx.msk $0xffff, v11;
	v9 =	vld.idx.msk [tilespmem:v9+s16+$0x0], $0xffff  }
0x143: {  	v10 =	vld [tilespmem:s0+$0x180];
	v11 =	vadd.f32 v13, v4;
	v13 =	vmax.f32 v15, $0.0e+00;
	v15 =	vadd.s32 s12, v0  }
0x144: {  	v16 =	vld.idx.msk [tilespmem:v16+s16+$0x0], $0xffff;
	[tilespmem:v19+s18+$0x0] =	vst.idx.msk $0xffff, v13  }
0x145: {  	s13 =	simm.s32 $0x28C;
	v17 =	vadd.f32 v17, v7;
	v11 =	vmax.f32 v11, $0.0e+00;
	v13 =	vld [tilespmem:s26+$0x4380]  }
0x146: {  	[tilespmem:v12+s18+$0x0] =	vst.idx.msk $0xffff, v11;
	v11 =	vadd.s32 s13, v0;
	v12 =	vld.idx.msk [tilespmem:v18+s16+$0x0], $0xffff  }
0x147: {  	s14 =	simm.s32 $0x645;
	v17 =	vmax.f32 v17, $0.0e+00;
	v18 =	vld [tilespmem:s30+$0x4000]  }
0x148: {  	v19 =	vadd.s32 s14, v0;
	v9 =	vadd.f32 v9, v2;
	[tilespmem:v15+s18+$0x0] =	vst.idx.msk $0xffff, v17  }
0x149: {  	s15 =	simm.s32 $0x11;
	v15 =	vld [tilespmem:s2+$0x80]  }
0x14a: {  	v17 =	vadd.s32 s15, v0;
	v16 =	vadd.f32 v16, v5;
	v14 =	vld.idx.msk [tilespmem:v14+s16+$0x0], $0xffff;
	v9 =	vmax.f32 v9, $0.0e+00  }
0x14b: {  	v10 =	vld.idx.msk [tilespmem:v10+s16+$0x0], $0xffff;
	[tilespmem:v11+s18+$0x0] =	vst.idx.msk $0xffff, v9  }
0x14c: {  	s17 =	simm.s32 $0x3CA;
	v9 =	vmax.f32 v16, $0.0e+00;
	v11 =	vld [tilespmem:s28+$0x4280];
	v12 =	vadd.f32 v12, v8  }
0x14d: {  	[tilespmem:v19+s18+$0x0] =	vst.idx.msk $0xffff, v9;
	v9 =	vadd.s32 s17, v0;
	v13 =	vld.idx.msk [tilespmem:v13+s16+$0x0], $0xffff  }
0x14e: {  	s19 =	simm.s32 $0x783;
	v16 =	vld [tilespmem:s31+$0x300];
	v12 =	vmax.f32 v12, $0.0e+00  }
0x14f: {  	v19 =	vadd.s32 s19, v0;
	v18 =	vld.idx.msk [tilespmem:v18+s16+$0x0], $0xffff;
	v14 =	vadd.f32 v14, v3;
	[tilespmem:v17+s18+$0x0] =	vst.idx.msk $0xffff, v12  }
0x150: {  	s20 =	simm.s32 $0x14F;
	v12 =	vld [tilespmem:s4+$0x8100]  }
0x151: {  	v17 =	vadd.s32 s20, v0;
	v10 =	vadd.f32 v10, v6;
	v14 =	vmax.f32 v14, $0.0e+00  }
0x152: {  	s21 =	simm.s32 $0x508;
	v15 =	vld.idx.msk [tilespmem:v15+s16+$0x0], $0xffff;
	[tilespmem:v9+s18+$0x0] =	vst.idx.msk $0xffff, v14  }
0x153: {  	v9 =	vmax.f32 v10, $0.0e+00;
	v10 =	vadd.s32 s21, v0;
	v13 =	vadd.f32 v13, v1;
	v14 =	vld [tilespmem:s29+$0x4180]  }
0x154: {  	[tilespmem:v19+s18+$0x0] =	vst.idx.msk $0xffff, v9;
	v11 =	vld.idx.msk [tilespmem:v11+s16+$0x0], $0xffff  }
0x155: {  	s22 =	simm.s32 $0x8C1;
	v19 =	vld [tilespmem:s0+$0x200];
	v9 =	vadd.f32 v18, v4;
	v13 =	vmax.f32 v13, $0.0e+00  }
0x156: {  	v18 =	vadd.s32 s22, v0;
	v16 =	vld.idx.msk [tilespmem:v16+s16+$0x0], $0xffff;
	[tilespmem:v17+s18+$0x0] =	vst.idx.msk $0xffff, v13  }
0x157: {  	s23 =	simm.s32 $0x28D;
	v9 =	vmax.f32 v9, $0.0e+00;
	v13 =	vld [tilespmem:s26+$0x8000]  }
0x158: {  	v15 =	vadd.f32 v15, v7;
	[tilespmem:v10+s18+$0x0] =	vst.idx.msk $0xffff, v9;
	v10 =	vadd.s32 s23, v0;
	v17 =	vld.idx.msk [tilespmem:v12+s16+$0x0], $0xffff  }
0x159: {  	s24 =	simm.s32 $0x646  }
0x15a: {  	s25 =	simm.s32 $0x12;
	v21 =	vadd.s32 s24, v0;
	v20 =	vld [tilespmem:s30+$0x4080];
	v12 =	vmax.f32 v15, $0.0e+00;
	v11 =	vadd.f32 v11, v2  }
0x15b: {  	s12 =	simm.s32 $0xC880;
	[tilespmem:v18+s18+$0x0] =	vst.idx.msk $0xffff, v12;
	v18 =	vadd.s32 s25, v0;
	v22 =	vld.idx.msk [tilespmem:v14+s16+$0x0], $0xffff;
	v14 =	vadd.f32 v16, v5  }
0x15c: {  	v9 =	vld [tilespmem:s12+$0x0];
	v11 =	vmax.f32 v11, $0.0e+00  }
0x15d: {  	s6 =	simm.s32 $0x793;
	s5 =	sor.u32 s3, s5;
	s3 =	simm.s32 $0xA13;
	v12 =	vld [tilespmem:s2+$0x100];
	[tilespmem:v10+s18+$0x0] =	vst.idx.msk $0xffff, v11;
	v10 =	vmax.f32 v14, $0.0e+00;
	v14 =	vadd.f32 v17, v8  }
0x15e: {  	s5 =	sor.u32 $0x380, s5;
	s8 =	simm.s32 $0x513;
	s14 =	simm.s32 $0x80;
	v15 =	vld.idx.msk [tilespmem:v19+s16+$0x0], $0xffff  }
0x15f: {  	s11 =	simm.s32 $0x153;
	s24 =	sand.u32 $0x70, s14;
	s23 =	simm.s32 $0x3CB;
	v11 =	vld [tilespmem:s28+$0x4300];
	[tilespmem:v21+s18+$0x0] =	vst.idx.msk $0xffff, v10;
	v10 =	vmax.f32 v14, $0.0e+00  }
0x160: {  	s13 =	simm.s32 $0x400;
	s15 =	simm.s32 $0x13;
	s17 =	simm.s32 $0x293;
	v16 =	vld.idx.msk [tilespmem:v13+s16+$0x0], $0xffff;
	[tilespmem:v18+s18+$0x0] =	vst.idx.msk $0xffff, v10;
	v18 =	vadd.s32 s23, v0  }
0x161: {  	s19 =	simm.s32 $0xD000;
	s20 =	simm.s32 $0x8D3;
	v13 =	vld [tilespmem:s5+$0x0];
	s5 =	simm.s32 $0x784  }
0x162: {  	s21 =	simm.s32 $0x3D3;
	s22 =	simm.s32 $0x653;
	s25 =	sand.u32 $0x1C00, s13;
	v14 =	vld.idx.msk [tilespmem:v20+s16+$0x0], $0xffff;
	v17 =	vadd.s32 s5, v0;
	v19 =	vadd.f32 v22, v3  }
0x163: {  	s5 =	sor.u32 s24, s25;
	s24 =	simm.s32 $0xB53;
	v10 =	vld [tilespmem:s4+$0x8180];
	s4 =	simm.s32 $0x150  }
.LBB2_5:
0x164: {  	p1 =	sne.s32 s24, $0x4ED3;
	v20 =	vld [tilespmem:s5+$0x0];
	v15 =	vadd.f32 v15, v6;
	v19 =	vmax.f32 v19, $0.0e+00;
	v21 =	vadd.s32 s4, v0;
	s4 =	smov.u32 s10;
	s10 =	smov.u32 s14  }
0x165: {  	s25 =	smov.u32 s26;
	s26 =	smov.u32 s28;
	s28 =	smov.u32 s29;
	v12 =	vld.idx.msk [tilespmem:v12+s16+$0x0], $0xffff;
	[tilespmem:v18+s19+$0x0] =	vst.idx.msk $0xffff, v19  }
0x166: {  	s23 =	sadd.s32 $0xFFFFFFF6, s8;
	s29 =	smov.u32 s30;
	s30 =	smov.u32 s31;
	v16 =	vadd.f32 v16, v1;
	v15 =	vmax.f32 v15, $0.0e+00;
	v18 =	vld [tilespmem:s28+$0x4200]  }
0x167: {  	s31 =	smov.u32 s0;
	s0 =	smov.u32 s2;
	s2 =	smov.u32 s5;
	[tilespmem:v17+s19+$0x0] =	vst.idx.msk $0xffff, v15;
	v15 =	vadd.s32 s23, v0;
	v11 =	vld.idx.msk [tilespmem:v11+s16+$0x0], $0xffff  }
0x168: {  	s5 =	sadd.s32 $0xFFFFFFEF, s20;
	v16 =	vmax.f32 v16, $0.0e+00;
	v17 =	vld [tilespmem:s31+$0x280]  }
0x169: {  	v19 =	vadd.s32 s5, v0;
	v14 =	vadd.f32 v14, v4;
	v13 =	vld.idx.msk [tilespmem:v13+s16+$0x0], $0xffff;
	[tilespmem:v21+s19+$0x0] =	vst.idx.msk $0xffff, v16  }
0x16a: {  	s5 =	sadd.s32 $0xFFFFFFFB, s17;
	v16 =	vld [tilespmem:s25+$0x8080]  }
0x16b: {  	v14 =	vmax.f32 v14, $0.0e+00;
	v21 =	vadd.s32 s5, v0;
	v12 =	vadd.f32 v12, v7;
	v10 =	vld.idx.msk [tilespmem:v10+s16+$0x0], $0xffff  }
0x16c: {  	s5 =	sadd.s32 $0xFFFFFFF4, s22;
	v20 =	vld.idx.msk [tilespmem:v20+s16+$0x0], $0xffff;
	[tilespmem:v15+s19+$0x0] =	vst.idx.msk $0xffff, v14  }
0x16d: {  	v12 =	vmax.f32 v12, $0.0e+00;
	v14 =	vadd.s32 s5, v0;
	v11 =	vadd.f32 v11, v2;
	v15 =	vld [tilespmem:s29+$0x4100]  }
0x16e: {  	[tilespmem:v19+s19+$0x0] =	vst.idx.msk $0xffff, v12;
	v12 =	vld.idx.msk [tilespmem:v18+s16+$0x0], $0xffff  }
0x16f: {  	s5 =	sadd.s32 $0xFFFFFFED, s3;
	v13 =	vadd.f32 v13, v5;
	v11 =	vmax.f32 v11, $0.0e+00;
	v19 =	vadd.s32 s15, v0;
	s15 =	smov.u32 s11;
	s11 =	smov.u32 s17;
	v18 =	vld [tilespmem:s0+$0x180]  }
0x170: {  	v22 =	vadd.s32 s5, v0;
	s17 =	smov.u32 s21;
	s21 =	smov.u32 s8;
	s8 =	smov.u32 s22;
	v17 =	vld.idx.msk [tilespmem:v17+s16+$0x0], $0xffff;
	[tilespmem:v21+s19+$0x0] =	vst.idx.msk $0xffff, v11  }
0x171: {  	s22 =	smov.u32 s6;
	s6 =	smov.u32 s20;
	s5 =	sadd.s32 $0xFFFFFFF9, s17;
	v11 =	vmax.f32 v13, $0.0e+00;
	v10 =	vadd.f32 v10, v8;
	v8 =	vmovc v1;
	v1 =	vmovc v2;
	v2 =	vmov v3;
	v13 =	vld [tilespmem:s26+$0x4380]  }
0x172: {  	s20 =	smov.u32 s3;
	s3 =	smov.u32 s24;
	v3 =	vmov v4;
	v20 =	vadd.f32 v20, v9;
	[tilespmem:v14+s19+$0x0] =	vst.idx.msk $0xffff, v11;
	v11 =	vadd.s32 s5, v0;
	v14 =	vld.idx.msk [tilespmem:v16+s16+$0x0], $0xffff  }
0x173: {  	v4 =	vmovc v5;
	v5 =	vmovc v6;
	v6 =	vmov v7;
	v7 =	vmov v9;
	s5 =	sadd.s32 $0xFFFFFFF2, s22;
	v10 =	vmax.f32 v10, $0.0e+00;
	v16 =	vld [tilespmem:s30+$0x4000]  }
0x174: {  	v9 =	vmax.f32 v20, $0.0e+00;
	v20 =	vadd.s32 s5, v0;
	v12 =	vadd.f32 v12, v2;
	[tilespmem:v19+s19+$0x0] =	vst.idx.msk $0xffff, v10  }
0x175: {  	s5 =	sadd.s32 $0xFFFFFFFE, s15;
	[tilespmem:v22+s19+$0x0] =	vst.idx.msk $0xffff, v9;
	v9 =	vld.idx.msk [tilespmem:v15+s16+$0x0], $0xffff  }
0x176: {  	v15 =	vadd.f32 v17, v5;
	v12 =	vmax.f32 v12, $0.0e+00;
	v17 =	vadd.s32 s5, v0;
	v10 =	vld [tilespmem:s2+$0x80]  }
0x177: {  	v18 =	vld.idx.msk [tilespmem:v18+s16+$0x0], $0xffff;
	[tilespmem:v11+s19+$0x0] =	vst.idx.msk $0xffff, v12  }
0x178: {  	s5 =	sadd.s32 $0xFFFFFFF7, s21;
	v11 =	vmax.f32 v15, $0.0e+00;
	v14 =	vadd.f32 v14, v8;
	v12 =	vld [tilespmem:s28+$0x4280]  }
0x179: {  	[tilespmem:v20+s19+$0x0] =	vst.idx.msk $0xffff, v11;
	v11 =	vadd.s32 s5, v0;
	v13 =	vld.idx.msk [tilespmem:v13+s16+$0x0], $0xffff  }
0x17a: {  	s5 =	sadd.s32 $0xFFFFFFF0, s6;
	v14 =	vmax.f32 v14, $0.0e+00;
	v15 =	vld [tilespmem:s31+$0x300]  }
0x17b: {  	v19 =	vadd.s32 s5, v0;
	v9 =	vadd.f32 v9, v3;
	v16 =	vld.idx.msk [tilespmem:v16+s16+$0x0], $0xffff;
	[tilespmem:v17+s19+$0x0] =	vst.idx.msk $0xffff, v14  }
0x17c: {  	s5 =	sadd.s32 $0xFFFFFFFC, s11;
	v14 =	vld [tilespmem:s25+$0x8100]  }
0x17d: {  	v17 =	vadd.f32 v18, v6;
	v9 =	vmax.f32 v9, $0.0e+00;
	v18 =	vadd.s32 s5, v0  }
0x17e: {  	s5 =	sadd.s32 $0xFFFFFFF5, s8;
	v10 =	vld.idx.msk [tilespmem:v10+s16+$0x0], $0xffff;
	[tilespmem:v11+s19+$0x0] =	vst.idx.msk $0xffff, v9  }
0x17f: {  	v9 =	vmax.f32 v17, $0.0e+00;
	v11 =	vadd.s32 s5, v0;
	v13 =	vadd.f32 v13, v1;
	v17 =	vld [tilespmem:s29+$0x4180]  }
0x180: {  	[tilespmem:v19+s19+$0x0] =	vst.idx.msk $0xffff, v9;
	v12 =	vld.idx.msk [tilespmem:v12+s16+$0x0], $0xffff  }
0x181: {  	s5 =	sadd.s32 $0xFFFFFFEE, s20;
	v9 =	vadd.f32 v16, v4;
	v13 =	vmax.f32 v13, $0.0e+00;
	v19 =	vld [tilespmem:s0+$0x200]  }
0x182: {  	v16 =	vadd.s32 s5, v0;
	v15 =	vld.idx.msk [tilespmem:v15+s16+$0x0], $0xffff;
	[tilespmem:v18+s19+$0x0] =	vst.idx.msk $0xffff, v13  }
0x183: {  	s5 =	sadd.s32 $0xFFFFFFFA, s17;
	v9 =	vmax.f32 v9, $0.0e+00;
	v13 =	vld [tilespmem:s26+$0x8000]  }
0x184: {  	v10 =	vadd.f32 v10, v7;
	[tilespmem:v11+s19+$0x0] =	vst.idx.msk $0xffff, v9;
	v11 =	vadd.s32 s5, v0;
	v14 =	vld.idx.msk [tilespmem:v14+s16+$0x0], $0xffff  }
0x185: {  	s12 =	sadd.s32 $0x10, s12;
	s5 =	sadd.s32 $0xFFFFFFF3, s22;
	v20 =	vld [tilespmem:s30+$0x4080]  }
0x186: {  	v10 =	vmax.f32 v10, $0.0e+00;
	v18 =	vadd.s32 s5, v0;
	v21 =	vadd.f32 v12, v2;
	v9 =	vld [tilespmem:s12+$0x0]  }
0x187: {  	s5 =	sadd.s32 $0xFFFFFFFF, s15;
	[tilespmem:v16+s19+$0x0] =	vst.idx.msk $0xffff, v10;
	v10 =	vld.idx.msk [tilespmem:v17+s16+$0x0], $0xffff  }
0x188: {  	v16 =	vadd.f32 v15, v5;
	v17 =	vmax.f32 v21, $0.0e+00;
	v21 =	vadd.s32 s5, v0;
	v12 =	vld [tilespmem:s2+$0x100]  }
0x189: {  	v15 =	vld.idx.msk [tilespmem:v19+s16+$0x0], $0xffff;
	[tilespmem:v11+s19+$0x0] =	vst.idx.msk $0xffff, v17  }
.Ltmp1:
0x18a: {  	s1 =	sor.u32 s1, s7;
	s5 =	sadd.s32 $0xFFFFFFF8, s21;
	v16 =	vmax.f32 v16, $0.0e+00;
	v14 =	vadd.f32 v14, v8;
	v11 =	vld [tilespmem:s28+$0x4300];
	(pc) =	sbr.rel @p1 .LBB2_5-.Ltmp1, $4  }
0x18b: {  	s7 =	sor.u32 $0x380, s1;
	s1 =	smov.u32 s9;
	s9 =	smov.u32 s13;
	[tilespmem:v18+s19+$0x0] =	vst.idx.msk $0xffff, v16;
	v18 =	vadd.s32 s5, v0;
	v16 =	vld.idx.msk [tilespmem:v13+s16+$0x0], $0xffff  }
0x18c: {  	s14 =	sadd.s32 $0x10, s14;
	s13 =	sadd.s32 $0x80, s13;
	s5 =	sadd.s32 $0xFFFFFFF1, s6;
	v22 =	vmax.f32 v14, $0.0e+00;
	v13 =	vld [tilespmem:s7+$0x0]  }
0x18d: {  	s18 =	sand.u32 $0x1C00, s13;
	s23 =	sand.u32 $0x70, s14;
	v17 =	vadd.s32 s5, v0;
	v19 =	vadd.f32 v10, v3;
	s7 =	smov.u32 s4;
	v14 =	vld.idx.msk [tilespmem:v20+s16+$0x0], $0xffff;
	[tilespmem:v21+s19+$0x0] =	vst.idx.msk $0xffff, v22  }
0x18e: {  	s24 =	sadd.s32 $0x140, s24;
	s5 =	sor.u32 s23, s18;
	s4 =	sadd.s32 $0xFFFFFFFD, s11;
	v10 =	vld [tilespmem:s25+$0x8180]  }
0x18f: {  	v20 =	vld [tilespmem:s5+$0x0];
	_ =	sdelay $0x3  }
0x190: {  	v19 =	vmax.f32 v19, $0.0e+00  }
0x191: {  	v15 =	vadd.f32 v15, v6;
	v12 =	vld.idx.msk [tilespmem:v12+s16+$0x0], $0xffff;
	[tilespmem:v18+s19+$0x0] =	vst.idx.msk $0xffff, v19  }
0x192: {  	v21 =	vadd.s32 s4, v0;
	v18 =	vld [tilespmem:s29+$0x4200]  }
0x193: {  	s12 =	sadd.s32 $0xFFFFFFF6, s8;
	v15 =	vmax.f32 v15, $0.0e+00  }
0x194: {  	s18 =	sadd.s32 $0xFFFFFFEF, s20;
	[tilespmem:v17+s19+$0x0] =	vst.idx.msk $0xffff, v15;
	v15 =	vadd.f32 v16, v1;
	v16 =	vadd.s32 s12, v0;
	v19 =	vld.idx.msk [tilespmem:v20+s16+$0x0], $0xffff  }
0x195: {  	v11 =	vld.idx.msk [tilespmem:v11+s16+$0x0], $0xffff;
	v20 =	vadd.s32 s18, v0  }
0x196: {  	s23 =	sadd.s32 $0xFFFFFFED, s3;
	v14 =	vadd.f32 v14, v4;
	v15 =	vmax.f32 v15, $0.0e+00  }
0x197: {  	v13 =	vld.idx.msk [tilespmem:v13+s16+$0x0], $0xffff;
	s12 =	sadd.s32 $0xFFFFFFFB, s17;
	v12 =	vadd.f32 v12, v7;
	[tilespmem:v21+s19+$0x0] =	vst.idx.msk $0xffff, v15;
	v21 =	vadd.s32 s23, v0  }
0x198: {  	v22 =	vadd.s32 s12, v0;
	v14 =	vmax.f32 v14, $0.0e+00;
	v15 =	vld [tilespmem:s26+$0x8080]  }
0x199: {  	v12 =	vmax.f32 v12, $0.0e+00;
	[tilespmem:v16+s19+$0x0] =	vst.idx.msk $0xffff, v14;
	v16 =	vadd.f32 v19, v9  }
0x19a: {  	s24 =	sadd.s32 $0xFFFFFFF4, s22;
	v11 =	vadd.f32 v11, v2;
	[tilespmem:v20+s19+$0x0] =	vst.idx.msk $0xffff, v12;
	v12 =	vld.idx.msk [tilespmem:v18+s16+$0x0], $0xffff  }
0x19b: {  	v19 =	vadd.s32 s24, v0;
	v18 =	vld [tilespmem:s2+$0x180];
	v16 =	vmax.f32 v16, $0.0e+00  }
0x19c: {  	v11 =	vmax.f32 v11, $0.0e+00;
	[tilespmem:v21+s19+$0x0] =	vst.idx.msk $0xffff, v16  }
0x19d: {  	s25 =	sadd.s32 $0xFFFFFFF9, s21;
	v13 =	vadd.f32 v13, v5;
	[tilespmem:v22+s19+$0x0] =	vst.idx.msk $0xffff, v11;
	v11 =	vld [tilespmem:s5+$0x80]  }
0x19e: {  	v20 =	vadd.s32 s25, v0  }
0x19f: {  	v13 =	vmax.f32 v13, $0.0e+00;
	v16 =	vld [tilespmem:s28+$0x4380]  }
0x1a0: {  	[tilespmem:v19+s19+$0x0] =	vst.idx.msk $0xffff, v13;
	v13 =	vld.idx.msk [tilespmem:v15+s16+$0x0], $0xffff;
	v12 =	vadd.f32 v12, v3  }
0x1a1: {  	v15 =	vld [tilespmem:s31+$0x4000]  }
0x1a2: {  	s18 =	sadd.s32 $0xFFFFFFFE, s11;
	v12 =	vmax.f32 v12, $0.0e+00  }
0x1a3: {  	v21 =	vadd.s32 s18, v0;
	[tilespmem:v20+s19+$0x0] =	vst.idx.msk $0xffff, v12;
	v18 =	vld.idx.msk [tilespmem:v18+s16+$0x0], $0xffff  }
0x1a4: {  	v12 =	vld [tilespmem:s29+$0x4280]  }
0x1a5: {  	v13 =	vadd.f32 v13, v1;
	v11 =	vld.idx.msk [tilespmem:v11+s16+$0x0], $0xffff;
	_ =	sdelay $0x1  }
0x1a6: {  	s25 =	sadd.s32 $0xFFFFFFEE, s3;
	v16 =	vld.idx.msk [tilespmem:v16+s16+$0x0], $0xffff;
	v13 =	vmax.f32 v13, $0.0e+00  }
0x1a7: {  	v17 =	vld [tilespmem:s0+$0x280];
	[tilespmem:v21+s19+$0x0] =	vst.idx.msk $0xffff, v13;
	v13 =	vadd.f32 v18, v7;
	v18 =	vadd.s32 s25, v0  }
0x1a8: {  	v15 =	vld.idx.msk [tilespmem:v15+s16+$0x0], $0xffff  }
0x1a9: {  	s12 =	sadd.s32 $0xFFFFFFF2, s6;
	v11 =	vadd.f32 v11, v9  }
0x1aa: {  	v19 =	vadd.s32 s12, v0;
	s12 =	sadd.s32 $0xFFFFFFFC, s17  }
0x1ab: {  	v22 =	vld.idx.msk [tilespmem:v10+s16+$0x0], $0xffff;
	v10 =	vadd.s32 s12, v0;
	v16 =	vadd.f32 v16, v2;
	v11 =	vmax.f32 v11, $0.0e+00  }
0x1ac: {  	v12 =	vld.idx.msk [tilespmem:v12+s16+$0x0], $0xffff;
	[tilespmem:v18+s19+$0x0] =	vst.idx.msk $0xffff, v11  }
0x1ad: {  	v11 =	vadd.f32 v15, v5;
	v15 =	vmax.f32 v16, $0.0e+00;
	v16 =	vld [tilespmem:s5+$0x100]  }
0x1ae: {  	s23 =	sadd.s32 $0xFFFFFFF7, s8  }
0x1af: {  	v17 =	vld.idx.msk [tilespmem:v17+s16+$0x0], $0xffff;
	v20 =	vadd.s32 s23, v0;
	s23 =	sadd.s32 $0xFFFFFFFA, s21  }
0x1b0: {  	[tilespmem:v10+s19+$0x0] =	vst.idx.msk $0xffff, v15;
	v15 =	vadd.s32 s23, v0;
	_ =	sdelay $0x1  }
0x1b1: {  	v12 =	vadd.f32 v12, v3  }
0x1b2: {  	v14 =	vld [tilespmem:s30+$0x4100]  }
0x1b3: {  	v17 =	vadd.f32 v17, v6;
	v12 =	vmax.f32 v12, $0.0e+00  }
0x1b4: {  	[tilespmem:v15+s19+$0x0] =	vst.idx.msk $0xffff, v12;
	v12 =	vld.idx.msk [tilespmem:v16+s16+$0x0], $0xffff  }
0x1b5: {  	s24 =	sadd.s32 $0xFFFFFFF0, s20;
	v17 =	vmax.f32 v17, $0.0e+00  }
0x1b6: {  	[tilespmem:v19+s19+$0x0] =	vst.idx.msk $0xffff, v17;
	v17 =	vadd.s32 s24, v0;
	s24 =	sadd.s32 $0xFFFFFFEF, s3  }
0x1b7: {  	v15 =	vadd.s32 s24, v0;
	_ =	sdelay $0x1  }
0x1b8: {  	v12 =	vadd.f32 v12, v9  }
0x1b9: {  	v14 =	vld.idx.msk [tilespmem:v14+s16+$0x0], $0xffff  }
0x1ba: {  	v12 =	vmax.f32 v12, $0.0e+00  }
0x1bb: {  	[tilespmem:v15+s19+$0x0] =	vst.idx.msk $0xffff, v12  }
0x1bc: {  	v12 =	vld [tilespmem:s5+$0x180];
	_ =	sdelay $0x1  }
0x1bd: {  	v14 =	vadd.f32 v14, v4  }
0x1be: {  	v19 =	vld [tilespmem:s0+$0x300]  }
0x1bf: {  	v14 =	vmax.f32 v14, $0.0e+00  }
0x1c0: {  	[tilespmem:v20+s19+$0x0] =	vst.idx.msk $0xffff, v14;
	v21 =	vld [tilespmem:s26+$0x8100];
	v13 =	vmax.f32 v13, $0.0e+00  }
0x1c1: {  	v14 =	vld [tilespmem:s30+$0x4180];
	[tilespmem:v17+s19+$0x0] =	vst.idx.msk $0xffff, v13  }
0x1c2: {  	v17 =	vld [tilespmem:s2+$0x200]  }
0x1c3: {  	s18 =	sadd.s32 $0xFFFFFFF5, s22;
	v12 =	vld.idx.msk [tilespmem:v12+s16+$0x0], $0xffff  }
0x1c4: {  	v13 =	vadd.s32 s18, v0  }
0x1c5: {  	s25 =	sadd.s32 $0xFFFFFFF0, s3;
	v18 =	vadd.s32 s15, v0  }
0x1c6: {  	v19 =	vld.idx.msk [tilespmem:v19+s16+$0x0], $0xffff;
	v15 =	vadd.s32 s25, v0  }
0x1c7: {  	v20 =	vadd.f32 v22, v8;
	v10 =	vld [tilespmem:s28+$0x8000]  }
0x1c8: {  	v11 =	vmax.f32 v11, $0.0e+00;
	v8 =	vld.idx.msk [tilespmem:v21+s16+$0x0], $0xffff;
	v12 =	vadd.f32 v12, v9  }
0x1c9: {  	v20 =	vmax.f32 v20, $0.0e+00;
	[tilespmem:v13+s19+$0x0] =	vst.idx.msk $0xffff, v11;
	v11 =	vld.idx.msk [tilespmem:v14+s16+$0x0], $0xffff  }
0x1ca: {  	v13 =	vld [tilespmem:s31+$0x4080];
	[tilespmem:v18+s19+$0x0] =	vst.idx.msk $0xffff, v20;
	v12 =	vmax.f32 v12, $0.0e+00  }
0x1cb: {  	v14 =	vld.idx.msk [tilespmem:v17+s16+$0x0], $0xffff;
	[tilespmem:v15+s19+$0x0] =	vst.idx.msk $0xffff, v12  }
0x1cc: {  	v12 =	vld [tilespmem:s5+$0x200];
	_ =	sdelay $0x7  }
0x1cd: {  	s12 =	sadd.s32 $0xFFFFFFF1, s20;
	v12 =	vld.idx.msk [tilespmem:v12+s16+$0x0], $0xffff  }
0x1ce: {  	v15 =	vadd.s32 s12, v0  }
0x1cf: {  	s15 =	sadd.s32 $0xFFFFFFF1, s3  }
0x1d0: {  	v16 =	vadd.s32 s15, v0;
	v14 =	vadd.f32 v14, v7;
	_ =	sdelay $0x1  }
0x1d1: {  	v14 =	vmax.f32 v14, $0.0e+00;
	v12 =	vadd.f32 v12, v9  }
0x1d2: {  	[tilespmem:v15+s19+$0x0] =	vst.idx.msk $0xffff, v14  }
0x1d3: {  	v14 =	vld [tilespmem:s2+$0x280];
	v12 =	vmax.f32 v12, $0.0e+00  }
0x1d4: {  	[tilespmem:v16+s19+$0x0] =	vst.idx.msk $0xffff, v12  }
0x1d5: {  	v12 =	vld [tilespmem:s5+$0x280];
	_ =	sdelay $0x5  }
0x1d6: {  	v14 =	vld.idx.msk [tilespmem:v14+s16+$0x0], $0xffff;
	_ =	sdelay $0x1  }
0x1d7: {  	s18 =	sadd.s32 $0xFFFFFFF2, s20;
	v12 =	vld.idx.msk [tilespmem:v12+s16+$0x0], $0xffff  }
0x1d8: {  	v15 =	vadd.s32 s18, v0  }
0x1d9: {  	s23 =	sadd.s32 $0xFFFFFFF2, s3  }
0x1da: {  	v16 =	vadd.s32 s23, v0;
	v14 =	vadd.f32 v14, v7;
	_ =	sdelay $0x1  }
0x1db: {  	v14 =	vmax.f32 v14, $0.0e+00;
	v12 =	vadd.f32 v12, v9  }
0x1dc: {  	[tilespmem:v15+s19+$0x0] =	vst.idx.msk $0xffff, v14  }
0x1dd: {  	v14 =	vld [tilespmem:s2+$0x300];
	v12 =	vmax.f32 v12, $0.0e+00  }
0x1de: {  	[tilespmem:v16+s19+$0x0] =	vst.idx.msk $0xffff, v12  }
0x1df: {  	v12 =	vld [tilespmem:s5+$0x300];
	_ =	sdelay $0x5  }
0x1e0: {  	v14 =	vld.idx.msk [tilespmem:v14+s16+$0x0], $0xffff  }
0x1e1: {  	s24 =	sadd.s32 $0xFFFFFFF3, s6  }
0x1e2: {  	s25 =	sadd.s32 $0xFFFFFFF3, s20;
	v15 =	vadd.s32 s24, v0;
	v12 =	vld.idx.msk [tilespmem:v12+s16+$0x0], $0xffff  }
0x1e3: {  	v16 =	vadd.s32 s25, v0  }
0x1e4: {  	v17 =	vadd.f32 v19, v6;
	s12 =	sadd.s32 $0xFFFFFFF3, s3  }
0x1e5: {  	v18 =	vadd.s32 s12, v0;
	v14 =	vadd.f32 v14, v7  }
0x1e6: {  	s1 =	sor.u32 s1, s7;
	v17 =	vmax.f32 v17, $0.0e+00  }
0x1e7: {  	s1 =	sor.u32 $0x380, s1;
	s15 =	sor.u32 s9, s10;
	[tilespmem:v15+s19+$0x0] =	vst.idx.msk $0xffff, v17;
	v14 =	vmax.f32 v14, $0.0e+00;
	v12 =	vadd.f32 v12, v9  }
0x1e8: {  	s18 =	sor.u32 $0x380, s15;
	v15 =	vld [tilespmem:s1+$0x0];
	[tilespmem:v16+s19+$0x0] =	vst.idx.msk $0xffff, v14  }
0x1e9: {  	s23 =	sor.u32 s13, s14;
	v14 =	vld [tilespmem:s18+$0x0];
	v12 =	vmax.f32 v12, $0.0e+00  }
0x1ea: {  	s24 =	sor.u32 $0x380, s23;
	[tilespmem:v18+s19+$0x0] =	vst.idx.msk $0xffff, v12  }
0x1eb: {  	v12 =	vld [tilespmem:s24+$0x0];
	_ =	sdelay $0x4  }
0x1ec: {  	v15 =	vld.idx.msk [tilespmem:v15+s16+$0x0], $0xffff  }
0x1ed: {  	v14 =	vld.idx.msk [tilespmem:v14+s16+$0x0], $0xffff  }
0x1ee: {  	s25 =	sadd.s32 $0xFFFFFFF4, s6  }
0x1ef: {  	s4 =	sadd.s32 $0xFFFFFFF4, s20;
	v16 =	vadd.s32 s25, v0;
	v12 =	vld.idx.msk [tilespmem:v12+s16+$0x0], $0xffff  }
0x1f0: {  	v17 =	vadd.s32 s4, v0  }
0x1f1: {  	s7 =	sadd.s32 $0xFFFFFFF4, s3;
	v15 =	vadd.f32 v15, v6  }
0x1f2: {  	v18 =	vadd.s32 s7, v0;
	v14 =	vadd.f32 v14, v7  }
0x1f3: {  	v15 =	vmax.f32 v15, $0.0e+00  }
0x1f4: {  	[tilespmem:v16+s19+$0x0] =	vst.idx.msk $0xffff, v15;
	v14 =	vmax.f32 v14, $0.0e+00;
	v12 =	vadd.f32 v12, v9  }
0x1f5: {  	v15 =	vld [tilespmem:s0+$0x4000];
	[tilespmem:v17+s19+$0x0] =	vst.idx.msk $0xffff, v14  }
0x1f6: {  	v14 =	vld [tilespmem:s2+$0x4000];
	v12 =	vmax.f32 v12, $0.0e+00  }
0x1f7: {  	[tilespmem:v18+s19+$0x0] =	vst.idx.msk $0xffff, v12  }
0x1f8: {  	v12 =	vld [tilespmem:s5+$0x4000];
	_ =	sdelay $0x4  }
0x1f9: {  	v15 =	vld.idx.msk [tilespmem:v15+s16+$0x0], $0xffff  }
0x1fa: {  	v14 =	vld.idx.msk [tilespmem:v14+s16+$0x0], $0xffff  }
0x1fb: {  	s9 =	sadd.s32 $0xFFFFFFF5, s6  }
0x1fc: {  	s10 =	sadd.s32 $0xFFFFFFF5, s20;
	v16 =	vadd.s32 s9, v0;
	v12 =	vld.idx.msk [tilespmem:v12+s16+$0x0], $0xffff  }
0x1fd: {  	v17 =	vadd.s32 s10, v0  }
0x1fe: {  	s12 =	sadd.s32 $0xFFFFFFF5, s3;
	v15 =	vadd.f32 v15, v6  }
0x1ff: {  	v18 =	vadd.s32 s12, v0;
	v14 =	vadd.f32 v14, v7  }
0x200: {  	v15 =	vmax.f32 v15, $0.0e+00  }
0x201: {  	[tilespmem:v16+s19+$0x0] =	vst.idx.msk $0xffff, v15;
	v14 =	vmax.f32 v14, $0.0e+00;
	v12 =	vadd.f32 v12, v9  }
0x202: {  	v15 =	vld [tilespmem:s0+$0x4080];
	[tilespmem:v17+s19+$0x0] =	vst.idx.msk $0xffff, v14  }
0x203: {  	v14 =	vld [tilespmem:s2+$0x4080];
	v12 =	vmax.f32 v12, $0.0e+00  }
0x204: {  	[tilespmem:v18+s19+$0x0] =	vst.idx.msk $0xffff, v12  }
0x205: {  	v12 =	vld [tilespmem:s5+$0x4080];
	_ =	sdelay $0x3  }
0x206: {  	v13 =	vld.idx.msk [tilespmem:v13+s16+$0x0], $0xffff  }
0x207: {  	v15 =	vld.idx.msk [tilespmem:v15+s16+$0x0], $0xffff  }
0x208: {  	s13 =	sadd.s32 $0xFFFFFFF6, s22;
	v14 =	vld.idx.msk [tilespmem:v14+s16+$0x0], $0xffff  }
0x209: {  	s14 =	sadd.s32 $0xFFFFFFF6, s6;
	v16 =	vadd.s32 s13, v0  }
0x20a: {  	s15 =	sadd.s32 $0xFFFFFFF6, s20;
	v17 =	vadd.s32 s14, v0;
	v12 =	vld.idx.msk [tilespmem:v12+s16+$0x0], $0xffff  }
0x20b: {  	v13 =	vadd.f32 v13, v5;
	v18 =	vadd.s32 s15, v0  }
0x20c: {  	s18 =	sadd.s32 $0xFFFFFFF6, s3;
	v15 =	vadd.f32 v15, v6  }
0x20d: {  	v13 =	vmax.f32 v13, $0.0e+00;
	v19 =	vadd.s32 s18, v0;
	v14 =	vadd.f32 v14, v7  }
0x20e: {  	[tilespmem:v16+s19+$0x0] =	vst.idx.msk $0xffff, v13;
	v13 =	vmax.f32 v15, $0.0e+00  }
0x20f: {  	v15 =	vld [tilespmem:s31+$0x4100];
	[tilespmem:v17+s19+$0x0] =	vst.idx.msk $0xffff, v13;
	v13 =	vmax.f32 v14, $0.0e+00;
	v12 =	vadd.f32 v12, v9  }
0x210: {  	v14 =	vld [tilespmem:s0+$0x4100];
	[tilespmem:v18+s19+$0x0] =	vst.idx.msk $0xffff, v13  }
0x211: {  	v13 =	vld [tilespmem:s2+$0x4100];
	v12 =	vmax.f32 v12, $0.0e+00  }
0x212: {  	[tilespmem:v19+s19+$0x0] =	vst.idx.msk $0xffff, v12  }
0x213: {  	v12 =	vld [tilespmem:s5+$0x4100];
	_ =	sdelay $0x3  }
0x214: {  	v15 =	vld.idx.msk [tilespmem:v15+s16+$0x0], $0xffff  }
0x215: {  	v14 =	vld.idx.msk [tilespmem:v14+s16+$0x0], $0xffff  }
0x216: {  	s23 =	sadd.s32 $0xFFFFFFF7, s22;
	v13 =	vld.idx.msk [tilespmem:v13+s16+$0x0], $0xffff  }
0x217: {  	s24 =	sadd.s32 $0xFFFFFFF7, s6;
	v16 =	vadd.s32 s23, v0  }
0x218: {  	s25 =	sadd.s32 $0xFFFFFFF7, s20;
	v17 =	vadd.s32 s24, v0;
	v12 =	vld.idx.msk [tilespmem:v12+s16+$0x0], $0xffff  }
0x219: {  	v15 =	vadd.f32 v15, v5;
	v18 =	vadd.s32 s25, v0  }
0x21a: {  	s4 =	sadd.s32 $0xFFFFFFF7, s3;
	v14 =	vadd.f32 v14, v6  }
0x21b: {  	v15 =	vmax.f32 v15, $0.0e+00;
	v19 =	vadd.s32 s4, v0;
	v13 =	vadd.f32 v13, v7  }
0x21c: {  	[tilespmem:v16+s19+$0x0] =	vst.idx.msk $0xffff, v15;
	v14 =	vmax.f32 v14, $0.0e+00  }
0x21d: {  	v15 =	vld [tilespmem:s31+$0x4180];
	[tilespmem:v17+s19+$0x0] =	vst.idx.msk $0xffff, v14;
	v13 =	vmax.f32 v13, $0.0e+00;
	v12 =	vadd.f32 v12, v9  }
0x21e: {  	v14 =	vld [tilespmem:s0+$0x4180];
	[tilespmem:v18+s19+$0x0] =	vst.idx.msk $0xffff, v13  }
0x21f: {  	v13 =	vld [tilespmem:s2+$0x4180];
	v12 =	vmax.f32 v12, $0.0e+00  }
0x220: {  	[tilespmem:v19+s19+$0x0] =	vst.idx.msk $0xffff, v12  }
0x221: {  	v12 =	vld [tilespmem:s5+$0x4180];
	_ =	sdelay $0x3  }
0x222: {  	v15 =	vld.idx.msk [tilespmem:v15+s16+$0x0], $0xffff  }
0x223: {  	s7 =	sadd.s32 $0xFFFFFFF8, s8;
	v14 =	vld.idx.msk [tilespmem:v14+s16+$0x0], $0xffff  }
0x224: {  	s9 =	sadd.s32 $0xFFFFFFF8, s22;
	v16 =	vadd.s32 s7, v0;
	v13 =	vld.idx.msk [tilespmem:v13+s16+$0x0], $0xffff  }
0x225: {  	s10 =	sadd.s32 $0xFFFFFFF8, s6;
	v17 =	vadd.s32 s9, v0  }
0x226: {  	v11 =	vadd.f32 v11, v4;
	s12 =	sadd.s32 $0xFFFFFFF8, s20;
	v18 =	vadd.s32 s10, v0;
	v12 =	vld.idx.msk [tilespmem:v12+s16+$0x0], $0xffff  }
0x227: {  	v15 =	vadd.f32 v15, v5;
	v19 =	vadd.s32 s12, v0  }
0x228: {  	v11 =	vmax.f32 v11, $0.0e+00;
	s13 =	sadd.s32 $0xFFFFFFF8, s3;
	v14 =	vadd.f32 v14, v6  }
0x229: {  	v20 =	vadd.s32 s13, v0;
	[tilespmem:v16+s19+$0x0] =	vst.idx.msk $0xffff, v11;
	v11 =	vmax.f32 v15, $0.0e+00;
	v13 =	vadd.f32 v13, v7  }
0x22a: {  	v15 =	vld [tilespmem:s30+$0x4200];
	[tilespmem:v17+s19+$0x0] =	vst.idx.msk $0xffff, v11;
	v11 =	vmax.f32 v14, $0.0e+00  }
0x22b: {  	v14 =	vld [tilespmem:s31+$0x4200];
	[tilespmem:v18+s19+$0x0] =	vst.idx.msk $0xffff, v11;
	v11 =	vmax.f32 v13, $0.0e+00;
	v12 =	vadd.f32 v12, v9  }
0x22c: {  	v13 =	vld [tilespmem:s0+$0x4200];
	[tilespmem:v19+s19+$0x0] =	vst.idx.msk $0xffff, v11  }
0x22d: {  	v11 =	vmax.f32 v12, $0.0e+00;
	v12 =	vld [tilespmem:s2+$0x4200]  }
0x22e: {  	[tilespmem:v20+s19+$0x0] =	vst.idx.msk $0xffff, v11  }
0x22f: {  	v11 =	vld [tilespmem:s5+$0x4200];
	_ =	sdelay $0x2  }
0x230: {  	v15 =	vld.idx.msk [tilespmem:v15+s16+$0x0], $0xffff  }
0x231: {  	v14 =	vld.idx.msk [tilespmem:v14+s16+$0x0], $0xffff  }
0x232: {  	s14 =	sadd.s32 $0xFFFFFFF9, s8;
	v13 =	vld.idx.msk [tilespmem:v13+s16+$0x0], $0xffff  }
0x233: {  	s15 =	sadd.s32 $0xFFFFFFF9, s22;
	v16 =	vadd.s32 s14, v0;
	v12 =	vld.idx.msk [tilespmem:v12+s16+$0x0], $0xffff  }
0x234: {  	s18 =	sadd.s32 $0xFFFFFFF9, s6;
	v17 =	vadd.s32 s15, v0  }
0x235: {  	s23 =	sadd.s32 $0xFFFFFFF9, s20;
	v15 =	vadd.f32 v15, v4;
	v18 =	vadd.s32 s18, v0;
	v11 =	vld.idx.msk [tilespmem:v11+s16+$0x0], $0xffff  }
0x236: {  	v19 =	vadd.s32 s23, v0;
	v14 =	vadd.f32 v14, v5  }
0x237: {  	s24 =	sadd.s32 $0xFFFFFFF9, s3;
	v15 =	vmax.f32 v15, $0.0e+00;
	v13 =	vadd.f32 v13, v6  }
0x238: {  	[tilespmem:v16+s19+$0x0] =	vst.idx.msk $0xffff, v15;
	v20 =	vadd.s32 s24, v0;
	v14 =	vmax.f32 v14, $0.0e+00;
	v12 =	vadd.f32 v12, v7  }
0x239: {  	v15 =	vld [tilespmem:s30+$0x4280];
	[tilespmem:v17+s19+$0x0] =	vst.idx.msk $0xffff, v14;
	v13 =	vmax.f32 v13, $0.0e+00  }
0x23a: {  	v14 =	vld [tilespmem:s31+$0x4280];
	[tilespmem:v18+s19+$0x0] =	vst.idx.msk $0xffff, v13;
	v11 =	vadd.f32 v11, v9;
	v12 =	vmax.f32 v12, $0.0e+00  }
0x23b: {  	v13 =	vld [tilespmem:s0+$0x4280];
	[tilespmem:v19+s19+$0x0] =	vst.idx.msk $0xffff, v12  }
0x23c: {  	v11 =	vmax.f32 v11, $0.0e+00;
	v12 =	vld [tilespmem:s2+$0x4280]  }
0x23d: {  	[tilespmem:v20+s19+$0x0] =	vst.idx.msk $0xffff, v11  }
0x23e: {  	v11 =	vld [tilespmem:s5+$0x4280];
	_ =	sdelay $0x2  }
0x23f: {  	v15 =	vld.idx.msk [tilespmem:v15+s16+$0x0], $0xffff  }
0x240: {  	v14 =	vld.idx.msk [tilespmem:v14+s16+$0x0], $0xffff  }
0x241: {  	s25 =	sadd.s32 $0xFFFFFFFA, s8;
	v13 =	vld.idx.msk [tilespmem:v13+s16+$0x0], $0xffff  }
0x242: {  	s4 =	sadd.s32 $0xFFFFFFFA, s22;
	v16 =	vadd.s32 s25, v0;
	v12 =	vld.idx.msk [tilespmem:v12+s16+$0x0], $0xffff  }
0x243: {  	s7 =	sadd.s32 $0xFFFFFFFA, s6;
	v17 =	vadd.s32 s4, v0  }
0x244: {  	s9 =	sadd.s32 $0xFFFFFFFA, s20;
	v15 =	vadd.f32 v15, v4;
	v18 =	vadd.s32 s7, v0;
	v11 =	vld.idx.msk [tilespmem:v11+s16+$0x0], $0xffff  }
0x245: {  	v14 =	vadd.f32 v14, v5;
	v19 =	vadd.s32 s9, v0  }
0x246: {  	v21 =	vld [tilespmem:s29+$0x4300];
	s10 =	sadd.s32 $0xFFFFFFFA, s3;
	v15 =	vmax.f32 v15, $0.0e+00;
	v13 =	vadd.f32 v13, v6  }
0x247: {  	[tilespmem:v16+s19+$0x0] =	vst.idx.msk $0xffff, v15;
	v20 =	vadd.s32 s10, v0;
	v14 =	vmax.f32 v14, $0.0e+00;
	v12 =	vadd.f32 v12, v7  }
0x248: {  	v15 =	vld [tilespmem:s30+$0x4300];
	[tilespmem:v17+s19+$0x0] =	vst.idx.msk $0xffff, v14;
	v13 =	vmax.f32 v13, $0.0e+00  }
0x249: {  	v14 =	vld [tilespmem:s31+$0x4300];
	[tilespmem:v18+s19+$0x0] =	vst.idx.msk $0xffff, v13;
	v11 =	vadd.f32 v11, v9;
	v12 =	vmax.f32 v12, $0.0e+00  }
0x24a: {  	v13 =	vld [tilespmem:s0+$0x4300];
	[tilespmem:v19+s19+$0x0] =	vst.idx.msk $0xffff, v12  }
0x24b: {  	v11 =	vmax.f32 v11, $0.0e+00;
	v12 =	vld [tilespmem:s2+$0x4300]  }
0x24c: {  	[tilespmem:v20+s19+$0x0] =	vst.idx.msk $0xffff, v11  }
0x24d: {  	v11 =	vld [tilespmem:s5+$0x4300]  }
0x24e: {  	v16 =	vld.idx.msk [tilespmem:v21+s16+$0x0], $0xffff;
	_ =	sdelay $0x1  }
0x24f: {  	s12 =	sadd.s32 $0xFFFFFFFB, s21;
	v15 =	vld.idx.msk [tilespmem:v15+s16+$0x0], $0xffff  }
0x250: {  	v17 =	vadd.s32 s12, v0;
	v14 =	vld.idx.msk [tilespmem:v14+s16+$0x0], $0xffff  }
0x251: {  	s13 =	sadd.s32 $0xFFFFFFFB, s8;
	v13 =	vld.idx.msk [tilespmem:v13+s16+$0x0], $0xffff  }
0x252: {  	s14 =	sadd.s32 $0xFFFFFFFB, s22;
	v16 =	vadd.f32 v16, v3;
	v18 =	vadd.s32 s13, v0;
	v12 =	vld.idx.msk [tilespmem:v12+s16+$0x0], $0xffff  }
0x253: {  	s15 =	sadd.s32 $0xFFFFFFFB, s6;
	v19 =	vadd.s32 s14, v0  }
0x254: {  	s18 =	sadd.s32 $0xFFFFFFFB, s20;
	v16 =	vmax.f32 v16, $0.0e+00;
	v15 =	vadd.f32 v15, v4;
	v20 =	vadd.s32 s15, v0;
	v11 =	vld.idx.msk [tilespmem:v11+s16+$0x0], $0xffff  }
0x255: {  	v21 =	vadd.s32 s18, v0;
	[tilespmem:v17+s19+$0x0] =	vst.idx.msk $0xffff, v16;
	v14 =	vadd.f32 v14, v5  }
0x256: {  	s23 =	sadd.s32 $0xFFFFFFFB, s3;
	v15 =	vmax.f32 v15, $0.0e+00;
	v17 =	vld [tilespmem:s29+$0x4380];
	v13 =	vadd.f32 v13, v6  }
0x257: {  	v16 =	vadd.s32 s23, v0;
	[tilespmem:v18+s19+$0x0] =	vst.idx.msk $0xffff, v15;
	v14 =	vmax.f32 v14, $0.0e+00;
	v12 =	vadd.f32 v12, v7  }
0x258: {  	v15 =	vld [tilespmem:s30+$0x4380];
	v13 =	vmax.f32 v13, $0.0e+00;
	[tilespmem:v19+s19+$0x0] =	vst.idx.msk $0xffff, v14  }
0x259: {  	v14 =	vld [tilespmem:s31+$0x4380];
	[tilespmem:v20+s19+$0x0] =	vst.idx.msk $0xffff, v13;
	v11 =	vadd.f32 v11, v9;
	v12 =	vmax.f32 v12, $0.0e+00  }
0x25a: {  	v13 =	vld [tilespmem:s0+$0x4380];
	[tilespmem:v21+s19+$0x0] =	vst.idx.msk $0xffff, v12  }
0x25b: {  	v11 =	vmax.f32 v11, $0.0e+00;
	v12 =	vld [tilespmem:s2+$0x4380]  }
0x25c: {  	[tilespmem:v16+s19+$0x0] =	vst.idx.msk $0xffff, v11  }
0x25d: {  	v11 =	vld [tilespmem:s5+$0x4380]  }
0x25e: {  	v16 =	vld.idx.msk [tilespmem:v17+s16+$0x0], $0xffff;
	_ =	sdelay $0x1  }
0x25f: {  	s24 =	sadd.s32 $0xFFFFFFFC, s21;
	v15 =	vld.idx.msk [tilespmem:v15+s16+$0x0], $0xffff  }
0x260: {  	v14 =	vld.idx.msk [tilespmem:v14+s16+$0x0], $0xffff;
	v17 =	vadd.s32 s24, v0  }
0x261: {  	s25 =	sadd.s32 $0xFFFFFFFC, s8;
	v13 =	vld.idx.msk [tilespmem:v13+s16+$0x0], $0xffff  }
0x262: {  	s4 =	sadd.s32 $0xFFFFFFFC, s22;
	v18 =	vadd.s32 s25, v0;
	v16 =	vadd.f32 v16, v3;
	v12 =	vld.idx.msk [tilespmem:v12+s16+$0x0], $0xffff  }
0x263: {  	s7 =	sadd.s32 $0xFFFFFFFC, s6;
	v19 =	vadd.s32 s4, v0  }
0x264: {  	s9 =	sadd.s32 $0xFFFFFFFC, s20;
	v15 =	vadd.f32 v15, v4;
	v20 =	vadd.s32 s7, v0;
	v16 =	vmax.f32 v16, $0.0e+00;
	v11 =	vld.idx.msk [tilespmem:v11+s16+$0x0], $0xffff  }
0x265: {  	v21 =	vadd.s32 s9, v0;
	v14 =	vadd.f32 v14, v5;
	[tilespmem:v17+s19+$0x0] =	vst.idx.msk $0xffff, v16  }
0x266: {  	s10 =	sadd.s32 $0xFFFFFFFC, s3;
	v15 =	vmax.f32 v15, $0.0e+00;
	v13 =	vadd.f32 v13, v6;
	v17 =	vld [tilespmem:s29+$0x8000]  }
0x267: {  	v10 =	vld.idx.msk [tilespmem:v10+s16+$0x0], $0xffff;
	[tilespmem:v18+s19+$0x0] =	vst.idx.msk $0xffff, v15;
	v14 =	vmax.f32 v14, $0.0e+00;
	v16 =	vadd.s32 s10, v0;
	v12 =	vadd.f32 v12, v7  }
0x268: {  	v15 =	vld [tilespmem:s30+$0x8000];
	[tilespmem:v19+s19+$0x0] =	vst.idx.msk $0xffff, v14;
	v13 =	vmax.f32 v13, $0.0e+00  }
0x269: {  	v14 =	vld [tilespmem:s31+$0x8000];
	[tilespmem:v20+s19+$0x0] =	vst.idx.msk $0xffff, v13;
	v11 =	vadd.f32 v11, v9;
	v12 =	vmax.f32 v12, $0.0e+00  }
0x26a: {  	v13 =	vld [tilespmem:s0+$0x8000];
	[tilespmem:v21+s19+$0x0] =	vst.idx.msk $0xffff, v12  }
0x26b: {  	v11 =	vmax.f32 v11, $0.0e+00;
	v12 =	vld [tilespmem:s2+$0x8000]  }
0x26c: {  	[tilespmem:v16+s19+$0x0] =	vst.idx.msk $0xffff, v11  }
0x26d: {  	s12 =	sadd.s32 $0xFFFFFFFD, s17;
	v11 =	vld [tilespmem:s5+$0x8000]  }
0x26e: {  	v16 =	vld.idx.msk [tilespmem:v17+s16+$0x0], $0xffff;
	v17 =	vadd.s32 s12, v0;
	_ =	sdelay $0x1  }
0x26f: {  	v10 =	vadd.f32 v10, v2;
	v15 =	vld.idx.msk [tilespmem:v15+s16+$0x0], $0xffff  }
0x270: {  	s13 =	sadd.s32 $0xFFFFFFFD, s21;
	v14 =	vld.idx.msk [tilespmem:v14+s16+$0x0], $0xffff  }
0x271: {  	v10 =	vmax.f32 v10, $0.0e+00;
	s14 =	sadd.s32 $0xFFFFFFFD, s8;
	v18 =	vadd.s32 s13, v0;
	v13 =	vld.idx.msk [tilespmem:v13+s16+$0x0], $0xffff  }
0x272: {  	s15 =	sadd.s32 $0xFFFFFFFD, s22;
	v19 =	vadd.s32 s14, v0;
	[tilespmem:v17+s19+$0x0] =	vst.idx.msk $0xffff, v10;
	v12 =	vld.idx.msk [tilespmem:v12+s16+$0x0], $0xffff  }
0x273: {  	s18 =	sadd.s32 $0xFFFFFFFD, s6;
	v20 =	vadd.s32 s15, v0;
	v16 =	vadd.f32 v16, v3;
	v17 =	vld [tilespmem:s28+$0x8080]  }
0x274: {  	s23 =	sadd.s32 $0xFFFFFFFD, s20;
	v15 =	vadd.f32 v15, v4;
	v21 =	vadd.s32 s18, v0;
	v11 =	vld.idx.msk [tilespmem:v11+s16+$0x0], $0xffff  }
0x275: {  	v14 =	vadd.f32 v14, v5;
	v10 =	vmax.f32 v16, $0.0e+00;
	v16 =	vadd.s32 s23, v0  }
0x276: {  	s24 =	sadd.s32 $0xFFFFFFFD, s3;
	v13 =	vadd.f32 v13, v6;
	[tilespmem:v18+s19+$0x0] =	vst.idx.msk $0xffff, v10;
	v10 =	vmax.f32 v15, $0.0e+00  }
0x277: {  	v15 =	vadd.s32 s24, v0;
	v18 =	vld [tilespmem:s29+$0x8080];
	[tilespmem:v19+s19+$0x0] =	vst.idx.msk $0xffff, v10;
	v10 =	vmax.f32 v14, $0.0e+00;
	v12 =	vadd.f32 v12, v7  }
0x278: {  	v14 =	vld [tilespmem:s30+$0x8080];
	[tilespmem:v20+s19+$0x0] =	vst.idx.msk $0xffff, v10;
	v10 =	vmax.f32 v13, $0.0e+00  }
0x279: {  	v13 =	vld [tilespmem:s31+$0x8080];
	[tilespmem:v21+s19+$0x0] =	vst.idx.msk $0xffff, v10;
	v11 =	vadd.f32 v11, v9;
	v10 =	vmax.f32 v12, $0.0e+00  }
0x27a: {  	v12 =	vld [tilespmem:s0+$0x8080];
	[tilespmem:v16+s19+$0x0] =	vst.idx.msk $0xffff, v10  }
0x27b: {  	v10 =	vmax.f32 v11, $0.0e+00;
	v11 =	vld [tilespmem:s2+$0x8080]  }
0x27c: {  	[tilespmem:v15+s19+$0x0] =	vst.idx.msk $0xffff, v10;
	v15 =	vld.idx.msk [tilespmem:v17+s16+$0x0], $0xffff  }
0x27d: {  	v10 =	vld [tilespmem:s5+$0x8080];
	_ =	sdelay $0x1  }
0x27e: {  	s25 =	sadd.s32 $0xFFFFFFFE, s17  }
0x27f: {  	v16 =	vld.idx.msk [tilespmem:v18+s16+$0x0], $0xffff;
	v17 =	vadd.s32 s25, v0  }
0x280: {  	v14 =	vld.idx.msk [tilespmem:v14+s16+$0x0], $0xffff  }
0x281: {  	s4 =	sadd.s32 $0xFFFFFFFE, s21;
	v13 =	vld.idx.msk [tilespmem:v13+s16+$0x0], $0xffff;
	v15 =	vadd.f32 v15, v2  }
0x282: {  	s7 =	sadd.s32 $0xFFFFFFFE, s8;
	v18 =	vadd.s32 s4, v0;
	v12 =	vld.idx.msk [tilespmem:v12+s16+$0x0], $0xffff  }
0x283: {  	s9 =	sadd.s32 $0xFFFFFFFE, s22;
	v19 =	vadd.s32 s7, v0;
	v11 =	vld.idx.msk [tilespmem:v11+s16+$0x0], $0xffff;
	v15 =	vmax.f32 v15, $0.0e+00  }
0x284: {  	s10 =	sadd.s32 $0xFFFFFFFE, s6;
	v20 =	vadd.s32 s9, v0;
	v16 =	vadd.f32 v16, v3;
	[tilespmem:v17+s19+$0x0] =	vst.idx.msk $0xffff, v15;
	v10 =	vld.idx.msk [tilespmem:v10+s16+$0x0], $0xffff  }
0x285: {  	s12 =	sadd.s32 $0xFFFFFFFE, s20;
	v21 =	vadd.s32 s10, v0;
	v14 =	vadd.f32 v14, v4;
	v17 =	vld [tilespmem:s28+$0x8100]  }
0x286: {  	v13 =	vadd.f32 v13, v5;
	v15 =	vmax.f32 v16, $0.0e+00;
	v16 =	vadd.s32 s12, v0  }
0x287: {  	s13 =	sadd.s32 $0xFFFFFFFE, s3;
	v14 =	vmax.f32 v14, $0.0e+00;
	[tilespmem:v18+s19+$0x0] =	vst.idx.msk $0xffff, v15;
	v12 =	vadd.f32 v12, v6  }
0x288: {  	v15 =	vadd.s32 s13, v0;
	[tilespmem:v19+s19+$0x0] =	vst.idx.msk $0xffff, v14;
	v13 =	vmax.f32 v13, $0.0e+00;
	v18 =	vld [tilespmem:s29+$0x8100];
	v11 =	vadd.f32 v11, v7  }
0x289: {  	v14 =	vld [tilespmem:s30+$0x8100];
	[tilespmem:v20+s19+$0x0] =	vst.idx.msk $0xffff, v13;
	v12 =	vmax.f32 v12, $0.0e+00  }
0x28a: {  	v13 =	vld [tilespmem:s31+$0x8100];
	[tilespmem:v21+s19+$0x0] =	vst.idx.msk $0xffff, v12;
	v10 =	vadd.f32 v10, v9;
	v11 =	vmax.f32 v11, $0.0e+00  }
0x28b: {  	v12 =	vld [tilespmem:s0+$0x8100];
	[tilespmem:v16+s19+$0x0] =	vst.idx.msk $0xffff, v11  }
0x28c: {  	v10 =	vmax.f32 v10, $0.0e+00;
	v11 =	vld [tilespmem:s2+$0x8100]  }
0x28d: {  	[tilespmem:v15+s19+$0x0] =	vst.idx.msk $0xffff, v10;
	v15 =	vld.idx.msk [tilespmem:v17+s16+$0x0], $0xffff  }
0x28e: {  	s14 =	sadd.s32 $0xFFFFFFFF, s11;
	v10 =	vld [tilespmem:s5+$0x8100]  }
0x28f: {  	v17 =	vadd.s32 s14, v0  }
0x290: {  	s15 =	sadd.s32 $0xFFFFFFFF, s17;
	v16 =	vld.idx.msk [tilespmem:v18+s16+$0x0], $0xffff  }
0x291: {  	v8 =	vadd.f32 v8, v1;
	v14 =	vld.idx.msk [tilespmem:v14+s16+$0x0], $0xffff;
	v18 =	vadd.s32 s15, v0  }
0x292: {  	s18 =	sadd.s32 $0xFFFFFFFF, s21;
	v13 =	vld.idx.msk [tilespmem:v13+s16+$0x0], $0xffff  }
0x293: {  	v8 =	vmax.f32 v8, $0.0e+00;
	s23 =	sadd.s32 $0xFFFFFFFF, s8;
	v19 =	vadd.s32 s18, v0;
	v12 =	vld.idx.msk [tilespmem:v12+s16+$0x0], $0xffff;
	v15 =	vadd.f32 v15, v2  }
0x294: {  	s24 =	sadd.s32 $0xFFFFFFFF, s22;
	v20 =	vadd.s32 s23, v0;
	[tilespmem:v17+s19+$0x0] =	vst.idx.msk $0xffff, v8;
	v11 =	vld.idx.msk [tilespmem:v11+s16+$0x0], $0xffff  }
0x295: {  	s25 =	sadd.s32 $0xFFFFFFFF, s6;
	v21 =	vadd.s32 s24, v0;
	v16 =	vadd.f32 v16, v3;
	v17 =	vld [tilespmem:s26+$0x8180];
	v8 =	vmax.f32 v15, $0.0e+00  }
0x296: {  	s4 =	sadd.s32 $0xFFFFFFFF, s20;
	v14 =	vadd.f32 v14, v4;
	v15 =	vadd.s32 s25, v0;
	[tilespmem:v18+s19+$0x0] =	vst.idx.msk $0xffff, v8;
	v10 =	vld.idx.msk [tilespmem:v10+s16+$0x0], $0xffff  }
0x297: {  	v13 =	vadd.f32 v13, v5;
	v8 =	vmax.f32 v16, $0.0e+00;
	v16 =	vadd.s32 s4, v0;
	v18 =	vld [tilespmem:s28+$0x8180]  }
0x298: {  	s7 =	sadd.s32 $0xFFFFFFFF, s3;
	[tilespmem:v19+s19+$0x0] =	vst.idx.msk $0xffff, v8;
	v8 =	vmax.f32 v14, $0.0e+00;
	v12 =	vadd.f32 v12, v6  }
0x299: {  	v14 =	vadd.s32 s7, v0;
	v19 =	vld [tilespmem:s29+$0x8180];
	[tilespmem:v20+s19+$0x0] =	vst.idx.msk $0xffff, v8;
	v8 =	vmax.f32 v13, $0.0e+00;
	v11 =	vadd.f32 v11, v7  }
0x29a: {  	v13 =	vld [tilespmem:s30+$0x8180];
	[tilespmem:v21+s19+$0x0] =	vst.idx.msk $0xffff, v8;
	v8 =	vmax.f32 v12, $0.0e+00  }
0x29b: {  	v12 =	vld [tilespmem:s31+$0x8180];
	[tilespmem:v15+s19+$0x0] =	vst.idx.msk $0xffff, v8;
	v10 =	vadd.f32 v10, v9;
	v8 =	vmax.f32 v11, $0.0e+00  }
0x29c: {  	v11 =	vld [tilespmem:s0+$0x8180];
	[tilespmem:v16+s19+$0x0] =	vst.idx.msk $0xffff, v8  }
0x29d: {  	v8 =	vmax.f32 v10, $0.0e+00;
	v10 =	vld [tilespmem:s2+$0x8180]  }
0x29e: {  	[tilespmem:v14+s19+$0x0] =	vst.idx.msk $0xffff, v8;
	v14 =	vld.idx.msk [tilespmem:v17+s16+$0x0], $0xffff  }
0x29f: {  	v15 =	vld.idx.msk [tilespmem:v18+s16+$0x0], $0xffff  }
0x2a0: {  	v8 =	vld [tilespmem:s5+$0x8180]  }
0x2a1: {  	v16 =	vld.idx.msk [tilespmem:v19+s16+$0x0], $0xffff  }
0x2a2: {  	v17 =	vadd.s32 s11, v0;
	v13 =	vld.idx.msk [tilespmem:v13+s16+$0x0], $0xffff  }
0x2a3: {  	v18 =	vadd.s32 s17, v0;
	v12 =	vld.idx.msk [tilespmem:v12+s16+$0x0], $0xffff  }
0x2a4: {  	v1 =	vadd.f32 v14, v1;
	v14 =	vadd.s32 s21, v0;
	v11 =	vld.idx.msk [tilespmem:v11+s16+$0x0], $0xffff  }
0x2a5: {  	v2 =	vadd.f32 v15, v2;
	v15 =	vadd.s32 s8, v0  }
0x2a6: {  	v3 =	vadd.f32 v16, v3;
	v16 =	vadd.s32 s22, v0;
	v1 =	vmax.f32 v1, $0.0e+00  }
0x2a7: {  	v10 =	vld.idx.msk [tilespmem:v10+s16+$0x0], $0xffff;
	[tilespmem:v17+s19+$0x0] =	vst.idx.msk $0xffff, v1;
	v1 =	vmax.f32 v2, $0.0e+00;
	v2 =	vadd.f32 v13, v4;
	v4 =	vadd.s32 s6, v0  }
0x2a8: {  	v8 =	vld.idx.msk [tilespmem:v8+s16+$0x0], $0xffff;
	[tilespmem:v18+s19+$0x0] =	vst.idx.msk $0xffff, v1;
	v1 =	vmax.f32 v3, $0.0e+00;
	v3 =	vadd.f32 v12, v5  }
0x2a9: {  	[tilespmem:v14+s19+$0x0] =	vst.idx.msk $0xffff, v1;
	v1 =	vmax.f32 v2, $0.0e+00;
	v2 =	vadd.f32 v11, v6  }
0x2aa: {  	v5 =	vadd.s32 s20, v0;
	s9 =	rddreg [dreg:$0xe];
	[tilespmem:v15+s19+$0x0] =	vst.idx.msk $0xffff, v1;
	v1 =	vmax.f32 v3, $0.0e+00  }
0x2ab: {  	v6 =	vadd.s32 s3, v0;
	s0 =	smul.u32 $0x50000, s9;
	[tilespmem:v16+s19+$0x0] =	vst.idx.msk $0xffff, v1;
	v1 =	vmax.f32 v2, $0.0e+00  }
0x2ac: {  	v3 =	vadd.f32 v10, v7;
	s10 =	rddreg [dreg:$0x9];
	[tilespmem:v4+s19+$0x0] =	vst.idx.msk $0xffff, v1  }
0x2ad: {  	v2 =	vadd.f32 v8, v9;
	s1 =	sadd.s32 s10, s0;
	s11 =	rddreg [dreg:$0xd]  }
0x2ae: {  	v1 =	vmax.f32 v3, $0.0e+00;
	[dreg:$0xf] =	wrdreg s1;
	s0 =	sor.u32 s11, s1  }
0x2af: {  	s12 =	rddreg [dreg:$0x1];
	[tilespmem:v5+s19+$0x0] =	vst.idx.msk $0xffff, v1;
	v1 =	vmax.f32 v2, $0.0e+00;
	s0 =	sshrl.u32 s0, $0x3  }
0x2b0: {  	s13 =	simm.s32 $0x80;
	s14 =	simm.s32 $0x400;
	[tilespmem:v6+s19+$0x0] =	vst.idx.msk $0xffff, v1;
	s0 =	sadd.s32 s12, s0  }
0x2b1: {  	[hbm4b:s0+s13] =	stream.strided.scatter [tilespmem:s19], [sflag:$0x1], $0x5000, s14, s13, $0x38;
	[tilespmem:$0x17080] =	vst v63  }
0x2b2: {  	s0 =	simm.s32 @!p0 $0x2  }
0x2b3: {  	s4 =	simm.s32 $0x2000;
	s2 =	simm.s32 $0x0;
	_ =	swait.ge @!p0 [sflag:s0], $0x5000  }
0x2b4: {  	s15 =	sand.u32 $0x70, s2;
	s17 =	sand.u32 $0x3C00, s4;
	[sflag:s0] =	ssyncset.done @!p0 $0x0  }
0x2b5: {  	s5 =	sor.u32 s15, s17;
	[sflag:s0] =	ssyncadd.s32 @!p0 $0xFFFFB000  }
0x2b6: {  	v2 =	vld [tilespmem:s5+$0x0];
	_ =	sdelay $0x3  }
0x2b7: {  	s18 =	simm.s32 $0x400  }
0x2b8: {  	s0 =	sand.u32 $0x780, s18  }
0x2b9: {  	s0 =	sor.u32 s15, s0  }
0x2ba: {  	v1 =	vld [tilespmem:s0+$0xC800]  }
0x2bb: {  	v2 =	vld.idx.msk [tilespmem:v2+s16+$0x0], $0xffff;
	_ =	sdelay $0x1  }
0x2bc: {  	s19 =	simm.s32 $0x0  }
0x2bd: {  	v3 =	vadd.s32 s19, v0;
	_ =	sdelay $0x1  }
0x2be: {  	v2 =	vadd.f32 v2, v1;
	_ =	sdelay $0x1  }
0x2bf: {  	s19 =	simm.s32 $0x12000;
	v2 =	vmax.f32 v2, $0.0e+00  }
0x2c0: {  	[tilespmem:v3+s19+$0x0] =	vst.idx.msk $0xffff, v2  }
0x2c1: {  	v2 =	vld [tilespmem:s5+$0x80];
	_ =	sdelay $0x7  }
0x2c2: {  	v2 =	vld.idx.msk [tilespmem:v2+s16+$0x0], $0xffff;
	_ =	sdelay $0x1  }
0x2c3: {  	s20 =	simm.s32 $0x1  }
0x2c4: {  	v3 =	vadd.s32 s20, v0;
	_ =	sdelay $0x1  }
0x2c5: {  	v2 =	vadd.f32 v2, v1;
	_ =	sdelay $0x1  }
0x2c6: {  	v2 =	vmax.f32 v2, $0.0e+00  }
0x2c7: {  	[tilespmem:v3+s19+$0x0] =	vst.idx.msk $0xffff, v2  }
0x2c8: {  	v2 =	vld [tilespmem:s5+$0x100];
	_ =	sdelay $0x1  }
0x2c9: {  	s3 =	simm.s32 $0x2080;
	s1 =	simm.s32 $0x10  }
0x2ca: {  	s22 =	sand.u32 $0x3C00, s3;
	s21 =	sand.u32 $0x70, s1  }
0x2cb: {  	s26 =	sor.u32 s21, s22  }
0x2cc: {  	v3 =	vld [tilespmem:s26+$0x0];
	_ =	sdelay $0x2  }
0x2cd: {  	v2 =	vld.idx.msk [tilespmem:v2+s16+$0x0], $0xffff;
	_ =	sdelay $0x1  }
0x2ce: {  	s23 =	simm.s32 $0x2  }
0x2cf: {  	s24 =	simm.s32 $0x410;
	v4 =	vadd.s32 s23, v0  }
0x2d0: {  	s25 =	sand.u32 $0x780, s24  }
0x2d1: {  	s0 =	sor.u32 s21, s25;
	v3 =	vld.idx.msk [tilespmem:v3+s16+$0x0], $0xffff;
	v5 =	vadd.f32 v2, v1  }
0x2d2: {  	v2 =	vld [tilespmem:s0+$0xC800]  }
0x2d3: {  	v5 =	vmax.f32 v5, $0.0e+00  }
0x2d4: {  	s7 =	simm.s32 $0x140;
	[tilespmem:v4+s19+$0x0] =	vst.idx.msk $0xffff, v5  }
0x2d5: {  	v5 =	vadd.s32 s7, v0;
	v4 =	vld [tilespmem:s5+$0x180];
	_ =	sdelay $0x1  }
0x2d6: {  	v3 =	vadd.f32 v3, v2;
	_ =	sdelay $0x1  }
0x2d7: {  	v3 =	vmax.f32 v3, $0.0e+00  }
0x2d8: {  	[tilespmem:v5+s19+$0x0] =	vst.idx.msk $0xffff, v3  }
0x2d9: {  	v3 =	vld [tilespmem:s26+$0x80];
	_ =	sdelay $0x1  }
0x2da: {  	v4 =	vld.idx.msk [tilespmem:v4+s16+$0x0], $0xffff;
	_ =	sdelay $0x1  }
0x2db: {  	s8 =	simm.s32 $0x3  }
0x2dc: {  	v5 =	vadd.s32 s8, v0;
	_ =	sdelay $0x1  }
0x2dd: {  	v4 =	vadd.f32 v4, v1  }
0x2de: {  	v3 =	vld.idx.msk [tilespmem:v3+s16+$0x0], $0xffff  }
0x2df: {  	v4 =	vmax.f32 v4, $0.0e+00  }
0x2e0: {  	s9 =	simm.s32 $0x141;
	[tilespmem:v5+s19+$0x0] =	vst.idx.msk $0xffff, v4  }
0x2e1: {  	v5 =	vadd.s32 s9, v0;
	v4 =	vld [tilespmem:s5+$0x200];
	_ =	sdelay $0x1  }
0x2e2: {  	v3 =	vadd.f32 v3, v2;
	_ =	sdelay $0x1  }
0x2e3: {  	v3 =	vmax.f32 v3, $0.0e+00  }
0x2e4: {  	[tilespmem:v5+s19+$0x0] =	vst.idx.msk $0xffff, v3  }
0x2e5: {  	v3 =	vld [tilespmem:s26+$0x100];
	_ =	sdelay $0x1  }
0x2e6: {  	v4 =	vld.idx.msk [tilespmem:v4+s16+$0x0], $0xffff  }
0x2e7: {  	s0 =	simm.s32 $0x20;
	s7 =	simm.s32 $0x2100  }
0x2e8: {  	s10 =	simm.s32 $0x4;
	s11 =	sand.u32 $0x70, s0;
	s12 =	sand.u32 $0x3C00, s7  }
0x2e9: {  	s28 =	sor.u32 s11, s12;
	v5 =	vadd.s32 s10, v0  }
0x2ea: {  	v6 =	vld [tilespmem:s28+$0x0]  }
0x2eb: {  	v4 =	vadd.f32 v4, v1  }
0x2ec: {  	v3 =	vld.idx.msk [tilespmem:v3+s16+$0x0], $0xffff  }
0x2ed: {  	v4 =	vmax.f32 v4, $0.0e+00  }
0x2ee: {  	s13 =	simm.s32 $0x142;
	[tilespmem:v5+s19+$0x0] =	vst.idx.msk $0xffff, v4  }
0x2ef: {  	v5 =	vadd.s32 s13, v0;
	v4 =	vld [tilespmem:s5+$0x280]  }
0x2f0: {  	s14 =	simm.s32 $0x420  }
0x2f1: {  	s15 =	sand.u32 $0x780, s14;
	v7 =	vadd.f32 v3, v2  }
0x2f2: {  	s6 =	sor.u32 s11, s15;
	v6 =	vld.idx.msk [tilespmem:v6+s16+$0x0], $0xffff  }
0x2f3: {  	v3 =	vld [tilespmem:s6+$0xC800];
	v7 =	vmax.f32 v7, $0.0e+00  }
0x2f4: {  	[tilespmem:v5+s19+$0x0] =	vst.idx.msk $0xffff, v7  }
0x2f5: {  	s17 =	simm.s32 $0x280;
	v5 =	vld [tilespmem:s26+$0x180]  }
0x2f6: {  	v7 =	vadd.s32 s17, v0  }
0x2f7: {  	v4 =	vld.idx.msk [tilespmem:v4+s16+$0x0], $0xffff  }
0x2f8: {  	v6 =	vadd.f32 v6, v3  }
0x2f9: {  	s18 =	simm.s32 $0x5  }
0x2fa: {  	v8 =	vadd.s32 s18, v0;
	v6 =	vmax.f32 v6, $0.0e+00  }
0x2fb: {  	[tilespmem:v7+s19+$0x0] =	vst.idx.msk $0xffff, v6  }
0x2fc: {  	v6 =	vld [tilespmem:s28+$0x80];
	v4 =	vadd.f32 v4, v1  }
0x2fd: {  	v5 =	vld.idx.msk [tilespmem:v5+s16+$0x0], $0xffff  }
0x2fe: {  	v4 =	vmax.f32 v4, $0.0e+00  }
0x2ff: {  	s20 =	simm.s32 $0x143;
	[tilespmem:v8+s19+$0x0] =	vst.idx.msk $0xffff, v4  }
0x300: {  	v7 =	vadd.s32 s20, v0;
	v4 =	vld [tilespmem:s5+$0x300];
	_ =	sdelay $0x1  }
0x301: {  	v5 =	vadd.f32 v5, v2;
	_ =	sdelay $0x1  }
0x302: {  	v6 =	vld.idx.msk [tilespmem:v6+s16+$0x0], $0xffff;
	v5 =	vmax.f32 v5, $0.0e+00  }
0x303: {  	[tilespmem:v7+s19+$0x0] =	vst.idx.msk $0xffff, v5  }
0x304: {  	s21 =	simm.s32 $0x281;
	v5 =	vld [tilespmem:s26+$0x200]  }
0x305: {  	v7 =	vadd.s32 s21, v0  }
0x306: {  	v4 =	vld.idx.msk [tilespmem:v4+s16+$0x0], $0xffff  }
0x307: {  	v6 =	vadd.f32 v6, v3  }
0x308: {  	s22 =	simm.s32 $0x6  }
0x309: {  	v8 =	vadd.s32 s22, v0;
	v6 =	vmax.f32 v6, $0.0e+00  }
0x30a: {  	[tilespmem:v7+s19+$0x0] =	vst.idx.msk $0xffff, v6  }
0x30b: {  	v6 =	vld [tilespmem:s28+$0x100];
	v4 =	vadd.f32 v4, v1  }
0x30c: {  	s2 =	sor.u32 s4, s2;
	v5 =	vld.idx.msk [tilespmem:v5+s16+$0x0], $0xffff  }
0x30d: {  	s2 =	sor.u32 $0x380, s2;
	v4 =	vmax.f32 v4, $0.0e+00  }
0x30e: {  	s23 =	simm.s32 $0x144;
	s8 =	simm.s32 $0x2180;
	s6 =	simm.s32 $0x30;
	[tilespmem:v8+s19+$0x0] =	vst.idx.msk $0xffff, v4  }
0x30f: {  	s25 =	sand.u32 $0x3C00, s8;
	s24 =	sand.u32 $0x70, s6;
	v7 =	vadd.s32 s23, v0;
	v4 =	vld [tilespmem:s2+$0x0]  }
0x310: {  	s29 =	sor.u32 s24, s25  }
0x311: {  	v8 =	vld [tilespmem:s29+$0x0];
	v5 =	vadd.f32 v5, v2;
	_ =	sdelay $0x1  }
0x312: {  	v6 =	vld.idx.msk [tilespmem:v6+s16+$0x0], $0xffff;
	v5 =	vmax.f32 v5, $0.0e+00  }
0x313: {  	[tilespmem:v7+s19+$0x0] =	vst.idx.msk $0xffff, v5  }
0x314: {  	s9 =	simm.s32 $0x282;
	v5 =	vld [tilespmem:s26+$0x280]  }
0x315: {  	v7 =	vadd.s32 s9, v0  }
0x316: {  	s10 =	simm.s32 $0x430;
	v9 =	vld.idx.msk [tilespmem:v4+s16+$0x0], $0xffff  }
0x317: {  	s11 =	sand.u32 $0x780, s10;
	v6 =	vadd.f32 v6, v3  }
0x318: {  	s12 =	simm.s32 $0x7;
	s2 =	sor.u32 s24, s11;
	v8 =	vld.idx.msk [tilespmem:v8+s16+$0x0], $0xffff  }
0x319: {  	v10 =	vadd.s32 s12, v0;
	v4 =	vld [tilespmem:s2+$0xC800];
	v6 =	vmax.f32 v6, $0.0e+00  }
0x31a: {  	[tilespmem:v7+s19+$0x0] =	vst.idx.msk $0xffff, v6  }
0x31b: {  	s13 =	simm.s32 $0x3C0;
	v7 =	vld [tilespmem:s28+$0x180];
	v6 =	vadd.f32 v9, v1  }
0x31c: {  	v9 =	vadd.s32 s13, v0;
	v5 =	vld.idx.msk [tilespmem:v5+s16+$0x0], $0xffff  }
0x31d: {  	v6 =	vmax.f32 v6, $0.0e+00  }
0x31e: {  	s14 =	simm.s32 $0x145;
	[tilespmem:v10+s19+$0x0] =	vst.idx.msk $0xffff, v6;
	v6 =	vadd.f32 v8, v4  }
0x31f: {  	v10 =	vadd.s32 s14, v0;
	v8 =	vld [tilespmem:s5+$0x4000]  }
0x320: {  	v6 =	vmax.f32 v6, $0.0e+00  }
0x321: {  	v5 =	vadd.f32 v5, v2;
	[tilespmem:v9+s19+$0x0] =	vst.idx.msk $0xffff, v6  }
0x322: {  	v6 =	vld [tilespmem:s29+$0x80]  }
0x323: {  	v7 =	vld.idx.msk [tilespmem:v7+s16+$0x0], $0xffff;
	v5 =	vmax.f32 v5, $0.0e+00  }
0x324: {  	[tilespmem:v10+s19+$0x0] =	vst.idx.msk $0xffff, v5  }
0x325: {  	s15 =	simm.s32 $0x283;
	v5 =	vld [tilespmem:s26+$0x300]  }
0x326: {  	v9 =	vadd.s32 s15, v0  }
0x327: {  	v8 =	vld.idx.msk [tilespmem:v8+s16+$0x0], $0xffff  }
0x328: {  	v7 =	vadd.f32 v7, v3  }
0x329: {  	s17 =	simm.s32 $0x8  }
0x32a: {  	v10 =	vadd.s32 s17, v0;
	v7 =	vmax.f32 v7, $0.0e+00;
	v6 =	vld.idx.msk [tilespmem:v6+s16+$0x0], $0xffff  }
0x32b: {  	[tilespmem:v9+s19+$0x0] =	vst.idx.msk $0xffff, v7  }
0x32c: {  	s18 =	simm.s32 $0x3C1;
	v7 =	vadd.f32 v8, v1;
	v8 =	vld [tilespmem:s28+$0x200]  }
0x32d: {  	v9 =	vadd.s32 s18, v0;
	v5 =	vld.idx.msk [tilespmem:v5+s16+$0x0], $0xffff  }
0x32e: {  	v7 =	vmax.f32 v7, $0.0e+00  }
0x32f: {  	s20 =	simm.s32 $0x146;
	[tilespmem:v10+s19+$0x0] =	vst.idx.msk $0xffff, v7;
	v6 =	vadd.f32 v6, v4  }
0x330: {  	v10 =	vadd.s32 s20, v0;
	v7 =	vld [tilespmem:s5+$0x4080]  }
0x331: {  	v6 =	vmax.f32 v6, $0.0e+00  }
0x332: {  	v5 =	vadd.f32 v5, v2;
	[tilespmem:v9+s19+$0x0] =	vst.idx.msk $0xffff, v6  }
0x333: {  	v6 =	vld [tilespmem:s29+$0x100]  }
0x334: {  	s4 =	simm.s32 $0x2200;
	s1 =	sor.u32 s3, s1;
	s2 =	simm.s32 $0x40;
	v5 =	vmax.f32 v5, $0.0e+00;
	v8 =	vld.idx.msk [tilespmem:v8+s16+$0x0], $0xffff  }
0x335: {  	s1 =	sor.u32 $0x380, s1;
	s22 =	sand.u32 $0x3C00, s4;
	s21 =	sand.u32 $0x70, s2;
	[tilespmem:v10+s19+$0x0] =	vst.idx.msk $0xffff, v5  }
0x336: {  	s23 =	simm.s32 $0x284;
	s30 =	sor.u32 s21, s22;
	v10 =	vld [tilespmem:s1+$0x0]  }
0x337: {  	v11 =	vadd.s32 s23, v0;
	v9 =	vld [tilespmem:s30+$0x0]  }
0x338: {  	v7 =	vld.idx.msk [tilespmem:v7+s16+$0x0], $0xffff  }
0x339: {  	s24 =	simm.s32 $0x440;
	v8 =	vadd.f32 v8, v3  }
0x33a: {  	s25 =	simm.s32 $0x9;
	s1 =	sand.u32 $0x780, s24  }
0x33b: {  	v12 =	vadd.s32 s25, v0;
	s1 =	sor.u32 s21, s1;
	v8 =	vmax.f32 v8, $0.0e+00;
	v6 =	vld.idx.msk [tilespmem:v6+s16+$0x0], $0xffff  }
0x33c: {  	v5 =	vld [tilespmem:s1+$0xC800];
	[tilespmem:v11+s19+$0x0] =	vst.idx.msk $0xffff, v8  }
0x33d: {  	s3 =	simm.s32 $0x3C2;
	v7 =	vadd.f32 v7, v1;
	v8 =	vld [tilespmem:s28+$0x280]  }
0x33e: {  	v11 =	vadd.s32 s3, v0;
	v10 =	vld.idx.msk [tilespmem:v10+s16+$0x0], $0xffff  }
0x33f: {  	v9 =	vld.idx.msk [tilespmem:v9+s16+$0x0], $0xffff;
	v7 =	vmax.f32 v7, $0.0e+00  }
0x340: {  	s9 =	simm.s32 $0x147;
	[tilespmem:v12+s19+$0x0] =	vst.idx.msk $0xffff, v7;
	v6 =	vadd.f32 v6, v4  }
0x341: {  	s10 =	simm.s32 $0x500;
	v12 =	vadd.s32 s9, v0;
	v7 =	vld [tilespmem:s5+$0x4100]  }
0x342: {  	v13 =	vadd.s32 s10, v0;
	v6 =	vmax.f32 v6, $0.0e+00  }
0x343: {  	v10 =	vadd.f32 v10, v2;
	[tilespmem:v11+s19+$0x0] =	vst.idx.msk $0xffff, v6  }
0x344: {  	v9 =	vadd.f32 v9, v5;
	v6 =	vld [tilespmem:s29+$0x180]  }
0x345: {  	v10 =	vmax.f32 v10, $0.0e+00;
	v8 =	vld.idx.msk [tilespmem:v8+s16+$0x0], $0xffff  }
0x346: {  	v9 =	vmax.f32 v9, $0.0e+00;
	[tilespmem:v12+s19+$0x0] =	vst.idx.msk $0xffff, v10  }
0x347: {  	s11 =	simm.s32 $0x285;
	[tilespmem:v13+s19+$0x0] =	vst.idx.msk $0xffff, v9;
	v10 =	vld [tilespmem:s26+$0x4000]  }
0x348: {  	v9 =	vadd.s32 s11, v0;
	v11 =	vld [tilespmem:s30+$0x80]  }
0x349: {  	v7 =	vld.idx.msk [tilespmem:v7+s16+$0x0], $0xffff  }
0x34a: {  	v8 =	vadd.f32 v8, v3  }
0x34b: {  	s12 =	simm.s32 $0xA  }
0x34c: {  	v12 =	vadd.s32 s12, v0;
	v8 =	vmax.f32 v8, $0.0e+00  }
0x34d: {  	v6 =	vld.idx.msk [tilespmem:v6+s16+$0x0], $0xffff;
	[tilespmem:v9+s19+$0x0] =	vst.idx.msk $0xffff, v8  }
0x34e: {  	v7 =	vadd.f32 v7, v1;
	v8 =	vld [tilespmem:s28+$0x300]  }
0x34f: {  	s13 =	simm.s32 $0x3C3;
	v9 =	vld.idx.msk [tilespmem:v10+s16+$0x0], $0xffff  }
0x350: {  	v11 =	vld.idx.msk [tilespmem:v11+s16+$0x0], $0xffff;
	v10 =	vadd.s32 s13, v0;
	v7 =	vmax.f32 v7, $0.0e+00  }
0x351: {  	s14 =	simm.s32 $0x148;
	[tilespmem:v12+s19+$0x0] =	vst.idx.msk $0xffff, v7  }
0x352: {  	s15 =	simm.s32 $0x501;
	v6 =	vadd.f32 v6, v4;
	v12 =	vadd.s32 s14, v0;
	v7 =	vld [tilespmem:s5+$0x4180]  }
0x353: {  	v13 =	vadd.s32 s15, v0  }
0x354: {  	v6 =	vmax.f32 v6, $0.0e+00;
	v9 =	vadd.f32 v9, v2  }
0x355: {  	[tilespmem:v10+s19+$0x0] =	vst.idx.msk $0xffff, v6;
	v10 =	vadd.f32 v11, v5  }
0x356: {  	v6 =	vld [tilespmem:s29+$0x200];
	v9 =	vmax.f32 v9, $0.0e+00  }
0x357: {  	v8 =	vld.idx.msk [tilespmem:v8+s16+$0x0], $0xffff;
	[tilespmem:v12+s19+$0x0] =	vst.idx.msk $0xffff, v9;
	v10 =	vmax.f32 v10, $0.0e+00  }
0x358: {  	v9 =	vld [tilespmem:s26+$0x4080];
	[tilespmem:v13+s19+$0x0] =	vst.idx.msk $0xffff, v10  }
0x359: {  	s17 =	simm.s32 $0x286;
	v11 =	vld [tilespmem:s30+$0x100]  }
0x35a: {  	s1 =	simm.s32 $0x50;
	s3 =	simm.s32 $0x2280;
	v10 =	vadd.s32 s17, v0;
	v7 =	vld.idx.msk [tilespmem:v7+s16+$0x0], $0xffff  }
0x35b: {  	s20 =	sand.u32 $0x70, s1;
	s21 =	sand.u32 $0x3C00, s3  }
0x35c: {  	s18 =	simm.s32 $0xB;
	s31 =	sor.u32 s20, s21;
	v8 =	vadd.f32 v8, v3  }
0x35d: {  	v12 =	vadd.s32 s18, v0;
	v13 =	vld [tilespmem:s31+$0x0]  }
0x35e: {  	s0 =	sor.u32 s7, s0;
	v6 =	vld.idx.msk [tilespmem:v6+s16+$0x0], $0xffff;
	v8 =	vmax.f32 v8, $0.0e+00  }
0x35f: {  	s0 =	sor.u32 $0x380, s0;
	[tilespmem:v10+s19+$0x0] =	vst.idx.msk $0xffff, v8;
	v7 =	vadd.f32 v7, v1  }
0x360: {  	s22 =	simm.s32 $0x3C4;
	v8 =	vld [tilespmem:s0+$0x0]  }
0x361: {  	v10 =	vadd.s32 s22, v0;
	v9 =	vld.idx.msk [tilespmem:v9+s16+$0x0], $0xffff;
	v7 =	vmax.f32 v7, $0.0e+00  }
0x362: {  	v11 =	vld.idx.msk [tilespmem:v11+s16+$0x0], $0xffff;
	[tilespmem:v12+s19+$0x0] =	vst.idx.msk $0xffff, v7  }
0x363: {  	s24 =	simm.s32 $0x149;
	v6 =	vadd.f32 v6, v4;
	v7 =	vld [tilespmem:s5+$0x4200]  }
0x364: {  	v12 =	vadd.s32 s24, v0  }
0x365: {  	s25 =	simm.s32 $0x502;
	v14 =	vmax.f32 v6, $0.0e+00  }
0x366: {  	s23 =	simm.s32 $0x450;
	v13 =	vld.idx.msk [tilespmem:v13+s16+$0x0], $0xffff;
	v9 =	vadd.f32 v9, v2;
	[tilespmem:v10+s19+$0x0] =	vst.idx.msk $0xffff, v14;
	v10 =	vadd.s32 s25, v0  }
0x367: {  	s0 =	sand.u32 $0x780, s23;
	v14 =	vld [tilespmem:s29+$0x280]  }
0x368: {  	s0 =	sor.u32 s20, s0;
	v11 =	vadd.f32 v11, v5;
	v9 =	vmax.f32 v9, $0.0e+00;
	v8 =	vld.idx.msk [tilespmem:v8+s16+$0x0], $0xffff  }
0x369: {  	v6 =	vld [tilespmem:s0+$0xC800];
	[tilespmem:v12+s19+$0x0] =	vst.idx.msk $0xffff, v9  }
0x36a: {  	s7 =	simm.s32 $0x287;
	v9 =	vmax.f32 v11, $0.0e+00;
	v11 =	vld [tilespmem:s26+$0x4100]  }
0x36b: {  	v12 =	vadd.s32 s7, v0;
	[tilespmem:v10+s19+$0x0] =	vst.idx.msk $0xffff, v9;
	v7 =	vld.idx.msk [tilespmem:v7+s16+$0x0], $0xffff  }
0x36c: {  	s9 =	simm.s32 $0x640;
	v9 =	vld [tilespmem:s30+$0x180]  }
0x36d: {  	v10 =	vadd.s32 s9, v0;
	v8 =	vadd.f32 v8, v3  }
0x36e: {  	s10 =	simm.s32 $0xC  }
0x36f: {  	v15 =	vadd.s32 s10, v0;
	v13 =	vadd.f32 v13, v6;
	v8 =	vmax.f32 v8, $0.0e+00  }
0x370: {  	v14 =	vld.idx.msk [tilespmem:v14+s16+$0x0], $0xffff;
	[tilespmem:v12+s19+$0x0] =	vst.idx.msk $0xffff, v8  }
0x371: {  	v12 =	vmax.f32 v13, $0.0e+00;
	v8 =	vld [tilespmem:s28+$0x4000];
	v7 =	vadd.f32 v7, v1  }
0x372: {  	s11 =	simm.s32 $0x3C5;
	[tilespmem:v10+s19+$0x0] =	vst.idx.msk $0xffff, v12;
	v10 =	vld.idx.msk [tilespmem:v11+s16+$0x0], $0xffff  }
0x373: {  	v11 =	vadd.s32 s11, v0;
	v12 =	vld [tilespmem:s31+$0x80];
	v7 =	vmax.f32 v7, $0.0e+00  }
0x374: {  	v9 =	vld.idx.msk [tilespmem:v9+s16+$0x0], $0xffff;
	[tilespmem:v15+s19+$0x0] =	vst.idx.msk $0xffff, v7  }
0x375: {  	s12 =	simm.s32 $0x14A;
	v7 =	vadd.f32 v14, v4;
	v13 =	vld [tilespmem:s5+$0x4280]  }
0x376: {  	v14 =	vadd.s32 s12, v0  }
0x377: {  	s13 =	simm.s32 $0x503;
	v7 =	vmax.f32 v7, $0.0e+00  }
0x378: {  	v10 =	vadd.f32 v10, v2;
	[tilespmem:v11+s19+$0x0] =	vst.idx.msk $0xffff, v7;
	v7 =	vadd.s32 s13, v0  }
0x379: {  	v11 =	vld [tilespmem:s29+$0x300]  }
0x37a: {  	v10 =	vmax.f32 v10, $0.0e+00;
	v8 =	vld.idx.msk [tilespmem:v8+s16+$0x0], $0xffff;
	v9 =	vadd.f32 v9, v5  }
0x37b: {  	[tilespmem:v14+s19+$0x0] =	vst.idx.msk $0xffff, v10;
	v12 =	vld.idx.msk [tilespmem:v12+s16+$0x0], $0xffff  }
0x37c: {  	s14 =	simm.s32 $0x288;
	v10 =	vld [tilespmem:s26+$0x4180];
	v9 =	vmax.f32 v9, $0.0e+00  }
0x37d: {  	v14 =	vadd.s32 s14, v0;
	[tilespmem:v7+s19+$0x0] =	vst.idx.msk $0xffff, v9;
	v7 =	vld.idx.msk [tilespmem:v13+s16+$0x0], $0xffff  }
0x37e: {  	s15 =	simm.s32 $0x641;
	v9 =	vld [tilespmem:s30+$0x200]  }
0x37f: {  	v13 =	vadd.s32 s15, v0;
	v8 =	vadd.f32 v8, v3  }
0x380: {  	s17 =	simm.s32 $0xD  }
0x381: {  	v15 =	vadd.s32 s17, v0;
	v12 =	vadd.f32 v12, v6;
	v8 =	vmax.f32 v8, $0.0e+00  }
0x382: {  	v11 =	vld.idx.msk [tilespmem:v11+s16+$0x0], $0xffff;
	[tilespmem:v14+s19+$0x0] =	vst.idx.msk $0xffff, v8  }
0x383: {  	v12 =	vmax.f32 v12, $0.0e+00;
	v8 =	vld [tilespmem:s28+$0x4080];
	v7 =	vadd.f32 v7, v1  }
0x384: {  	s18 =	simm.s32 $0x3C6;
	[tilespmem:v13+s19+$0x0] =	vst.idx.msk $0xffff, v12;
	v10 =	vld.idx.msk [tilespmem:v10+s16+$0x0], $0xffff  }
0x385: {  	v12 =	vadd.s32 s18, v0;
	v13 =	vld [tilespmem:s31+$0x100];
	v7 =	vmax.f32 v7, $0.0e+00  }
0x386: {  	v9 =	vld.idx.msk [tilespmem:v9+s16+$0x0], $0xffff;
	[tilespmem:v15+s19+$0x0] =	vst.idx.msk $0xffff, v7  }
0x387: {  	s20 =	simm.s32 $0x14B;
	s7 =	simm.s32 $0x60;
	s9 =	simm.s32 $0x2300;
	v7 =	vadd.f32 v11, v4;
	v11 =	vld [tilespmem:s5+$0x4300]  }
0x388: {  	s21 =	sand.u32 $0x70, s7;
	s22 =	sand.u32 $0x3C00, s9;
	v14 =	vadd.s32 s20, v0  }
0x389: {  	s6 =	sor.u32 s8, s6;
	s23 =	simm.s32 $0x504;
	s0 =	sor.u32 s21, s22;
	v7 =	vmax.f32 v7, $0.0e+00  }
0x38a: {  	s6 =	sor.u32 $0x380, s6;
	v15 =	vld [tilespmem:s0+$0x0];
	v10 =	vadd.f32 v10, v2;
	[tilespmem:v12+s19+$0x0] =	vst.idx.msk $0xffff, v7;
	v7 =	vadd.s32 s23, v0  }
0x38b: {  	v12 =	vld [tilespmem:s6+$0x0]  }
0x38c: {  	v10 =	vmax.f32 v10, $0.0e+00;
	v8 =	vld.idx.msk [tilespmem:v8+s16+$0x0], $0xffff;
	v9 =	vadd.f32 v9, v5  }
0x38d: {  	[tilespmem:v14+s19+$0x0] =	vst.idx.msk $0xffff, v10;
	v13 =	vld.idx.msk [tilespmem:v13+s16+$0x0], $0xffff  }
0x38e: {  	s24 =	simm.s32 $0x289;
	v10 =	vld [tilespmem:s26+$0x4200];
	v9 =	vmax.f32 v9, $0.0e+00  }
0x38f: {  	s25 =	simm.s32 $0x460;
	[tilespmem:v7+s19+$0x0] =	vst.idx.msk $0xffff, v9;
	v9 =	vadd.s32 s24, v0;
	v11 =	vld.idx.msk [tilespmem:v11+s16+$0x0], $0xffff  }
0x390: {  	s8 =	sand.u32 $0x780, s25;
	s11 =	simm.s32 $0x642;
	v14 =	vld [tilespmem:s30+$0x280]  }
0x391: {  	v16 =	vadd.s32 s11, v0;
	s6 =	sor.u32 s21, s8;
	v8 =	vadd.f32 v8, v3  }
0x392: {  	s12 =	simm.s32 $0xE;
	v7 =	vld [tilespmem:s6+$0xC800]  }
0x393: {  	v17 =	vadd.s32 s12, v0;
	v13 =	vadd.f32 v13, v6;
	v12 =	vld.idx.msk [tilespmem:v12+s16+$0x0], $0xffff;
	v8 =	vmax.f32 v8, $0.0e+00  }
0x394: {  	v15 =	vld.idx.msk [tilespmem:v15+s16+$0x0], $0xffff;
	[tilespmem:v9+s19+$0x0] =	vst.idx.msk $0xffff, v8  }
0x395: {  	s13 =	simm.s32 $0x3C7;
	v8 =	vmax.f32 v13, $0.0e+00;
	v9 =	vld [tilespmem:s28+$0x4100];
	v11 =	vadd.f32 v11, v1  }
0x396: {  	v13 =	vadd.s32 s13, v0;
	[tilespmem:v16+s19+$0x0] =	vst.idx.msk $0xffff, v8;
	v8 =	vld.idx.msk [tilespmem:v10+s16+$0x0], $0xffff  }
0x397: {  	s14 =	simm.s32 $0x780;
	v10 =	vld [tilespmem:s31+$0x180];
	v11 =	vmax.f32 v11, $0.0e+00  }
0x398: {  	v16 =	vadd.s32 s14, v0;
	v12 =	vadd.f32 v12, v4;
	v14 =	vld.idx.msk [tilespmem:v14+s16+$0x0], $0xffff;
	[tilespmem:v17+s19+$0x0] =	vst.idx.msk $0xffff, v11  }
0x399: {  	s15 =	simm.s32 $0x14C;
	v11 =	vld [tilespmem:s5+$0x4380]  }
0x39a: {  	v15 =	vadd.f32 v15, v7;
	v17 =	vadd.s32 s15, v0;
	v12 =	vmax.f32 v12, $0.0e+00  }
0x39b: {  	s17 =	simm.s32 $0x505;
	[tilespmem:v13+s19+$0x0] =	vst.idx.msk $0xffff, v12  }
0x39c: {  	v8 =	vadd.f32 v8, v2;
	v13 =	vmax.f32 v15, $0.0e+00;
	v15 =	vadd.s32 s17, v0;
	v12 =	vld [tilespmem:s29+$0x4000]  }
0x39d: {  	[tilespmem:v16+s19+$0x0] =	vst.idx.msk $0xffff, v13;
	v9 =	vld.idx.msk [tilespmem:v9+s16+$0x0], $0xffff  }
0x39e: {  	v8 =	vmax.f32 v8, $0.0e+00;
	v13 =	vld [tilespmem:s0+$0x80];
	v14 =	vadd.f32 v14, v5  }
0x39f: {  	[tilespmem:v17+s19+$0x0] =	vst.idx.msk $0xffff, v8;
	v10 =	vld.idx.msk [tilespmem:v10+s16+$0x0], $0xffff  }
0x3a0: {  	s18 =	simm.s32 $0x28A;
	v8 =	vmax.f32 v14, $0.0e+00;
	v14 =	vld [tilespmem:s26+$0x4280]  }
0x3a1: {  	[tilespmem:v15+s19+$0x0] =	vst.idx.msk $0xffff, v8;
	v8 =	vadd.s32 s18, v0;
	v11 =	vld.idx.msk [tilespmem:v11+s16+$0x0], $0xffff  }
0x3a2: {  	s20 =	simm.s32 $0x643;
	v15 =	vld [tilespmem:s30+$0x300]  }
0x3a3: {  	v16 =	vadd.s32 s20, v0;
	v9 =	vadd.f32 v9, v3  }
0x3a4: {  	s21 =	simm.s32 $0xF  }
0x3a5: {  	v17 =	vadd.s32 s21, v0;
	v10 =	vadd.f32 v10, v6;
	v12 =	vld.idx.msk [tilespmem:v12+s16+$0x0], $0xffff;
	v9 =	vmax.f32 v9, $0.0e+00  }
0x3a6: {  	v13 =	vld.idx.msk [tilespmem:v13+s16+$0x0], $0xffff;
	[tilespmem:v8+s19+$0x0] =	vst.idx.msk $0xffff, v9  }
0x3a7: {  	s22 =	simm.s32 $0x3C8;
	v8 =	vmax.f32 v10, $0.0e+00;
	v9 =	vld [tilespmem:s28+$0x4180];
	v10 =	vadd.f32 v11, v1  }
0x3a8: {  	v11 =	vadd.s32 s22, v0;
	[tilespmem:v16+s19+$0x0] =	vst.idx.msk $0xffff, v8;
	v8 =	vld.idx.msk [tilespmem:v14+s16+$0x0], $0xffff  }
0x3a9: {  	s23 =	simm.s32 $0x781;
	v14 =	vld [tilespmem:s31+$0x200];
	v10 =	vmax.f32 v10, $0.0e+00  }
0x3aa: {  	v16 =	vadd.s32 s23, v0;
	v12 =	vadd.f32 v12, v4;
	v15 =	vld.idx.msk [tilespmem:v15+s16+$0x0], $0xffff;
	[tilespmem:v17+s19+$0x0] =	vst.idx.msk $0xffff, v10  }
0x3ab: {  	s24 =	simm.s32 $0x14D;
	v10 =	vld [tilespmem:s5+$0x8000]  }
0x3ac: {  	v17 =	vadd.s32 s24, v0;
	v13 =	vadd.f32 v13, v7;
	v12 =	vmax.f32 v12, $0.0e+00  }
0x3ad: {  	s25 =	simm.s32 $0x506;
	[tilespmem:v11+s19+$0x0] =	vst.idx.msk $0xffff, v12  }
0x3ae: {  	v12 =	vmax.f32 v13, $0.0e+00;
	v13 =	vadd.s32 s25, v0;
	v8 =	vadd.f32 v8, v2;
	v11 =	vld [tilespmem:s29+$0x4080]  }
0x3af: {  	[tilespmem:v16+s19+$0x0] =	vst.idx.msk $0xffff, v12;
	v9 =	vld.idx.msk [tilespmem:v9+s16+$0x0], $0xffff  }
0x3b0: {  	v12 =	vld [tilespmem:s0+$0x100];
	v15 =	vadd.f32 v15, v5;
	v8 =	vmax.f32 v8, $0.0e+00  }
0x3b1: {  	v14 =	vld.idx.msk [tilespmem:v14+s16+$0x0], $0xffff;
	[tilespmem:v17+s19+$0x0] =	vst.idx.msk $0xffff, v8  }
0x3b2: {  	s2 =	sor.u32 s4, s2;
	s8 =	simm.s32 $0x28B;
	v8 =	vmax.f32 v15, $0.0e+00;
	v15 =	vld [tilespmem:s26+$0x4300]  }
0x3b3: {  	s10 =	simm.s32 $0x70;
	s2 =	sor.u32 $0x380, s2;
	s13 =	simm.s32 $0x2380;
	[tilespmem:v13+s19+$0x0] =	vst.idx.msk $0xffff, v8;
	v8 =	vadd.s32 s8, v0;
	v10 =	vld.idx.msk [tilespmem:v10+s16+$0x0], $0xffff  }
0x3b4: {  	s11 =	sand.u32 $0x70, s10;
	s12 =	sand.u32 $0x3C00, s13;
	s14 =	simm.s32 $0x644;
	v13 =	vld [tilespmem:s2+$0x0]  }
0x3b5: {  	v16 =	vadd.s32 s14, v0;
	s2 =	sor.u32 s11, s12;
	v9 =	vadd.f32 v9, v3  }
0x3b6: {  	s15 =	simm.s32 $0x10;
	v17 =	vld [tilespmem:s2+$0x0]  }
0x3b7: {  	v18 =	vadd.s32 s15, v0;
	v14 =	vadd.f32 v14, v6;
	v11 =	vld.idx.msk [tilespmem:v11+s16+$0x0], $0xffff;
	v9 =	vmax.f32 v9, $0.0e+00  }
0x3b8: {  	v12 =	vld.idx.msk [tilespmem:v12+s16+$0x0], $0xffff;
	[tilespmem:v8+s19+$0x0] =	vst.idx.msk $0xffff, v9  }
0x3b9: {  	s17 =	simm.s32 $0x3C9;
	v8 =	vmax.f32 v14, $0.0e+00;
	v9 =	vld [tilespmem:s28+$0x4200];
	v10 =	vadd.f32 v10, v1  }
0x3ba: {  	v14 =	vadd.s32 s17, v0;
	[tilespmem:v16+s19+$0x0] =	vst.idx.msk $0xffff, v8;
	v15 =	vld.idx.msk [tilespmem:v15+s16+$0x0], $0xffff  }
0x3bb: {  	s20 =	simm.s32 $0x782;
	s18 =	simm.s32 $0x470;
	v16 =	vld [tilespmem:s31+$0x280];
	v8 =	vmax.f32 v10, $0.0e+00  }
0x3bc: {  	s6 =	sand.u32 $0x780, s18;
	v10 =	vadd.s32 s20, v0;
	v13 =	vld.idx.msk [tilespmem:v13+s16+$0x0], $0xffff;
	v11 =	vadd.f32 v11, v4;
	[tilespmem:v18+s19+$0x0] =	vst.idx.msk $0xffff, v8  }
0x3bd: {  	s21 =	simm.s32 $0x14E;
	s4 =	sor.u32 s11, s6;
	v18 =	vld [tilespmem:s5+$0x8080]  }
0x3be: {  	v19 =	vadd.s32 s21, v0;
	v8 =	vld [tilespmem:s4+$0xC800];
	v12 =	vadd.f32 v12, v7;
	v11 =	vmax.f32 v11, $0.0e+00  }
0x3bf: {  	s22 =	simm.s32 $0x507;
	v17 =	vld.idx.msk [tilespmem:v17+s16+$0x0], $0xffff;
	[tilespmem:v14+s19+$0x0] =	vst.idx.msk $0xffff, v11  }
0x3c0: {  	v11 =	vmax.f32 v12, $0.0e+00;
	v12 =	vadd.s32 s22, v0;
	v15 =	vadd.f32 v15, v2;
	v14 =	vld [tilespmem:s29+$0x4100]  }
0x3c1: {  	s23 =	simm.s32 $0x8C0;
	[tilespmem:v10+s19+$0x0] =	vst.idx.msk $0xffff, v11;
	v9 =	vld.idx.msk [tilespmem:v9+s16+$0x0], $0xffff  }
0x3c2: {  	v10 =	vld [tilespmem:s0+$0x180];
	v11 =	vadd.f32 v13, v5;
	v13 =	vmax.f32 v15, $0.0e+00;
	v15 =	vadd.s32 s23, v0  }
0x3c3: {  	v16 =	vld.idx.msk [tilespmem:v16+s16+$0x0], $0xffff;
	[tilespmem:v19+s19+$0x0] =	vst.idx.msk $0xffff, v13  }
0x3c4: {  	s24 =	simm.s32 $0x28C;
	v17 =	vadd.f32 v17, v8;
	v11 =	vmax.f32 v11, $0.0e+00;
	v13 =	vld [tilespmem:s26+$0x4380]  }
0x3c5: {  	[tilespmem:v12+s19+$0x0] =	vst.idx.msk $0xffff, v11;
	v11 =	vadd.s32 s24, v0;
	v12 =	vld.idx.msk [tilespmem:v18+s16+$0x0], $0xffff  }
0x3c6: {  	s25 =	simm.s32 $0x645;
	v17 =	vmax.f32 v17, $0.0e+00;
	v18 =	vld [tilespmem:s30+$0x4000]  }
0x3c7: {  	v19 =	vadd.s32 s25, v0;
	v9 =	vadd.f32 v9, v3;
	[tilespmem:v15+s19+$0x0] =	vst.idx.msk $0xffff, v17  }
0x3c8: {  	s6 =	simm.s32 $0x11;
	v15 =	vld [tilespmem:s2+$0x80]  }
0x3c9: {  	v17 =	vadd.s32 s6, v0;
	v16 =	vadd.f32 v16, v6;
	v14 =	vld.idx.msk [tilespmem:v14+s16+$0x0], $0xffff;
	v9 =	vmax.f32 v9, $0.0e+00  }
0x3ca: {  	v10 =	vld.idx.msk [tilespmem:v10+s16+$0x0], $0xffff;
	[tilespmem:v11+s19+$0x0] =	vst.idx.msk $0xffff, v9  }
0x3cb: {  	s8 =	simm.s32 $0x3CA;
	v9 =	vmax.f32 v16, $0.0e+00;
	v11 =	vld [tilespmem:s28+$0x4280];
	v12 =	vadd.f32 v12, v1  }
0x3cc: {  	[tilespmem:v19+s19+$0x0] =	vst.idx.msk $0xffff, v9;
	v9 =	vadd.s32 s8, v0;
	v13 =	vld.idx.msk [tilespmem:v13+s16+$0x0], $0xffff  }
0x3cd: {  	s11 =	simm.s32 $0x783;
	v16 =	vld [tilespmem:s31+$0x300];
	v12 =	vmax.f32 v12, $0.0e+00  }
0x3ce: {  	v19 =	vadd.s32 s11, v0;
	v18 =	vld.idx.msk [tilespmem:v18+s16+$0x0], $0xffff;
	v14 =	vadd.f32 v14, v4;
	[tilespmem:v17+s19+$0x0] =	vst.idx.msk $0xffff, v12  }
0x3cf: {  	s12 =	simm.s32 $0x14F;
	v12 =	vld [tilespmem:s5+$0x8100]  }
0x3d0: {  	v17 =	vadd.s32 s12, v0;
	v10 =	vadd.f32 v10, v7;
	v14 =	vmax.f32 v14, $0.0e+00  }
0x3d1: {  	s14 =	simm.s32 $0x508;
	v15 =	vld.idx.msk [tilespmem:v15+s16+$0x0], $0xffff;
	[tilespmem:v9+s19+$0x0] =	vst.idx.msk $0xffff, v14  }
0x3d2: {  	v9 =	vmax.f32 v10, $0.0e+00;
	v10 =	vadd.s32 s14, v0;
	v13 =	vadd.f32 v13, v2;
	v14 =	vld [tilespmem:s29+$0x4180]  }
0x3d3: {  	s15 =	simm.s32 $0x8C1;
	[tilespmem:v19+s19+$0x0] =	vst.idx.msk $0xffff, v9;
	v9 =	vld.idx.msk [tilespmem:v11+s16+$0x0], $0xffff  }
0x3d4: {  	v19 =	vadd.s32 s15, v0;
	v11 =	vld [tilespmem:s0+$0x200];
	v18 =	vadd.f32 v18, v5;
	v13 =	vmax.f32 v13, $0.0e+00  }
0x3d5: {  	v16 =	vld.idx.msk [tilespmem:v16+s16+$0x0], $0xffff;
	[tilespmem:v17+s19+$0x0] =	vst.idx.msk $0xffff, v13  }
0x3d6: {  	s17 =	simm.s32 $0x28D;
	s12 =	simm.s32 $0x80;
	s14 =	simm.s32 $0x2400;
	v13 =	vmax.f32 v18, $0.0e+00;
	v20 =	vld [tilespmem:s26+$0x8000];
	v15 =	vadd.f32 v15, v8  }
0x3d7: {  	s21 =	simm.s32 $0x646;
	s18 =	sand.u32 $0x70, s12;
	s20 =	sand.u32 $0x3C00, s14;
	[tilespmem:v10+s19+$0x0] =	vst.idx.msk $0xffff, v13;
	v10 =	vadd.s32 s17, v0;
	v13 =	vld.idx.msk [tilespmem:v12+s16+$0x0], $0xffff  }
0x3d8: {  	v22 =	vadd.s32 s21, v0;
	s4 =	sor.u32 s18, s20;
	v21 =	vld [tilespmem:s30+$0x4080];
	v12 =	vmax.f32 v15, $0.0e+00  }
0x3d9: {  	v17 =	vld [tilespmem:s4+$0x0];
	v9 =	vadd.f32 v9, v3;
	[tilespmem:v19+s19+$0x0] =	vst.idx.msk $0xffff, v12  }
0x3da: {  	s22 =	simm.s32 $0x12;
	v12 =	vadd.f32 v16, v6;
	v19 =	vld [tilespmem:s2+$0x100]  }
0x3db: {  	s1 =	sor.u32 s3, s1;
	v23 =	vadd.s32 s22, v0;
	v14 =	vld.idx.msk [tilespmem:v14+s16+$0x0], $0xffff;
	v9 =	vmax.f32 v9, $0.0e+00  }
0x3dc: {  	s3 =	sor.u32 $0x380, s1;
	s1 =	simm.s32 $0x653;
	s21 =	simm.s32 $0x293;
	v18 =	vld.idx.msk [tilespmem:v11+s16+$0x0], $0xffff;
	[tilespmem:v10+s19+$0x0] =	vst.idx.msk $0xffff, v9;
	v9 =	vmax.f32 v12, $0.0e+00  }
0x3dd: {  	s22 =	simm.s32 $0x513;
	s23 =	simm.s32 $0x480;
	s25 =	simm.s32 $0x3CB;
	v12 =	vld [tilespmem:s28+$0x4300];
	v10 =	vadd.f32 v13, v1;
	[tilespmem:v22+s19+$0x0] =	vst.idx.msk $0xffff, v9  }
0x3de: {  	s24 =	sand.u32 $0x780, s23;
	s6 =	simm.s32 $0x13;
	s11 =	simm.s32 $0x153;
	v13 =	vadd.s32 s25, v0;
	v16 =	vld [tilespmem:s3+$0x0]  }
0x3df: {  	s8 =	simm.s32 $0x793;
	s23 =	sor.u32 s18, s24;
	s18 =	simm.s32 $0x784;
	v11 =	vld.idx.msk [tilespmem:v20+s16+$0x0], $0xffff;
	v9 =	vmax.f32 v10, $0.0e+00  }
0x3e0: {  	s24 =	simm.s32 $0xB53;
	s15 =	simm.s32 $0x80;
	s20 =	simm.s32 $0x3D3;
	v20 =	vadd.s32 s18, v0;
	v15 =	vld.idx.msk [tilespmem:v21+s16+$0x0], $0xffff;
	[tilespmem:v23+s19+$0x0] =	vst.idx.msk $0xffff, v9;
	v14 =	vadd.f32 v14, v4  }
0x3e1: {  	s17 =	simm.s32 $0x8D3;
	s3 =	simm.s32 $0xA13;
	v9 =	vld [tilespmem:s5+$0x8180];
	s5 =	simm.s32 $0x150  }
.LBB2_7:
0x3e2: {  	p0 =	sne.s32 s24, $0x4ED3;
	v10 =	vld [tilespmem:s23+$0xC800];
	v18 =	vadd.f32 v18, v7;
	v14 =	vmax.f32 v14, $0.0e+00;
	v21 =	vadd.s32 s5, v0;
	s5 =	smov.u32 s14;
	s25 =	smov.u32 s26  }
0x3e3: {  	s26 =	smov.u32 s28;
	s28 =	smov.u32 s29;
	s29 =	smov.u32 s30;
	v19 =	vld.idx.msk [tilespmem:v19+s16+$0x0], $0xffff;
	[tilespmem:v13+s19+$0x0] =	vst.idx.msk $0xffff, v14  }
0x3e4: {  	s18 =	sadd.s32 $0xFFFFFFF6, s22;
	s30 =	smov.u32 s31;
	s31 =	smov.u32 s0;
	v11 =	vadd.f32 v11, v2;
	v13 =	vmax.f32 v18, $0.0e+00;
	v14 =	vld [tilespmem:s28+$0x4200]  }
0x3e5: {  	s0 =	smov.u32 s2;
	s2 =	smov.u32 s4;
	[tilespmem:v20+s19+$0x0] =	vst.idx.msk $0xffff, v13;
	v13 =	vadd.s32 s18, v0;
	v12 =	vld.idx.msk [tilespmem:v12+s16+$0x0], $0xffff  }
0x3e6: {  	s4 =	sadd.s32 $0xFFFFFFEF, s17;
	v11 =	vmax.f32 v11, $0.0e+00;
	v18 =	vld [tilespmem:s31+$0x280]  }
0x3e7: {  	v20 =	vadd.s32 s4, v0;
	v15 =	vadd.f32 v15, v5;
	v16 =	vld.idx.msk [tilespmem:v16+s16+$0x0], $0xffff;
	[tilespmem:v21+s19+$0x0] =	vst.idx.msk $0xffff, v11  }
0x3e8: {  	s4 =	sadd.s32 $0xFFFFFFFB, s21;
	v11 =	vld [tilespmem:s25+$0x8080]  }
0x3e9: {  	v15 =	vmax.f32 v15, $0.0e+00;
	v21 =	vadd.s32 s4, v0;
	v19 =	vadd.f32 v19, v8;
	v9 =	vld.idx.msk [tilespmem:v9+s16+$0x0], $0xffff  }
0x3ea: {  	s4 =	sadd.s32 $0xFFFFFFF4, s1;
	v17 =	vld.idx.msk [tilespmem:v17+s16+$0x0], $0xffff;
	[tilespmem:v13+s19+$0x0] =	vst.idx.msk $0xffff, v15  }
0x3eb: {  	v13 =	vmax.f32 v19, $0.0e+00;
	v15 =	vadd.s32 s4, v0;
	v12 =	vadd.f32 v12, v3;
	v19 =	vld [tilespmem:s29+$0x4100]  }
0x3ec: {  	[tilespmem:v20+s19+$0x0] =	vst.idx.msk $0xffff, v13;
	v13 =	vld.idx.msk [tilespmem:v14+s16+$0x0], $0xffff  }
0x3ed: {  	s4 =	sadd.s32 $0xFFFFFFED, s3;
	v16 =	vadd.f32 v16, v6;
	v12 =	vmax.f32 v12, $0.0e+00;
	v20 =	vadd.s32 s6, v0;
	s6 =	smov.u32 s11;
	s11 =	smov.u32 s21;
	v14 =	vld [tilespmem:s0+$0x180]  }
0x3ee: {  	v22 =	vadd.s32 s4, v0;
	s21 =	smov.u32 s20;
	s20 =	smov.u32 s22;
	s22 =	smov.u32 s1;
	v18 =	vld.idx.msk [tilespmem:v18+s16+$0x0], $0xffff;
	[tilespmem:v21+s19+$0x0] =	vst.idx.msk $0xffff, v12  }
0x3ef: {  	s1 =	smov.u32 s8;
	s8 =	smov.u32 s17;
	s4 =	sadd.s32 $0xFFFFFFF9, s21;
	v12 =	vmax.f32 v16, $0.0e+00;
	v9 =	vadd.f32 v9, v1;
	v1 =	vmovc v2;
	v2 =	vmovc v3;
	v3 =	vmov v4;
	v16 =	vld [tilespmem:s26+$0x4380]  }
0x3f0: {  	s17 =	smov.u32 s3;
	s3 =	smov.u32 s24;
	v4 =	vmov v5;
	v17 =	vadd.f32 v17, v10;
	[tilespmem:v15+s19+$0x0] =	vst.idx.msk $0xffff, v12;
	v12 =	vadd.s32 s4, v0;
	v11 =	vld.idx.msk [tilespmem:v11+s16+$0x0], $0xffff  }
0x3f1: {  	v5 =	vmovc v6;
	v6 =	vmovc v7;
	v7 =	vmov v8;
	v8 =	vmov v10;
	s4 =	sadd.s32 $0xFFFFFFF2, s1;
	v9 =	vmax.f32 v9, $0.0e+00;
	v15 =	vld [tilespmem:s30+$0x4000]  }
0x3f2: {  	v10 =	vmax.f32 v17, $0.0e+00;
	v17 =	vadd.s32 s4, v0;
	v13 =	vadd.f32 v13, v3;
	[tilespmem:v20+s19+$0x0] =	vst.idx.msk $0xffff, v9  }
0x3f3: {  	s4 =	sadd.s32 $0xFFFFFFFE, s6;
	[tilespmem:v22+s19+$0x0] =	vst.idx.msk $0xffff, v10;
	v9 =	vld.idx.msk [tilespmem:v19+s16+$0x0], $0xffff  }
0x3f4: {  	v18 =	vadd.f32 v18, v6;
	v13 =	vmax.f32 v13, $0.0e+00;
	v19 =	vadd.s32 s4, v0;
	v10 =	vld [tilespmem:s2+$0x80]  }
0x3f5: {  	v14 =	vld.idx.msk [tilespmem:v14+s16+$0x0], $0xffff;
	[tilespmem:v12+s19+$0x0] =	vst.idx.msk $0xffff, v13  }
0x3f6: {  	s4 =	sadd.s32 $0xFFFFFFF7, s20;
	v12 =	vmax.f32 v18, $0.0e+00;
	v11 =	vadd.f32 v11, v1;
	v13 =	vld [tilespmem:s28+$0x4280]  }
0x3f7: {  	[tilespmem:v17+s19+$0x0] =	vst.idx.msk $0xffff, v12;
	v12 =	vadd.s32 s4, v0;
	v16 =	vld.idx.msk [tilespmem:v16+s16+$0x0], $0xffff  }
0x3f8: {  	s4 =	sadd.s32 $0xFFFFFFF0, s8;
	v11 =	vmax.f32 v11, $0.0e+00;
	v17 =	vld [tilespmem:s31+$0x300]  }
0x3f9: {  	v18 =	vadd.s32 s4, v0;
	v9 =	vadd.f32 v9, v4;
	v15 =	vld.idx.msk [tilespmem:v15+s16+$0x0], $0xffff;
	[tilespmem:v19+s19+$0x0] =	vst.idx.msk $0xffff, v11  }
0x3fa: {  	s4 =	sadd.s32 $0xFFFFFFFC, s11;
	v11 =	vld [tilespmem:s25+$0x8100]  }
0x3fb: {  	v19 =	vadd.s32 s4, v0;
	v14 =	vadd.f32 v14, v7;
	v9 =	vmax.f32 v9, $0.0e+00  }
0x3fc: {  	s4 =	sadd.s32 $0xFFFFFFF5, s22;
	v10 =	vld.idx.msk [tilespmem:v10+s16+$0x0], $0xffff;
	[tilespmem:v12+s19+$0x0] =	vst.idx.msk $0xffff, v9  }
0x3fd: {  	v9 =	vmax.f32 v14, $0.0e+00;
	v12 =	vadd.s32 s4, v0;
	v16 =	vadd.f32 v16, v2;
	v14 =	vld [tilespmem:s29+$0x4180]  }
0x3fe: {  	[tilespmem:v18+s19+$0x0] =	vst.idx.msk $0xffff, v9;
	v9 =	vld.idx.msk [tilespmem:v13+s16+$0x0], $0xffff  }
0x3ff: {  	s4 =	sadd.s32 $0xFFFFFFEE, s17;
	v15 =	vadd.f32 v15, v5;
	v16 =	vmax.f32 v16, $0.0e+00;
	v13 =	vld [tilespmem:s0+$0x200]  }
0x400: {  	v18 =	vadd.s32 s4, v0;
	v20 =	vld.idx.msk [tilespmem:v17+s16+$0x0], $0xffff;
	[tilespmem:v19+s19+$0x0] =	vst.idx.msk $0xffff, v16  }
0x401: {  	s12 =	sadd.s32 $0x10, s12;
	s14 =	sadd.s32 $0x80, s14;
	s4 =	sadd.s32 $0xFFFFFFFA, s21;
	v15 =	vmax.f32 v15, $0.0e+00;
	v16 =	vld [tilespmem:s26+$0x8000]  }
0x402: {  	s23 =	sand.u32 $0x3C00, s14;
	s18 =	sand.u32 $0x70, s12;
	v10 =	vadd.f32 v10, v8;
	[tilespmem:v12+s19+$0x0] =	vst.idx.msk $0xffff, v15;
	v12 =	vadd.s32 s4, v0;
	v11 =	vld.idx.msk [tilespmem:v11+s16+$0x0], $0xffff  }
0x403: {  	s4 =	sor.u32 s18, s23;
	s23 =	sadd.s32 $0xFFFFFFF3, s1;
	v15 =	vld [tilespmem:s30+$0x4080]  }
0x404: {  	v10 =	vmax.f32 v10, $0.0e+00;
	v21 =	vadd.s32 s23, v0;
	v9 =	vadd.f32 v9, v3;
	v17 =	vld [tilespmem:s4+$0x0]  }
0x405: {  	s23 =	sadd.s32 $0xFFFFFFFF, s6;
	[tilespmem:v18+s19+$0x0] =	vst.idx.msk $0xffff, v10;
	v10 =	vld.idx.msk [tilespmem:v14+s16+$0x0], $0xffff  }
0x406: {  	v22 =	vadd.s32 s23, v0;
	v14 =	vadd.f32 v20, v6;
	v9 =	vmax.f32 v9, $0.0e+00;
	v19 =	vld [tilespmem:s2+$0x100]  }
0x407: {  	s7 =	sor.u32 s9, s7;
	v18 =	vld.idx.msk [tilespmem:v13+s16+$0x0], $0xffff;
	[tilespmem:v12+s19+$0x0] =	vst.idx.msk $0xffff, v9  }
.Ltmp2:
0x408: {  	s9 =	sadd.s32 $0xFFFFFFF8, s20;
	s23 =	sor.u32 $0x380, s7;
	v9 =	vmax.f32 v14, $0.0e+00;
	v14 =	vadd.f32 v11, v1;
	v12 =	vld [tilespmem:s28+$0x4300];
	(pc) =	sbr.rel @p0 .LBB2_7-.Ltmp2, $4  }
0x409: {  	s7 =	smov.u32 s10;
	s10 =	smov.u32 s15;
	v13 =	vadd.s32 s9, v0;
	[tilespmem:v21+s19+$0x0] =	vst.idx.msk $0xffff, v9;
	v11 =	vld.idx.msk [tilespmem:v16+s16+$0x0], $0xffff;
	s19 =	sadd.s32 $0xFFFFFFF1, s8  }
0x40a: {  	s15 =	smov.u32 s12;
	s9 =	sadd.s32 $0x400, s12;
	v9 =	vmax.f32 v14, $0.0e+00;
	v16 =	vld [tilespmem:s23+$0x0];
	v20 =	vadd.s32 s19, v0;
	s19 =	simm.s32 $0x12000  }
0x40b: {  	s23 =	sand.u32 $0x780, s9;
	v14 =	vadd.f32 v10, v4;
	s9 =	smov.u32 s13;
	s13 =	smov.u32 s5;
	v15 =	vld.idx.msk [tilespmem:v15+s16+$0x0], $0xffff;
	[tilespmem:v22+s19+$0x0] =	vst.idx.msk $0xffff, v9  }
0x40c: {  	s24 =	sadd.s32 $0x140, s24;
	s5 =	sadd.s32 $0xFFFFFFFD, s11;
	s23 =	sor.u32 s18, s23;
	v9 =	vld [tilespmem:s25+$0x8180]  }
0x40d: {  	_ =	sdelay $0x2  }
0x40e: {  	v10 =	vld [tilespmem:s23+$0xC800]  }
0x40f: {  	v17 =	vld.idx.msk [tilespmem:v17+s16+$0x0], $0xffff;
	_ =	sdelay $0x1  }
0x410: {  	s12 =	sadd.s32 $0xFFFFFFED, s3  }
0x411: {  	v21 =	vadd.s32 s12, v0;
	_ =	sdelay $0x1  }
0x412: {  	v17 =	vadd.f32 v17, v10;
	_ =	sdelay $0x1  }
0x413: {  	v17 =	vmax.f32 v17, $0.0e+00  }
0x414: {  	[tilespmem:v21+s19+$0x0] =	vst.idx.msk $0xffff, v17  }
0x415: {  	v17 =	vld [tilespmem:s4+$0x80];
	_ =	sdelay $0x7  }
0x416: {  	v17 =	vld.idx.msk [tilespmem:v17+s16+$0x0], $0xffff;
	_ =	sdelay $0x1  }
0x417: {  	s23 =	sadd.s32 $0xFFFFFFEE, s3  }
0x418: {  	v59 =	vadd.s32 s23, v0;
	_ =	sdelay $0x1  }
0x419: {  	v17 =	vadd.f32 v17, v10;
	_ =	sdelay $0x1  }
0x41a: {  	v17 =	vmax.f32 v17, $0.0e+00  }
0x41b: {  	[tilespmem:v59+s19+$0x0] =	vst.idx.msk $0xffff, v17  }
0x41c: {  	v17 =	vld [tilespmem:s4+$0x100];
	_ =	sdelay $0x6  }
0x41d: {  	v19 =	vld.idx.msk [tilespmem:v19+s16+$0x0], $0xffff  }
0x41e: {  	v17 =	vld.idx.msk [tilespmem:v17+s16+$0x0], $0xffff  }
0x41f: {  	s24 =	sadd.s32 $0xFFFFFFEF, s17  }
0x420: {  	s25 =	sadd.s32 $0xFFFFFFEF, s3;
	v60 =	vadd.s32 s24, v0  }
0x421: {  	v22 =	vadd.s32 s25, v0  }
0x422: {  	v19 =	vadd.f32 v19, v8  }
0x423: {  	v17 =	vadd.f32 v17, v10  }
0x424: {  	v19 =	vmax.f32 v19, $0.0e+00  }
0x425: {  	[tilespmem:v60+s19+$0x0] =	vst.idx.msk $0xffff, v19;
	v17 =	vmax.f32 v17, $0.0e+00  }
0x426: {  	v19 =	vld [tilespmem:s2+$0x180];
	[tilespmem:v22+s19+$0x0] =	vst.idx.msk $0xffff, v17  }
0x427: {  	v17 =	vld [tilespmem:s4+$0x180];
	_ =	sdelay $0x6  }
0x428: {  	v19 =	vld.idx.msk [tilespmem:v19+s16+$0x0], $0xffff  }
0x429: {  	v17 =	vld.idx.msk [tilespmem:v17+s16+$0x0], $0xffff  }
0x42a: {  	s18 =	sadd.s32 $0xFFFFFFF0, s17  }
0x42b: {  	v61 =	vadd.s32 s18, v0;
	s23 =	sadd.s32 $0xFFFFFFF0, s3  }
0x42c: {  	v62 =	vadd.s32 s23, v0  }
0x42d: {  	v19 =	vadd.f32 v19, v8  }
0x42e: {  	v17 =	vadd.f32 v17, v10  }
0x42f: {  	v19 =	vmax.f32 v19, $0.0e+00  }
0x430: {  	[tilespmem:v61+s19+$0x0] =	vst.idx.msk $0xffff, v19;
	v17 =	vmax.f32 v17, $0.0e+00  }
0x431: {  	v19 =	vld [tilespmem:s2+$0x200];
	[tilespmem:v62+s19+$0x0] =	vst.idx.msk $0xffff, v17  }
0x432: {  	v17 =	vld [tilespmem:s4+$0x200];
	_ =	sdelay $0x6  }
0x433: {  	v19 =	vld.idx.msk [tilespmem:v19+s16+$0x0], $0xffff  }
0x434: {  	v17 =	vld.idx.msk [tilespmem:v17+s16+$0x0], $0xffff  }
0x435: {  	s24 =	sadd.s32 $0xFFFFFFF1, s17  }
0x436: {  	s25 =	sadd.s32 $0xFFFFFFF1, s3;
	v63 =	vadd.s32 s24, v0  }
0x437: {  	v18 =	vadd.f32 v18, v7;
	v24 =	vadd.s32 s25, v0  }
0x438: {  	v19 =	vadd.f32 v19, v8  }
0x439: {  	v18 =	vmax.f32 v18, $0.0e+00;
	v17 =	vadd.f32 v17, v10  }
0x43a: {  	[tilespmem:v20+s19+$0x0] =	vst.idx.msk $0xffff, v18;
	v25 =	vmax.f32 v19, $0.0e+00  }
0x43b: {  	v26 =	vld [tilespmem:s0+$0x280];
	[tilespmem:v63+s19+$0x0] =	vst.idx.msk $0xffff, v25;
	v17 =	vmax.f32 v17, $0.0e+00  }
0x43c: {  	v18 =	vld [tilespmem:s2+$0x280];
	[tilespmem:v24+s19+$0x0] =	vst.idx.msk $0xffff, v17  }
0x43d: {  	v17 =	vld [tilespmem:s4+$0x280];
	_ =	sdelay $0x5  }
0x43e: {  	v19 =	vld.idx.msk [tilespmem:v26+s16+$0x0], $0xffff  }
0x43f: {  	v18 =	vld.idx.msk [tilespmem:v18+s16+$0x0], $0xffff  }
0x440: {  	s18 =	sadd.s32 $0xFFFFFFF2, s8;
	v17 =	vld.idx.msk [tilespmem:v17+s16+$0x0], $0xffff  }
0x441: {  	v27 =	vadd.s32 s18, v0;
	s23 =	sadd.s32 $0xFFFFFFF2, s17  }
0x442: {  	s24 =	sadd.s32 $0xFFFFFFF2, s3;
	v28 =	vadd.s32 s23, v0  }
0x443: {  	v29 =	vadd.s32 s24, v0;
	v19 =	vadd.f32 v19, v7  }
0x444: {  	v18 =	vadd.f32 v18, v8  }
0x445: {  	v19 =	vmax.f32 v19, $0.0e+00;
	v17 =	vadd.f32 v17, v10  }
0x446: {  	[tilespmem:v27+s19+$0x0] =	vst.idx.msk $0xffff, v19;
	v18 =	vmax.f32 v18, $0.0e+00  }
0x447: {  	v19 =	vld [tilespmem:s0+$0x300];
	[tilespmem:v28+s19+$0x0] =	vst.idx.msk $0xffff, v18;
	v17 =	vmax.f32 v17, $0.0e+00  }
0x448: {  	v18 =	vld [tilespmem:s2+$0x300];
	[tilespmem:v29+s19+$0x0] =	vst.idx.msk $0xffff, v17  }
0x449: {  	v17 =	vld [tilespmem:s4+$0x300];
	_ =	sdelay $0x5  }
0x44a: {  	v19 =	vld.idx.msk [tilespmem:v19+s16+$0x0], $0xffff  }
0x44b: {  	v18 =	vld.idx.msk [tilespmem:v18+s16+$0x0], $0xffff  }
0x44c: {  	s25 =	sadd.s32 $0xFFFFFFF3, s8;
	v17 =	vld.idx.msk [tilespmem:v17+s16+$0x0], $0xffff  }
0x44d: {  	s18 =	sadd.s32 $0xFFFFFFF3, s17;
	v30 =	vadd.s32 s25, v0  }
0x44e: {  	v31 =	vadd.s32 s18, v0;
	s23 =	sadd.s32 $0xFFFFFFF3, s3  }
0x44f: {  	v32 =	vadd.s32 s23, v0;
	v19 =	vadd.f32 v19, v7  }
0x450: {  	v18 =	vadd.f32 v18, v8  }
0x451: {  	s7 =	sor.u32 s9, s7;
	v19 =	vmax.f32 v19, $0.0e+00;
	v17 =	vadd.f32 v17, v10  }
0x452: {  	s7 =	sor.u32 $0x380, s7;
	s24 =	sor.u32 s13, s10;
	[tilespmem:v30+s19+$0x0] =	vst.idx.msk $0xffff, v19;
	v18 =	vmax.f32 v18, $0.0e+00  }
0x453: {  	s25 =	sor.u32 s14, s15;
	s9 =	sor.u32 $0x380, s24;
	v19 =	vld [tilespmem:s7+$0x0];
	[tilespmem:v31+s19+$0x0] =	vst.idx.msk $0xffff, v18;
	v17 =	vmax.f32 v17, $0.0e+00  }
0x454: {  	s7 =	sor.u32 $0x380, s25;
	v18 =	vld [tilespmem:s9+$0x0];
	[tilespmem:v32+s19+$0x0] =	vst.idx.msk $0xffff, v17  }
0x455: {  	v17 =	vld [tilespmem:s7+$0x0];
	_ =	sdelay $0x4  }
0x456: {  	v16 =	vld.idx.msk [tilespmem:v16+s16+$0x0], $0xffff  }
0x457: {  	v19 =	vld.idx.msk [tilespmem:v19+s16+$0x0], $0xffff  }
0x458: {  	s9 =	sadd.s32 $0xFFFFFFF4, s1;
	v18 =	vld.idx.msk [tilespmem:v18+s16+$0x0], $0xffff  }
0x459: {  	s10 =	sadd.s32 $0xFFFFFFF4, s8;
	v33 =	vadd.s32 s9, v0;
	v17 =	vld.idx.msk [tilespmem:v17+s16+$0x0], $0xffff  }
0x45a: {  	s12 =	sadd.s32 $0xFFFFFFF4, s17;
	v34 =	vadd.s32 s10, v0  }
0x45b: {  	v35 =	vadd.s32 s12, v0;
	s13 =	sadd.s32 $0xFFFFFFF4, s3;
	v16 =	vadd.f32 v16, v6  }
0x45c: {  	v23 =	vadd.s32 s13, v0;
	v19 =	vadd.f32 v19, v7  }
0x45d: {  	v16 =	vmax.f32 v16, $0.0e+00;
	v18 =	vadd.f32 v18, v8  }
0x45e: {  	v36 =	vmax.f32 v19, $0.0e+00;
	[tilespmem:v33+s19+$0x0] =	vst.idx.msk $0xffff, v16;
	v17 =	vadd.f32 v17, v10  }
0x45f: {  	[tilespmem:v34+s19+$0x0] =	vst.idx.msk $0xffff, v36;
	v37 =	vld [tilespmem:s31+$0x4000];
	v38 =	vmax.f32 v18, $0.0e+00  }
0x460: {  	v39 =	vld [tilespmem:s0+$0x4000];
	[tilespmem:v35+s19+$0x0] =	vst.idx.msk $0xffff, v38;
	v40 =	vmax.f32 v17, $0.0e+00  }
0x461: {  	v41 =	vld [tilespmem:s2+$0x4000];
	[tilespmem:v23+s19+$0x0] =	vst.idx.msk $0xffff, v40  }
0x462: {  	v16 =	vld [tilespmem:s4+$0x4000];
	_ =	sdelay $0x4  }
0x463: {  	v19 =	vld.idx.msk [tilespmem:v37+s16+$0x0], $0xffff  }
0x464: {  	v18 =	vld.idx.msk [tilespmem:v39+s16+$0x0], $0xffff  }
0x465: {  	s14 =	sadd.s32 $0xFFFFFFF5, s1;
	v17 =	vld.idx.msk [tilespmem:v41+s16+$0x0], $0xffff  }
0x466: {  	s15 =	sadd.s32 $0xFFFFFFF5, s8;
	v42 =	vadd.s32 s14, v0;
	v16 =	vld.idx.msk [tilespmem:v16+s16+$0x0], $0xffff  }
0x467: {  	s18 =	sadd.s32 $0xFFFFFFF5, s17;
	v43 =	vadd.s32 s15, v0  }
0x468: {  	v44 =	vadd.s32 s18, v0;
	s23 =	sadd.s32 $0xFFFFFFF5, s3;
	v19 =	vadd.f32 v19, v6  }
0x469: {  	v45 =	vadd.s32 s23, v0;
	v18 =	vadd.f32 v18, v7  }
0x46a: {  	v19 =	vmax.f32 v19, $0.0e+00;
	v17 =	vadd.f32 v17, v8  }
0x46b: {  	v18 =	vmax.f32 v18, $0.0e+00;
	[tilespmem:v42+s19+$0x0] =	vst.idx.msk $0xffff, v19;
	v16 =	vadd.f32 v16, v10  }
0x46c: {  	[tilespmem:v43+s19+$0x0] =	vst.idx.msk $0xffff, v18;
	v19 =	vld [tilespmem:s31+$0x4080];
	v17 =	vmax.f32 v17, $0.0e+00  }
0x46d: {  	v18 =	vld [tilespmem:s0+$0x4080];
	[tilespmem:v44+s19+$0x0] =	vst.idx.msk $0xffff, v17;
	v16 =	vmax.f32 v16, $0.0e+00  }
0x46e: {  	v17 =	vld [tilespmem:s2+$0x4080];
	[tilespmem:v45+s19+$0x0] =	vst.idx.msk $0xffff, v16  }
0x46f: {  	v16 =	vld [tilespmem:s4+$0x4080];
	_ =	sdelay $0x3  }
0x470: {  	s24 =	sadd.s32 $0xFFFFFFF6, s22  }
0x471: {  	v46 =	vadd.s32 s24, v0;
	v19 =	vld.idx.msk [tilespmem:v19+s16+$0x0], $0xffff  }
0x472: {  	v18 =	vld.idx.msk [tilespmem:v18+s16+$0x0], $0xffff  }
0x473: {  	v15 =	vadd.f32 v15, v5;
	s25 =	sadd.s32 $0xFFFFFFF6, s1;
	v17 =	vld.idx.msk [tilespmem:v17+s16+$0x0], $0xffff  }
0x474: {  	v47 =	vadd.s32 s25, v0;
	s9 =	sadd.s32 $0xFFFFFFF6, s8;
	v16 =	vld.idx.msk [tilespmem:v16+s16+$0x0], $0xffff  }
0x475: {  	s10 =	sadd.s32 $0xFFFFFFF6, s17;
	v15 =	vmax.f32 v15, $0.0e+00;
	v48 =	vadd.s32 s9, v0  }
0x476: {  	s12 =	sadd.s32 $0xFFFFFFF6, s3;
	v49 =	vadd.s32 s10, v0;
	[tilespmem:v46+s19+$0x0] =	vst.idx.msk $0xffff, v15;
	v19 =	vadd.f32 v19, v6  }
0x477: {  	v51 =	vld [tilespmem:s30+$0x4100];
	v24 =	vadd.s32 s12, v0;
	v18 =	vadd.f32 v18, v7  }
0x478: {  	v50 =	vmax.f32 v19, $0.0e+00;
	v17 =	vadd.f32 v17, v8  }
0x479: {  	v52 =	vmax.f32 v18, $0.0e+00;
	[tilespmem:v47+s19+$0x0] =	vst.idx.msk $0xffff, v50;
	v16 =	vadd.f32 v16, v10  }
0x47a: {  	[tilespmem:v48+s19+$0x0] =	vst.idx.msk $0xffff, v52;
	v53 =	vld [tilespmem:s31+$0x4100];
	v54 =	vmax.f32 v17, $0.0e+00  }
0x47b: {  	v55 =	vld [tilespmem:s0+$0x4100];
	[tilespmem:v49+s19+$0x0] =	vst.idx.msk $0xffff, v54;
	v56 =	vmax.f32 v16, $0.0e+00  }
0x47c: {  	v57 =	vld [tilespmem:s2+$0x4100];
	[tilespmem:v24+s19+$0x0] =	vst.idx.msk $0xffff, v56  }
0x47d: {  	v15 =	vld [tilespmem:s4+$0x4100];
	_ =	sdelay $0x1  }
0x47e: {  	v19 =	vld.idx.msk [tilespmem:v51+s16+$0x0], $0xffff;
	_ =	sdelay $0x1  }
0x47f: {  	s13 =	sadd.s32 $0xFFFFFFF7, s22  }
0x480: {  	v58 =	vadd.s32 s13, v0;
	v18 =	vld.idx.msk [tilespmem:v53+s16+$0x0], $0xffff  }
0x481: {  	v17 =	vld.idx.msk [tilespmem:v55+s16+$0x0], $0xffff  }
0x482: {  	s14 =	sadd.s32 $0xFFFFFFF7, s1;
	v19 =	vadd.f32 v19, v5;
	v16 =	vld.idx.msk [tilespmem:v57+s16+$0x0], $0xffff  }
0x483: {  	s15 =	sadd.s32 $0xFFFFFFF7, s8;
	v59 =	vadd.s32 s14, v0;
	v15 =	vld.idx.msk [tilespmem:v15+s16+$0x0], $0xffff  }
0x484: {  	s18 =	sadd.s32 $0xFFFFFFF7, s17;
	v60 =	vadd.s32 s15, v0;
	v19 =	vmax.f32 v19, $0.0e+00  }
0x485: {  	s23 =	sadd.s32 $0xFFFFFFF7, s3;
	v61 =	vadd.s32 s18, v0;
	[tilespmem:v58+s19+$0x0] =	vst.idx.msk $0xffff, v19;
	v18 =	vadd.f32 v18, v6  }
0x486: {  	v62 =	vadd.s32 s23, v0;
	v19 =	vld [tilespmem:s30+$0x4180];
	v17 =	vadd.f32 v17, v7  }
0x487: {  	v18 =	vmax.f32 v18, $0.0e+00;
	v16 =	vadd.f32 v16, v8  }
0x488: {  	[tilespmem:v59+s19+$0x0] =	vst.idx.msk $0xffff, v18;
	v17 =	vmax.f32 v17, $0.0e+00;
	v15 =	vadd.f32 v15, v10  }
0x489: {  	v18 =	vld [tilespmem:s31+$0x4180];
	[tilespmem:v60+s19+$0x0] =	vst.idx.msk $0xffff, v17;
	v16 =	vmax.f32 v16, $0.0e+00  }
0x48a: {  	v17 =	vld [tilespmem:s0+$0x4180];
	[tilespmem:v61+s19+$0x0] =	vst.idx.msk $0xffff, v16;
	v15 =	vmax.f32 v15, $0.0e+00  }
0x48b: {  	v16 =	vld [tilespmem:s2+$0x4180];
	[tilespmem:v62+s19+$0x0] =	vst.idx.msk $0xffff, v15  }
0x48c: {  	v15 =	vld [tilespmem:s4+$0x4180];
	_ =	sdelay $0x1  }
0x48d: {  	v14 =	vmax.f32 v14, $0.0e+00;
	v19 =	vld.idx.msk [tilespmem:v19+s16+$0x0], $0xffff  }
0x48e: {  	[tilespmem:v13+s19+$0x0] =	vst.idx.msk $0xffff, v14  }
0x48f: {  	s24 =	sadd.s32 $0xFFFFFFF8, s22;
	v30 =	vld [tilespmem:s29+$0x4200]  }
0x490: {  	v63 =	vadd.s32 s24, v0;
	v18 =	vld.idx.msk [tilespmem:v18+s16+$0x0], $0xffff  }
0x491: {  	v17 =	vld.idx.msk [tilespmem:v17+s16+$0x0], $0xffff  }
0x492: {  	s25 =	sadd.s32 $0xFFFFFFF8, s1;
	v19 =	vadd.f32 v19, v5;
	v16 =	vld.idx.msk [tilespmem:v16+s16+$0x0], $0xffff  }
0x493: {  	s9 =	sadd.s32 $0xFFFFFFF8, s8;
	v24 =	vadd.s32 s25, v0;
	v15 =	vld.idx.msk [tilespmem:v15+s16+$0x0], $0xffff  }
0x494: {  	s10 =	sadd.s32 $0xFFFFFFF8, s17;
	v25 =	vadd.s32 s9, v0;
	v27 =	vmax.f32 v19, $0.0e+00  }
0x495: {  	v26 =	vadd.s32 s10, v0;
	s12 =	sadd.s32 $0xFFFFFFF8, s3;
	[tilespmem:v63+s19+$0x0] =	vst.idx.msk $0xffff, v27;
	v18 =	vadd.f32 v18, v6  }
0x496: {  	v29 =	vadd.s32 s12, v0;
	v32 =	vld [tilespmem:s30+$0x4200];
	v28 =	vadd.f32 v17, v7  }
0x497: {  	v40 =	vld.idx.msk [tilespmem:v30+s16+$0x0], $0xffff;
	v31 =	vmax.f32 v18, $0.0e+00;
	v16 =	vadd.f32 v16, v8  }
0x498: {  	[tilespmem:v24+s19+$0x0] =	vst.idx.msk $0xffff, v31;
	v33 =	vmax.f32 v28, $0.0e+00;
	v34 =	vadd.f32 v15, v10  }
0x499: {  	s13 =	sadd.s32 $0xFFFFFFF9, s20;
	v35 =	vld [tilespmem:s31+$0x4200];
	[tilespmem:v25+s19+$0x0] =	vst.idx.msk $0xffff, v33;
	v36 =	vmax.f32 v16, $0.0e+00  }
0x49a: {  	v41 =	vadd.s32 s13, v0;
	v37 =	vld [tilespmem:s0+$0x4200];
	[tilespmem:v26+s19+$0x0] =	vst.idx.msk $0xffff, v36;
	v38 =	vmax.f32 v34, $0.0e+00  }
0x49b: {  	v39 =	vld [tilespmem:s2+$0x4200];
	[tilespmem:v29+s19+$0x0] =	vst.idx.msk $0xffff, v38  }
0x49c: {  	v17 =	vadd.f32 v40, v4;
	v13 =	vld [tilespmem:s4+$0x4200];
	_ =	sdelay $0x1  }
0x49d: {  	v18 =	vld.idx.msk [tilespmem:v32+s16+$0x0], $0xffff;
	v17 =	vmax.f32 v17, $0.0e+00  }
0x49e: {  	[tilespmem:v41+s19+$0x0] =	vst.idx.msk $0xffff, v17  }
0x49f: {  	s14 =	sadd.s32 $0xFFFFFFF9, s22;
	v19 =	vld [tilespmem:s29+$0x4280]  }
0x4a0: {  	v42 =	vadd.s32 s14, v0;
	v15 =	vld.idx.msk [tilespmem:v35+s16+$0x0], $0xffff  }
0x4a1: {  	v16 =	vld.idx.msk [tilespmem:v37+s16+$0x0], $0xffff  }
0x4a2: {  	s15 =	sadd.s32 $0xFFFFFFF9, s1;
	v18 =	vadd.f32 v18, v5;
	v14 =	vld.idx.msk [tilespmem:v39+s16+$0x0], $0xffff  }
0x4a3: {  	s18 =	sadd.s32 $0xFFFFFFF9, s8;
	v43 =	vadd.s32 s15, v0;
	v13 =	vld.idx.msk [tilespmem:v13+s16+$0x0], $0xffff  }
0x4a4: {  	s23 =	sadd.s32 $0xFFFFFFF9, s17;
	v44 =	vadd.s32 s18, v0;
	v46 =	vmax.f32 v18, $0.0e+00  }
0x4a5: {  	s24 =	sadd.s32 $0xFFFFFFF9, s3;
	v45 =	vadd.s32 s23, v0;
	[tilespmem:v42+s19+$0x0] =	vst.idx.msk $0xffff, v46;
	v15 =	vadd.f32 v15, v6  }
0x4a6: {  	v47 =	vadd.s32 s24, v0;
	v17 =	vld [tilespmem:s30+$0x4280];
	v16 =	vadd.f32 v16, v7  }
0x4a7: {  	v50 =	vld.idx.msk [tilespmem:v19+s16+$0x0], $0xffff;
	v15 =	vmax.f32 v15, $0.0e+00;
	v14 =	vadd.f32 v14, v8  }
0x4a8: {  	v48 =	vmax.f32 v16, $0.0e+00;
	[tilespmem:v43+s19+$0x0] =	vst.idx.msk $0xffff, v15;
	v13 =	vadd.f32 v13, v10  }
0x4a9: {  	s25 =	sadd.s32 $0xFFFFFFFA, s20;
	[tilespmem:v44+s19+$0x0] =	vst.idx.msk $0xffff, v48;
	v49 =	vld [tilespmem:s31+$0x4280];
	v14 =	vmax.f32 v14, $0.0e+00  }
0x4aa: {  	v51 =	vadd.s32 s25, v0;
	v15 =	vld [tilespmem:s0+$0x4280];
	[tilespmem:v45+s19+$0x0] =	vst.idx.msk $0xffff, v14;
	v13 =	vmax.f32 v13, $0.0e+00  }
0x4ab: {  	v14 =	vld [tilespmem:s2+$0x4280];
	[tilespmem:v47+s19+$0x0] =	vst.idx.msk $0xffff, v13  }
0x4ac: {  	v18 =	vadd.f32 v50, v4;
	v13 =	vld [tilespmem:s4+$0x4280];
	_ =	sdelay $0x1  }
0x4ad: {  	v18 =	vmax.f32 v18, $0.0e+00  }
0x4ae: {  	v17 =	vld.idx.msk [tilespmem:v17+s16+$0x0], $0xffff;
	[tilespmem:v51+s19+$0x0] =	vst.idx.msk $0xffff, v18  }
0x4af: {  	v19 =	vld [tilespmem:s29+$0x4300]  }
0x4b0: {  	s9 =	sadd.s32 $0xFFFFFFFA, s22;
	v16 =	vld.idx.msk [tilespmem:v49+s16+$0x0], $0xffff  }
0x4b1: {  	v52 =	vadd.s32 s9, v0;
	v15 =	vld.idx.msk [tilespmem:v15+s16+$0x0], $0xffff  }
0x4b2: {  	s10 =	sadd.s32 $0xFFFFFFFA, s1;
	v14 =	vld.idx.msk [tilespmem:v14+s16+$0x0], $0xffff  }
0x4b3: {  	s12 =	sadd.s32 $0xFFFFFFFA, s8;
	v53 =	vadd.s32 s10, v0;
	v17 =	vadd.f32 v17, v5;
	v13 =	vld.idx.msk [tilespmem:v13+s16+$0x0], $0xffff  }
0x4b4: {  	v12 =	vld.idx.msk [tilespmem:v12+s16+$0x0], $0xffff;
	s13 =	sadd.s32 $0xFFFFFFFA, s17;
	v54 =	vadd.s32 s12, v0  }
0x4b5: {  	s14 =	sadd.s32 $0xFFFFFFFA, s3;
	v55 =	vadd.s32 s13, v0;
	v17 =	vmax.f32 v17, $0.0e+00;
	v16 =	vadd.f32 v16, v6  }
0x4b6: {  	s15 =	sadd.s32 $0xFFFFFFFB, s21;
	v56 =	vadd.s32 s14, v0;
	[tilespmem:v52+s19+$0x0] =	vst.idx.msk $0xffff, v17;
	v15 =	vadd.f32 v15, v7  }
0x4b7: {  	v58 =	vadd.s32 s15, v0;
	v17 =	vld [tilespmem:s30+$0x4300];
	v16 =	vmax.f32 v16, $0.0e+00;
	v14 =	vadd.f32 v14, v8  }
0x4b8: {  	v57 =	vld.idx.msk [tilespmem:v19+s16+$0x0], $0xffff;
	v15 =	vmax.f32 v15, $0.0e+00;
	[tilespmem:v53+s19+$0x0] =	vst.idx.msk $0xffff, v16;
	v13 =	vadd.f32 v13, v10  }
0x4b9: {  	v12 =	vadd.f32 v12, v3;
	[tilespmem:v54+s19+$0x0] =	vst.idx.msk $0xffff, v15;
	v16 =	vld [tilespmem:s31+$0x4300];
	v14 =	vmax.f32 v14, $0.0e+00  }
0x4ba: {  	v15 =	vld [tilespmem:s0+$0x4300];
	[tilespmem:v55+s19+$0x0] =	vst.idx.msk $0xffff, v14;
	v13 =	vmax.f32 v13, $0.0e+00  }
0x4bb: {  	v12 =	vmax.f32 v12, $0.0e+00;
	v14 =	vld [tilespmem:s2+$0x4300];
	[tilespmem:v56+s19+$0x0] =	vst.idx.msk $0xffff, v13  }
0x4bc: {  	[tilespmem:v58+s19+$0x0] =	vst.idx.msk $0xffff, v12;
	v13 =	vld [tilespmem:s4+$0x4300]  }
0x4bd: {  	v19 =	vld [tilespmem:s28+$0x4380];
	_ =	sdelay $0x1  }
0x4be: {  	s18 =	sadd.s32 $0xFFFFFFFB, s20;
	v17 =	vld.idx.msk [tilespmem:v17+s16+$0x0], $0xffff  }
0x4bf: {  	v59 =	vadd.s32 s18, v0  }
0x4c0: {  	s23 =	sadd.s32 $0xFFFFFFFB, s22;
	v16 =	vld.idx.msk [tilespmem:v16+s16+$0x0], $0xffff  }
0x4c1: {  	v60 =	vadd.s32 s23, v0;
	v18 =	vadd.f32 v57, v4;
	v15 =	vld.idx.msk [tilespmem:v15+s16+$0x0], $0xffff  }
0x4c2: {  	s24 =	sadd.s32 $0xFFFFFFFB, s1;
	v14 =	vld.idx.msk [tilespmem:v14+s16+$0x0], $0xffff  }
0x4c3: {  	s25 =	sadd.s32 $0xFFFFFFFB, s8;
	v61 =	vadd.s32 s24, v0;
	v17 =	vadd.f32 v17, v5;
	v63 =	vmax.f32 v18, $0.0e+00;
	v13 =	vld.idx.msk [tilespmem:v13+s16+$0x0], $0xffff  }
0x4c4: {  	s9 =	sadd.s32 $0xFFFFFFFB, s17;
	v62 =	vadd.s32 s25, v0;
	[tilespmem:v59+s19+$0x0] =	vst.idx.msk $0xffff, v63;
	v35 =	vld.idx.msk [tilespmem:v19+s16+$0x0], $0xffff  }
0x4c5: {  	s10 =	sadd.s32 $0xFFFFFFFB, s3;
	v24 =	vadd.s32 s9, v0;
	v25 =	vmax.f32 v17, $0.0e+00;
	v20 =	vld [tilespmem:s29+$0x4380];
	v16 =	vadd.f32 v16, v6  }
0x4c6: {  	v26 =	vadd.s32 s10, v0;
	[tilespmem:v60+s19+$0x0] =	vst.idx.msk $0xffff, v25;
	v15 =	vadd.f32 v15, v7  }
0x4c7: {  	s12 =	sadd.s32 $0xFFFFFFFC, s21;
	v28 =	vld [tilespmem:s30+$0x4380];
	v27 =	vmax.f32 v16, $0.0e+00;
	v14 =	vadd.f32 v14, v8  }
0x4c8: {  	v37 =	vadd.s32 s12, v0;
	v29 =	vmax.f32 v15, $0.0e+00;
	[tilespmem:v61+s19+$0x0] =	vst.idx.msk $0xffff, v27;
	v13 =	vadd.f32 v13, v10  }
0x4c9: {  	[tilespmem:v62+s19+$0x0] =	vst.idx.msk $0xffff, v29;
	v30 =	vld [tilespmem:s31+$0x4380];
	v31 =	vmax.f32 v14, $0.0e+00  }
0x4ca: {  	v17 =	vadd.f32 v35, v3;
	v32 =	vld [tilespmem:s0+$0x4380];
	[tilespmem:v24+s19+$0x0] =	vst.idx.msk $0xffff, v31;
	v33 =	vmax.f32 v13, $0.0e+00  }
0x4cb: {  	v34 =	vld [tilespmem:s2+$0x4380];
	[tilespmem:v26+s19+$0x0] =	vst.idx.msk $0xffff, v33  }
0x4cc: {  	v17 =	vmax.f32 v17, $0.0e+00;
	v12 =	vld [tilespmem:s4+$0x4380]  }
0x4cd: {  	[tilespmem:v37+s19+$0x0] =	vst.idx.msk $0xffff, v17;
	v36 =	vld.idx.msk [tilespmem:v20+s16+$0x0], $0xffff  }
0x4ce: {  	v45 =	vld [tilespmem:s28+$0x8000]  }
0x4cf: {  	s13 =	sadd.s32 $0xFFFFFFFC, s20;
	v16 =	vld.idx.msk [tilespmem:v28+s16+$0x0], $0xffff  }
0x4d0: {  	v38 =	vadd.s32 s13, v0  }
0x4d1: {  	s14 =	sadd.s32 $0xFFFFFFFC, s22;
	v15 =	vld.idx.msk [tilespmem:v30+s16+$0x0], $0xffff  }
0x4d2: {  	v39 =	vadd.s32 s14, v0;
	v18 =	vadd.f32 v36, v4;
	v14 =	vld.idx.msk [tilespmem:v32+s16+$0x0], $0xffff  }
0x4d3: {  	s15 =	sadd.s32 $0xFFFFFFFC, s1;
	v47 =	vadd.s32 s5, v0;
	v13 =	vld.idx.msk [tilespmem:v34+s16+$0x0], $0xffff  }
0x4d4: {  	s18 =	sadd.s32 $0xFFFFFFFC, s8;
	v40 =	vadd.s32 s15, v0;
	v42 =	vmax.f32 v18, $0.0e+00;
	v16 =	vadd.f32 v16, v5;
	v12 =	vld.idx.msk [tilespmem:v12+s16+$0x0], $0xffff  }
0x4d5: {  	v11 =	vadd.f32 v11, v2;
	s23 =	sadd.s32 $0xFFFFFFFC, s17;
	v41 =	vadd.s32 s18, v0;
	[tilespmem:v38+s19+$0x0] =	vst.idx.msk $0xffff, v42  }
0x4d6: {  	s24 =	sadd.s32 $0xFFFFFFFC, s3;
	v43 =	vadd.s32 s23, v0;
	v17 =	vld [tilespmem:s29+$0x8000];
	v16 =	vmax.f32 v16, $0.0e+00;
	v15 =	vadd.f32 v15, v6  }
0x4d7: {  	v11 =	vmax.f32 v11, $0.0e+00;
	v44 =	vadd.s32 s24, v0;
	v46 =	vld.idx.msk [tilespmem:v45+s16+$0x0], $0xffff;
	[tilespmem:v39+s19+$0x0] =	vst.idx.msk $0xffff, v16;
	v14 =	vadd.f32 v14, v7  }
0x4d8: {  	[tilespmem:v47+s19+$0x0] =	vst.idx.msk $0xffff, v11;
	v16 =	vld [tilespmem:s30+$0x8000];
	v15 =	vmax.f32 v15, $0.0e+00;
	v13 =	vadd.f32 v13, v8  }
0x4d9: {  	v19 =	vld [tilespmem:s26+$0x8080];
	v14 =	vmax.f32 v14, $0.0e+00;
	[tilespmem:v40+s19+$0x0] =	vst.idx.msk $0xffff, v15;
	v12 =	vadd.f32 v12, v10  }
0x4da: {  	s25 =	sadd.s32 $0xFFFFFFFD, s21;
	[tilespmem:v41+s19+$0x0] =	vst.idx.msk $0xffff, v14;
	v15 =	vld [tilespmem:s31+$0x8000];
	v13 =	vmax.f32 v13, $0.0e+00  }
0x4db: {  	v48 =	vadd.s32 s25, v0;
	v14 =	vld [tilespmem:s0+$0x8000];
	[tilespmem:v43+s19+$0x0] =	vst.idx.msk $0xffff, v13;
	v12 =	vmax.f32 v12, $0.0e+00  }
0x4dc: {  	v13 =	vld [tilespmem:s2+$0x8000];
	[tilespmem:v44+s19+$0x0] =	vst.idx.msk $0xffff, v12  }
0x4dd: {  	v18 =	vadd.f32 v46, v3;
	v12 =	vld [tilespmem:s4+$0x8000]  }
0x4de: {  	v17 =	vld.idx.msk [tilespmem:v17+s16+$0x0], $0xffff  }
0x4df: {  	v52 =	vmax.f32 v18, $0.0e+00  }
0x4e0: {  	s7 =	sadd.s32 $0xFFFFFFFD, s20;
	[tilespmem:v48+s19+$0x0] =	vst.idx.msk $0xffff, v52;
	v16 =	vld.idx.msk [tilespmem:v16+s16+$0x0], $0xffff  }
0x4e1: {  	v49 =	vadd.s32 s7, v0;
	v20 =	vld [tilespmem:s28+$0x8080]  }
0x4e2: {  	s9 =	sadd.s32 $0xFFFFFFFD, s22;
	v15 =	vld.idx.msk [tilespmem:v15+s16+$0x0], $0xffff  }
0x4e3: {  	v50 =	vadd.s32 s9, v0;
	v17 =	vadd.f32 v17, v4;
	v14 =	vld.idx.msk [tilespmem:v14+s16+$0x0], $0xffff  }
0x4e4: {  	s10 =	sadd.s32 $0xFFFFFFFD, s1;
	v13 =	vld.idx.msk [tilespmem:v13+s16+$0x0], $0xffff  }
0x4e5: {  	s12 =	sadd.s32 $0xFFFFFFFD, s8;
	v51 =	vadd.s32 s10, v0;
	v54 =	vmax.f32 v17, $0.0e+00;
	v16 =	vadd.f32 v16, v5;
	v12 =	vld.idx.msk [tilespmem:v12+s16+$0x0], $0xffff  }
0x4e6: {  	s13 =	sadd.s32 $0xFFFFFFFD, s17;
	v53 =	vadd.s32 s12, v0;
	v25 =	vld.idx.msk [tilespmem:v19+s16+$0x0], $0xffff;
	[tilespmem:v49+s19+$0x0] =	vst.idx.msk $0xffff, v54  }
0x4e7: {  	s14 =	sadd.s32 $0xFFFFFFFD, s3;
	v55 =	vadd.s32 s13, v0;
	v21 =	vld [tilespmem:s29+$0x8080];
	v56 =	vmax.f32 v16, $0.0e+00;
	v15 =	vadd.f32 v15, v6  }
0x4e8: {  	v57 =	vadd.s32 s14, v0;
	[tilespmem:v50+s19+$0x0] =	vst.idx.msk $0xffff, v56;
	v14 =	vadd.f32 v14, v7  }
0x4e9: {  	s15 =	sadd.s32 $0xFFFFFFFE, s11;
	v59 =	vld [tilespmem:s30+$0x8080];
	v58 =	vmax.f32 v15, $0.0e+00;
	v13 =	vadd.f32 v13, v8  }
0x4ea: {  	v28 =	vadd.s32 s15, v0;
	v26 =	vld.idx.msk [tilespmem:v20+s16+$0x0], $0xffff;
	v60 =	vmax.f32 v14, $0.0e+00;
	[tilespmem:v51+s19+$0x0] =	vst.idx.msk $0xffff, v58;
	v12 =	vadd.f32 v12, v10  }
0x4eb: {  	[tilespmem:v53+s19+$0x0] =	vst.idx.msk $0xffff, v60;
	v61 =	vld [tilespmem:s31+$0x8080];
	v62 =	vmax.f32 v13, $0.0e+00  }
0x4ec: {  	v16 =	vadd.f32 v25, v2;
	v63 =	vld [tilespmem:s0+$0x8080];
	[tilespmem:v55+s19+$0x0] =	vst.idx.msk $0xffff, v62;
	v23 =	vmax.f32 v12, $0.0e+00  }
0x4ed: {  	v24 =	vld [tilespmem:s2+$0x8080];
	[tilespmem:v57+s19+$0x0] =	vst.idx.msk $0xffff, v23  }
0x4ee: {  	v16 =	vmax.f32 v16, $0.0e+00;
	v11 =	vld [tilespmem:s4+$0x8080]  }
0x4ef: {  	v27 =	vld.idx.msk [tilespmem:v21+s16+$0x0], $0xffff;
	[tilespmem:v28+s19+$0x0] =	vst.idx.msk $0xffff, v16  }
0x4f0: {  	s18 =	sadd.s32 $0xFFFFFFFE, s21;
	v19 =	vld [tilespmem:s26+$0x8100]  }
0x4f1: {  	s23 =	sadd.s32 $0xFFFFFFFE, s20;
	v29 =	vadd.s32 s18, v0;
	v15 =	vld.idx.msk [tilespmem:v59+s16+$0x0], $0xffff  }
0x4f2: {  	v30 =	vadd.s32 s23, v0  }
0x4f3: {  	s24 =	sadd.s32 $0xFFFFFFFE, s22;
	v17 =	vadd.f32 v26, v3;
	v14 =	vld.idx.msk [tilespmem:v61+s16+$0x0], $0xffff  }
0x4f4: {  	v31 =	vadd.s32 s24, v0;
	v18 =	vadd.f32 v27, v4;
	v13 =	vld.idx.msk [tilespmem:v63+s16+$0x0], $0xffff  }
0x4f5: {  	s25 =	sadd.s32 $0xFFFFFFFE, s1;
	v33 =	vmax.f32 v17, $0.0e+00;
	v12 =	vld.idx.msk [tilespmem:v24+s16+$0x0], $0xffff  }
0x4f6: {  	s7 =	sadd.s32 $0xFFFFFFFE, s8;
	v32 =	vadd.s32 s25, v0;
	[tilespmem:v29+s19+$0x0] =	vst.idx.msk $0xffff, v33;
	v35 =	vmax.f32 v18, $0.0e+00;
	v15 =	vadd.f32 v15, v5;
	v11 =	vld.idx.msk [tilespmem:v11+s16+$0x0], $0xffff  }
0x4f7: {  	s9 =	sadd.s32 $0xFFFFFFFE, s17;
	v34 =	vadd.s32 s7, v0;
	v20 =	vld [tilespmem:s28+$0x8100];
	[tilespmem:v30+s19+$0x0] =	vst.idx.msk $0xffff, v35  }
0x4f8: {  	s10 =	sadd.s32 $0xFFFFFFFE, s3;
	v36 =	vadd.s32 s9, v0;
	v21 =	vld [tilespmem:s29+$0x8100];
	v15 =	vmax.f32 v15, $0.0e+00;
	v14 =	vadd.f32 v14, v6  }
0x4f9: {  	v37 =	vadd.s32 s10, v0;
	v38 =	vld.idx.msk [tilespmem:v19+s16+$0x0], $0xffff;
	[tilespmem:v31+s19+$0x0] =	vst.idx.msk $0xffff, v15;
	v13 =	vadd.f32 v13, v7  }
0x4fa: {  	v15 =	vld [tilespmem:s30+$0x8100];
	v14 =	vmax.f32 v14, $0.0e+00;
	v12 =	vadd.f32 v12, v8  }
0x4fb: {  	v13 =	vmax.f32 v13, $0.0e+00;
	[tilespmem:v32+s19+$0x0] =	vst.idx.msk $0xffff, v14;
	v11 =	vadd.f32 v11, v10  }
0x4fc: {  	s12 =	sadd.s32 $0xFFFFFFFF, s11;
	[tilespmem:v34+s19+$0x0] =	vst.idx.msk $0xffff, v13;
	v14 =	vld [tilespmem:s31+$0x8100];
	v12 =	vmax.f32 v12, $0.0e+00  }
0x4fd: {  	v41 =	vadd.s32 s12, v0;
	v13 =	vld [tilespmem:s0+$0x8100];
	[tilespmem:v36+s19+$0x0] =	vst.idx.msk $0xffff, v12;
	v11 =	vmax.f32 v11, $0.0e+00  }
0x4fe: {  	v12 =	vld [tilespmem:s2+$0x8100];
	[tilespmem:v37+s19+$0x0] =	vst.idx.msk $0xffff, v11  }
0x4ff: {  	v16 =	vadd.f32 v38, v2;
	v11 =	vld [tilespmem:s4+$0x8100]  }
0x500: {  	v39 =	vld.idx.msk [tilespmem:v20+s16+$0x0], $0xffff  }
0x501: {  	v40 =	vld.idx.msk [tilespmem:v21+s16+$0x0], $0xffff;
	v16 =	vmax.f32 v16, $0.0e+00  }
0x502: {  	s13 =	sadd.s32 $0xFFFFFFFF, s21;
	[tilespmem:v41+s19+$0x0] =	vst.idx.msk $0xffff, v16;
	v15 =	vld.idx.msk [tilespmem:v15+s16+$0x0], $0xffff  }
0x503: {  	s14 =	sadd.s32 $0xFFFFFFFF, s20;
	v42 =	vadd.s32 s13, v0;
	v19 =	vld [tilespmem:s26+$0x8180]  }
0x504: {  	s15 =	sadd.s32 $0xFFFFFFFF, s22;
	v43 =	vadd.s32 s14, v0;
	v14 =	vld.idx.msk [tilespmem:v14+s16+$0x0], $0xffff  }
0x505: {  	v44 =	vadd.s32 s15, v0;
	v17 =	vadd.f32 v39, v3;
	v13 =	vld.idx.msk [tilespmem:v13+s16+$0x0], $0xffff  }
0x506: {  	s18 =	sadd.s32 $0xFFFFFFFF, s1;
	v18 =	vadd.f32 v40, v4;
	v12 =	vld.idx.msk [tilespmem:v12+s16+$0x0], $0xffff  }
0x507: {  	v45 =	vadd.s32 s18, v0;
	s23 =	sadd.s32 $0xFFFFFFFF, s8;
	v46 =	vmax.f32 v17, $0.0e+00;
	v15 =	vadd.f32 v15, v5;
	v11 =	vld.idx.msk [tilespmem:v11+s16+$0x0], $0xffff  }
0x508: {  	v9 =	vld.idx.msk [tilespmem:v9+s16+$0x0], $0xffff;
	s24 =	sadd.s32 $0xFFFFFFFF, s17;
	v47 =	vadd.s32 s23, v0;
	[tilespmem:v42+s19+$0x0] =	vst.idx.msk $0xffff, v46;
	v48 =	vmax.f32 v18, $0.0e+00  }
0x509: {  	s25 =	sadd.s32 $0xFFFFFFFF, s3;
	v49 =	vadd.s32 s24, v0;
	v20 =	vld [tilespmem:s28+$0x8180];
	[tilespmem:v43+s19+$0x0] =	vst.idx.msk $0xffff, v48;
	v15 =	vmax.f32 v15, $0.0e+00;
	v14 =	vadd.f32 v14, v6  }
0x50a: {  	v50 =	vadd.s32 s25, v0;
	v16 =	vld [tilespmem:s29+$0x8180];
	[tilespmem:v44+s19+$0x0] =	vst.idx.msk $0xffff, v15;
	v13 =	vadd.f32 v13, v7  }
0x50b: {  	v15 =	vld [tilespmem:s30+$0x8180];
	v14 =	vmax.f32 v14, $0.0e+00;
	v12 =	vadd.f32 v12, v8  }
0x50c: {  	v51 =	vld.idx.msk [tilespmem:v19+s16+$0x0], $0xffff;
	v13 =	vmax.f32 v13, $0.0e+00;
	[tilespmem:v45+s19+$0x0] =	vst.idx.msk $0xffff, v14;
	v11 =	vadd.f32 v11, v10  }
0x50d: {  	[tilespmem:v47+s19+$0x0] =	vst.idx.msk $0xffff, v13;
	v14 =	vld [tilespmem:s31+$0x8180];
	v12 =	vmax.f32 v12, $0.0e+00  }
0x50e: {  	v13 =	vld [tilespmem:s0+$0x8180];
	[tilespmem:v49+s19+$0x0] =	vst.idx.msk $0xffff, v12;
	v11 =	vmax.f32 v11, $0.0e+00  }
0x50f: {  	v12 =	vld [tilespmem:s2+$0x8180];
	[tilespmem:v50+s19+$0x0] =	vst.idx.msk $0xffff, v11  }
0x510: {  	v11 =	vld [tilespmem:s4+$0x8180]  }
0x511: {  	v52 =	vld.idx.msk [tilespmem:v20+s16+$0x0], $0xffff  }
0x512: {  	v53 =	vadd.s32 s6, v0;
	v16 =	vld.idx.msk [tilespmem:v16+s16+$0x0], $0xffff  }
0x513: {  	v54 =	vadd.s32 s11, v0;
	v15 =	vld.idx.msk [tilespmem:v15+s16+$0x0], $0xffff  }
0x514: {  	v1 =	vadd.f32 v9, v1;
	v55 =	vadd.s32 s21, v0  }
0x515: {  	v57 =	vadd.s32 s20, v0;
	v2 =	vadd.f32 v51, v2;
	v56 =	vld.idx.msk [tilespmem:v14+s16+$0x0], $0xffff  }
0x516: {  	v1 =	vmax.f32 v1, $0.0e+00;
	v58 =	vadd.s32 s22, v0;
	v3 =	vadd.f32 v52, v3;
	v13 =	vld.idx.msk [tilespmem:v13+s16+$0x0], $0xffff  }
0x517: {  	[tilespmem:v53+s19+$0x0] =	vst.idx.msk $0xffff, v1;
	v1 =	vmax.f32 v2, $0.0e+00;
	v2 =	vadd.f32 v16, v4;
	v12 =	vld.idx.msk [tilespmem:v12+s16+$0x0], $0xffff  }
0x518: {  	v59 =	vadd.s32 s1, v0;
	[tilespmem:v54+s19+$0x0] =	vst.idx.msk $0xffff, v1;
	v1 =	vmax.f32 v3, $0.0e+00;
	v3 =	vadd.f32 v15, v5;
	v60 =	vld.idx.msk [tilespmem:v11+s16+$0x0], $0xffff  }
0x519: {  	v61 =	vadd.s32 s8, v0;
	[tilespmem:v55+s19+$0x0] =	vst.idx.msk $0xffff, v1;
	v1 =	vmax.f32 v2, $0.0e+00  }
0x51a: {  	v62 =	vadd.s32 s17, v0;
	[tilespmem:v57+s19+$0x0] =	vst.idx.msk $0xffff, v1;
	v1 =	vmax.f32 v3, $0.0e+00;
	v2 =	vadd.f32 v56, v6  }
0x51b: {  	v63 =	vadd.s32 s3, v0;
	[tilespmem:v58+s19+$0x0] =	vst.idx.msk $0xffff, v1;
	v3 =	vadd.f32 v13, v7  }
0x51c: {  	s26 =	rddreg [dreg:$0xd];
	v1 =	vmax.f32 v2, $0.0e+00;
	v2 =	vadd.f32 v12, v8  }
0x51d: {  	s28 =	rddreg [dreg:$0xf];
	[tilespmem:v59+s19+$0x0] =	vst.idx.msk $0xffff, v1;
	v1 =	vmax.f32 v3, $0.0e+00;
	v3 =	vadd.f32 v60, v10  }
0x51e: {  	[tilespmem:v61+s19+$0x0] =	vst.idx.msk $0xffff, v1;
	v1 =	vmax.f32 v2, $0.0e+00  }
0x51f: {  	[tilespmem:v62+s19+$0x0] =	vst.idx.msk $0xffff, v1;
	v1 =	vmax.f32 v3, $0.0e+00  }
0x520: {  	[tilespmem:v63+s19+$0x0] =	vst.idx.msk $0xffff, v1  }
0x521: {  	s31 =	rddreg [dreg:$0xc]  }
0x522: {  	s6 =	sadd.s32 $0x1, s31  }
0x523: {  	p0 =	sne.s32 s6, $0x10  }
.Ltmp3:
0x524: {  	s0 =	sadd.s32 s26, s28;
	(pc) =	sbr.rel @p0 .LBB2_2-.Ltmp3, $4  }
0x525: {  	s5 =	simm.s32 $0x400;
	s0 =	sadd.s32 $0x28000, s0  }
0x526: {  	s18 =	simm.s32 $0xD000;
	s29 =	rddreg [dreg:$0x1];
	s0 =	sshrl.u32 s0, $0x3  }
0x527: {  	s30 =	simm.s32 $0x12000;
	s4 =	simm.s32 $0x80;
	s0 =	sadd.s32 s29, s0  }
0x528: {  	[hbm4b:s0+s4] =	stream.strided.scatter [tilespmem:s30], [sflag:$0x2], $0x5000, s5, s4, $0x38;
	[tilespmem:$0x17080] =	vst v63  }
0x529: {  	s0 =	simm.s32 $0x1  }
0x52a: {  	_ =	swait.ge [sflag:s0], $0x5000  }
0x52b: {  	[sflag:s0] =	ssyncset.done $0x0  }
0x52c: {  	s1 =	simm.s32 $0x2;
	[sflag:s0] =	ssyncadd.s32 $0xFFFFB000  }
0x52d: {  	_ =	swait.ge [sflag:s1], $0x5000  }
0x52e: {  	s2 =	rddreg [dreg:$0xb]  }
0x52f: {  	s31 =	rddreg [dreg:$0xa];
	s2 =	sadd.s32 $0x1, s2  }
0x530: {  	p0 =	sne.s32 s2, s31  }
.Ltmp4:
0x531: {  	_ = 	snop;
	(pc) =	sbr.rel @p0 .LBB2_1-.Ltmp4, $3  }
0x532: {  	_ =	sdelay $0x1  }
0x533: {  	[sflag:s1] =	ssyncset.done $0x0  }
0x534: {  	[sflag:s1] =	ssyncadd.s32 $0xFFFFB000  }
0x535: {  	_ =	sfence.sel $0x180000  }
0x536: {  	[bflag:$0x0] =	sbarrier.arrive $0xFFFF  }
0x537: {  	_ =	strace $0x9000004A  }
0x538: {  	s0 =	stileid.u32;
	[bflag:$0x2] =	sbarrier.arrive $0xFFFF  }
0x539: {  	p0 =	sne.s32 s0, $0x0;
	s0 =	rddreg [dreg:$0x2]  }
0x53a: {  	s0 =	sadd.s32 @!p0 $0x100000, s0  }
0x53b: {  	[sflag:s0] =	ssyncadd.tile.s32 @!p0 $0x1;
	_ =	shalt  }
.Lfunc_end2:
_tile_overlayer_lowered:
.L_overlay_start_2:
0x53c: {  	(tag) =	ssettag $0x2  }
0x53d: {  	s0 =	rddreg [dreg:$0x0];
	s2 =	stileid.u32  }
0x53e: {  	s1 =	rddreg [dreg:$0x1];
	p0 =	sne.s32 s2, $0x0  }
0x53f: {  	s3 =	rddreg [dreg:$0x2];
	[bflag:$0x3] =	sbarrier.arrive $0xFFFF;
	s2 =	simm.s32 @!p0 $0x1C03  }
0x540: {  	[timem:s3], [sflag:s2] =	dma.local @!p0 [hbm:s0], s1  }
0x541: {  	s0 =	simm.s32 @!p0 $0x3  }
0x542: {  	_ =	swait.ge @!p0 [sflag:s0], s1  }
0x543: {  	s1 =	ssub.s32 @!p0 $0x0, s1;
	[sflag:s0] =	ssyncset.done @!p0 $0x0  }
0x544: {  	[sflag:s0] =	ssyncadd.s32 @!p0 s1  }
0x545: {  	[bflag:$0x3] =	sbarrier.arrive $0xFFFF  }
0x546: {  	_ =	shalt  }

// kernel: sparse-core-data-format-call.cloned.1.call-start
scs
called_computation_lowered:
.L_overlay_start_0:
0x0: {  	s2 =	sld [smem:$0x3FD9]  }
0x1: {  	s3 =	sld [smem:$0x3FFE];
	_ =	sdelay $0x1  }
0x2: {  	s1 =	srdreg.scid  }
0x3: {  	s0 =	sand.u32 $0x1, s1  }
0x4: {  	s18 =	sshll.u32 s0, $0xA;
	s2 =	sadd.s32 s3, s2  }
0x5: {  	s2 =	sadd.s32 s2, s18  }
0x6: {  	[smem:$0x3FC3] =	sst s2  }
0x7: {  	_ = 	snop  }
0x8: {  	s2 =	sld [smem:$0x3FD0];
	(tm) =	ssettm $0x1  }
0x9: {  	s19 =	sld [smem:$0x3FFB];
	_ =	sdelay $0x3  }
0xa: {  	_ =	strace s19  }
0xb: {  	s3 =	sld [smem:$0x3FFC];
	_ =	sdelay $0x3  }
0xc: {  	_ =	strace s3  }
0xd: {  	s3 =	sld [smem:$0x3FFD];
	_ =	sdelay $0x3  }
0xe: {  	_ =	strace s3  }
0xf: {  	_ =	strace $0x8FFFFFFF  }
0x10: {  	s20 =	sld [smem:$0x3FDB];
	_ =	sdelay $0x1  }
0x11: {  	s4 =	simm.s32 $_scs_section_size  }
0x12: {  	s5 =	simm.s32 $_size__tile_overlayer_lowered;
	s6 =	simm.s32 $_tile_overlayer_lowered  }
0x13: {  	s23 =	simm.s32 $0x1BFF;
	s22 =	sshll.u32 s6, $0x1;
	s3 =	sadd.s32 s4, s20  }
0x14: {  	s7 =	simm.s32 $0x0;
	s21 =	sshll.u32 s5, $0x1;
	s5 =	sadd.s32 s22, s3  }
0x15: {  	[timem:s7], [sflag:s23] =	dma.local [hbm:s5], s21  }
0x16: {  	_ =	swait.ge [sflag:s23], s21  }
0x17: {  	s4 =	ssub.s32 $0x0, s21;
	[sflag:s23] =	ssyncset.done $0x0  }
0x18: {  	[sflag:s23] =	ssyncadd.s32 s4;
	_ =	sdelay $0x1  }
0x19: {  	s24 =	simm.s32 $0x1B8B  }
0x1a: {  	_ =	swait.ge [sflag:s24], $0x1  }
0x1b: {  	[sflag:s24] =	ssyncset.done $0x0  }
0x1c: {  	s26 =	simm.s32 $0x1B8E;
	s25 =	sld [smem:$0x3FFE];
	[sflag:s24] =	ssyncadd.s32 $0xFFFFFFFF  }
0x1d: {  	s27 =	simm.s32 $execute0_lowered;
	[smem:$0x3FD2] =	sst s26  }
0x1e: {  	s5 =	sshll.u32 s27, $0x1;
	_ =	strace $0x8000004C;
	[dreg:$0x1] =	wrdreg $0xFFFFFFFF  }
0x1f: {  	s28 =	simm.s32 $_size_execute0_lowered;
	s3 =	sadd.s32 s3, s5;
	[dreg:$0x0] =	wrdreg $0x0  }
0x20: {  	s5 =	sshll.u32 s28, $0x1;
	[dreg:$0x2] =	wrdreg s3  }
0x21: {  	[dreg:$0x3] =	wrdreg s5  }
0x22: {  	[dreg:$0x4] =	wrdreg $0xC0  }
0x23: {  	_ =	task [dreg:s7], $0x5FFFF  }
0x24: {  	[dreg:$0x1] =	wrdreg $0xFFFFFFFF  }
0x25: {  	[dreg:$0x0] =	wrdreg $0x60  }
0x26: {  	[dreg:$0x2] =	wrdreg s25  }
0x27: {  	[dreg:$0x3] =	wrdreg s2  }
0x28: {  	[dreg:$0x4] =	wrdreg $0x9  }
0x29: {  	_ =	task.clear_ibuf [dreg:s7], $0x5FFFF;
	_ =	strace $0x9000004C  }
0x2a: {  	s29 =	simm.s32 $0x9;
	_ =	strace $0x8000004E  }
0x2b: {  	_ =	swait.ge [sflag:s29], $0x1  }
0x2c: {  	[sflag:s29] =	ssyncadd.s32 $0xFFFFFFFF  }
0x2d: {  	_ =	strace $0x9000004E  }
0x2e: {  	_ =	sfence  }
0x2f: {  	s30 =	sld [smem:$0x0];
	_ =	sdelay $0x2  }
0x30: {  	s31 =	sshll.u32 s1, $0xD;
	s1 =	sshrl.u32 s1, $0x2  }
0x31: {  	s3 =	sand.u32 $0x4000, s31;
	s1 =	sadd.s32 s1, s30  }
0x32: {  	s0 =	sor.u32 s3, s0;
	s1 =	sshll.u32 s1, $0x11  }
0x33: {  	s0 =	sor.u32 s1, s0  }
0x34: {  	s0 =	sadd.s32 $0x8F2B, s0  }
0x35: {  	[sflag:s0] =	ssyncadd.remote.s32 $0x1  }
0x36: {  	_ =	sfence.sel $0xFFFF  }
0x37: {  	[dreg:$0x0] =	wrdreg $0xFFFFFFFF;
	(pc) =	sbr.abs _section_cstart, $3  }
0x38: {  	[dreg:$0x1] =	wrdreg $0xFFFFFFFF  }
0x39: {  	_ =	task.clear_ibuf [dreg:s7], $0x2FFFF;
	_ =	strace $0x9FFFFFFF  }
0x3a: {  	(tm) =	ssettm $0x7FFFFFFF  }
0x3b: {  	_ =	shalt  }
tec
execute0_lowered:
.L_overlay_start_1:
0x0: {  	(tag) =	ssettag $0x1  }
0x1: {  	s0 =	stileid.u32  }
0x2: {  	s2 =	srdreg.scid;
	s1 =	sshll.u32 s0, $0x7  }
0x3: {  	s7 =	rddreg [dreg:$0x0];
	s8 =	simm.s32 $0x2;
	s3 =	ssub.s32 $0x800, s1  }
0x4: {  	s14 =	simm.s32 $0x0;
	s2 =	sand.u32 $0x1, s2;
	s4 =	sand.u32 $0x780, s3  }
0x5: {  	s5 =	ssub.s32 $0x8, s2;
	p0 =	sne.s32 s4, $0x0;
	s4 =	simm.s32 $0x1  }
0x6: {  	s3 =	sshrl.u32 s3, $0xB;
	s6 =	sshrl.u32 s5, $0x1;
	s4 =	simm.s32 @!p0 $0x0  }
0x7: {  	s9 =	simm.s32 $0x4000;
	s5 =	ssub.s32 s5, s6;
	s3 =	sadd.s32 s4, s3  }
0x8: {  	s16 =	simm.s32 $0x0;
	s15 =	simm.s32 $0x0;
	s6 =	smul.u32 s3, s5  }
.Ltmp0:
0x9: {  	s11 =	simm.s32 $0x0;
	s4 =	rddreg [dreg:$0x1];
	(pc) =	sbr.rel .LBB1_1-.Ltmp0, $4  }
0xa: {  	s13 =	simm.s32 $0x0;
	s7 =	sadd.s32 $0x1800, s7;
	s3 =	rddreg [dreg:$0x2]  }
0xb: {  	_ =	strace $0x8000004D;
	s5 =	simm.s32 $0x1;
	s6 =	smul.u32 $0x14, s6  }
0xc: {  	s10 =	smov.u32 s2;
	s12 =	smov.u32 s1;
	[sflag:s5] =	ssyncpa.u1 $0x0  }
0xd: {  	p0 =	por $0x0, $0x0;
	[sflag:s8] =	ssyncpa.u1 $0x0;
	s8 =	sor.u32 $0x1, s6  }
.LBB1_4:
0xe: {  	s19 =	sshll.u32 s15, $0x3  }
0xf: {  	s20 =	sand.u32 $0x78, s15;
	s21 =	sand.u32 $0x3F00, s15;
	s14 =	smul.u32 $0x50000, s14  }
0x10: {  	s16 =	sshll.u32 s16, $0xE;
	s19 =	sand.u32 $0x400, s19;
	s21 =	sadd.s32 s4, s21  }
0x11: {  	[tilespmem:s18+$0x810 ss:$0x81] =	vst.msk $0xffff, v2;
	s31 =	sand.u32 $0x7, s15;
	s19 =	sor.u32 s20, s19;
	s16 =	sadd.s32 s16, s21  }
0x12: {  	[tilespmem:s18+$0x1020 ss:$0x81] =	vst.msk $0xffff, v0;
	s15 =	sshll.u32 s31, $0x12;
	s19 =	sshrl.u32 s19, $0x3;
	s14 =	sadd.s32 s14, s16  }
0x13: {  	[tilespmem:s18+$0x0 ss:$0x81] =	vst.msk $0xffff, v1;
	s15 =	sor.u32 $0x400, s15;
	s14 =	sadd.s32 s19, s14  }
0x14: {  	[hbm4b:s14+s15] =	stream.strided.scatter [tilespmem:s17], [sflag:$0x2], $0x2000, s9, s15, $0x20;
	[tilespmem:$0x8080] =	vst v63  }
.LBB1_5:
0x15: {  	s17 =	sadd.s32 $0x2, s10  }
0x16: {  	s14 =	simm.s32 $0x1;
	p2 =	sgt.s32 s17, $0x7  }
0x17: {  	s14 =	simm.s32 @!p2 $0x0  }
0x18: {  	s18 =	sadd.s32 s14, s11  }
0x19: {  	s20 =	smov.u32 s12;
	s14 =	sadd.s32 $0x800, s12;
	p3 =	sgt.s32 s18, $0x13  }
0x1a: {  	s20 =	smov.u32 @p3 s14  }
0x1b: {  	p1 =	slt.u32 s13, $0x2;
	s17 =	smov.u32 @p2 s2;
	p2 =	sgt.s32 s20, $0x7FF  }
0x1c: {  	s19 =	simm.s32 @!p1 $0x2;
	s20 =	smov.u32 @p2 s1;
	p2 =	sne.s32 s13, s8  }
.Ltmp1:
0x1d: {  	_ =	swait.ge @!p1 [sflag:s19], $0x2000;
	(pc) =	sbr.rel @!p2 .LBB1_6-.Ltmp1, $4  }
0x1e: {  	s16 =	smov.u32 s11;
	[sflag:s19] =	ssyncset.done @!p1 $0x0  }
0x1f: {  	s15 =	smov.u32 s12;
	p0 =	por !p0, !p0;
	[sflag:s19] =	ssyncadd.s32 @!p1 $0xFFFFE000  }
0x20: {  	s18 =	simm.s32 @p3 $0x0;
	s14 =	smov.u32 s10;
	s10 =	smov.u32 s17  }
0x21: {  	s11 =	smov.u32 s18;
	s13 =	sadd.s32 $0x1, s13;
	s12 =	smov.u32 s20  }
.LBB1_1:
0x22: {  	p1 =	sge.u32 s13, s6  }
0x23: {  	s18 =	smul.u32 @!p1 $0xA00, s12  }
0x24: {  	s31 =	sadd.s32 $0xFFFFFFFF, s13;
	s17 =	sxor.u32 @!p1 $0xFFFFFFFF, s13;
	s19 =	sshll.u32 @!p1 s11, $0x7  }
0x25: {  	s20 =	sshll.u32 @!p1 s10, $0x4;
	s17 =	sshll.u32 @!p1 s17, $0xD;
	s18 =	sadd.s32 @!p1 s7, s18  }
0x26: {  	s20 =	sand.u32 @!p1 $0x70, s20;
	s17 =	sand.u32 @!p1 $0x2000, s17;
	s18 =	sadd.s32 @!p1 s19, s18  }
0x27: {  	s19 =	simm.s32 @!p1 $0x40;
	s18 =	sadd.s32 @!p1 s20, s18;
	s20 =	simm.s32 @!p1 $0x5000  }
0x28: {  	[tilespmem:s17], [sflag:$0x1] =	stream.strided.gather @!p1 [hbm4b:s18+s19], $0x2000, s20, s19, $0x38;
	[tilespmem:$0x8080] =	vst v63  }
0x29: {  	p1 =	sge.u32 s31, s6  }
.Ltmp2:
0x2a: {  	_ = 	snop;
	(pc) =	sbr.rel @p1 .LBB1_5-.Ltmp2, $1  }
0x2b: {  	_ =	sdelay $0x3  }
0x2c: {  	s17 =	simm.s32 $0x1  }
0x2d: {  	_ =	swait.ge [sflag:s5], $0x2000;
	s17 =	simm.s32 @!p0 $0x0  }
0x2e: {  	[sflag:s5] =	ssyncset.done $0x0;
	s18 =	sshll.u32 s17, $0xD  }
0x2f: {  	[sflag:s5] =	ssyncadd.s32 $0xFFFFE000;
	s21 =	sor.u32 $0x20, s18  }
0x30: {  	s17 =	smul.u32 $0x8100, s17;
	v3 =	vld [tilespmem:s21+$0x10]  }
0x31: {  	s30 =	sand.u32 $0x1, s13;
	v2 =	vld [tilespmem:s21+$0xFFFFFFF0]  }
0x32: {  	s18 =	smul.u32 $0x8100, s30;
	s17 =	sshrl.u32 s17, $0x2;
	v0 =	vld [tilespmem:s21+$0x0]  }
0x33: {  	v1 =	vld [tilespmem:s21+$0xFFFFFFE0];
	s19 =	sor.u32 $0x4000, s17  }
0x34: {  	s31 =	sshrl.u32 s18, $0x2;
	s18 =	sadd.s32 $0x0, s19  }
0x35: {  	s20 =	simm.s32 $0x4;
	s21 =	sadd.s32 $0x40, s21;
	s17 =	sor.u32 $0x4000, s31;
	[tilespmem:s18+$0x1830 ss:$0x81] =	vst.msk $0xffff, v3  }
.LBB1_3:
0x36: {  	v3 =	vld [tilespmem:s21+$0x10];
	p1 =	sne.s32 s20, $0x1FC;
	[tilespmem:s18+$0x810 ss:$0x81] =	vst.msk $0xffff, v2;
	s22 =	smov.u32 s20;
	s20 =	sadd.s32 $0x4, s20  }
.Ltmp3:
0x37: {  	v2 =	vld [tilespmem:s21+$0xFFFFFFF0];
	[tilespmem:s18+$0x1020 ss:$0x81] =	vst.msk $0xffff, v0;
	(pc) =	sbr.rel @p1 .LBB1_3-.Ltmp3, $4  }
0x38: {  	v0 =	vld [tilespmem:s21+$0x0];
	[tilespmem:s18+$0x0 ss:$0x81] =	vst.msk $0xffff, v1  }
0x39: {  	s18 =	sshra.s32 s22, $0x2;
	v1 =	vld [tilespmem:s21+$0xFFFFFFE0]  }
0x3a: {  	s18 =	sadd.s32 s18, s19  }
0x3b: {  	s21 =	sadd.s32 $0x40, s21;
	[tilespmem:s18+$0x1830 ss:$0x81] =	vst.msk $0xffff, v3  }
.Ltmp4:
0x3c: {  	_ = 	snop;
	(pc) =	sbr.rel .LBB1_4-.Ltmp4, $1  }
0x3d: {  	_ =	sdelay $0x3  }
.LBB1_6:
0x3e: {  	_ =	sfence.sel $0x180000  }
0x3f: {  	s1 =	simm.s32 $0x1;
	[bflag:$0x0] =	sbarrier.arrive $0xFFFF  }
0x40: {  	s31 =	simm.s32 $0x2;
	[sflag:s1] =	ssyncpa.u1 $0x1  }
0x41: {  	[sflag:s31] =	ssyncpa.u1 $0x1  }
0x42: {  	p0 =	sne.s32 s0, $0x0;
	_ =	strace $0x9000004D  }
0x43: {  	s0 =	sadd.s32 @!p0 $0x100000, s3;
	[bflag:$0x2] =	sbarrier.arrive $0xFFFF  }
0x44: {  	[sflag:s0] =	ssyncadd.tile.s32 @!p0 $0x1;
	_ =	shalt  }
.Lfunc_end1:
_tile_overlayer_lowered:
.L_overlay_start_2:
0x45: {  	(tag) =	ssettag $0x2  }
0x46: {  	s0 =	rddreg [dreg:$0x0];
	s2 =	stileid.u32  }
0x47: {  	s1 =	rddreg [dreg:$0x1];
	p0 =	sne.s32 s2, $0x0  }
0x48: {  	s3 =	rddreg [dreg:$0x2];
	[bflag:$0x3] =	sbarrier.arrive $0xFFFF;
	s2 =	simm.s32 @!p0 $0x1C01  }
0x49: {  	[timem:s3], [sflag:s2] =	dma.local @!p0 [hbm:s0], s1  }
0x4a: {  	s0 =	simm.s32 @!p0 $0x1  }
0x4b: {  	_ =	swait.ge @!p0 [sflag:s0], s1  }
0x4c: {  	s1 =	ssub.s32 @!p0 $0x0, s1;
	[sflag:s0] =	ssyncset.done @!p0 $0x0  }
0x4d: {  	[sflag:s0] =	ssyncadd.s32 @!p0 s1  }
0x4e: {  	[bflag:$0x3] =	sbarrier.arrive $0xFFFF  }
0x4f: {  	_ =	shalt  }

</sc_bundles>
